<compile_context>
chip_gen: v7x
topology: tpu7x:2x2x1
jax: 0.10.2.dev20260603
libtpu: 0.0.44.dev20260713+nightly
codegen_flags: <defaults>
</compile_context>

<pallas_src>
import functools

import jax
import jax.numpy as jnp
from jax import lax
from jax.experimental import pallas as pl
from jax.experimental.pallas import tpu as pltpu
from jax.experimental.pallas import tpu_sc as plsc

N_EXP = 64
HID = 768
ROUTED_SCALING = 1.4
N_TOK = 32768
NSPLIT = 1

MM_BLK = 4096

NC = 2
NS = 16
NW = NC * NS
TCH = 128


def _mm_block(hs_ref, w_ref, out_ref):
    logits = lax.dot_general(
        hs_ref[...], w_ref[...], (((1,), (1,)), ((), ())),
        preferred_element_type=jnp.float32,
    )
    out_ref[...] = jax.nn.sigmoid(logits)


def _scores_tc(hs2, weight):
    n_tok = hs2.shape[0]
    return pl.pallas_call(
        _mm_block,
        grid=(n_tok // MM_BLK,),
        in_specs=[
            pl.BlockSpec((MM_BLK, HID), lambda i: (i, 0)),
            pl.BlockSpec((N_EXP, HID), lambda i: (0, 0)),
        ],
        out_specs=pl.BlockSpec((MM_BLK, N_EXP), lambda i: (i, 0)),
        out_shape=jax.ShapeDtypeStruct((n_tok, N_EXP), jnp.float32),
    )(hs2, weight)




def _cx(a, b):
    m = a[0] >= b[0]
    hk = jnp.where(m, a[0], b[0])
    hv = jnp.where(m, a[1], b[1])
    lk = jnp.where(m, b[0], a[0])
    lv = jnp.where(m, b[1], a[1])
    return (hk, hv), (lk, lv)


def _rev(a):
    return jnp.flip(a[0], 0), jnp.flip(a[1], 0)


def _vsort_desc(a):
    k, v = plsc.sort_key_val(a[0], a[1], descending=True)
    return k, v


def _merge16(a, b):
    h, l = _cx(a, _rev(b))
    return _vsort_desc(h), _vsort_desc(l)


def _merge32(a0, a1, b0, b1):
    rb0, rb1 = _rev(b1), _rev(b0)
    h0, l0 = _cx(a0, rb0)
    h1, l1 = _cx(a1, rb1)

    def bit32(x0, x1):
        h, l = _cx(x0, x1)
        return _vsort_desc(h), _vsort_desc(l)

    s0, s1 = bit32(h0, h1)
    s2, s3 = bit32(l0, l1)
    return [s0, s1, s2, s3]


def _m16a(a, b):
    rb = jnp.flip(b, 0)
    lo = jnp.minimum(a, rb)
    hi = jnp.maximum(a, rb)
    return jnp.sort(lo), jnp.sort(hi)


def _m32a(a0, a1, b0, b1):
    rb0, rb1 = jnp.flip(b1, 0), jnp.flip(b0, 0)
    l0 = jnp.minimum(a0, rb0)
    h0 = jnp.maximum(a0, rb0)
    l1 = jnp.minimum(a1, rb1)
    h1 = jnp.maximum(a1, rb1)

    def bit32a(x0, x1):
        lo = jnp.minimum(x0, x1)
        hi = jnp.maximum(x0, x1)
        return jnp.sort(lo), jnp.sort(hi)

    f0, f1 = bit32a(l0, l1)
    f2, f3 = bit32a(h0, h1)
    return [f0, f1, f2, f3]


_TAKE_DNUMS = lax.GatherDimensionNumbers(
    offset_dims=(), collapsed_slice_dims=(0,), start_index_map=(0,)
)


def _take(x, i):
    return lax.gather(
        x, i[:, None], _TAKE_DNUMS, (1,),
        mode=lax.GatherScatterMode.PROMISE_IN_BOUNDS,
    )


def _sc_sort(scores_hbm):
    n_tok = scores_hbm.shape[0]
    tpw = n_tok // NW
    nchunk = tpw // TCH
    mesh = plsc.VectorSubcoreMesh(core_axis_name="c", subcore_axis_name="s")

    @functools.partial(
        pl.kernel,
        mesh=mesh,
        out_type=[
            jax.ShapeDtypeStruct((n_tok, N_EXP), jnp.float32),
            jax.ShapeDtypeStruct((n_tok, N_EXP), jnp.int32),
        ],
        scratch_types=[
            pltpu.VMEM((2, TCH, N_EXP), jnp.float32),
            pltpu.VMEM((2, TCH, N_EXP), jnp.float32),
            pltpu.VMEM((2, TCH, N_EXP), jnp.int32),
            pltpu.SemaphoreType.DMA,
            pltpu.SemaphoreType.DMA,
            pltpu.SemaphoreType.DMA,
            pltpu.SemaphoreType.DMA,
        ],
        compiler_params=pltpu.CompilerParams(needs_layout_passes=False),
    )
    def k(s_hbm, w_hbm, i_hbm, s_bufs, w_bufs, i_bufs, in0, in1, out0, out1):
        wid = lax.axis_index("s") * NC + lax.axis_index("c")
        t0 = wid * tpw
        iota16 = lax.iota(jnp.int32, 16)
        iotas = [iota16 + 16 * r for r in range(4)]
        shift_idx = jnp.maximum(iota16 - 1, 0)
        last_idx = jnp.full((16,), 15, jnp.int32)
        lane0 = iota16 == 0
        in_sems = [in0, in1]
        out_sems = [out0, out1]

        def in_slice(ci):
            return s_hbm.at[pl.ds(t0 + ci * TCH, TCH)]

        pltpu.async_copy(in_slice(0), s_bufs.at[0], in_sems[0])
        pltpu.async_copy(in_slice(1), s_bufs.at[1], in_sems[1])

        def do_chunk(ci, b):
            base = t0 + ci * TCH
            s_buf = s_bufs.at[b]
            w_buf = w_bufs.at[b]
            i_buf = i_bufs.at[b]
            pltpu.make_async_copy(in_slice(ci), s_buf, in_sems[b]).wait()

            @pl.when(ci >= 2)
            def _():
                old = pl.ds(t0 + (ci - 2) * TCH, TCH)
                pltpu.make_async_copy(w_buf, w_hbm.at[old], out_sems[b]).wait()
                pltpu.make_async_copy(i_buf, i_hbm.at[old], out_sems[b]).wait()

            _chunk_compute(s_buf, w_buf, i_buf, iotas, shift_idx, last_idx, lane0)

            pltpu.async_copy(w_buf, w_hbm.at[pl.ds(base, TCH)], out_sems[b])
            pltpu.async_copy(i_buf, i_hbm.at[pl.ds(base, TCH)], out_sems[b])

            @pl.when(ci + 2 < nchunk)
            def _():
                pltpu.async_copy(in_slice(ci + 2), s_bufs.at[b], in_sems[b])

        def pair_body(i, _):
            do_chunk(2 * i, 0)
            do_chunk(2 * i + 1, 1)
            return 0

        lax.fori_loop(0, nchunk // 2, pair_body, 0)
        for b in range(2):
            ci = nchunk - 2 + b
            old = pl.ds(t0 + ci * TCH, TCH)
            pltpu.make_async_copy(w_bufs.at[b], w_hbm.at[old], out_sems[b]).wait()
            pltpu.make_async_copy(i_bufs.at[b], i_hbm.at[old], out_sems[b]).wait()

    return k(scores_hbm)


def _chunk_compute(s_buf, w_buf, i_buf, iotas, shift_idx, last_idx, lane0):
    @plsc.parallel_loop(0, TCH, step=1, unroll=4)
    def tok_body(t):
        raw = [s_buf[t, pl.ds(16 * r, 16)] for r in range(4)]
        key = [jnp.where(x < 1.1754944e-38, 0.0, x) for x in raw]
        p = [_vsort_desc((key[r], iotas[r])) for r in range(4)]
        a0, a1 = _merge16(p[0], p[1])
        b0, b1 = _merge16(p[2], p[3])
        srt = _merge32(a0, a1, b0, b1)
        K = [x[0] for x in srt]
        V = [x[1] for x in srt]
        key2 = []
        carry = jnp.zeros((16,), jnp.int32)
        prev_last = jnp.full((16,), jnp.inf, jnp.float32)
        for r in range(4):
            prev = _take(K[r], shift_idx)
            prev = jnp.where(lane0, prev_last, prev)
            rs = jnp.where(K[r] != prev, 1, 0).astype(jnp.int32)
            cum = plsc.cumsum(rs) + carry
            carry = _take(cum, last_idx)
            prev_last = _take(K[r], last_idx)
            key2.append(cum * 64 + V[r])
        q = [jnp.sort(key2[r]) for r in range(4)]
        a0q, a1q = _m16a(q[0], q[1])
        b0q, b1q = _m16a(q[2], q[3])
        f = _m32a(a0q, a1q, b0q, b1q)
        sum4 = key[0] + key[1] + key[2] + key[3]
        tot = _take(plsc.cumsum(sum4), last_idx)
        inv = ROUTED_SCALING / (tot + 1e-10)
        for r in range(4):
            i_buf[t, pl.ds(16 * r, 16)] = f[r] & 63
            w_buf[t, pl.ds(16 * r, 16)] = K[r] * inv


def kernel(hidden_states, weight, e_score_correction_bias):
    bsz, seq_len, d = hidden_states.shape
    hs2 = hidden_states.reshape(bsz * seq_len, d)
    step = N_TOK // NSPLIT
    w_parts, i_parts = [], []
    for h in range(NSPLIT):
        scores = _scores_tc(hs2[h * step : (h + 1) * step], weight)
        w_out, idx_out = _sc_sort(scores)
        w_parts.append(w_out)
        i_parts.append(idx_out)
    if NSPLIT == 1:
        w_all, i_all = w_parts[0], i_parts[0]
    else:
        w_all = jnp.concatenate(w_parts, axis=0)
        i_all = jnp.concatenate(i_parts, axis=0)
    return (w_all.astype(hidden_states.dtype), i_all)

# --- scband reference (transcript-rebuilt; emitter-appended) ---
"""Pipeline reference for scband-moe-router-73641509257561 (READ-ONLY COPY).

The authoritative reference and input builder live on the scoring server;
editing this copy changes nothing except your own understanding.
"""

import jax, jax.numpy as jnp
import numpy as np

N_EXPERTS = 64
HIDDEN = 768
TOP_K = 64  # module sets top_k = n_routed_experts
ROUTED_SCALING = 1.4
NORM_TOPK = True


def setup_inputs(seed: int = 0) -> dict:
    key = jax.random.key(seed)
    k1, k2 = jax.random.split(key)
    hidden_states = jax.random.normal(k1, (4, 8192, HIDDEN), dtype=jnp.float32)
    weight = jax.random.normal(k2, (N_EXPERTS, HIDDEN), dtype=jnp.float32)
    e_score_correction_bias = jnp.zeros((N_EXPERTS,), dtype=jnp.float32)
    return {
        "hidden_states": hidden_states,
        "weight": weight,
        "e_score_correction_bias": e_score_correction_bias,
    }


def reference(hidden_states, weight, e_score_correction_bias):
    bsz, seq_len, d = hidden_states.shape
    hs = hidden_states.reshape(bsz * seq_len, d)
    scores = hs.astype(jnp.float32) @ weight.astype(jnp.float32).T
    scores = jax.nn.sigmoid(scores)
    scores_for_choice = scores + e_score_correction_bias[None, :]
    _, top_k_index = jax.lax.top_k(scores_for_choice, TOP_K)
    weights = jnp.take_along_axis(scores, top_k_index, axis=-1)
    if NORM_TOPK:
        weights_sum = jnp.sum(weights, axis=-1, keepdims=True)
        weights = weights / (weights_sum + 1e-10)
    weights = weights * ROUTED_SCALING
    return (weights.astype(hidden_states.dtype), top_k_index)

if __name__ == "__main__":
    import jax
    _d = setup_inputs()
    print(jax.jit(kernel)(*tuple(_d.values())))

</pallas_src>

<mosaic_0001>
#map = affine_map<(d0, d1) -> (0, 0)>
module attributes {stable_mosaic.version = 14 : i64} {
  func.func @k(%arg0: i32, %arg1: i32, %arg2: memref<32768x64xf32, #tpu.memory_space<hbm>>, %arg3: memref<32768x64xf32, #tpu.memory_space<hbm>>, %arg4: memref<32768x64xi32, #tpu.memory_space<hbm>>, %arg5: memref<2x128x64xf32, #tpu.memory_space<vmem>>, %arg6: memref<2x128x64xf32, #tpu.memory_space<vmem>>, %arg7: memref<2x128x64xi32, #tpu.memory_space<vmem>>, %arg8: memref<!tpu.dma_semaphore, #tpu.memory_space<semaphore_mem>>, %arg9: memref<!tpu.dma_semaphore, #tpu.memory_space<semaphore_mem>>, %arg10: memref<!tpu.dma_semaphore, #tpu.memory_space<semaphore_mem>>, %arg11: memref<!tpu.dma_semaphore, #tpu.memory_space<semaphore_mem>>) attributes {dimension_semantics = [#tpu.dimension_semantics<core_parallel>, #tpu.dimension_semantics<subcore_parallel>], iteration_bounds = array<i64: 2, 16>, scalar_prefetch = 0 : i64, scratch_operands = 7 : i64, tpu.core_type = #tpu.core_type<sc_vector_subcore>, window_params = [{transform_indices = #map}, {transform_indices = #map}, {transform_indices = #map}]} {
    %mul3A = arith.constant 2 : i32
    %mul3A_0 = arith.muli %arg1, %mul3A : i32
    %add3A = arith.addi %mul3A_0, %arg0 : i32
    %mul3A_1 = arith.constant 1024 : i32
    %mul3A_2 = arith.muli %add3A, %mul3A_1 : i32
    %iota3A = tpu.iota {dimensions = array<i32: 0>} : vector<16xi32>
    %add3A_3 = arith.constant 0 : i32
    %add3A_4 = vector.broadcast %add3A_3 : i32 to vector<16xi32>
    %add3A_5 = arith.addi %iota3A, %add3A_4 : vector<16xi32>
    %add3A_6 = arith.constant 16 : i32
    %add3A_7 = vector.broadcast %add3A_6 : i32 to vector<16xi32>
    %add3A_8 = arith.addi %iota3A, %add3A_7 : vector<16xi32>
    %add3A_9 = arith.constant 32 : i32
    %add3A_10 = vector.broadcast %add3A_9 : i32 to vector<16xi32>
    %add3A_11 = arith.addi %iota3A, %add3A_10 : vector<16xi32>
    %add3A_12 = arith.constant 48 : i32
    %add3A_13 = vector.broadcast %add3A_12 : i32 to vector<16xi32>
    %add3A_14 = arith.addi %iota3A, %add3A_13 : vector<16xi32>
    %sub3A = arith.constant 1 : i32
    %sub3A_15 = vector.broadcast %sub3A : i32 to vector<16xi32>
    %sub3A_16 = arith.subi %iota3A, %sub3A_15 : vector<16xi32>
    %max3A = arith.constant 0 : i32
    %max3A_17 = vector.broadcast %max3A : i32 to vector<16xi32>
    %max3A_18 = arith.maxsi %sub3A_16, %max3A_17 : vector<16xi32>
    %broadcast_in_dim3A = arith.constant 15 : i32
    %broadcast_in_dim3A_19 = vector.broadcast %broadcast_in_dim3A : i32 to vector<16xi32>
    %eq3A = arith.constant 0 : i32
    %eq3A_20 = vector.broadcast %eq3A : i32 to vector<16xi32>
    %eq3A_21 = arith.cmpi eq, %iota3A, %eq3A_20 : vector<16xi32>
    %add3A_22 = arith.constant 0 : i32
    %add3A_23 = arith.addi %mul3A_2, %add3A_22 : i32
    %dma_start3A = arith.constant 0 : i32
    %dma_start3A_24 = arith.constant 0 : i32
    %dma_start3A_25 = arith.constant 0 : i32
    %dma_start3A_26 = tpu.memref_slice %arg5[%dma_start3A, %dma_start3A_24, %dma_start3A_25] : memref<2x128x64xf32, #tpu.memory_space<vmem>> -> memref<1x128x64xf32, #tpu.memory_space<vmem>>
    %dma_start3A_27 = tpu.memref_squeeze %dma_start3A_26 : memref<1x128x64xf32, #tpu.memory_space<vmem>> -> memref<128x64xf32, #tpu.memory_space<vmem>>
    %dma_start3A_28 = arith.constant 0 : i32
    %dma_start3A_29 = tpu.memref_slice %arg2[%add3A_23, %dma_start3A_28] : memref<32768x64xf32, #tpu.memory_space<hbm>> -> memref<128x64xf32, #tpu.memory_space<hbm>>
    %dma_start3A_30 = arith.constant 0 : i32
    %dma_start3A_31 = arith.constant 0 : i32
    %dma_start3A_32 = tpu.memref_slice %arg5[%dma_start3A, %dma_start3A_30, %dma_start3A_31] : memref<2x128x64xf32, #tpu.memory_space<vmem>> -> memref<1x128x64xf32, #tpu.memory_space<vmem>>
    %dma_start3A_33 = tpu.memref_squeeze %dma_start3A_32 : memref<1x128x64xf32, #tpu.memory_space<vmem>> -> memref<128x64xf32, #tpu.memory_space<vmem>>
    %dma_start3A_34 = arith.constant 0 : i32
    %dma_start3A_35 = tpu.memref_slice %arg2[%add3A_23, %dma_start3A_34] : memref<32768x64xf32, #tpu.memory_space<hbm>> -> memref<128x64xf32, #tpu.memory_space<hbm>>
    tpu.enqueue_dma source(%dma_start3A_35 : memref<128x64xf32, #tpu.memory_space<hbm>>) target(%dma_start3A_33 : memref<128x64xf32, #tpu.memory_space<vmem>>) target_semaphore(%arg8 : memref<!tpu.dma_semaphore, #tpu.memory_space<semaphore_mem>>)
    %add3A_36 = arith.constant 128 : i32
    %add3A_37 = arith.addi %mul3A_2, %add3A_36 : i32
    %dma_start3A_38 = arith.constant 1 : i32
    %dma_start3A_39 = arith.constant 0 : i32
    %dma_start3A_40 = arith.constant 0 : i32
    %dma_start3A_41 = tpu.memref_slice %arg5[%dma_start3A_38, %dma_start3A_39, %dma_start3A_40] : memref<2x128x64xf32, #tpu.memory_space<vmem>> -> memref<1x128x64xf32, #tpu.memory_space<vmem>>
    %dma_start3A_42 = tpu.memref_squeeze %dma_start3A_41 : memref<1x128x64xf32, #tpu.memory_space<vmem>> -> memref<128x64xf32, #tpu.memory_space<vmem>>
    %dma_start3A_43 = arith.constant 0 : i32
    %dma_start3A_44 = tpu.memref_slice %arg2[%add3A_37, %dma_start3A_43] : memref<32768x64xf32, #tpu.memory_space<hbm>> -> memref<128x64xf32, #tpu.memory_space<hbm>>
    %dma_start3A_45 = arith.constant 0 : i32
    %dma_start3A_46 = arith.constant 0 : i32
    %dma_start3A_47 = tpu.memref_slice %arg5[%dma_start3A_38, %dma_start3A_45, %dma_start3A_46] : memref<2x128x64xf32, #tpu.memory_space<vmem>> -> memref<1x128x64xf32, #tpu.memory_space<vmem>>
    %dma_start3A_48 = tpu.memref_squeeze %dma_start3A_47 : memref<1x128x64xf32, #tpu.memory_space<vmem>> -> memref<128x64xf32, #tpu.memory_space<vmem>>
    %dma_start3A_49 = arith.constant 0 : i32
    %dma_start3A_50 = tpu.memref_slice %arg2[%add3A_37, %dma_start3A_49] : memref<32768x64xf32, #tpu.memory_space<hbm>> -> memref<128x64xf32, #tpu.memory_space<hbm>>
    tpu.enqueue_dma source(%dma_start3A_50 : memref<128x64xf32, #tpu.memory_space<hbm>>) target(%dma_start3A_48 : memref<128x64xf32, #tpu.memory_space<vmem>>) target_semaphore(%arg9 : memref<!tpu.dma_semaphore, #tpu.memory_space<semaphore_mem>>)
    %scan3A = arith.constant 0 : i32
    %scan3A_51 = arith.constant 0 : i32
    %scan3A_52 = arith.constant 4 : i32
    %scan3A_53 = arith.addi %scan3A_51, %scan3A_52 : i32
    %scan3A_54 = arith.constant 1 : i32
    %scan3A_55 = scf.for %scan3A_112 = %scan3A_51 to %scan3A_53 step %scan3A_54 iter_args(%scan3A_113 = %scan3A) -> (i32)  : i32 {
      %mul3A_114 = arith.constant 2 : i32
      %mul3A_115 = arith.muli %mul3A_114, %scan3A_112 : i32
      %mul3A_116 = arith.constant 128 : i32
      %mul3A_117 = arith.muli %mul3A_115, %mul3A_116 : i32
      %add3A_118 = arith.addi %mul3A_2, %mul3A_117 : i32
      %mul3A_119 = arith.constant 128 : i32
      %mul3A_120 = arith.muli %mul3A_115, %mul3A_119 : i32
      %add3A_121 = arith.addi %mul3A_2, %mul3A_120 : i32
      %dma_wait3A_122 = arith.constant 0 : i32
      %dma_wait3A_123 = arith.constant 0 : i32
      %dma_wait3A_124 = arith.constant 0 : i32
      %dma_wait3A_125 = tpu.memref_slice %arg5[%dma_wait3A_122, %dma_wait3A_123, %dma_wait3A_124] : memref<2x128x64xf32, #tpu.memory_space<vmem>> -> memref<1x128x64xf32, #tpu.memory_space<vmem>>
      %dma_wait3A_126 = tpu.memref_squeeze %dma_wait3A_125 : memref<1x128x64xf32, #tpu.memory_space<vmem>> -> memref<128x64xf32, #tpu.memory_space<vmem>>
      %dma_wait3A_127 = arith.constant 0 : i32
      %dma_wait3A_128 = tpu.memref_slice %arg2[%add3A_121, %dma_wait3A_127] : memref<32768x64xf32, #tpu.memory_space<hbm>> -> memref<128x64xf32, #tpu.memory_space<hbm>>
      %dma_wait3A_129 = arith.constant 0 : i32
      %dma_wait3A_130 = arith.constant 0 : i32
      %dma_wait3A_131 = tpu.memref_slice %arg5[%dma_wait3A_122, %dma_wait3A_129, %dma_wait3A_130] : memref<2x128x64xf32, #tpu.memory_space<vmem>> -> memref<1x128x64xf32, #tpu.memory_space<vmem>>
      %dma_wait3A_132 = tpu.memref_squeeze %dma_wait3A_131 : memref<1x128x64xf32, #tpu.memory_space<vmem>> -> memref<128x64xf32, #tpu.memory_space<vmem>>
      %dma_wait3A_133 = arith.constant 0 : i32
      %dma_wait3A_134 = tpu.memref_slice %arg2[%add3A_121, %dma_wait3A_133] : memref<32768x64xf32, #tpu.memory_space<hbm>> -> memref<128x64xf32, #tpu.memory_space<hbm>>
      tpu.wait_dma2 semaphore(%arg8 : memref<!tpu.dma_semaphore, #tpu.memory_space<semaphore_mem>>) src(%dma_wait3A_134 : memref<128x64xf32, #tpu.memory_space<hbm>>) dst(%dma_wait3A_132 : memref<128x64xf32, #tpu.memory_space<vmem>>)
      %ge3A = arith.constant 2 : i32
      %ge3A_135 = arith.cmpi sge, %mul3A_115, %ge3A : i32
      %convert_element_type3A = arith.extui %ge3A_135 : i1 to i32
      %cond3A = arith.constant 0 : i32
      %cond3A_136 = arith.constant 0 : i32
      %cond3A_137 = arith.constant 0 : i32
      %cond3A_138 = arith.cmpi ne, %convert_element_type3A, %cond3A_137 : i32
      scf.if %cond3A_138 {
        %sub3A_246 = arith.constant 2 : i32
        %sub3A_247 = arith.subi %mul3A_115, %sub3A_246 : i32
        %mul3A_248 = arith.constant 128 : i32
        %mul3A_249 = arith.muli %sub3A_247, %mul3A_248 : i32
        %add3A_250 = arith.addi %mul3A_2, %mul3A_249 : i32
        %dma_wait3A_251 = arith.constant 0 : i32
        %dma_wait3A_252 = arith.constant 0 : i32
        %dma_wait3A_253 = tpu.memref_slice %arg6[%cond3A, %dma_wait3A_251, %dma_wait3A_252] : memref<2x128x64xf32, #tpu.memory_space<vmem>> -> memref<1x128x64xf32, #tpu.memory_space<vmem>>
        %dma_wait3A_254 = tpu.memref_squeeze %dma_wait3A_253 : memref<1x128x64xf32, #tpu.memory_space<vmem>> -> memref<128x64xf32, #tpu.memory_space<vmem>>
        %dma_wait3A_255 = arith.constant 0 : i32
        %dma_wait3A_256 = tpu.memref_slice %arg3[%add3A_250, %dma_wait3A_255] : memref<32768x64xf32, #tpu.memory_space<hbm>> -> memref<128x64xf32, #tpu.memory_space<hbm>>
        %dma_wait3A_257 = arith.constant 0 : i32
        %dma_wait3A_258 = tpu.memref_slice %arg3[%add3A_250, %dma_wait3A_257] : memref<32768x64xf32, #tpu.memory_space<hbm>> -> memref<128x64xf32, #tpu.memory_space<hbm>>
        %dma_wait3A_259 = arith.constant 0 : i32
        %dma_wait3A_260 = arith.constant 0 : i32
        %dma_wait3A_261 = tpu.memref_slice %arg6[%cond3A, %dma_wait3A_259, %dma_wait3A_260] : memref<2x128x64xf32, #tpu.memory_space<vmem>> -> memref<1x128x64xf32, #tpu.memory_space<vmem>>
        %dma_wait3A_262 = tpu.memref_squeeze %dma_wait3A_261 : memref<1x128x64xf32, #tpu.memory_space<vmem>> -> memref<128x64xf32, #tpu.memory_space<vmem>>
        tpu.wait_dma2 semaphore(%arg10 : memref<!tpu.dma_semaphore, #tpu.memory_space<semaphore_mem>>) src(%dma_wait3A_262 : memref<128x64xf32, #tpu.memory_space<vmem>>) dst(%dma_wait3A_258 : memref<128x64xf32, #tpu.memory_space<hbm>>)
        %dma_wait3A_263 = arith.constant 0 : i32
        %dma_wait3A_264 = arith.constant 0 : i32
        %dma_wait3A_265 = tpu.memref_slice %arg7[%cond3A_136, %dma_wait3A_263, %dma_wait3A_264] : memref<2x128x64xi32, #tpu.memory_space<vmem>> -> memref<1x128x64xi32, #tpu.memory_space<vmem>>
        %dma_wait3A_266 = tpu.memref_squeeze %dma_wait3A_265 : memref<1x128x64xi32, #tpu.memory_space<vmem>> -> memref<128x64xi32, #tpu.memory_space<vmem>>
        %dma_wait3A_267 = arith.constant 0 : i32
        %dma_wait3A_268 = tpu.memref_slice %arg4[%add3A_250, %dma_wait3A_267] : memref<32768x64xi32, #tpu.memory_space<hbm>> -> memref<128x64xi32, #tpu.memory_space<hbm>>
        %dma_wait3A_269 = arith.constant 0 : i32
        %dma_wait3A_270 = tpu.memref_slice %arg4[%add3A_250, %dma_wait3A_269] : memref<32768x64xi32, #tpu.memory_space<hbm>> -> memref<128x64xi32, #tpu.memory_space<hbm>>
        %dma_wait3A_271 = arith.constant 0 : i32
        %dma_wait3A_272 = arith.constant 0 : i32
        %dma_wait3A_273 = tpu.memref_slice %arg7[%cond3A_136, %dma_wait3A_271, %dma_wait3A_272] : memref<2x128x64xi32, #tpu.memory_space<vmem>> -> memref<1x128x64xi32, #tpu.memory_space<vmem>>
        %dma_wait3A_274 = tpu.memref_squeeze %dma_wait3A_273 : memref<1x128x64xi32, #tpu.memory_space<vmem>> -> memref<128x64xi32, #tpu.memory_space<vmem>>
        tpu.wait_dma2 semaphore(%arg10 : memref<!tpu.dma_semaphore, #tpu.memory_space<semaphore_mem>>) src(%dma_wait3A_274 : memref<128x64xi32, #tpu.memory_space<vmem>>) dst(%dma_wait3A_270 : memref<128x64xi32, #tpu.memory_space<hbm>>)
      } else {
      }
      %parallel_loop3A = arith.constant 0 : i32
      %parallel_loop3A_139 = arith.constant 128 : i32
      %parallel_loop3A_140 = arith.constant 1 : i32
      %parallel_loop3A_141 = arith.constant 0 : i32
      %parallel_loop3A_142 = arith.constant 0 : i32
      %parallel_loop3A_143 = arith.constant 0 : i32
      scf.for %parallel_loop3A_246 = %parallel_loop3A to %parallel_loop3A_139 step %parallel_loop3A_140  : i32 {
        %parallel_loop3A_247 = arith.constant 0 : i32
        %parallel_loop3A_248 = arith.constant 0 : i32
        %parallel_loop3A_249 = tpu.memref_slice %arg5[%parallel_loop3A_141, %parallel_loop3A_247, %parallel_loop3A_248] : memref<2x128x64xf32, #tpu.memory_space<vmem>> -> memref<1x128x64xf32, #tpu.memory_space<vmem>>
        %parallel_loop3A_250 = tpu.memref_squeeze %parallel_loop3A_249 : memref<1x128x64xf32, #tpu.memory_space<vmem>> -> memref<128x64xf32, #tpu.memory_space<vmem>>
        %parallel_loop3A_251 = arith.index_cast %parallel_loop3A_246 : i32 to index
        %parallel_loop3A_252 = arith.constant 0 : index
        %parallel_loop3A_253 = tpu.vector_load %parallel_loop3A_250[%parallel_loop3A_251, %parallel_loop3A_252] {strides = array<i32>} : memref<128x64xf32, #tpu.memory_space<vmem>>, vector<16xf32>,
        %parallel_loop3A_254 = arith.constant 0 : i32
        %parallel_loop3A_255 = arith.constant 0 : i32
        %parallel_loop3A_256 = tpu.memref_slice %arg5[%parallel_loop3A_141, %parallel_loop3A_254, %parallel_loop3A_255] : memref<2x128x64xf32, #tpu.memory_space<vmem>> -> memref<1x128x64xf32, #tpu.memory_space<vmem>>
        %parallel_loop3A_257 = tpu.memref_squeeze %parallel_loop3A_256 : memref<1x128x64xf32, #tpu.memory_space<vmem>> -> memref<128x64xf32, #tpu.memory_space<vmem>>
        %parallel_loop3A_258 = arith.index_cast %parallel_loop3A_246 : i32 to index
        %parallel_loop3A_259 = arith.constant 16 : index
        %parallel_loop3A_260 = tpu.vector_load %parallel_loop3A_257[%parallel_loop3A_258, %parallel_loop3A_259] {strides = array<i32>} : memref<128x64xf32, #tpu.memory_space<vmem>>, vector<16xf32>,
        %parallel_loop3A_261 = arith.constant 0 : i32
        %parallel_loop3A_262 = arith.constant 0 : i32
        %parallel_loop3A_263 = tpu.memref_slice %arg5[%parallel_loop3A_141, %parallel_loop3A_261, %parallel_loop3A_262] : memref<2x128x64xf32, #tpu.memory_space<vmem>> -> memref<1x128x64xf32, #tpu.memory_space<vmem>>
        %parallel_loop3A_264 = tpu.memref_squeeze %parallel_loop3A_263 : memref<1x128x64xf32, #tpu.memory_space<vmem>> -> memref<128x64xf32, #tpu.memory_space<vmem>>
        %parallel_loop3A_265 = arith.index_cast %parallel_loop3A_246 : i32 to index
        %parallel_loop3A_266 = arith.constant 32 : index
        %parallel_loop3A_267 = tpu.vector_load %parallel_loop3A_264[%parallel_loop3A_265, %parallel_loop3A_266] {strides = array<i32>} : memref<128x64xf32, #tpu.memory_space<vmem>>, vector<16xf32>,
        %parallel_loop3A_268 = arith.constant 0 : i32
        %parallel_loop3A_269 = arith.constant 0 : i32
        %parallel_loop3A_270 = tpu.memref_slice %arg5[%parallel_loop3A_141, %parallel_loop3A_268, %parallel_loop3A_269] : memref<2x128x64xf32, #tpu.memory_space<vmem>> -> memref<1x128x64xf32, #tpu.memory_space<vmem>>
        %parallel_loop3A_271 = tpu.memref_squeeze %parallel_loop3A_270 : memref<1x128x64xf32, #tpu.memory_space<vmem>> -> memref<128x64xf32, #tpu.memory_space<vmem>>
        %parallel_loop3A_272 = arith.index_cast %parallel_loop3A_246 : i32 to index
        %parallel_loop3A_273 = arith.constant 48 : index
        %parallel_loop3A_274 = tpu.vector_load %parallel_loop3A_271[%parallel_loop3A_272, %parallel_loop3A_273] {strides = array<i32>} : memref<128x64xf32, #tpu.memory_space<vmem>>, vector<16xf32>,
        %parallel_loop3A_275 = arith.constant 1.17549435E-38 : f32
        %parallel_loop3A_276 = vector.broadcast %parallel_loop3A_275 : f32 to vector<16xf32>
        %parallel_loop3A_277 = arith.cmpf olt, %parallel_loop3A_253, %parallel_loop3A_276 : vector<16xf32>
        %parallel_loop3A_278 = arith.constant 0.000000e+00 : f32
        %parallel_loop3A_279 = vector.broadcast %parallel_loop3A_278 : f32 to vector<16xf32>
        %parallel_loop3A_280 = arith.select %parallel_loop3A_277, %parallel_loop3A_279, %parallel_loop3A_253 : vector<16xi1>, vector<16xf32>
        %parallel_loop3A_281 = arith.constant 1.17549435E-38 : f32
        %parallel_loop3A_282 = vector.broadcast %parallel_loop3A_281 : f32 to vector<16xf32>
        %parallel_loop3A_283 = arith.cmpf olt, %parallel_loop3A_260, %parallel_loop3A_282 : vector<16xf32>
        %parallel_loop3A_284 = arith.constant 0.000000e+00 : f32
        %parallel_loop3A_285 = vector.broadcast %parallel_loop3A_284 : f32 to vector<16xf32>
        %parallel_loop3A_286 = arith.select %parallel_loop3A_283, %parallel_loop3A_285, %parallel_loop3A_260 : vector<16xi1>, vector<16xf32>
        %parallel_loop3A_287 = arith.constant 1.17549435E-38 : f32
        %parallel_loop3A_288 = vector.broadcast %parallel_loop3A_287 : f32 to vector<16xf32>
        %parallel_loop3A_289 = arith.cmpf olt, %parallel_loop3A_267, %parallel_loop3A_288 : vector<16xf32>
        %parallel_loop3A_290 = arith.constant 0.000000e+00 : f32
        %parallel_loop3A_291 = vector.broadcast %parallel_loop3A_290 : f32 to vector<16xf32>
        %parallel_loop3A_292 = arith.select %parallel_loop3A_289, %parallel_loop3A_291, %parallel_loop3A_267 : vector<16xi1>, vector<16xf32>
        %parallel_loop3A_293 = arith.constant 1.17549435E-38 : f32
        %parallel_loop3A_294 = vector.broadcast %parallel_loop3A_293 : f32 to vector<16xf32>
        %parallel_loop3A_295 = arith.cmpf olt, %parallel_loop3A_274, %parallel_loop3A_294 : vector<16xf32>
        %parallel_loop3A_296 = arith.constant 0.000000e+00 : f32
        %parallel_loop3A_297 = vector.broadcast %parallel_loop3A_296 : f32 to vector<16xf32>
        %parallel_loop3A_298 = arith.select %parallel_loop3A_295, %parallel_loop3A_297, %parallel_loop3A_274 : vector<16xi1>, vector<16xf32>
        %parallel_loop3A_299 = arith.constant dense<true> : vector<16xi1>
        %parallel_loop3A_300, %parallel_loop3A_301, %parallel_loop3A_302 = tpu.sort %parallel_loop3A_280, %add3A_5 masked %parallel_loop3A_299 {descending = true} : (vector<16xf32>, vector<16xi32>, vector<16xi1>) -> (vector<16xi1>, vector<16xf32>, vector<16xi32>)
        %parallel_loop3A_303 = arith.constant dense<true> : vector<16xi1>
        %parallel_loop3A_304, %parallel_loop3A_305, %parallel_loop3A_306 = tpu.sort %parallel_loop3A_286, %add3A_8 masked %parallel_loop3A_303 {descending = true} : (vector<16xf32>, vector<16xi32>, vector<16xi1>) -> (vector<16xi1>, vector<16xf32>, vector<16xi32>)
        %parallel_loop3A_307 = arith.constant dense<true> : vector<16xi1>
        %parallel_loop3A_308, %parallel_loop3A_309, %parallel_loop3A_310 = tpu.sort %parallel_loop3A_292, %add3A_11 masked %parallel_loop3A_307 {descending = true} : (vector<16xf32>, vector<16xi32>, vector<16xi1>) -> (vector<16xi1>, vector<16xf32>, vector<16xi32>)
        %parallel_loop3A_311 = arith.constant dense<true> : vector<16xi1>
        %parallel_loop3A_312, %parallel_loop3A_313, %parallel_loop3A_314 = tpu.sort %parallel_loop3A_298, %add3A_14 masked %parallel_loop3A_311 {descending = true} : (vector<16xf32>, vector<16xi32>, vector<16xi1>) -> (vector<16xi1>, vector<16xf32>, vector<16xi32>)
        %parallel_loop3A_315 = arith.constant 15 : i32
        %parallel_loop3A_316 = vector.broadcast %parallel_loop3A_315 : i32 to vector<16xi32>
        %parallel_loop3A_317 = tpu.iota {dimensions = array<i32: 0>} : vector<16xi32>
        %parallel_loop3A_318 = arith.subi %parallel_loop3A_316, %parallel_loop3A_317 : vector<16xi32>
        %parallel_loop3A_319 = tpu.dynamic_gather %parallel_loop3A_305[%parallel_loop3A_318] in [0] : vector<16xf32>, vector<16xi32> -> vector<16xf32>
        %parallel_loop3A_320 = arith.constant 15 : i32
        %parallel_loop3A_321 = vector.broadcast %parallel_loop3A_320 : i32 to vector<16xi32>
        %parallel_loop3A_322 = tpu.iota {dimensions = array<i32: 0>} : vector<16xi32>
        %parallel_loop3A_323 = arith.subi %parallel_loop3A_321, %parallel_loop3A_322 : vector<16xi32>
        %parallel_loop3A_324 = tpu.dynamic_gather %parallel_loop3A_306[%parallel_loop3A_323] in [0] : vector<16xi32>, vector<16xi32> -> vector<16xi32>
        %parallel_loop3A_325 = arith.cmpf oge, %parallel_loop3A_301, %parallel_loop3A_319 : vector<16xf32>
        %parallel_loop3A_326 = arith.select %parallel_loop3A_325, %parallel_loop3A_301, %parallel_loop3A_319 : vector<16xi1>, vector<16xf32>
        %parallel_loop3A_327 = arith.select %parallel_loop3A_325, %parallel_loop3A_302, %parallel_loop3A_324 : vector<16xi1>, vector<16xi32>
        %parallel_loop3A_328 = arith.select %parallel_loop3A_325, %parallel_loop3A_319, %parallel_loop3A_301 : vector<16xi1>, vector<16xf32>
        %parallel_loop3A_329 = arith.select %parallel_loop3A_325, %parallel_loop3A_324, %parallel_loop3A_302 : vector<16xi1>, vector<16xi32>
        %parallel_loop3A_330 = arith.constant dense<true> : vector<16xi1>
        %parallel_loop3A_331, %parallel_loop3A_332, %parallel_loop3A_333 = tpu.sort %parallel_loop3A_326, %parallel_loop3A_327 masked %parallel_loop3A_330 {descending = true} : (vector<16xf32>, vector<16xi32>, vector<16xi1>) -> (vector<16xi1>, vector<16xf32>, vector<16xi32>)
        %parallel_loop3A_334 = arith.constant dense<true> : vector<16xi1>
        %parallel_loop3A_335, %parallel_loop3A_336, %parallel_loop3A_337 = tpu.sort %parallel_loop3A_328, %parallel_loop3A_329 masked %parallel_loop3A_334 {descending = true} : (vector<16xf32>, vector<16xi32>, vector<16xi1>) -> (vector<16xi1>, vector<16xf32>, vector<16xi32>)
        %parallel_loop3A_338 = arith.constant 15 : i32
        %parallel_loop3A_339 = vector.broadcast %parallel_loop3A_338 : i32 to vector<16xi32>
        %parallel_loop3A_340 = tpu.iota {dimensions = array<i32: 0>} : vector<16xi32>
        %parallel_loop3A_341 = arith.subi %parallel_loop3A_339, %parallel_loop3A_340 : vector<16xi32>
        %parallel_loop3A_342 = tpu.dynamic_gather %parallel_loop3A_313[%parallel_loop3A_341] in [0] : vector<16xf32>, vector<16xi32> -> vector<16xf32>
        %parallel_loop3A_343 = arith.constant 15 : i32
        %parallel_loop3A_344 = vector.broadcast %parallel_loop3A_343 : i32 to vector<16xi32>
        %parallel_loop3A_345 = tpu.iota {dimensions = array<i32: 0>} : vector<16xi32>
        %parallel_loop3A_346 = arith.subi %parallel_loop3A_344, %parallel_loop3A_345 : vector<16xi32>
        %parallel_loop3A_347 = tpu.dynamic_gather %parallel_loop3A_314[%parallel_loop3A_346] in [0] : vector<16xi32>, vector<16xi32> -> vector<16xi32>
        %parallel_loop3A_348 = arith.cmpf oge, %parallel_loop3A_309, %parallel_loop3A_342 : vector<16xf32>
        %parallel_loop3A_349 = arith.select %parallel_loop3A_348, %parallel_loop3A_309, %parallel_loop3A_342 : vector<16xi1>, vector<16xf32>
        %parallel_loop3A_350 = arith.select %parallel_loop3A_348, %parallel_loop3A_310, %parallel_loop3A_347 : vector<16xi1>, vector<16xi32>
        %parallel_loop3A_351 = arith.select %parallel_loop3A_348, %parallel_loop3A_342, %parallel_loop3A_309 : vector<16xi1>, vector<16xf32>
        %parallel_loop3A_352 = arith.select %parallel_loop3A_348, %parallel_loop3A_347, %parallel_loop3A_310 : vector<16xi1>, vector<16xi32>
        %parallel_loop3A_353 = arith.constant dense<true> : vector<16xi1>
        %parallel_loop3A_354, %parallel_loop3A_355, %parallel_loop3A_356 = tpu.sort %parallel_loop3A_349, %parallel_loop3A_350 masked %parallel_loop3A_353 {descending = true} : (vector<16xf32>, vector<16xi32>, vector<16xi1>) -> (vector<16xi1>, vector<16xf32>, vector<16xi32>)
        %parallel_loop3A_357 = arith.constant dense<true> : vector<16xi1>
        %parallel_loop3A_358, %parallel_loop3A_359, %parallel_loop3A_360 = tpu.sort %parallel_loop3A_351, %parallel_loop3A_352 masked %parallel_loop3A_357 {descending = true} : (vector<16xf32>, vector<16xi32>, vector<16xi1>) -> (vector<16xi1>, vector<16xf32>, vector<16xi32>)
        %parallel_loop3A_361 = arith.constant 15 : i32
        %parallel_loop3A_362 = vector.broadcast %parallel_loop3A_361 : i32 to vector<16xi32>
        %parallel_loop3A_363 = tpu.iota {dimensions = array<i32: 0>} : vector<16xi32>
        %parallel_loop3A_364 = arith.subi %parallel_loop3A_362, %parallel_loop3A_363 : vector<16xi32>
        %parallel_loop3A_365 = tpu.dynamic_gather %parallel_loop3A_359[%parallel_loop3A_364] in [0] : vector<16xf32>, vector<16xi32> -> vector<16xf32>
        %parallel_loop3A_366 = arith.constant 15 : i32
        %parallel_loop3A_367 = vector.broadcast %parallel_loop3A_366 : i32 to vector<16xi32>
        %parallel_loop3A_368 = tpu.iota {dimensions = array<i32: 0>} : vector<16xi32>
        %parallel_loop3A_369 = arith.subi %parallel_loop3A_367, %parallel_loop3A_368 : vector<16xi32>
        %parallel_loop3A_370 = tpu.dynamic_gather %parallel_loop3A_360[%parallel_loop3A_369] in [0] : vector<16xi32>, vector<16xi32> -> vector<16xi32>
        %parallel_loop3A_371 = arith.constant 15 : i32
        %parallel_loop3A_372 = vector.broadcast %parallel_loop3A_371 : i32 to vector<16xi32>
        %parallel_loop3A_373 = tpu.iota {dimensions = array<i32: 0>} : vector<16xi32>
        %parallel_loop3A_374 = arith.subi %parallel_loop3A_372, %parallel_loop3A_373 : vector<16xi32>
        %parallel_loop3A_375 = tpu.dynamic_gather %parallel_loop3A_355[%parallel_loop3A_374] in [0] : vector<16xf32>, vector<16xi32> -> vector<16xf32>
        %parallel_loop3A_376 = arith.constant 15 : i32
        %parallel_loop3A_377 = vector.broadcast %parallel_loop3A_376 : i32 to vector<16xi32>
        %parallel_loop3A_378 = tpu.iota {dimensions = array<i32: 0>} : vector<16xi32>
        %parallel_loop3A_379 = arith.subi %parallel_loop3A_377, %parallel_loop3A_378 : vector<16xi32>
        %parallel_loop3A_380 = tpu.dynamic_gather %parallel_loop3A_356[%parallel_loop3A_379] in [0] : vector<16xi32>, vector<16xi32> -> vector<16xi32>
        %parallel_loop3A_381 = arith.cmpf oge, %parallel_loop3A_332, %parallel_loop3A_365 : vector<16xf32>
        %parallel_loop3A_382 = arith.select %parallel_loop3A_381, %parallel_loop3A_332, %parallel_loop3A_365 : vector<16xi1>, vector<16xf32>
        %parallel_loop3A_383 = arith.select %parallel_loop3A_381, %parallel_loop3A_333, %parallel_loop3A_370 : vector<16xi1>, vector<16xi32>
        %parallel_loop3A_384 = arith.select %parallel_loop3A_381, %parallel_loop3A_365, %parallel_loop3A_332 : vector<16xi1>, vector<16xf32>
        %parallel_loop3A_385 = arith.select %parallel_loop3A_381, %parallel_loop3A_370, %parallel_loop3A_333 : vector<16xi1>, vector<16xi32>
        %parallel_loop3A_386 = arith.cmpf oge, %parallel_loop3A_336, %parallel_loop3A_375 : vector<16xf32>
        %parallel_loop3A_387 = arith.select %parallel_loop3A_386, %parallel_loop3A_336, %parallel_loop3A_375 : vector<16xi1>, vector<16xf32>
        %parallel_loop3A_388 = arith.select %parallel_loop3A_386, %parallel_loop3A_337, %parallel_loop3A_380 : vector<16xi1>, vector<16xi32>
        %parallel_loop3A_389 = arith.select %parallel_loop3A_386, %parallel_loop3A_375, %parallel_loop3A_336 : vector<16xi1>, vector<16xf32>
        %parallel_loop3A_390 = arith.select %parallel_loop3A_386, %parallel_loop3A_380, %parallel_loop3A_337 : vector<16xi1>, vector<16xi32>
        %parallel_loop3A_391 = arith.cmpf oge, %parallel_loop3A_382, %parallel_loop3A_387 : vector<16xf32>
        %parallel_loop3A_392 = arith.select %parallel_loop3A_391, %parallel_loop3A_382, %parallel_loop3A_387 : vector<16xi1>, vector<16xf32>
        %parallel_loop3A_393 = arith.select %parallel_loop3A_391, %parallel_loop3A_383, %parallel_loop3A_388 : vector<16xi1>, vector<16xi32>
        %parallel_loop3A_394 = arith.select %parallel_loop3A_391, %parallel_loop3A_387, %parallel_loop3A_382 : vector<16xi1>, vector<16xf32>
        %parallel_loop3A_395 = arith.select %parallel_loop3A_391, %parallel_loop3A_388, %parallel_loop3A_383 : vector<16xi1>, vector<16xi32>
        %parallel_loop3A_396 = arith.constant dense<true> : vector<16xi1>
        %parallel_loop3A_397, %parallel_loop3A_398, %parallel_loop3A_399 = tpu.sort %parallel_loop3A_392, %parallel_loop3A_393 masked %parallel_loop3A_396 {descending = true} : (vector<16xf32>, vector<16xi32>, vector<16xi1>) -> (vector<16xi1>, vector<16xf32>, vector<16xi32>)
        %parallel_loop3A_400 = arith.constant dense<true> : vector<16xi1>
        %parallel_loop3A_401, %parallel_loop3A_402, %parallel_loop3A_403 = tpu.sort %parallel_loop3A_394, %parallel_loop3A_395 masked %parallel_loop3A_400 {descending = true} : (vector<16xf32>, vector<16xi32>, vector<16xi1>) -> (vector<16xi1>, vector<16xf32>, vector<16xi32>)
        %parallel_loop3A_404 = arith.cmpf oge, %parallel_loop3A_384, %parallel_loop3A_389 : vector<16xf32>
        %parallel_loop3A_405 = arith.select %parallel_loop3A_404, %parallel_loop3A_384, %parallel_loop3A_389 : vector<16xi1>, vector<16xf32>
        %parallel_loop3A_406 = arith.select %parallel_loop3A_404, %parallel_loop3A_385, %parallel_loop3A_390 : vector<16xi1>, vector<16xi32>
        %parallel_loop3A_407 = arith.select %parallel_loop3A_404, %parallel_loop3A_389, %parallel_loop3A_384 : vector<16xi1>, vector<16xf32>
        %parallel_loop3A_408 = arith.select %parallel_loop3A_404, %parallel_loop3A_390, %parallel_loop3A_385 : vector<16xi1>, vector<16xi32>
        %parallel_loop3A_409 = arith.constant dense<true> : vector<16xi1>
        %parallel_loop3A_410, %parallel_loop3A_411, %parallel_loop3A_412 = tpu.sort %parallel_loop3A_405, %parallel_loop3A_406 masked %parallel_loop3A_409 {descending = true} : (vector<16xf32>, vector<16xi32>, vector<16xi1>) -> (vector<16xi1>, vector<16xf32>, vector<16xi32>)
        %parallel_loop3A_413 = arith.constant dense<true> : vector<16xi1>
        %parallel_loop3A_414, %parallel_loop3A_415, %parallel_loop3A_416 = tpu.sort %parallel_loop3A_407, %parallel_loop3A_408 masked %parallel_loop3A_413 {descending = true} : (vector<16xf32>, vector<16xi32>, vector<16xi1>) -> (vector<16xi1>, vector<16xf32>, vector<16xi32>)
        %parallel_loop3A_417 = arith.constant 0 : i32
        %parallel_loop3A_418 = vector.broadcast %parallel_loop3A_417 : i32 to vector<16xi32>
        %parallel_loop3A_419 = arith.constant 0x7F800000 : f32
        %parallel_loop3A_420 = vector.broadcast %parallel_loop3A_419 : f32 to vector<16xf32>
        %parallel_loop3A_421 = vector.shape_cast %max3A_18 : vector<16xi32> to vector<16x1xi32>
        %parallel_loop3A_422 = vector.shape_cast %parallel_loop3A_421 : vector<16x1xi32> to vector<16xi32>
        %parallel_loop3A_423 = tpu.dynamic_gather %parallel_loop3A_398[%parallel_loop3A_422] in [0] : vector<16xf32>, vector<16xi32> -> vector<16xf32>
        %parallel_loop3A_424 = arith.select %eq3A_21, %parallel_loop3A_420, %parallel_loop3A_423 : vector<16xi1>, vector<16xf32>
        %parallel_loop3A_425 = arith.cmpf one, %parallel_loop3A_398, %parallel_loop3A_424 : vector<16xf32>
        %parallel_loop3A_426 = arith.constant 1 : i32
        %parallel_loop3A_427 = arith.constant 0 : i32
        %parallel_loop3A_428 = vector.broadcast %parallel_loop3A_426 : i32 to vector<16xi32>
        %parallel_loop3A_429 = vector.broadcast %parallel_loop3A_427 : i32 to vector<16xi32>
        %parallel_loop3A_430 = arith.select %parallel_loop3A_425, %parallel_loop3A_428, %parallel_loop3A_429 : vector<16xi1>, vector<16xi32>
        %parallel_loop3A_431 = arith.constant true
        %parallel_loop3A_432 = vector.broadcast %parallel_loop3A_431 : i1 to vector<16xi1>
        %parallel_loop3A_433 = tpu.scan <sum>, %parallel_loop3A_430 masked %parallel_loop3A_432 : vector<16xi32>, vector<16xi1> -> vector<16xi32>
        %parallel_loop3A_434 = arith.addi %parallel_loop3A_433, %parallel_loop3A_418 : vector<16xi32>
        %parallel_loop3A_435 = vector.shape_cast %broadcast_in_dim3A_19 : vector<16xi32> to vector<16x1xi32>
        %parallel_loop3A_436 = vector.shape_cast %parallel_loop3A_435 : vector<16x1xi32> to vector<16xi32>
        %parallel_loop3A_437 = tpu.dynamic_gather %parallel_loop3A_434[%parallel_loop3A_436] in [0] : vector<16xi32>, vector<16xi32> -> vector<16xi32>
        %parallel_loop3A_438 = vector.shape_cast %broadcast_in_dim3A_19 : vector<16xi32> to vector<16x1xi32>
        %parallel_loop3A_439 = vector.shape_cast %parallel_loop3A_438 : vector<16x1xi32> to vector<16xi32>
        %parallel_loop3A_440 = tpu.dynamic_gather %parallel_loop3A_398[%parallel_loop3A_439] in [0] : vector<16xf32>, vector<16xi32> -> vector<16xf32>
        %parallel_loop3A_441 = arith.constant 64 : i32
        %parallel_loop3A_442 = vector.broadcast %parallel_loop3A_441 : i32 to vector<16xi32>
        %parallel_loop3A_443 = arith.muli %parallel_loop3A_434, %parallel_loop3A_442 : vector<16xi32>
        %parallel_loop3A_444 = arith.addi %parallel_loop3A_443, %parallel_loop3A_399 : vector<16xi32>
        %parallel_loop3A_445 = vector.shape_cast %max3A_18 : vector<16xi32> to vector<16x1xi32>
        %parallel_loop3A_446 = vector.shape_cast %parallel_loop3A_445 : vector<16x1xi32> to vector<16xi32>
        %parallel_loop3A_447 = tpu.dynamic_gather %parallel_loop3A_402[%parallel_loop3A_446] in [0] : vector<16xf32>, vector<16xi32> -> vector<16xf32>
        %parallel_loop3A_448 = arith.select %eq3A_21, %parallel_loop3A_440, %parallel_loop3A_447 : vector<16xi1>, vector<16xf32>
        %parallel_loop3A_449 = arith.cmpf one, %parallel_loop3A_402, %parallel_loop3A_448 : vector<16xf32>
        %parallel_loop3A_450 = arith.constant 1 : i32
        %parallel_loop3A_451 = arith.constant 0 : i32
        %parallel_loop3A_452 = vector.broadcast %parallel_loop3A_450 : i32 to vector<16xi32>
        %parallel_loop3A_453 = vector.broadcast %parallel_loop3A_451 : i32 to vector<16xi32>
        %parallel_loop3A_454 = arith.select %parallel_loop3A_449, %parallel_loop3A_452, %parallel_loop3A_453 : vector<16xi1>, vector<16xi32>
        %parallel_loop3A_455 = arith.constant true
        %parallel_loop3A_456 = vector.broadcast %parallel_loop3A_455 : i1 to vector<16xi1>
        %parallel_loop3A_457 = tpu.scan <sum>, %parallel_loop3A_454 masked %parallel_loop3A_456 : vector<16xi32>, vector<16xi1> -> vector<16xi32>
        %parallel_loop3A_458 = arith.addi %parallel_loop3A_457, %parallel_loop3A_437 : vector<16xi32>
        %parallel_loop3A_459 = vector.shape_cast %broadcast_in_dim3A_19 : vector<16xi32> to vector<16x1xi32>
        %parallel_loop3A_460 = vector.shape_cast %parallel_loop3A_459 : vector<16x1xi32> to vector<16xi32>
        %parallel_loop3A_461 = tpu.dynamic_gather %parallel_loop3A_458[%parallel_loop3A_460] in [0] : vector<16xi32>, vector<16xi32> -> vector<16xi32>
        %parallel_loop3A_462 = vector.shape_cast %broadcast_in_dim3A_19 : vector<16xi32> to vector<16x1xi32>
        %parallel_loop3A_463 = vector.shape_cast %parallel_loop3A_462 : vector<16x1xi32> to vector<16xi32>
        %parallel_loop3A_464 = tpu.dynamic_gather %parallel_loop3A_402[%parallel_loop3A_463] in [0] : vector<16xf32>, vector<16xi32> -> vector<16xf32>
        %parallel_loop3A_465 = arith.constant 64 : i32
        %parallel_loop3A_466 = vector.broadcast %parallel_loop3A_465 : i32 to vector<16xi32>
        %parallel_loop3A_467 = arith.muli %parallel_loop3A_458, %parallel_loop3A_466 : vector<16xi32>
        %parallel_loop3A_468 = arith.addi %parallel_loop3A_467, %parallel_loop3A_403 : vector<16xi32>
        %parallel_loop3A_469 = vector.shape_cast %max3A_18 : vector<16xi32> to vector<16x1xi32>
        %parallel_loop3A_470 = vector.shape_cast %parallel_loop3A_469 : vector<16x1xi32> to vector<16xi32>
        %parallel_loop3A_471 = tpu.dynamic_gather %parallel_loop3A_411[%parallel_loop3A_470] in [0] : vector<16xf32>, vector<16xi32> -> vector<16xf32>
        %parallel_loop3A_472 = arith.select %eq3A_21, %parallel_loop3A_464, %parallel_loop3A_471 : vector<16xi1>, vector<16xf32>
        %parallel_loop3A_473 = arith.cmpf one, %parallel_loop3A_411, %parallel_loop3A_472 : vector<16xf32>
        %parallel_loop3A_474 = arith.constant 1 : i32
        %parallel_loop3A_475 = arith.constant 0 : i32
        %parallel_loop3A_476 = vector.broadcast %parallel_loop3A_474 : i32 to vector<16xi32>
        %parallel_loop3A_477 = vector.broadcast %parallel_loop3A_475 : i32 to vector<16xi32>
        %parallel_loop3A_478 = arith.select %parallel_loop3A_473, %parallel_loop3A_476, %parallel_loop3A_477 : vector<16xi1>, vector<16xi32>
        %parallel_loop3A_479 = arith.constant true
        %parallel_loop3A_480 = vector.broadcast %parallel_loop3A_479 : i1 to vector<16xi1>
        %parallel_loop3A_481 = tpu.scan <sum>, %parallel_loop3A_478 masked %parallel_loop3A_480 : vector<16xi32>, vector<16xi1> -> vector<16xi32>
        %parallel_loop3A_482 = arith.addi %parallel_loop3A_481, %parallel_loop3A_461 : vector<16xi32>
        %parallel_loop3A_483 = vector.shape_cast %broadcast_in_dim3A_19 : vector<16xi32> to vector<16x1xi32>
        %parallel_loop3A_484 = vector.shape_cast %parallel_loop3A_483 : vector<16x1xi32> to vector<16xi32>
        %parallel_loop3A_485 = tpu.dynamic_gather %parallel_loop3A_482[%parallel_loop3A_484] in [0] : vector<16xi32>, vector<16xi32> -> vector<16xi32>
        %parallel_loop3A_486 = vector.shape_cast %broadcast_in_dim3A_19 : vector<16xi32> to vector<16x1xi32>
        %parallel_loop3A_487 = vector.shape_cast %parallel_loop3A_486 : vector<16x1xi32> to vector<16xi32>
        %parallel_loop3A_488 = tpu.dynamic_gather %parallel_loop3A_411[%parallel_loop3A_487] in [0] : vector<16xf32>, vector<16xi32> -> vector<16xf32>
        %parallel_loop3A_489 = arith.constant 64 : i32
        %parallel_loop3A_490 = vector.broadcast %parallel_loop3A_489 : i32 to vector<16xi32>
        %parallel_loop3A_491 = arith.muli %parallel_loop3A_482, %parallel_loop3A_490 : vector<16xi32>
        %parallel_loop3A_492 = arith.addi %parallel_loop3A_491, %parallel_loop3A_412 : vector<16xi32>
        %parallel_loop3A_493 = vector.shape_cast %max3A_18 : vector<16xi32> to vector<16x1xi32>
        %parallel_loop3A_494 = vector.shape_cast %parallel_loop3A_493 : vector<16x1xi32> to vector<16xi32>
        %parallel_loop3A_495 = tpu.dynamic_gather %parallel_loop3A_415[%parallel_loop3A_494] in [0] : vector<16xf32>, vector<16xi32> -> vector<16xf32>
        %parallel_loop3A_496 = arith.select %eq3A_21, %parallel_loop3A_488, %parallel_loop3A_495 : vector<16xi1>, vector<16xf32>
        %parallel_loop3A_497 = arith.cmpf one, %parallel_loop3A_415, %parallel_loop3A_496 : vector<16xf32>
        %parallel_loop3A_498 = arith.constant 1 : i32
        %parallel_loop3A_499 = arith.constant 0 : i32
        %parallel_loop3A_500 = vector.broadcast %parallel_loop3A_498 : i32 to vector<16xi32>
        %parallel_loop3A_501 = vector.broadcast %parallel_loop3A_499 : i32 to vector<16xi32>
        %parallel_loop3A_502 = arith.select %parallel_loop3A_497, %parallel_loop3A_500, %parallel_loop3A_501 : vector<16xi1>, vector<16xi32>
        %parallel_loop3A_503 = arith.constant true
        %parallel_loop3A_504 = vector.broadcast %parallel_loop3A_503 : i1 to vector<16xi1>
        %parallel_loop3A_505 = tpu.scan <sum>, %parallel_loop3A_502 masked %parallel_loop3A_504 : vector<16xi32>, vector<16xi1> -> vector<16xi32>
        %parallel_loop3A_506 = arith.addi %parallel_loop3A_505, %parallel_loop3A_485 : vector<16xi32>
        %parallel_loop3A_507 = vector.shape_cast %broadcast_in_dim3A_19 : vector<16xi32> to vector<16x1xi32>
        %parallel_loop3A_508 = vector.shape_cast %parallel_loop3A_507 : vector<16x1xi32> to vector<16xi32>
        %parallel_loop3A_509 = tpu.dynamic_gather %parallel_loop3A_506[%parallel_loop3A_508] in [0] : vector<16xi32>, vector<16xi32> -> vector<16xi32>
        %parallel_loop3A_510 = vector.shape_cast %broadcast_in_dim3A_19 : vector<16xi32> to vector<16x1xi32>
        %parallel_loop3A_511 = vector.shape_cast %parallel_loop3A_510 : vector<16x1xi32> to vector<16xi32>
        %parallel_loop3A_512 = tpu.dynamic_gather %parallel_loop3A_415[%parallel_loop3A_511] in [0] : vector<16xf32>, vector<16xi32> -> vector<16xf32>
        %parallel_loop3A_513 = arith.constant 64 : i32
        %parallel_loop3A_514 = vector.broadcast %parallel_loop3A_513 : i32 to vector<16xi32>
        %parallel_loop3A_515 = arith.muli %parallel_loop3A_506, %parallel_loop3A_514 : vector<16xi32>
        %parallel_loop3A_516 = arith.addi %parallel_loop3A_515, %parallel_loop3A_416 : vector<16xi32>
        %parallel_loop3A_517 = arith.constant dense<true> : vector<16xi1>
        %parallel_loop3A_518, %parallel_loop3A_519, %parallel_loop3A_520 = tpu.sort %parallel_loop3A_444, %parallel_loop3A_444 masked %parallel_loop3A_517 : (vector<16xi32>, vector<16xi32>, vector<16xi1>) -> (vector<16xi1>, vector<16xi32>, vector<16xi32>)
        %parallel_loop3A_521 = arith.constant dense<true> : vector<16xi1>
        %parallel_loop3A_522, %parallel_loop3A_523, %parallel_loop3A_524 = tpu.sort %parallel_loop3A_468, %parallel_loop3A_468 masked %parallel_loop3A_521 : (vector<16xi32>, vector<16xi32>, vector<16xi1>) -> (vector<16xi1>, vector<16xi32>, vector<16xi32>)
        %parallel_loop3A_525 = arith.constant dense<true> : vector<16xi1>
        %parallel_loop3A_526, %parallel_loop3A_527, %parallel_loop3A_528 = tpu.sort %parallel_loop3A_492, %parallel_loop3A_492 masked %parallel_loop3A_525 : (vector<16xi32>, vector<16xi32>, vector<16xi1>) -> (vector<16xi1>, vector<16xi32>, vector<16xi32>)
        %parallel_loop3A_529 = arith.constant dense<true> : vector<16xi1>
        %parallel_loop3A_530, %parallel_loop3A_531, %parallel_loop3A_532 = tpu.sort %parallel_loop3A_516, %parallel_loop3A_516 masked %parallel_loop3A_529 : (vector<16xi32>, vector<16xi32>, vector<16xi1>) -> (vector<16xi1>, vector<16xi32>, vector<16xi32>)
        %parallel_loop3A_533 = arith.constant 15 : i32
        %parallel_loop3A_534 = vector.broadcast %parallel_loop3A_533 : i32 to vector<16xi32>
        %parallel_loop3A_535 = tpu.iota {dimensions = array<i32: 0>} : vector<16xi32>
        %parallel_loop3A_536 = arith.subi %parallel_loop3A_534, %parallel_loop3A_535 : vector<16xi32>
        %parallel_loop3A_537 = tpu.dynamic_gather %parallel_loop3A_523[%parallel_loop3A_536] in [0] : vector<16xi32>, vector<16xi32> -> vector<16xi32>
        %parallel_loop3A_538 = arith.minsi %parallel_loop3A_519, %parallel_loop3A_537 : vector<16xi32>
        %parallel_loop3A_539 = arith.maxsi %parallel_loop3A_519, %parallel_loop3A_537 : vector<16xi32>
        %parallel_loop3A_540 = arith.constant dense<true> : vector<16xi1>
        %parallel_loop3A_541, %parallel_loop3A_542, %parallel_loop3A_543 = tpu.sort %parallel_loop3A_538, %parallel_loop3A_538 masked %parallel_loop3A_540 : (vector<16xi32>, vector<16xi32>, vector<16xi1>) -> (vector<16xi1>, vector<16xi32>, vector<16xi32>)
        %parallel_loop3A_544 = arith.constant dense<true> : vector<16xi1>
        %parallel_loop3A_545, %parallel_loop3A_546, %parallel_loop3A_547 = tpu.sort %parallel_loop3A_539, %parallel_loop3A_539 masked %parallel_loop3A_544 : (vector<16xi32>, vector<16xi32>, vector<16xi1>) -> (vector<16xi1>, vector<16xi32>, vector<16xi32>)
        %parallel_loop3A_548 = arith.constant 15 : i32
        %parallel_loop3A_549 = vector.broadcast %parallel_loop3A_548 : i32 to vector<16xi32>
        %parallel_loop3A_550 = tpu.iota {dimensions = array<i32: 0>} : vector<16xi32>
        %parallel_loop3A_551 = arith.subi %parallel_loop3A_549, %parallel_loop3A_550 : vector<16xi32>
        %parallel_loop3A_552 = tpu.dynamic_gather %parallel_loop3A_531[%parallel_loop3A_551] in [0] : vector<16xi32>, vector<16xi32> -> vector<16xi32>
        %parallel_loop3A_553 = arith.minsi %parallel_loop3A_527, %parallel_loop3A_552 : vector<16xi32>
        %parallel_loop3A_554 = arith.maxsi %parallel_loop3A_527, %parallel_loop3A_552 : vector<16xi32>
        %parallel_loop3A_555 = arith.constant dense<true> : vector<16xi1>
        %parallel_loop3A_556, %parallel_loop3A_557, %parallel_loop3A_558 = tpu.sort %parallel_loop3A_553, %parallel_loop3A_553 masked %parallel_loop3A_555 : (vector<16xi32>, vector<16xi32>, vector<16xi1>) -> (vector<16xi1>, vector<16xi32>, vector<16xi32>)
        %parallel_loop3A_559 = arith.constant dense<true> : vector<16xi1>
        %parallel_loop3A_560, %parallel_loop3A_561, %parallel_loop3A_562 = tpu.sort %parallel_loop3A_554, %parallel_loop3A_554 masked %parallel_loop3A_559 : (vector<16xi32>, vector<16xi32>, vector<16xi1>) -> (vector<16xi1>, vector<16xi32>, vector<16xi32>)
        %parallel_loop3A_563 = arith.constant 15 : i32
        %parallel_loop3A_564 = vector.broadcast %parallel_loop3A_563 : i32 to vector<16xi32>
        %parallel_loop3A_565 = tpu.iota {dimensions = array<i32: 0>} : vector<16xi32>
        %parallel_loop3A_566 = arith.subi %parallel_loop3A_564, %parallel_loop3A_565 : vector<16xi32>
        %parallel_loop3A_567 = tpu.dynamic_gather %parallel_loop3A_561[%parallel_loop3A_566] in [0] : vector<16xi32>, vector<16xi32> -> vector<16xi32>
        %parallel_loop3A_568 = arith.constant 15 : i32
        %parallel_loop3A_569 = vector.broadcast %parallel_loop3A_568 : i32 to vector<16xi32>
        %parallel_loop3A_570 = tpu.iota {dimensions = array<i32: 0>} : vector<16xi32>
        %parallel_loop3A_571 = arith.subi %parallel_loop3A_569, %parallel_loop3A_570 : vector<16xi32>
        %parallel_loop3A_572 = tpu.dynamic_gather %parallel_loop3A_557[%parallel_loop3A_571] in [0] : vector<16xi32>, vector<16xi32> -> vector<16xi32>
        %parallel_loop3A_573 = arith.minsi %parallel_loop3A_542, %parallel_loop3A_567 : vector<16xi32>
        %parallel_loop3A_574 = arith.maxsi %parallel_loop3A_542, %parallel_loop3A_567 : vector<16xi32>
        %parallel_loop3A_575 = arith.minsi %parallel_loop3A_546, %parallel_loop3A_572 : vector<16xi32>
        %parallel_loop3A_576 = arith.maxsi %parallel_loop3A_546, %parallel_loop3A_572 : vector<16xi32>
        %parallel_loop3A_577 = arith.minsi %parallel_loop3A_573, %parallel_loop3A_575 : vector<16xi32>
        %parallel_loop3A_578 = arith.maxsi %parallel_loop3A_573, %parallel_loop3A_575 : vector<16xi32>
        %parallel_loop3A_579 = arith.constant dense<true> : vector<16xi1>
        %parallel_loop3A_580, %parallel_loop3A_581, %parallel_loop3A_582 = tpu.sort %parallel_loop3A_577, %parallel_loop3A_577 masked %parallel_loop3A_579 : (vector<16xi32>, vector<16xi32>, vector<16xi1>) -> (vector<16xi1>, vector<16xi32>, vector<16xi32>)
        %parallel_loop3A_583 = arith.constant dense<true> : vector<16xi1>
        %parallel_loop3A_584, %parallel_loop3A_585, %parallel_loop3A_586 = tpu.sort %parallel_loop3A_578, %parallel_loop3A_578 masked %parallel_loop3A_583 : (vector<16xi32>, vector<16xi32>, vector<16xi1>) -> (vector<16xi1>, vector<16xi32>, vector<16xi32>)
        %parallel_loop3A_587 = arith.minsi %parallel_loop3A_574, %parallel_loop3A_576 : vector<16xi32>
        %parallel_loop3A_588 = arith.maxsi %parallel_loop3A_574, %parallel_loop3A_576 : vector<16xi32>
        %parallel_loop3A_589 = arith.constant dense<true> : vector<16xi1>
        %parallel_loop3A_590, %parallel_loop3A_591, %parallel_loop3A_592 = tpu.sort %parallel_loop3A_587, %parallel_loop3A_587 masked %parallel_loop3A_589 : (vector<16xi32>, vector<16xi32>, vector<16xi1>) -> (vector<16xi1>, vector<16xi32>, vector<16xi32>)
        %parallel_loop3A_593 = arith.constant dense<true> : vector<16xi1>
        %parallel_loop3A_594, %parallel_loop3A_595, %parallel_loop3A_596 = tpu.sort %parallel_loop3A_588, %parallel_loop3A_588 masked %parallel_loop3A_593 : (vector<16xi32>, vector<16xi32>, vector<16xi1>) -> (vector<16xi1>, vector<16xi32>, vector<16xi32>)
        %parallel_loop3A_597 = arith.addf %parallel_loop3A_280, %parallel_loop3A_286 : vector<16xf32>
        %parallel_loop3A_598 = arith.addf %parallel_loop3A_597, %parallel_loop3A_292 : vector<16xf32>
        %parallel_loop3A_599 = arith.addf %parallel_loop3A_598, %parallel_loop3A_298 : vector<16xf32>
        %parallel_loop3A_600 = arith.constant true
        %parallel_loop3A_601 = vector.broadcast %parallel_loop3A_600 : i1 to vector<16xi1>
        %parallel_loop3A_602 = tpu.scan <sum>, %parallel_loop3A_599 masked %parallel_loop3A_601 : vector<16xf32>, vector<16xi1> -> vector<16xf32>
        %parallel_loop3A_603 = vector.shape_cast %broadcast_in_dim3A_19 : vector<16xi32> to vector<16x1xi32>
        %parallel_loop3A_604 = vector.shape_cast %parallel_loop3A_603 : vector<16x1xi32> to vector<16xi32>
        %parallel_loop3A_605 = tpu.dynamic_gather %parallel_loop3A_602[%parallel_loop3A_604] in [0] : vector<16xf32>, vector<16xi32> -> vector<16xf32>
        %parallel_loop3A_606 = arith.constant 1.000000e-10 : f32
        %parallel_loop3A_607 = vector.broadcast %parallel_loop3A_606 : f32 to vector<16xf32>
        %parallel_loop3A_608 = arith.addf %parallel_loop3A_605, %parallel_loop3A_607 : vector<16xf32>
        %parallel_loop3A_609 = arith.constant 1.400000e+00 : f32
        %parallel_loop3A_610 = vector.broadcast %parallel_loop3A_609 : f32 to vector<16xf32>
        %parallel_loop3A_611 = arith.divf %parallel_loop3A_610, %parallel_loop3A_608 : vector<16xf32>
        %parallel_loop3A_612 = arith.constant 63 : i32
        %parallel_loop3A_613 = vector.broadcast %parallel_loop3A_612 : i32 to vector<16xi32>
        %parallel_loop3A_614 = arith.andi %parallel_loop3A_581, %parallel_loop3A_613 : vector<16xi32>
        %parallel_loop3A_615 = arith.constant 0 : i32
        %parallel_loop3A_616 = arith.constant 0 : i32
        %parallel_loop3A_617 = tpu.memref_slice %arg7[%parallel_loop3A_142, %parallel_loop3A_615, %parallel_loop3A_616] : memref<2x128x64xi32, #tpu.memory_space<vmem>> -> memref<1x128x64xi32, #tpu.memory_space<vmem>>
        %parallel_loop3A_618 = tpu.memref_squeeze %parallel_loop3A_617 : memref<1x128x64xi32, #tpu.memory_space<vmem>> -> memref<128x64xi32, #tpu.memory_space<vmem>>
        %parallel_loop3A_619 = arith.index_cast %parallel_loop3A_246 : i32 to index
        %parallel_loop3A_620 = arith.constant 0 : index
        %parallel_loop3A_621 = tpu.vector_load %parallel_loop3A_618[%parallel_loop3A_619, %parallel_loop3A_620] {strides = array<i32>} : memref<128x64xi32, #tpu.memory_space<vmem>>, vector<16xi32>,
        tpu.vector_store %parallel_loop3A_618[%parallel_loop3A_619, %parallel_loop3A_620], %parallel_loop3A_614 {strides = array<i32>} : memref<128x64xi32, #tpu.memory_space<vmem>>, vector<16xi32>,
        %parallel_loop3A_622 = arith.mulf %parallel_loop3A_398, %parallel_loop3A_611 : vector<16xf32>
        %parallel_loop3A_623 = arith.constant 0 : i32
        %parallel_loop3A_624 = arith.constant 0 : i32
        %parallel_loop3A_625 = tpu.memref_slice %arg6[%parallel_loop3A_143, %parallel_loop3A_623, %parallel_loop3A_624] : memref<2x128x64xf32, #tpu.memory_space<vmem>> -> memref<1x128x64xf32, #tpu.memory_space<vmem>>
        %parallel_loop3A_626 = tpu.memref_squeeze %parallel_loop3A_625 : memref<1x128x64xf32, #tpu.memory_space<vmem>> -> memref<128x64xf32, #tpu.memory_space<vmem>>
        %parallel_loop3A_627 = arith.index_cast %parallel_loop3A_246 : i32 to index
        %parallel_loop3A_628 = arith.constant 0 : index
        %parallel_loop3A_629 = tpu.vector_load %parallel_loop3A_626[%parallel_loop3A_627, %parallel_loop3A_628] {strides = array<i32>} : memref<128x64xf32, #tpu.memory_space<vmem>>, vector<16xf32>,
        tpu.vector_store %parallel_loop3A_626[%parallel_loop3A_627, %parallel_loop3A_628], %parallel_loop3A_622 {strides = array<i32>} : memref<128x64xf32, #tpu.memory_space<vmem>>, vector<16xf32>,
        %parallel_loop3A_630 = arith.constant 63 : i32
        %parallel_loop3A_631 = vector.broadcast %parallel_loop3A_630 : i32 to vector<16xi32>
        %parallel_loop3A_632 = arith.andi %parallel_loop3A_585, %parallel_loop3A_631 : vector<16xi32>
        %parallel_loop3A_633 = arith.constant 0 : i32
        %parallel_loop3A_634 = arith.constant 0 : i32
        %parallel_loop3A_635 = tpu.memref_slice %arg7[%parallel_loop3A_142, %parallel_loop3A_633, %parallel_loop3A_634] : memref<2x128x64xi32, #tpu.memory_space<vmem>> -> memref<1x128x64xi32, #tpu.memory_space<vmem>>
        %parallel_loop3A_636 = tpu.memref_squeeze %parallel_loop3A_635 : memref<1x128x64xi32, #tpu.memory_space<vmem>> -> memref<128x64xi32, #tpu.memory_space<vmem>>
        %parallel_loop3A_637 = arith.index_cast %parallel_loop3A_246 : i32 to index
        %parallel_loop3A_638 = arith.constant 16 : index
        %parallel_loop3A_639 = tpu.vector_load %parallel_loop3A_636[%parallel_loop3A_637, %parallel_loop3A_638] {strides = array<i32>} : memref<128x64xi32, #tpu.memory_space<vmem>>, vector<16xi32>,
        tpu.vector_store %parallel_loop3A_636[%parallel_loop3A_637, %parallel_loop3A_638], %parallel_loop3A_632 {strides = array<i32>} : memref<128x64xi32, #tpu.memory_space<vmem>>, vector<16xi32>,
        %parallel_loop3A_640 = arith.mulf %parallel_loop3A_402, %parallel_loop3A_611 : vector<16xf32>
        %parallel_loop3A_641 = arith.constant 0 : i32
        %parallel_loop3A_642 = arith.constant 0 : i32
        %parallel_loop3A_643 = tpu.memref_slice %arg6[%parallel_loop3A_143, %parallel_loop3A_641, %parallel_loop3A_642] : memref<2x128x64xf32, #tpu.memory_space<vmem>> -> memref<1x128x64xf32, #tpu.memory_space<vmem>>
        %parallel_loop3A_644 = tpu.memref_squeeze %parallel_loop3A_643 : memref<1x128x64xf32, #tpu.memory_space<vmem>> -> memref<128x64xf32, #tpu.memory_space<vmem>>
        %parallel_loop3A_645 = arith.index_cast %parallel_loop3A_246 : i32 to index
        %parallel_loop3A_646 = arith.constant 16 : index
        %parallel_loop3A_647 = tpu.vector_load %parallel_loop3A_644[%parallel_loop3A_645, %parallel_loop3A_646] {strides = array<i32>} : memref<128x64xf32, #tpu.memory_space<vmem>>, vector<16xf32>,
        tpu.vector_store %parallel_loop3A_644[%parallel_loop3A_645, %parallel_loop3A_646], %parallel_loop3A_640 {strides = array<i32>} : memref<128x64xf32, #tpu.memory_space<vmem>>, vector<16xf32>,
        %parallel_loop3A_648 = arith.constant 63 : i32
        %parallel_loop3A_649 = vector.broadcast %parallel_loop3A_648 : i32 to vector<16xi32>
        %parallel_loop3A_650 = arith.andi %parallel_loop3A_591, %parallel_loop3A_649 : vector<16xi32>
        %parallel_loop3A_651 = arith.constant 0 : i32
        %parallel_loop3A_652 = arith.constant 0 : i32
        %parallel_loop3A_653 = tpu.memref_slice %arg7[%parallel_loop3A_142, %parallel_loop3A_651, %parallel_loop3A_652] : memref<2x128x64xi32, #tpu.memory_space<vmem>> -> memref<1x128x64xi32, #tpu.memory_space<vmem>>
        %parallel_loop3A_654 = tpu.memref_squeeze %parallel_loop3A_653 : memref<1x128x64xi32, #tpu.memory_space<vmem>> -> memref<128x64xi32, #tpu.memory_space<vmem>>
        %parallel_loop3A_655 = arith.index_cast %parallel_loop3A_246 : i32 to index
        %parallel_loop3A_656 = arith.constant 32 : index
        %parallel_loop3A_657 = tpu.vector_load %parallel_loop3A_654[%parallel_loop3A_655, %parallel_loop3A_656] {strides = array<i32>} : memref<128x64xi32, #tpu.memory_space<vmem>>, vector<16xi32>,
        tpu.vector_store %parallel_loop3A_654[%parallel_loop3A_655, %parallel_loop3A_656], %parallel_loop3A_650 {strides = array<i32>} : memref<128x64xi32, #tpu.memory_space<vmem>>, vector<16xi32>,
        %parallel_loop3A_658 = arith.mulf %parallel_loop3A_411, %parallel_loop3A_611 : vector<16xf32>
        %parallel_loop3A_659 = arith.constant 0 : i32
        %parallel_loop3A_660 = arith.constant 0 : i32
        %parallel_loop3A_661 = tpu.memref_slice %arg6[%parallel_loop3A_143, %parallel_loop3A_659, %parallel_loop3A_660] : memref<2x128x64xf32, #tpu.memory_space<vmem>> -> memref<1x128x64xf32, #tpu.memory_space<vmem>>
        %parallel_loop3A_662 = tpu.memref_squeeze %parallel_loop3A_661 : memref<1x128x64xf32, #tpu.memory_space<vmem>> -> memref<128x64xf32, #tpu.memory_space<vmem>>
        %parallel_loop3A_663 = arith.index_cast %parallel_loop3A_246 : i32 to index
        %parallel_loop3A_664 = arith.constant 32 : index
        %parallel_loop3A_665 = tpu.vector_load %parallel_loop3A_662[%parallel_loop3A_663, %parallel_loop3A_664] {strides = array<i32>} : memref<128x64xf32, #tpu.memory_space<vmem>>, vector<16xf32>,
        tpu.vector_store %parallel_loop3A_662[%parallel_loop3A_663, %parallel_loop3A_664], %parallel_loop3A_658 {strides = array<i32>} : memref<128x64xf32, #tpu.memory_space<vmem>>, vector<16xf32>,
        %parallel_loop3A_666 = arith.constant 63 : i32
        %parallel_loop3A_667 = vector.broadcast %parallel_loop3A_666 : i32 to vector<16xi32>
        %parallel_loop3A_668 = arith.andi %parallel_loop3A_595, %parallel_loop3A_667 : vector<16xi32>
        %parallel_loop3A_669 = arith.constant 0 : i32
        %parallel_loop3A_670 = arith.constant 0 : i32
        %parallel_loop3A_671 = tpu.memref_slice %arg7[%parallel_loop3A_142, %parallel_loop3A_669, %parallel_loop3A_670] : memref<2x128x64xi32, #tpu.memory_space<vmem>> -> memref<1x128x64xi32, #tpu.memory_space<vmem>>
        %parallel_loop3A_672 = tpu.memref_squeeze %parallel_loop3A_671 : memref<1x128x64xi32, #tpu.memory_space<vmem>> -> memref<128x64xi32, #tpu.memory_space<vmem>>
        %parallel_loop3A_673 = arith.index_cast %parallel_loop3A_246 : i32 to index
        %parallel_loop3A_674 = arith.constant 48 : index
        %parallel_loop3A_675 = tpu.vector_load %parallel_loop3A_672[%parallel_loop3A_673, %parallel_loop3A_674] {strides = array<i32>} : memref<128x64xi32, #tpu.memory_space<vmem>>, vector<16xi32>,
        tpu.vector_store %parallel_loop3A_672[%parallel_loop3A_673, %parallel_loop3A_674], %parallel_loop3A_668 {strides = array<i32>} : memref<128x64xi32, #tpu.memory_space<vmem>>, vector<16xi32>,
        %parallel_loop3A_676 = arith.mulf %parallel_loop3A_415, %parallel_loop3A_611 : vector<16xf32>
        %parallel_loop3A_677 = arith.constant 0 : i32
        %parallel_loop3A_678 = arith.constant 0 : i32
        %parallel_loop3A_679 = tpu.memref_slice %arg6[%parallel_loop3A_143, %parallel_loop3A_677, %parallel_loop3A_678] : memref<2x128x64xf32, #tpu.memory_space<vmem>> -> memref<1x128x64xf32, #tpu.memory_space<vmem>>
        %parallel_loop3A_680 = tpu.memref_squeeze %parallel_loop3A_679 : memref<1x128x64xf32, #tpu.memory_space<vmem>> -> memref<128x64xf32, #tpu.memory_space<vmem>>
        %parallel_loop3A_681 = arith.index_cast %parallel_loop3A_246 : i32 to index
        %parallel_loop3A_682 = arith.constant 48 : index
        %parallel_loop3A_683 = tpu.vector_load %parallel_loop3A_680[%parallel_loop3A_681, %parallel_loop3A_682] {strides = array<i32>} : memref<128x64xf32, #tpu.memory_space<vmem>>, vector<16xf32>,
        tpu.vector_store %parallel_loop3A_680[%parallel_loop3A_681, %parallel_loop3A_682], %parallel_loop3A_676 {strides = array<i32>} : memref<128x64xf32, #tpu.memory_space<vmem>>, vector<16xf32>,
      } {sc.loop_unroll_factor = 4 : i64, sc.parallel_access}
      %dma_start3A_144 = arith.constant 0 : i32
      %dma_start3A_145 = arith.constant 0 : i32
      %dma_start3A_146 = arith.constant 0 : i32
      %dma_start3A_147 = tpu.memref_slice %arg6[%dma_start3A_144, %dma_start3A_145, %dma_start3A_146] : memref<2x128x64xf32, #tpu.memory_space<vmem>> -> memref<1x128x64xf32, #tpu.memory_space<vmem>>
      %dma_start3A_148 = tpu.memref_squeeze %dma_start3A_147 : memref<1x128x64xf32, #tpu.memory_space<vmem>> -> memref<128x64xf32, #tpu.memory_space<vmem>>
      %dma_start3A_149 = arith.constant 0 : i32
      %dma_start3A_150 = tpu.memref_slice %arg3[%add3A_118, %dma_start3A_149] : memref<32768x64xf32, #tpu.memory_space<hbm>> -> memref<128x64xf32, #tpu.memory_space<hbm>>
      %dma_start3A_151 = arith.constant 0 : i32
      %dma_start3A_152 = tpu.memref_slice %arg3[%add3A_118, %dma_start3A_151] : memref<32768x64xf32, #tpu.memory_space<hbm>> -> memref<128x64xf32, #tpu.memory_space<hbm>>
      %dma_start3A_153 = arith.constant 0 : i32
      %dma_start3A_154 = arith.constant 0 : i32
      %dma_start3A_155 = tpu.memref_slice %arg6[%dma_start3A_144, %dma_start3A_153, %dma_start3A_154] : memref<2x128x64xf32, #tpu.memory_space<vmem>> -> memref<1x128x64xf32, #tpu.memory_space<vmem>>
      %dma_start3A_156 = tpu.memref_squeeze %dma_start3A_155 : memref<1x128x64xf32, #tpu.memory_space<vmem>> -> memref<128x64xf32, #tpu.memory_space<vmem>>
      tpu.enqueue_dma source(%dma_start3A_156 : memref<128x64xf32, #tpu.memory_space<vmem>>) target(%dma_start3A_152 : memref<128x64xf32, #tpu.memory_space<hbm>>) target_semaphore(%arg10 : memref<!tpu.dma_semaphore, #tpu.memory_space<semaphore_mem>>)
      %dma_start3A_157 = arith.constant 0 : i32
      %dma_start3A_158 = arith.constant 0 : i32
      %dma_start3A_159 = arith.constant 0 : i32
      %dma_start3A_160 = tpu.memref_slice %arg7[%dma_start3A_157, %dma_start3A_158, %dma_start3A_159] : memref<2x128x64xi32, #tpu.memory_space<vmem>> -> memref<1x128x64xi32, #tpu.memory_space<vmem>>
      %dma_start3A_161 = tpu.memref_squeeze %dma_start3A_160 : memref<1x128x64xi32, #tpu.memory_space<vmem>> -> memref<128x64xi32, #tpu.memory_space<vmem>>
      %dma_start3A_162 = arith.constant 0 : i32
      %dma_start3A_163 = tpu.memref_slice %arg4[%add3A_118, %dma_start3A_162] : memref<32768x64xi32, #tpu.memory_space<hbm>> -> memref<128x64xi32, #tpu.memory_space<hbm>>
      %dma_start3A_164 = arith.constant 0 : i32
      %dma_start3A_165 = tpu.memref_slice %arg4[%add3A_118, %dma_start3A_164] : memref<32768x64xi32, #tpu.memory_space<hbm>> -> memref<128x64xi32, #tpu.memory_space<hbm>>
      %dma_start3A_166 = arith.constant 0 : i32
      %dma_start3A_167 = arith.constant 0 : i32
      %dma_start3A_168 = tpu.memref_slice %arg7[%dma_start3A_157, %dma_start3A_166, %dma_start3A_167] : memref<2x128x64xi32, #tpu.memory_space<vmem>> -> memref<1x128x64xi32, #tpu.memory_space<vmem>>
      %dma_start3A_169 = tpu.memref_squeeze %dma_start3A_168 : memref<1x128x64xi32, #tpu.memory_space<vmem>> -> memref<128x64xi32, #tpu.memory_space<vmem>>
      tpu.enqueue_dma source(%dma_start3A_169 : memref<128x64xi32, #tpu.memory_space<vmem>>) target(%dma_start3A_165 : memref<128x64xi32, #tpu.memory_space<hbm>>) target_semaphore(%arg10 : memref<!tpu.dma_semaphore, #tpu.memory_space<semaphore_mem>>)
      %add3A_170 = arith.constant 2 : i32
      %add3A_171 = arith.addi %mul3A_115, %add3A_170 : i32
      %lt3A = arith.constant 8 : i32
      %lt3A_172 = arith.cmpi slt, %add3A_171, %lt3A : i32
      %convert_element_type3A_173 = arith.extui %lt3A_172 : i1 to i32
      %cond3A_174 = arith.constant 0 : i32
      %cond3A_175 = arith.cmpi ne, %convert_element_type3A_173, %cond3A_174 : i32
      scf.if %cond3A_175 {
        %add3A_246 = arith.constant 2 : i32
        %add3A_247 = arith.addi %mul3A_115, %add3A_246 : i32
        %mul3A_248 = arith.constant 128 : i32
        %mul3A_249 = arith.muli %add3A_247, %mul3A_248 : i32
        %add3A_250 = arith.addi %mul3A_2, %mul3A_249 : i32
        %dma_start3A_251 = arith.constant 0 : i32
        %dma_start3A_252 = arith.constant 0 : i32
        %dma_start3A_253 = arith.constant 0 : i32
        %dma_start3A_254 = tpu.memref_slice %arg5[%dma_start3A_251, %dma_start3A_252, %dma_start3A_253] : memref<2x128x64xf32, #tpu.memory_space<vmem>> -> memref<1x128x64xf32, #tpu.memory_space<vmem>>
        %dma_start3A_255 = tpu.memref_squeeze %dma_start3A_254 : memref<1x128x64xf32, #tpu.memory_space<vmem>> -> memref<128x64xf32, #tpu.memory_space<vmem>>
        %dma_start3A_256 = arith.constant 0 : i32
        %dma_start3A_257 = tpu.memref_slice %arg2[%add3A_250, %dma_start3A_256] : memref<32768x64xf32, #tpu.memory_space<hbm>> -> memref<128x64xf32, #tpu.memory_space<hbm>>
        %dma_start3A_258 = arith.constant 0 : i32
        %dma_start3A_259 = arith.constant 0 : i32
        %dma_start3A_260 = tpu.memref_slice %arg5[%dma_start3A_251, %dma_start3A_258, %dma_start3A_259] : memref<2x128x64xf32, #tpu.memory_space<vmem>> -> memref<1x128x64xf32, #tpu.memory_space<vmem>>
        %dma_start3A_261 = tpu.memref_squeeze %dma_start3A_260 : memref<1x128x64xf32, #tpu.memory_space<vmem>> -> memref<128x64xf32, #tpu.memory_space<vmem>>
        %dma_start3A_262 = arith.constant 0 : i32
        %dma_start3A_263 = tpu.memref_slice %arg2[%add3A_250, %dma_start3A_262] : memref<32768x64xf32, #tpu.memory_space<hbm>> -> memref<128x64xf32, #tpu.memory_space<hbm>>
        tpu.enqueue_dma source(%dma_start3A_263 : memref<128x64xf32, #tpu.memory_space<hbm>>) target(%dma_start3A_261 : memref<128x64xf32, #tpu.memory_space<vmem>>) target_semaphore(%arg8 : memref<!tpu.dma_semaphore, #tpu.memory_space<semaphore_mem>>)
      } else {
      }
      %mul3A_176 = arith.constant 2 : i32
      %mul3A_177 = arith.muli %mul3A_176, %scan3A_112 : i32
      %add3A_178 = arith.constant 1 : i32
      %add3A_179 = arith.addi %mul3A_177, %add3A_178 : i32
      %mul3A_180 = arith.constant 128 : i32
      %mul3A_181 = arith.muli %add3A_179, %mul3A_180 : i32
      %add3A_182 = arith.addi %mul3A_2, %mul3A_181 : i32
      %mul3A_183 = arith.constant 128 : i32
      %mul3A_184 = arith.muli %add3A_179, %mul3A_183 : i32
      %add3A_185 = arith.addi %mul3A_2, %mul3A_184 : i32
      %dma_wait3A_186 = arith.constant 1 : i32
      %dma_wait3A_187 = arith.constant 0 : i32
      %dma_wait3A_188 = arith.constant 0 : i32
      %dma_wait3A_189 = tpu.memref_slice %arg5[%dma_wait3A_186, %dma_wait3A_187, %dma_wait3A_188] : memref<2x128x64xf32, #tpu.memory_space<vmem>> -> memref<1x128x64xf32, #tpu.memory_space<vmem>>
      %dma_wait3A_190 = tpu.memref_squeeze %dma_wait3A_189 : memref<1x128x64xf32, #tpu.memory_space<vmem>> -> memref<128x64xf32, #tpu.memory_space<vmem>>
      %dma_wait3A_191 = arith.constant 0 : i32
      %dma_wait3A_192 = tpu.memref_slice %arg2[%add3A_185, %dma_wait3A_191] : memref<32768x64xf32, #tpu.memory_space<hbm>> -> memref<128x64xf32, #tpu.memory_space<hbm>>
      %dma_wait3A_193 = arith.constant 0 : i32
      %dma_wait3A_194 = arith.constant 0 : i32
      %dma_wait3A_195 = tpu.memref_slice %arg5[%dma_wait3A_186, %dma_wait3A_193, %dma_wait3A_194] : memref<2x128x64xf32, #tpu.memory_space<vmem>> -> memref<1x128x64xf32, #tpu.memory_space<vmem>>
      %dma_wait3A_196 = tpu.memref_squeeze %dma_wait3A_195 : memref<1x128x64xf32, #tpu.memory_space<vmem>> -> memref<128x64xf32, #tpu.memory_space<vmem>>
      %dma_wait3A_197 = arith.constant 0 : i32
      %dma_wait3A_198 = tpu.memref_slice %arg2[%add3A_185, %dma_wait3A_197] : memref<32768x64xf32, #tpu.memory_space<hbm>> -> memref<128x64xf32, #tpu.memory_space<hbm>>
      tpu.wait_dma2 semaphore(%arg9 : memref<!tpu.dma_semaphore, #tpu.memory_space<semaphore_mem>>) src(%dma_wait3A_198 : memref<128x64xf32, #tpu.memory_space<hbm>>) dst(%dma_wait3A_196 : memref<128x64xf32, #tpu.memory_space<vmem>>)
      %ge3A_199 = arith.constant 2 : i32
      %ge3A_200 = arith.cmpi sge, %add3A_179, %ge3A_199 : i32
      %convert_element_type3A_201 = arith.extui %ge3A_200 : i1 to i32
      %cond3A_202 = arith.constant 1 : i32
      %cond3A_203 = arith.constant 1 : i32
      %cond3A_204 = arith.constant 0 : i32
      %cond3A_205 = arith.cmpi ne, %convert_element_type3A_201, %cond3A_204 : i32
      scf.if %cond3A_205 {
        %sub3A_246 = arith.constant 2 : i32
        %sub3A_247 = arith.subi %add3A_179, %sub3A_246 : i32
        %mul3A_248 = arith.constant 128 : i32
        %mul3A_249 = arith.muli %sub3A_247, %mul3A_248 : i32
        %add3A_250 = arith.addi %mul3A_2, %mul3A_249 : i32
        %dma_wait3A_251 = arith.constant 0 : i32
        %dma_wait3A_252 = arith.constant 0 : i32
        %dma_wait3A_253 = tpu.memref_slice %arg6[%cond3A_202, %dma_wait3A_251, %dma_wait3A_252] : memref<2x128x64xf32, #tpu.memory_space<vmem>> -> memref<1x128x64xf32, #tpu.memory_space<vmem>>
        %dma_wait3A_254 = tpu.memref_squeeze %dma_wait3A_253 : memref<1x128x64xf32, #tpu.memory_space<vmem>> -> memref<128x64xf32, #tpu.memory_space<vmem>>
        %dma_wait3A_255 = arith.constant 0 : i32
        %dma_wait3A_256 = tpu.memref_slice %arg3[%add3A_250, %dma_wait3A_255] : memref<32768x64xf32, #tpu.memory_space<hbm>> -> memref<128x64xf32, #tpu.memory_space<hbm>>
        %dma_wait3A_257 = arith.constant 0 : i32
        %dma_wait3A_258 = tpu.memref_slice %arg3[%add3A_250, %dma_wait3A_257] : memref<32768x64xf32, #tpu.memory_space<hbm>> -> memref<128x64xf32, #tpu.memory_space<hbm>>
        %dma_wait3A_259 = arith.constant 0 : i32
        %dma_wait3A_260 = arith.constant 0 : i32
        %dma_wait3A_261 = tpu.memref_slice %arg6[%cond3A_202, %dma_wait3A_259, %dma_wait3A_260] : memref<2x128x64xf32, #tpu.memory_space<vmem>> -> memref<1x128x64xf32, #tpu.memory_space<vmem>>
        %dma_wait3A_262 = tpu.memref_squeeze %dma_wait3A_261 : memref<1x128x64xf32, #tpu.memory_space<vmem>> -> memref<128x64xf32, #tpu.memory_space<vmem>>
        tpu.wait_dma2 semaphore(%arg11 : memref<!tpu.dma_semaphore, #tpu.memory_space<semaphore_mem>>) src(%dma_wait3A_262 : memref<128x64xf32, #tpu.memory_space<vmem>>) dst(%dma_wait3A_258 : memref<128x64xf32, #tpu.memory_space<hbm>>)
        %dma_wait3A_263 = arith.constant 0 : i32
        %dma_wait3A_264 = arith.constant 0 : i32
        %dma_wait3A_265 = tpu.memref_slice %arg7[%cond3A_203, %dma_wait3A_263, %dma_wait3A_264] : memref<2x128x64xi32, #tpu.memory_space<vmem>> -> memref<1x128x64xi32, #tpu.memory_space<vmem>>
        %dma_wait3A_266 = tpu.memref_squeeze %dma_wait3A_265 : memref<1x128x64xi32, #tpu.memory_space<vmem>> -> memref<128x64xi32, #tpu.memory_space<vmem>>
        %dma_wait3A_267 = arith.constant 0 : i32
        %dma_wait3A_268 = tpu.memref_slice %arg4[%add3A_250, %dma_wait3A_267] : memref<32768x64xi32, #tpu.memory_space<hbm>> -> memref<128x64xi32, #tpu.memory_space<hbm>>
        %dma_wait3A_269 = arith.constant 0 : i32
        %dma_wait3A_270 = tpu.memref_slice %arg4[%add3A_250, %dma_wait3A_269] : memref<32768x64xi32, #tpu.memory_space<hbm>> -> memref<128x64xi32, #tpu.memory_space<hbm>>
        %dma_wait3A_271 = arith.constant 0 : i32
        %dma_wait3A_272 = arith.constant 0 : i32
        %dma_wait3A_273 = tpu.memref_slice %arg7[%cond3A_203, %dma_wait3A_271, %dma_wait3A_272] : memref<2x128x64xi32, #tpu.memory_space<vmem>> -> memref<1x128x64xi32, #tpu.memory_space<vmem>>
        %dma_wait3A_274 = tpu.memref_squeeze %dma_wait3A_273 : memref<1x128x64xi32, #tpu.memory_space<vmem>> -> memref<128x64xi32, #tpu.memory_space<vmem>>
        tpu.wait_dma2 semaphore(%arg11 : memref<!tpu.dma_semaphore, #tpu.memory_space<semaphore_mem>>) src(%dma_wait3A_274 : memref<128x64xi32, #tpu.memory_space<vmem>>) dst(%dma_wait3A_270 : memref<128x64xi32, #tpu.memory_space<hbm>>)
      } else {
      }
      %parallel_loop3A_206 = arith.constant 0 : i32
      %parallel_loop3A_207 = arith.constant 128 : i32
      %parallel_loop3A_208 = arith.constant 1 : i32
      %parallel_loop3A_209 = arith.constant 1 : i32
      %parallel_loop3A_210 = arith.constant 1 : i32
      %parallel_loop3A_211 = arith.constant 1 : i32
      scf.for %parallel_loop3A_246 = %parallel_loop3A_206 to %parallel_loop3A_207 step %parallel_loop3A_208  : i32 {
        %parallel_loop3A_247 = arith.constant 0 : i32
        %parallel_loop3A_248 = arith.constant 0 : i32
        %parallel_loop3A_249 = tpu.memref_slice %arg5[%parallel_loop3A_209, %parallel_loop3A_247, %parallel_loop3A_248] : memref<2x128x64xf32, #tpu.memory_space<vmem>> -> memref<1x128x64xf32, #tpu.memory_space<vmem>>
        %parallel_loop3A_250 = tpu.memref_squeeze %parallel_loop3A_249 : memref<1x128x64xf32, #tpu.memory_space<vmem>> -> memref<128x64xf32, #tpu.memory_space<vmem>>
        %parallel_loop3A_251 = arith.index_cast %parallel_loop3A_246 : i32 to index
        %parallel_loop3A_252 = arith.constant 0 : index
        %parallel_loop3A_253 = tpu.vector_load %parallel_loop3A_250[%parallel_loop3A_251, %parallel_loop3A_252] {strides = array<i32>} : memref<128x64xf32, #tpu.memory_space<vmem>>, vector<16xf32>,
        %parallel_loop3A_254 = arith.constant 0 : i32
        %parallel_loop3A_255 = arith.constant 0 : i32
        %parallel_loop3A_256 = tpu.memref_slice %arg5[%parallel_loop3A_209, %parallel_loop3A_254, %parallel_loop3A_255] : memref<2x128x64xf32, #tpu.memory_space<vmem>> -> memref<1x128x64xf32, #tpu.memory_space<vmem>>
        %parallel_loop3A_257 = tpu.memref_squeeze %parallel_loop3A_256 : memref<1x128x64xf32, #tpu.memory_space<vmem>> -> memref<128x64xf32, #tpu.memory_space<vmem>>
        %parallel_loop3A_258 = arith.index_cast %parallel_loop3A_246 : i32 to index
        %parallel_loop3A_259 = arith.constant 16 : index
        %parallel_loop3A_260 = tpu.vector_load %parallel_loop3A_257[%parallel_loop3A_258, %parallel_loop3A_259] {strides = array<i32>} : memref<128x64xf32, #tpu.memory_space<vmem>>, vector<16xf32>,
        %parallel_loop3A_261 = arith.constant 0 : i32
        %parallel_loop3A_262 = arith.constant 0 : i32
        %parallel_loop3A_263 = tpu.memref_slice %arg5[%parallel_loop3A_209, %parallel_loop3A_261, %parallel_loop3A_262] : memref<2x128x64xf32, #tpu.memory_space<vmem>> -> memref<1x128x64xf32, #tpu.memory_space<vmem>>
        %parallel_loop3A_264 = tpu.memref_squeeze %parallel_loop3A_263 : memref<1x128x64xf32, #tpu.memory_space<vmem>> -> memref<128x64xf32, #tpu.memory_space<vmem>>
        %parallel_loop3A_265 = arith.index_cast %parallel_loop3A_246 : i32 to index
        %parallel_loop3A_266 = arith.constant 32 : index
        %parallel_loop3A_267 = tpu.vector_load %parallel_loop3A_264[%parallel_loop3A_265, %parallel_loop3A_266] {strides = array<i32>} : memref<128x64xf32, #tpu.memory_space<vmem>>, vector<16xf32>,
        %parallel_loop3A_268 = arith.constant 0 : i32
        %parallel_loop3A_269 = arith.constant 0 : i32
        %parallel_loop3A_270 = tpu.memref_slice %arg5[%parallel_loop3A_209, %parallel_loop3A_268, %parallel_loop3A_269] : memref<2x128x64xf32, #tpu.memory_space<vmem>> -> memref<1x128x64xf32, #tpu.memory_space<vmem>>
        %parallel_loop3A_271 = tpu.memref_squeeze %parallel_loop3A_270 : memref<1x128x64xf32, #tpu.memory_space<vmem>> -> memref<128x64xf32, #tpu.memory_space<vmem>>
        %parallel_loop3A_272 = arith.index_cast %parallel_loop3A_246 : i32 to index
        %parallel_loop3A_273 = arith.constant 48 : index
        %parallel_loop3A_274 = tpu.vector_load %parallel_loop3A_271[%parallel_loop3A_272, %parallel_loop3A_273] {strides = array<i32>} : memref<128x64xf32, #tpu.memory_space<vmem>>, vector<16xf32>,
        %parallel_loop3A_275 = arith.constant 1.17549435E-38 : f32
        %parallel_loop3A_276 = vector.broadcast %parallel_loop3A_275 : f32 to vector<16xf32>
        %parallel_loop3A_277 = arith.cmpf olt, %parallel_loop3A_253, %parallel_loop3A_276 : vector<16xf32>
        %parallel_loop3A_278 = arith.constant 0.000000e+00 : f32
        %parallel_loop3A_279 = vector.broadcast %parallel_loop3A_278 : f32 to vector<16xf32>
        %parallel_loop3A_280 = arith.select %parallel_loop3A_277, %parallel_loop3A_279, %parallel_loop3A_253 : vector<16xi1>, vector<16xf32>
        %parallel_loop3A_281 = arith.constant 1.17549435E-38 : f32
        %parallel_loop3A_282 = vector.broadcast %parallel_loop3A_281 : f32 to vector<16xf32>
        %parallel_loop3A_283 = arith.cmpf olt, %parallel_loop3A_260, %parallel_loop3A_282 : vector<16xf32>
        %parallel_loop3A_284 = arith.constant 0.000000e+00 : f32
        %parallel_loop3A_285 = vector.broadcast %parallel_loop3A_284 : f32 to vector<16xf32>
        %parallel_loop3A_286 = arith.select %parallel_loop3A_283, %parallel_loop3A_285, %parallel_loop3A_260 : vector<16xi1>, vector<16xf32>
        %parallel_loop3A_287 = arith.constant 1.17549435E-38 : f32
        %parallel_loop3A_288 = vector.broadcast %parallel_loop3A_287 : f32 to vector<16xf32>
        %parallel_loop3A_289 = arith.cmpf olt, %parallel_loop3A_267, %parallel_loop3A_288 : vector<16xf32>
        %parallel_loop3A_290 = arith.constant 0.000000e+00 : f32
        %parallel_loop3A_291 = vector.broadcast %parallel_loop3A_290 : f32 to vector<16xf32>
        %parallel_loop3A_292 = arith.select %parallel_loop3A_289, %parallel_loop3A_291, %parallel_loop3A_267 : vector<16xi1>, vector<16xf32>
        %parallel_loop3A_293 = arith.constant 1.17549435E-38 : f32
        %parallel_loop3A_294 = vector.broadcast %parallel_loop3A_293 : f32 to vector<16xf32>
        %parallel_loop3A_295 = arith.cmpf olt, %parallel_loop3A_274, %parallel_loop3A_294 : vector<16xf32>
        %parallel_loop3A_296 = arith.constant 0.000000e+00 : f32
        %parallel_loop3A_297 = vector.broadcast %parallel_loop3A_296 : f32 to vector<16xf32>
        %parallel_loop3A_298 = arith.select %parallel_loop3A_295, %parallel_loop3A_297, %parallel_loop3A_274 : vector<16xi1>, vector<16xf32>
        %parallel_loop3A_299 = arith.constant dense<true> : vector<16xi1>
        %parallel_loop3A_300, %parallel_loop3A_301, %parallel_loop3A_302 = tpu.sort %parallel_loop3A_280, %add3A_5 masked %parallel_loop3A_299 {descending = true} : (vector<16xf32>, vector<16xi32>, vector<16xi1>) -> (vector<16xi1>, vector<16xf32>, vector<16xi32>)
        %parallel_loop3A_303 = arith.constant dense<true> : vector<16xi1>
        %parallel_loop3A_304, %parallel_loop3A_305, %parallel_loop3A_306 = tpu.sort %parallel_loop3A_286, %add3A_8 masked %parallel_loop3A_303 {descending = true} : (vector<16xf32>, vector<16xi32>, vector<16xi1>) -> (vector<16xi1>, vector<16xf32>, vector<16xi32>)
        %parallel_loop3A_307 = arith.constant dense<true> : vector<16xi1>
        %parallel_loop3A_308, %parallel_loop3A_309, %parallel_loop3A_310 = tpu.sort %parallel_loop3A_292, %add3A_11 masked %parallel_loop3A_307 {descending = true} : (vector<16xf32>, vector<16xi32>, vector<16xi1>) -> (vector<16xi1>, vector<16xf32>, vector<16xi32>)
        %parallel_loop3A_311 = arith.constant dense<true> : vector<16xi1>
        %parallel_loop3A_312, %parallel_loop3A_313, %parallel_loop3A_314 = tpu.sort %parallel_loop3A_298, %add3A_14 masked %parallel_loop3A_311 {descending = true} : (vector<16xf32>, vector<16xi32>, vector<16xi1>) -> (vector<16xi1>, vector<16xf32>, vector<16xi32>)
        %parallel_loop3A_315 = arith.constant 15 : i32
        %parallel_loop3A_316 = vector.broadcast %parallel_loop3A_315 : i32 to vector<16xi32>
        %parallel_loop3A_317 = tpu.iota {dimensions = array<i32: 0>} : vector<16xi32>
        %parallel_loop3A_318 = arith.subi %parallel_loop3A_316, %parallel_loop3A_317 : vector<16xi32>
        %parallel_loop3A_319 = tpu.dynamic_gather %parallel_loop3A_305[%parallel_loop3A_318] in [0] : vector<16xf32>, vector<16xi32> -> vector<16xf32>
        %parallel_loop3A_320 = arith.constant 15 : i32
        %parallel_loop3A_321 = vector.broadcast %parallel_loop3A_320 : i32 to vector<16xi32>
        %parallel_loop3A_322 = tpu.iota {dimensions = array<i32: 0>} : vector<16xi32>
        %parallel_loop3A_323 = arith.subi %parallel_loop3A_321, %parallel_loop3A_322 : vector<16xi32>
        %parallel_loop3A_324 = tpu.dynamic_gather %parallel_loop3A_306[%parallel_loop3A_323] in [0] : vector<16xi32>, vector<16xi32> -> vector<16xi32>
        %parallel_loop3A_325 = arith.cmpf oge, %parallel_loop3A_301, %parallel_loop3A_319 : vector<16xf32>
        %parallel_loop3A_326 = arith.select %parallel_loop3A_325, %parallel_loop3A_301, %parallel_loop3A_319 : vector<16xi1>, vector<16xf32>
        %parallel_loop3A_327 = arith.select %parallel_loop3A_325, %parallel_loop3A_302, %parallel_loop3A_324 : vector<16xi1>, vector<16xi32>
        %parallel_loop3A_328 = arith.select %parallel_loop3A_325, %parallel_loop3A_319, %parallel_loop3A_301 : vector<16xi1>, vector<16xf32>
        %parallel_loop3A_329 = arith.select %parallel_loop3A_325, %parallel_loop3A_324, %parallel_loop3A_302 : vector<16xi1>, vector<16xi32>
        %parallel_loop3A_330 = arith.constant dense<true> : vector<16xi1>
        %parallel_loop3A_331, %parallel_loop3A_332, %parallel_loop3A_333 = tpu.sort %parallel_loop3A_326, %parallel_loop3A_327 masked %parallel_loop3A_330 {descending = true} : (vector<16xf32>, vector<16xi32>, vector<16xi1>) -> (vector<16xi1>, vector<16xf32>, vector<16xi32>)
        %parallel_loop3A_334 = arith.constant dense<true> : vector<16xi1>
        %parallel_loop3A_335, %parallel_loop3A_336, %parallel_loop3A_337 = tpu.sort %parallel_loop3A_328, %parallel_loop3A_329 masked %parallel_loop3A_334 {descending = true} : (vector<16xf32>, vector<16xi32>, vector<16xi1>) -> (vector<16xi1>, vector<16xf32>, vector<16xi32>)
        %parallel_loop3A_338 = arith.constant 15 : i32
        %parallel_loop3A_339 = vector.broadcast %parallel_loop3A_338 : i32 to vector<16xi32>
        %parallel_loop3A_340 = tpu.iota {dimensions = array<i32: 0>} : vector<16xi32>
        %parallel_loop3A_341 = arith.subi %parallel_loop3A_339, %parallel_loop3A_340 : vector<16xi32>
        %parallel_loop3A_342 = tpu.dynamic_gather %parallel_loop3A_313[%parallel_loop3A_341] in [0] : vector<16xf32>, vector<16xi32> -> vector<16xf32>
        %parallel_loop3A_343 = arith.constant 15 : i32
        %parallel_loop3A_344 = vector.broadcast %parallel_loop3A_343 : i32 to vector<16xi32>
        %parallel_loop3A_345 = tpu.iota {dimensions = array<i32: 0>} : vector<16xi32>
        %parallel_loop3A_346 = arith.subi %parallel_loop3A_344, %parallel_loop3A_345 : vector<16xi32>
        %parallel_loop3A_347 = tpu.dynamic_gather %parallel_loop3A_314[%parallel_loop3A_346] in [0] : vector<16xi32>, vector<16xi32> -> vector<16xi32>
        %parallel_loop3A_348 = arith.cmpf oge, %parallel_loop3A_309, %parallel_loop3A_342 : vector<16xf32>
        %parallel_loop3A_349 = arith.select %parallel_loop3A_348, %parallel_loop3A_309, %parallel_loop3A_342 : vector<16xi1>, vector<16xf32>
        %parallel_loop3A_350 = arith.select %parallel_loop3A_348, %parallel_loop3A_310, %parallel_loop3A_347 : vector<16xi1>, vector<16xi32>
        %parallel_loop3A_351 = arith.select %parallel_loop3A_348, %parallel_loop3A_342, %parallel_loop3A_309 : vector<16xi1>, vector<16xf32>
        %parallel_loop3A_352 = arith.select %parallel_loop3A_348, %parallel_loop3A_347, %parallel_loop3A_310 : vector<16xi1>, vector<16xi32>
        %parallel_loop3A_353 = arith.constant dense<true> : vector<16xi1>
        %parallel_loop3A_354, %parallel_loop3A_355, %parallel_loop3A_356 = tpu.sort %parallel_loop3A_349, %parallel_loop3A_350 masked %parallel_loop3A_353 {descending = true} : (vector<16xf32>, vector<16xi32>, vector<16xi1>) -> (vector<16xi1>, vector<16xf32>, vector<16xi32>)
        %parallel_loop3A_357 = arith.constant dense<true> : vector<16xi1>
        %parallel_loop3A_358, %parallel_loop3A_359, %parallel_loop3A_360 = tpu.sort %parallel_loop3A_351, %parallel_loop3A_352 masked %parallel_loop3A_357 {descending = true} : (vector<16xf32>, vector<16xi32>, vector<16xi1>) -> (vector<16xi1>, vector<16xf32>, vector<16xi32>)
        %parallel_loop3A_361 = arith.constant 15 : i32
        %parallel_loop3A_362 = vector.broadcast %parallel_loop3A_361 : i32 to vector<16xi32>
        %parallel_loop3A_363 = tpu.iota {dimensions = array<i32: 0>} : vector<16xi32>
        %parallel_loop3A_364 = arith.subi %parallel_loop3A_362, %parallel_loop3A_363 : vector<16xi32>
        %parallel_loop3A_365 = tpu.dynamic_gather %parallel_loop3A_359[%parallel_loop3A_364] in [0] : vector<16xf32>, vector<16xi32> -> vector<16xf32>
        %parallel_loop3A_366 = arith.constant 15 : i32
        %parallel_loop3A_367 = vector.broadcast %parallel_loop3A_366 : i32 to vector<16xi32>
        %parallel_loop3A_368 = tpu.iota {dimensions = array<i32: 0>} : vector<16xi32>
        %parallel_loop3A_369 = arith.subi %parallel_loop3A_367, %parallel_loop3A_368 : vector<16xi32>
        %parallel_loop3A_370 = tpu.dynamic_gather %parallel_loop3A_360[%parallel_loop3A_369] in [0] : vector<16xi32>, vector<16xi32> -> vector<16xi32>
        %parallel_loop3A_371 = arith.constant 15 : i32
        %parallel_loop3A_372 = vector.broadcast %parallel_loop3A_371 : i32 to vector<16xi32>
        %parallel_loop3A_373 = tpu.iota {dimensions = array<i32: 0>} : vector<16xi32>
        %parallel_loop3A_374 = arith.subi %parallel_loop3A_372, %parallel_loop3A_373 : vector<16xi32>
        %parallel_loop3A_375 = tpu.dynamic_gather %parallel_loop3A_355[%parallel_loop3A_374] in [0] : vector<16xf32>, vector<16xi32> -> vector<16xf32>
        %parallel_loop3A_376 = arith.constant 15 : i32
        %parallel_loop3A_377 = vector.broadcast %parallel_loop3A_376 : i32 to vector<16xi32>
        %parallel_loop3A_378 = tpu.iota {dimensions = array<i32: 0>} : vector<16xi32>
        %parallel_loop3A_379 = arith.subi %parallel_loop3A_377, %parallel_loop3A_378 : vector<16xi32>
        %parallel_loop3A_380 = tpu.dynamic_gather %parallel_loop3A_356[%parallel_loop3A_379] in [0] : vector<16xi32>, vector<16xi32> -> vector<16xi32>
        %parallel_loop3A_381 = arith.cmpf oge, %parallel_loop3A_332, %parallel_loop3A_365 : vector<16xf32>
        %parallel_loop3A_382 = arith.select %parallel_loop3A_381, %parallel_loop3A_332, %parallel_loop3A_365 : vector<16xi1>, vector<16xf32>
        %parallel_loop3A_383 = arith.select %parallel_loop3A_381, %parallel_loop3A_333, %parallel_loop3A_370 : vector<16xi1>, vector<16xi32>
        %parallel_loop3A_384 = arith.select %parallel_loop3A_381, %parallel_loop3A_365, %parallel_loop3A_332 : vector<16xi1>, vector<16xf32>
        %parallel_loop3A_385 = arith.select %parallel_loop3A_381, %parallel_loop3A_370, %parallel_loop3A_333 : vector<16xi1>, vector<16xi32>
        %parallel_loop3A_386 = arith.cmpf oge, %parallel_loop3A_336, %parallel_loop3A_375 : vector<16xf32>
        %parallel_loop3A_387 = arith.select %parallel_loop3A_386, %parallel_loop3A_336, %parallel_loop3A_375 : vector<16xi1>, vector<16xf32>
        %parallel_loop3A_388 = arith.select %parallel_loop3A_386, %parallel_loop3A_337, %parallel_loop3A_380 : vector<16xi1>, vector<16xi32>
        %parallel_loop3A_389 = arith.select %parallel_loop3A_386, %parallel_loop3A_375, %parallel_loop3A_336 : vector<16xi1>, vector<16xf32>
        %parallel_loop3A_390 = arith.select %parallel_loop3A_386, %parallel_loop3A_380, %parallel_loop3A_337 : vector<16xi1>, vector<16xi32>
        %parallel_loop3A_391 = arith.cmpf oge, %parallel_loop3A_382, %parallel_loop3A_387 : vector<16xf32>
        %parallel_loop3A_392 = arith.select %parallel_loop3A_391, %parallel_loop3A_382, %parallel_loop3A_387 : vector<16xi1>, vector<16xf32>
        %parallel_loop3A_393 = arith.select %parallel_loop3A_391, %parallel_loop3A_383, %parallel_loop3A_388 : vector<16xi1>, vector<16xi32>
        %parallel_loop3A_394 = arith.select %parallel_loop3A_391, %parallel_loop3A_387, %parallel_loop3A_382 : vector<16xi1>, vector<16xf32>
        %parallel_loop3A_395 = arith.select %parallel_loop3A_391, %parallel_loop3A_388, %parallel_loop3A_383 : vector<16xi1>, vector<16xi32>
        %parallel_loop3A_396 = arith.constant dense<true> : vector<16xi1>
        %parallel_loop3A_397, %parallel_loop3A_398, %parallel_loop3A_399 = tpu.sort %parallel_loop3A_392, %parallel_loop3A_393 masked %parallel_loop3A_396 {descending = true} : (vector<16xf32>, vector<16xi32>, vector<16xi1>) -> (vector<16xi1>, vector<16xf32>, vector<16xi32>)
        %parallel_loop3A_400 = arith.constant dense<true> : vector<16xi1>
        %parallel_loop3A_401, %parallel_loop3A_402, %parallel_loop3A_403 = tpu.sort %parallel_loop3A_394, %parallel_loop3A_395 masked %parallel_loop3A_400 {descending = true} : (vector<16xf32>, vector<16xi32>, vector<16xi1>) -> (vector<16xi1>, vector<16xf32>, vector<16xi32>)
        %parallel_loop3A_404 = arith.cmpf oge, %parallel_loop3A_384, %parallel_loop3A_389 : vector<16xf32>
        %parallel_loop3A_405 = arith.select %parallel_loop3A_404, %parallel_loop3A_384, %parallel_loop3A_389 : vector<16xi1>, vector<16xf32>
        %parallel_loop3A_406 = arith.select %parallel_loop3A_404, %parallel_loop3A_385, %parallel_loop3A_390 : vector<16xi1>, vector<16xi32>
        %parallel_loop3A_407 = arith.select %parallel_loop3A_404, %parallel_loop3A_389, %parallel_loop3A_384 : vector<16xi1>, vector<16xf32>
        %parallel_loop3A_408 = arith.select %parallel_loop3A_404, %parallel_loop3A_390, %parallel_loop3A_385 : vector<16xi1>, vector<16xi32>
        %parallel_loop3A_409 = arith.constant dense<true> : vector<16xi1>
        %parallel_loop3A_410, %parallel_loop3A_411, %parallel_loop3A_412 = tpu.sort %parallel_loop3A_405, %parallel_loop3A_406 masked %parallel_loop3A_409 {descending = true} : (vector<16xf32>, vector<16xi32>, vector<16xi1>) -> (vector<16xi1>, vector<16xf32>, vector<16xi32>)
        %parallel_loop3A_413 = arith.constant dense<true> : vector<16xi1>
        %parallel_loop3A_414, %parallel_loop3A_415, %parallel_loop3A_416 = tpu.sort %parallel_loop3A_407, %parallel_loop3A_408 masked %parallel_loop3A_413 {descending = true} : (vector<16xf32>, vector<16xi32>, vector<16xi1>) -> (vector<16xi1>, vector<16xf32>, vector<16xi32>)
        %parallel_loop3A_417 = arith.constant 0 : i32
        %parallel_loop3A_418 = vector.broadcast %parallel_loop3A_417 : i32 to vector<16xi32>
        %parallel_loop3A_419 = arith.constant 0x7F800000 : f32
        %parallel_loop3A_420 = vector.broadcast %parallel_loop3A_419 : f32 to vector<16xf32>
        %parallel_loop3A_421 = vector.shape_cast %max3A_18 : vector<16xi32> to vector<16x1xi32>
        %parallel_loop3A_422 = vector.shape_cast %parallel_loop3A_421 : vector<16x1xi32> to vector<16xi32>
        %parallel_loop3A_423 = tpu.dynamic_gather %parallel_loop3A_398[%parallel_loop3A_422] in [0] : vector<16xf32>, vector<16xi32> -> vector<16xf32>
        %parallel_loop3A_424 = arith.select %eq3A_21, %parallel_loop3A_420, %parallel_loop3A_423 : vector<16xi1>, vector<16xf32>
        %parallel_loop3A_425 = arith.cmpf one, %parallel_loop3A_398, %parallel_loop3A_424 : vector<16xf32>
        %parallel_loop3A_426 = arith.constant 1 : i32
        %parallel_loop3A_427 = arith.constant 0 : i32
        %parallel_loop3A_428 = vector.broadcast %parallel_loop3A_426 : i32 to vector<16xi32>
        %parallel_loop3A_429 = vector.broadcast %parallel_loop3A_427 : i32 to vector<16xi32>
        %parallel_loop3A_430 = arith.select %parallel_loop3A_425, %parallel_loop3A_428, %parallel_loop3A_429 : vector<16xi1>, vector<16xi32>
        %parallel_loop3A_431 = arith.constant true
        %parallel_loop3A_432 = vector.broadcast %parallel_loop3A_431 : i1 to vector<16xi1>
        %parallel_loop3A_433 = tpu.scan <sum>, %parallel_loop3A_430 masked %parallel_loop3A_432 : vector<16xi32>, vector<16xi1> -> vector<16xi32>
        %parallel_loop3A_434 = arith.addi %parallel_loop3A_433, %parallel_loop3A_418 : vector<16xi32>
        %parallel_loop3A_435 = vector.shape_cast %broadcast_in_dim3A_19 : vector<16xi32> to vector<16x1xi32>
        %parallel_loop3A_436 = vector.shape_cast %parallel_loop3A_435 : vector<16x1xi32> to vector<16xi32>
        %parallel_loop3A_437 = tpu.dynamic_gather %parallel_loop3A_434[%parallel_loop3A_436] in [0] : vector<16xi32>, vector<16xi32> -> vector<16xi32>
        %parallel_loop3A_438 = vector.shape_cast %broadcast_in_dim3A_19 : vector<16xi32> to vector<16x1xi32>
        %parallel_loop3A_439 = vector.shape_cast %parallel_loop3A_438 : vector<16x1xi32> to vector<16xi32>
        %parallel_loop3A_440 = tpu.dynamic_gather %parallel_loop3A_398[%parallel_loop3A_439] in [0] : vector<16xf32>, vector<16xi32> -> vector<16xf32>
        %parallel_loop3A_441 = arith.constant 64 : i32
        %parallel_loop3A_442 = vector.broadcast %parallel_loop3A_441 : i32 to vector<16xi32>
        %parallel_loop3A_443 = arith.muli %parallel_loop3A_434, %parallel_loop3A_442 : vector<16xi32>
        %parallel_loop3A_444 = arith.addi %parallel_loop3A_443, %parallel_loop3A_399 : vector<16xi32>
        %parallel_loop3A_445 = vector.shape_cast %max3A_18 : vector<16xi32> to vector<16x1xi32>
        %parallel_loop3A_446 = vector.shape_cast %parallel_loop3A_445 : vector<16x1xi32> to vector<16xi32>
        %parallel_loop3A_447 = tpu.dynamic_gather %parallel_loop3A_402[%parallel_loop3A_446] in [0] : vector<16xf32>, vector<16xi32> -> vector<16xf32>
        %parallel_loop3A_448 = arith.select %eq3A_21, %parallel_loop3A_440, %parallel_loop3A_447 : vector<16xi1>, vector<16xf32>
        %parallel_loop3A_449 = arith.cmpf one, %parallel_loop3A_402, %parallel_loop3A_448 : vector<16xf32>
        %parallel_loop3A_450 = arith.constant 1 : i32
        %parallel_loop3A_451 = arith.constant 0 : i32
        %parallel_loop3A_452 = vector.broadcast %parallel_loop3A_450 : i32 to vector<16xi32>
        %parallel_loop3A_453 = vector.broadcast %parallel_loop3A_451 : i32 to vector<16xi32>
        %parallel_loop3A_454 = arith.select %parallel_loop3A_449, %parallel_loop3A_452, %parallel_loop3A_453 : vector<16xi1>, vector<16xi32>
        %parallel_loop3A_455 = arith.constant true
        %parallel_loop3A_456 = vector.broadcast %parallel_loop3A_455 : i1 to vector<16xi1>
        %parallel_loop3A_457 = tpu.scan <sum>, %parallel_loop3A_454 masked %parallel_loop3A_456 : vector<16xi32>, vector<16xi1> -> vector<16xi32>
        %parallel_loop3A_458 = arith.addi %parallel_loop3A_457, %parallel_loop3A_437 : vector<16xi32>
        %parallel_loop3A_459 = vector.shape_cast %broadcast_in_dim3A_19 : vector<16xi32> to vector<16x1xi32>
        %parallel_loop3A_460 = vector.shape_cast %parallel_loop3A_459 : vector<16x1xi32> to vector<16xi32>
        %parallel_loop3A_461 = tpu.dynamic_gather %parallel_loop3A_458[%parallel_loop3A_460] in [0] : vector<16xi32>, vector<16xi32> -> vector<16xi32>
        %parallel_loop3A_462 = vector.shape_cast %broadcast_in_dim3A_19 : vector<16xi32> to vector<16x1xi32>
        %parallel_loop3A_463 = vector.shape_cast %parallel_loop3A_462 : vector<16x1xi32> to vector<16xi32>
        %parallel_loop3A_464 = tpu.dynamic_gather %parallel_loop3A_402[%parallel_loop3A_463] in [0] : vector<16xf32>, vector<16xi32> -> vector<16xf32>
        %parallel_loop3A_465 = arith.constant 64 : i32
        %parallel_loop3A_466 = vector.broadcast %parallel_loop3A_465 : i32 to vector<16xi32>
        %parallel_loop3A_467 = arith.muli %parallel_loop3A_458, %parallel_loop3A_466 : vector<16xi32>
        %parallel_loop3A_468 = arith.addi %parallel_loop3A_467, %parallel_loop3A_403 : vector<16xi32>
        %parallel_loop3A_469 = vector.shape_cast %max3A_18 : vector<16xi32> to vector<16x1xi32>
        %parallel_loop3A_470 = vector.shape_cast %parallel_loop3A_469 : vector<16x1xi32> to vector<16xi32>
        %parallel_loop3A_471 = tpu.dynamic_gather %parallel_loop3A_411[%parallel_loop3A_470] in [0] : vector<16xf32>, vector<16xi32> -> vector<16xf32>
        %parallel_loop3A_472 = arith.select %eq3A_21, %parallel_loop3A_464, %parallel_loop3A_471 : vector<16xi1>, vector<16xf32>
        %parallel_loop3A_473 = arith.cmpf one, %parallel_loop3A_411, %parallel_loop3A_472 : vector<16xf32>
        %parallel_loop3A_474 = arith.constant 1 : i32
        %parallel_loop3A_475 = arith.constant 0 : i32
        %parallel_loop3A_476 = vector.broadcast %parallel_loop3A_474 : i32 to vector<16xi32>
        %parallel_loop3A_477 = vector.broadcast %parallel_loop3A_475 : i32 to vector<16xi32>
        %parallel_loop3A_478 = arith.select %parallel_loop3A_473, %parallel_loop3A_476, %parallel_loop3A_477 : vector<16xi1>, vector<16xi32>
        %parallel_loop3A_479 = arith.constant true
        %parallel_loop3A_480 = vector.broadcast %parallel_loop3A_479 : i1 to vector<16xi1>
        %parallel_loop3A_481 = tpu.scan <sum>, %parallel_loop3A_478 masked %parallel_loop3A_480 : vector<16xi32>, vector<16xi1> -> vector<16xi32>
        %parallel_loop3A_482 = arith.addi %parallel_loop3A_481, %parallel_loop3A_461 : vector<16xi32>
        %parallel_loop3A_483 = vector.shape_cast %broadcast_in_dim3A_19 : vector<16xi32> to vector<16x1xi32>
        %parallel_loop3A_484 = vector.shape_cast %parallel_loop3A_483 : vector<16x1xi32> to vector<16xi32>
        %parallel_loop3A_485 = tpu.dynamic_gather %parallel_loop3A_482[%parallel_loop3A_484] in [0] : vector<16xi32>, vector<16xi32> -> vector<16xi32>
        %parallel_loop3A_486 = vector.shape_cast %broadcast_in_dim3A_19 : vector<16xi32> to vector<16x1xi32>
        %parallel_loop3A_487 = vector.shape_cast %parallel_loop3A_486 : vector<16x1xi32> to vector<16xi32>
        %parallel_loop3A_488 = tpu.dynamic_gather %parallel_loop3A_411[%parallel_loop3A_487] in [0] : vector<16xf32>, vector<16xi32> -> vector<16xf32>
        %parallel_loop3A_489 = arith.constant 64 : i32
        %parallel_loop3A_490 = vector.broadcast %parallel_loop3A_489 : i32 to vector<16xi32>
        %parallel_loop3A_491 = arith.muli %parallel_loop3A_482, %parallel_loop3A_490 : vector<16xi32>
        %parallel_loop3A_492 = arith.addi %parallel_loop3A_491, %parallel_loop3A_412 : vector<16xi32>
        %parallel_loop3A_493 = vector.shape_cast %max3A_18 : vector<16xi32> to vector<16x1xi32>
        %parallel_loop3A_494 = vector.shape_cast %parallel_loop3A_493 : vector<16x1xi32> to vector<16xi32>
        %parallel_loop3A_495 = tpu.dynamic_gather %parallel_loop3A_415[%parallel_loop3A_494] in [0] : vector<16xf32>, vector<16xi32> -> vector<16xf32>
        %parallel_loop3A_496 = arith.select %eq3A_21, %parallel_loop3A_488, %parallel_loop3A_495 : vector<16xi1>, vector<16xf32>
        %parallel_loop3A_497 = arith.cmpf one, %parallel_loop3A_415, %parallel_loop3A_496 : vector<16xf32>
        %parallel_loop3A_498 = arith.constant 1 : i32
        %parallel_loop3A_499 = arith.constant 0 : i32
        %parallel_loop3A_500 = vector.broadcast %parallel_loop3A_498 : i32 to vector<16xi32>
        %parallel_loop3A_501 = vector.broadcast %parallel_loop3A_499 : i32 to vector<16xi32>
        %parallel_loop3A_502 = arith.select %parallel_loop3A_497, %parallel_loop3A_500, %parallel_loop3A_501 : vector<16xi1>, vector<16xi32>
        %parallel_loop3A_503 = arith.constant true
        %parallel_loop3A_504 = vector.broadcast %parallel_loop3A_503 : i1 to vector<16xi1>
        %parallel_loop3A_505 = tpu.scan <sum>, %parallel_loop3A_502 masked %parallel_loop3A_504 : vector<16xi32>, vector<16xi1> -> vector<16xi32>
        %parallel_loop3A_506 = arith.addi %parallel_loop3A_505, %parallel_loop3A_485 : vector<16xi32>
        %parallel_loop3A_507 = vector.shape_cast %broadcast_in_dim3A_19 : vector<16xi32> to vector<16x1xi32>
        %parallel_loop3A_508 = vector.shape_cast %parallel_loop3A_507 : vector<16x1xi32> to vector<16xi32>
        %parallel_loop3A_509 = tpu.dynamic_gather %parallel_loop3A_506[%parallel_loop3A_508] in [0] : vector<16xi32>, vector<16xi32> -> vector<16xi32>
        %parallel_loop3A_510 = vector.shape_cast %broadcast_in_dim3A_19 : vector<16xi32> to vector<16x1xi32>
        %parallel_loop3A_511 = vector.shape_cast %parallel_loop3A_510 : vector<16x1xi32> to vector<16xi32>
        %parallel_loop3A_512 = tpu.dynamic_gather %parallel_loop3A_415[%parallel_loop3A_511] in [0] : vector<16xf32>, vector<16xi32> -> vector<16xf32>
        %parallel_loop3A_513 = arith.constant 64 : i32
        %parallel_loop3A_514 = vector.broadcast %parallel_loop3A_513 : i32 to vector<16xi32>
        %parallel_loop3A_515 = arith.muli %parallel_loop3A_506, %parallel_loop3A_514 : vector<16xi32>
        %parallel_loop3A_516 = arith.addi %parallel_loop3A_515, %parallel_loop3A_416 : vector<16xi32>
        %parallel_loop3A_517 = arith.constant dense<true> : vector<16xi1>
        %parallel_loop3A_518, %parallel_loop3A_519, %parallel_loop3A_520 = tpu.sort %parallel_loop3A_444, %parallel_loop3A_444 masked %parallel_loop3A_517 : (vector<16xi32>, vector<16xi32>, vector<16xi1>) -> (vector<16xi1>, vector<16xi32>, vector<16xi32>)
        %parallel_loop3A_521 = arith.constant dense<true> : vector<16xi1>
        %parallel_loop3A_522, %parallel_loop3A_523, %parallel_loop3A_524 = tpu.sort %parallel_loop3A_468, %parallel_loop3A_468 masked %parallel_loop3A_521 : (vector<16xi32>, vector<16xi32>, vector<16xi1>) -> (vector<16xi1>, vector<16xi32>, vector<16xi32>)
        %parallel_loop3A_525 = arith.constant dense<true> : vector<16xi1>
        %parallel_loop3A_526, %parallel_loop3A_527, %parallel_loop3A_528 = tpu.sort %parallel_loop3A_492, %parallel_loop3A_492 masked %parallel_loop3A_525 : (vector<16xi32>, vector<16xi32>, vector<16xi1>) -> (vector<16xi1>, vector<16xi32>, vector<16xi32>)
        %parallel_loop3A_529 = arith.constant dense<true> : vector<16xi1>
        %parallel_loop3A_530, %parallel_loop3A_531, %parallel_loop3A_532 = tpu.sort %parallel_loop3A_516, %parallel_loop3A_516 masked %parallel_loop3A_529 : (vector<16xi32>, vector<16xi32>, vector<16xi1>) -> (vector<16xi1>, vector<16xi32>, vector<16xi32>)
        %parallel_loop3A_533 = arith.constant 15 : i32
        %parallel_loop3A_534 = vector.broadcast %parallel_loop3A_533 : i32 to vector<16xi32>
        %parallel_loop3A_535 = tpu.iota {dimensions = array<i32: 0>} : vector<16xi32>
        %parallel_loop3A_536 = arith.subi %parallel_loop3A_534, %parallel_loop3A_535 : vector<16xi32>
        %parallel_loop3A_537 = tpu.dynamic_gather %parallel_loop3A_523[%parallel_loop3A_536] in [0] : vector<16xi32>, vector<16xi32> -> vector<16xi32>
        %parallel_loop3A_538 = arith.minsi %parallel_loop3A_519, %parallel_loop3A_537 : vector<16xi32>
        %parallel_loop3A_539 = arith.maxsi %parallel_loop3A_519, %parallel_loop3A_537 : vector<16xi32>
        %parallel_loop3A_540 = arith.constant dense<true> : vector<16xi1>
        %parallel_loop3A_541, %parallel_loop3A_542, %parallel_loop3A_543 = tpu.sort %parallel_loop3A_538, %parallel_loop3A_538 masked %parallel_loop3A_540 : (vector<16xi32>, vector<16xi32>, vector<16xi1>) -> (vector<16xi1>, vector<16xi32>, vector<16xi32>)
        %parallel_loop3A_544 = arith.constant dense<true> : vector<16xi1>
        %parallel_loop3A_545, %parallel_loop3A_546, %parallel_loop3A_547 = tpu.sort %parallel_loop3A_539, %parallel_loop3A_539 masked %parallel_loop3A_544 : (vector<16xi32>, vector<16xi32>, vector<16xi1>) -> (vector<16xi1>, vector<16xi32>, vector<16xi32>)
        %parallel_loop3A_548 = arith.constant 15 : i32
        %parallel_loop3A_549 = vector.broadcast %parallel_loop3A_548 : i32 to vector<16xi32>
        %parallel_loop3A_550 = tpu.iota {dimensions = array<i32: 0>} : vector<16xi32>
        %parallel_loop3A_551 = arith.subi %parallel_loop3A_549, %parallel_loop3A_550 : vector<16xi32>
        %parallel_loop3A_552 = tpu.dynamic_gather %parallel_loop3A_531[%parallel_loop3A_551] in [0] : vector<16xi32>, vector<16xi32> -> vector<16xi32>
        %parallel_loop3A_553 = arith.minsi %parallel_loop3A_527, %parallel_loop3A_552 : vector<16xi32>
        %parallel_loop3A_554 = arith.maxsi %parallel_loop3A_527, %parallel_loop3A_552 : vector<16xi32>
        %parallel_loop3A_555 = arith.constant dense<true> : vector<16xi1>
        %parallel_loop3A_556, %parallel_loop3A_557, %parallel_loop3A_558 = tpu.sort %parallel_loop3A_553, %parallel_loop3A_553 masked %parallel_loop3A_555 : (vector<16xi32>, vector<16xi32>, vector<16xi1>) -> (vector<16xi1>, vector<16xi32>, vector<16xi32>)
        %parallel_loop3A_559 = arith.constant dense<true> : vector<16xi1>
        %parallel_loop3A_560, %parallel_loop3A_561, %parallel_loop3A_562 = tpu.sort %parallel_loop3A_554, %parallel_loop3A_554 masked %parallel_loop3A_559 : (vector<16xi32>, vector<16xi32>, vector<16xi1>) -> (vector<16xi1>, vector<16xi32>, vector<16xi32>)
        %parallel_loop3A_563 = arith.constant 15 : i32
        %parallel_loop3A_564 = vector.broadcast %parallel_loop3A_563 : i32 to vector<16xi32>
        %parallel_loop3A_565 = tpu.iota {dimensions = array<i32: 0>} : vector<16xi32>
        %parallel_loop3A_566 = arith.subi %parallel_loop3A_564, %parallel_loop3A_565 : vector<16xi32>
        %parallel_loop3A_567 = tpu.dynamic_gather %parallel_loop3A_561[%parallel_loop3A_566] in [0] : vector<16xi32>, vector<16xi32> -> vector<16xi32>
        %parallel_loop3A_568 = arith.constant 15 : i32
        %parallel_loop3A_569 = vector.broadcast %parallel_loop3A_568 : i32 to vector<16xi32>
        %parallel_loop3A_570 = tpu.iota {dimensions = array<i32: 0>} : vector<16xi32>
        %parallel_loop3A_571 = arith.subi %parallel_loop3A_569, %parallel_loop3A_570 : vector<16xi32>
        %parallel_loop3A_572 = tpu.dynamic_gather %parallel_loop3A_557[%parallel_loop3A_571] in [0] : vector<16xi32>, vector<16xi32> -> vector<16xi32>
        %parallel_loop3A_573 = arith.minsi %parallel_loop3A_542, %parallel_loop3A_567 : vector<16xi32>
        %parallel_loop3A_574 = arith.maxsi %parallel_loop3A_542, %parallel_loop3A_567 : vector<16xi32>
        %parallel_loop3A_575 = arith.minsi %parallel_loop3A_546, %parallel_loop3A_572 : vector<16xi32>
        %parallel_loop3A_576 = arith.maxsi %parallel_loop3A_546, %parallel_loop3A_572 : vector<16xi32>
        %parallel_loop3A_577 = arith.minsi %parallel_loop3A_573, %parallel_loop3A_575 : vector<16xi32>
        %parallel_loop3A_578 = arith.maxsi %parallel_loop3A_573, %parallel_loop3A_575 : vector<16xi32>
        %parallel_loop3A_579 = arith.constant dense<true> : vector<16xi1>
        %parallel_loop3A_580, %parallel_loop3A_581, %parallel_loop3A_582 = tpu.sort %parallel_loop3A_577, %parallel_loop3A_577 masked %parallel_loop3A_579 : (vector<16xi32>, vector<16xi32>, vector<16xi1>) -> (vector<16xi1>, vector<16xi32>, vector<16xi32>)
        %parallel_loop3A_583 = arith.constant dense<true> : vector<16xi1>
        %parallel_loop3A_584, %parallel_loop3A_585, %parallel_loop3A_586 = tpu.sort %parallel_loop3A_578, %parallel_loop3A_578 masked %parallel_loop3A_583 : (vector<16xi32>, vector<16xi32>, vector<16xi1>) -> (vector<16xi1>, vector<16xi32>, vector<16xi32>)
        %parallel_loop3A_587 = arith.minsi %parallel_loop3A_574, %parallel_loop3A_576 : vector<16xi32>
        %parallel_loop3A_588 = arith.maxsi %parallel_loop3A_574, %parallel_loop3A_576 : vector<16xi32>
        %parallel_loop3A_589 = arith.constant dense<true> : vector<16xi1>
        %parallel_loop3A_590, %parallel_loop3A_591, %parallel_loop3A_592 = tpu.sort %parallel_loop3A_587, %parallel_loop3A_587 masked %parallel_loop3A_589 : (vector<16xi32>, vector<16xi32>, vector<16xi1>) -> (vector<16xi1>, vector<16xi32>, vector<16xi32>)
        %parallel_loop3A_593 = arith.constant dense<true> : vector<16xi1>
        %parallel_loop3A_594, %parallel_loop3A_595, %parallel_loop3A_596 = tpu.sort %parallel_loop3A_588, %parallel_loop3A_588 masked %parallel_loop3A_593 : (vector<16xi32>, vector<16xi32>, vector<16xi1>) -> (vector<16xi1>, vector<16xi32>, vector<16xi32>)
        %parallel_loop3A_597 = arith.addf %parallel_loop3A_280, %parallel_loop3A_286 : vector<16xf32>
        %parallel_loop3A_598 = arith.addf %parallel_loop3A_597, %parallel_loop3A_292 : vector<16xf32>
        %parallel_loop3A_599 = arith.addf %parallel_loop3A_598, %parallel_loop3A_298 : vector<16xf32>
        %parallel_loop3A_600 = arith.constant true
        %parallel_loop3A_601 = vector.broadcast %parallel_loop3A_600 : i1 to vector<16xi1>
        %parallel_loop3A_602 = tpu.scan <sum>, %parallel_loop3A_599 masked %parallel_loop3A_601 : vector<16xf32>, vector<16xi1> -> vector<16xf32>
        %parallel_loop3A_603 = vector.shape_cast %broadcast_in_dim3A_19 : vector<16xi32> to vector<16x1xi32>
        %parallel_loop3A_604 = vector.shape_cast %parallel_loop3A_603 : vector<16x1xi32> to vector<16xi32>
        %parallel_loop3A_605 = tpu.dynamic_gather %parallel_loop3A_602[%parallel_loop3A_604] in [0] : vector<16xf32>, vector<16xi32> -> vector<16xf32>
        %parallel_loop3A_606 = arith.constant 1.000000e-10 : f32
        %parallel_loop3A_607 = vector.broadcast %parallel_loop3A_606 : f32 to vector<16xf32>
        %parallel_loop3A_608 = arith.addf %parallel_loop3A_605, %parallel_loop3A_607 : vector<16xf32>
        %parallel_loop3A_609 = arith.constant 1.400000e+00 : f32
        %parallel_loop3A_610 = vector.broadcast %parallel_loop3A_609 : f32 to vector<16xf32>
        %parallel_loop3A_611 = arith.divf %parallel_loop3A_610, %parallel_loop3A_608 : vector<16xf32>
        %parallel_loop3A_612 = arith.constant 63 : i32
        %parallel_loop3A_613 = vector.broadcast %parallel_loop3A_612 : i32 to vector<16xi32>
        %parallel_loop3A_614 = arith.andi %parallel_loop3A_581, %parallel_loop3A_613 : vector<16xi32>
        %parallel_loop3A_615 = arith.constant 0 : i32
        %parallel_loop3A_616 = arith.constant 0 : i32
        %parallel_loop3A_617 = tpu.memref_slice %arg7[%parallel_loop3A_210, %parallel_loop3A_615, %parallel_loop3A_616] : memref<2x128x64xi32, #tpu.memory_space<vmem>> -> memref<1x128x64xi32, #tpu.memory_space<vmem>>
        %parallel_loop3A_618 = tpu.memref_squeeze %parallel_loop3A_617 : memref<1x128x64xi32, #tpu.memory_space<vmem>> -> memref<128x64xi32, #tpu.memory_space<vmem>>
        %parallel_loop3A_619 = arith.index_cast %parallel_loop3A_246 : i32 to index
        %parallel_loop3A_620 = arith.constant 0 : index
        %parallel_loop3A_621 = tpu.vector_load %parallel_loop3A_618[%parallel_loop3A_619, %parallel_loop3A_620] {strides = array<i32>} : memref<128x64xi32, #tpu.memory_space<vmem>>, vector<16xi32>,
        tpu.vector_store %parallel_loop3A_618[%parallel_loop3A_619, %parallel_loop3A_620], %parallel_loop3A_614 {strides = array<i32>} : memref<128x64xi32, #tpu.memory_space<vmem>>, vector<16xi32>,
        %parallel_loop3A_622 = arith.mulf %parallel_loop3A_398, %parallel_loop3A_611 : vector<16xf32>
        %parallel_loop3A_623 = arith.constant 0 : i32
        %parallel_loop3A_624 = arith.constant 0 : i32
        %parallel_loop3A_625 = tpu.memref_slice %arg6[%parallel_loop3A_211, %parallel_loop3A_623, %parallel_loop3A_624] : memref<2x128x64xf32, #tpu.memory_space<vmem>> -> memref<1x128x64xf32, #tpu.memory_space<vmem>>
        %parallel_loop3A_626 = tpu.memref_squeeze %parallel_loop3A_625 : memref<1x128x64xf32, #tpu.memory_space<vmem>> -> memref<128x64xf32, #tpu.memory_space<vmem>>
        %parallel_loop3A_627 = arith.index_cast %parallel_loop3A_246 : i32 to index
        %parallel_loop3A_628 = arith.constant 0 : index
        %parallel_loop3A_629 = tpu.vector_load %parallel_loop3A_626[%parallel_loop3A_627, %parallel_loop3A_628] {strides = array<i32>} : memref<128x64xf32, #tpu.memory_space<vmem>>, vector<16xf32>,
        tpu.vector_store %parallel_loop3A_626[%parallel_loop3A_627, %parallel_loop3A_628], %parallel_loop3A_622 {strides = array<i32>} : memref<128x64xf32, #tpu.memory_space<vmem>>, vector<16xf32>,
        %parallel_loop3A_630 = arith.constant 63 : i32
        %parallel_loop3A_631 = vector.broadcast %parallel_loop3A_630 : i32 to vector<16xi32>
        %parallel_loop3A_632 = arith.andi %parallel_loop3A_585, %parallel_loop3A_631 : vector<16xi32>
        %parallel_loop3A_633 = arith.constant 0 : i32
        %parallel_loop3A_634 = arith.constant 0 : i32
        %parallel_loop3A_635 = tpu.memref_slice %arg7[%parallel_loop3A_210, %parallel_loop3A_633, %parallel_loop3A_634] : memref<2x128x64xi32, #tpu.memory_space<vmem>> -> memref<1x128x64xi32, #tpu.memory_space<vmem>>
        %parallel_loop3A_636 = tpu.memref_squeeze %parallel_loop3A_635 : memref<1x128x64xi32, #tpu.memory_space<vmem>> -> memref<128x64xi32, #tpu.memory_space<vmem>>
        %parallel_loop3A_637 = arith.index_cast %parallel_loop3A_246 : i32 to index
        %parallel_loop3A_638 = arith.constant 16 : index
        %parallel_loop3A_639 = tpu.vector_load %parallel_loop3A_636[%parallel_loop3A_637, %parallel_loop3A_638] {strides = array<i32>} : memref<128x64xi32, #tpu.memory_space<vmem>>, vector<16xi32>,
        tpu.vector_store %parallel_loop3A_636[%parallel_loop3A_637, %parallel_loop3A_638], %parallel_loop3A_632 {strides = array<i32>} : memref<128x64xi32, #tpu.memory_space<vmem>>, vector<16xi32>,
        %parallel_loop3A_640 = arith.mulf %parallel_loop3A_402, %parallel_loop3A_611 : vector<16xf32>
        %parallel_loop3A_641 = arith.constant 0 : i32
        %parallel_loop3A_642 = arith.constant 0 : i32
        %parallel_loop3A_643 = tpu.memref_slice %arg6[%parallel_loop3A_211, %parallel_loop3A_641, %parallel_loop3A_642] : memref<2x128x64xf32, #tpu.memory_space<vmem>> -> memref<1x128x64xf32, #tpu.memory_space<vmem>>
        %parallel_loop3A_644 = tpu.memref_squeeze %parallel_loop3A_643 : memref<1x128x64xf32, #tpu.memory_space<vmem>> -> memref<128x64xf32, #tpu.memory_space<vmem>>
        %parallel_loop3A_645 = arith.index_cast %parallel_loop3A_246 : i32 to index
        %parallel_loop3A_646 = arith.constant 16 : index
        %parallel_loop3A_647 = tpu.vector_load %parallel_loop3A_644[%parallel_loop3A_645, %parallel_loop3A_646] {strides = array<i32>} : memref<128x64xf32, #tpu.memory_space<vmem>>, vector<16xf32>,
        tpu.vector_store %parallel_loop3A_644[%parallel_loop3A_645, %parallel_loop3A_646], %parallel_loop3A_640 {strides = array<i32>} : memref<128x64xf32, #tpu.memory_space<vmem>>, vector<16xf32>,
        %parallel_loop3A_648 = arith.constant 63 : i32
        %parallel_loop3A_649 = vector.broadcast %parallel_loop3A_648 : i32 to vector<16xi32>
        %parallel_loop3A_650 = arith.andi %parallel_loop3A_591, %parallel_loop3A_649 : vector<16xi32>
        %parallel_loop3A_651 = arith.constant 0 : i32
        %parallel_loop3A_652 = arith.constant 0 : i32
        %parallel_loop3A_653 = tpu.memref_slice %arg7[%parallel_loop3A_210, %parallel_loop3A_651, %parallel_loop3A_652] : memref<2x128x64xi32, #tpu.memory_space<vmem>> -> memref<1x128x64xi32, #tpu.memory_space<vmem>>
        %parallel_loop3A_654 = tpu.memref_squeeze %parallel_loop3A_653 : memref<1x128x64xi32, #tpu.memory_space<vmem>> -> memref<128x64xi32, #tpu.memory_space<vmem>>
        %parallel_loop3A_655 = arith.index_cast %parallel_loop3A_246 : i32 to index
        %parallel_loop3A_656 = arith.constant 32 : index
        %parallel_loop3A_657 = tpu.vector_load %parallel_loop3A_654[%parallel_loop3A_655, %parallel_loop3A_656] {strides = array<i32>} : memref<128x64xi32, #tpu.memory_space<vmem>>, vector<16xi32>,
        tpu.vector_store %parallel_loop3A_654[%parallel_loop3A_655, %parallel_loop3A_656], %parallel_loop3A_650 {strides = array<i32>} : memref<128x64xi32, #tpu.memory_space<vmem>>, vector<16xi32>,
        %parallel_loop3A_658 = arith.mulf %parallel_loop3A_411, %parallel_loop3A_611 : vector<16xf32>
        %parallel_loop3A_659 = arith.constant 0 : i32
        %parallel_loop3A_660 = arith.constant 0 : i32
        %parallel_loop3A_661 = tpu.memref_slice %arg6[%parallel_loop3A_211, %parallel_loop3A_659, %parallel_loop3A_660] : memref<2x128x64xf32, #tpu.memory_space<vmem>> -> memref<1x128x64xf32, #tpu.memory_space<vmem>>
        %parallel_loop3A_662 = tpu.memref_squeeze %parallel_loop3A_661 : memref<1x128x64xf32, #tpu.memory_space<vmem>> -> memref<128x64xf32, #tpu.memory_space<vmem>>
        %parallel_loop3A_663 = arith.index_cast %parallel_loop3A_246 : i32 to index
        %parallel_loop3A_664 = arith.constant 32 : index
        %parallel_loop3A_665 = tpu.vector_load %parallel_loop3A_662[%parallel_loop3A_663, %parallel_loop3A_664] {strides = array<i32>} : memref<128x64xf32, #tpu.memory_space<vmem>>, vector<16xf32>,
        tpu.vector_store %parallel_loop3A_662[%parallel_loop3A_663, %parallel_loop3A_664], %parallel_loop3A_658 {strides = array<i32>} : memref<128x64xf32, #tpu.memory_space<vmem>>, vector<16xf32>,
        %parallel_loop3A_666 = arith.constant 63 : i32
        %parallel_loop3A_667 = vector.broadcast %parallel_loop3A_666 : i32 to vector<16xi32>
        %parallel_loop3A_668 = arith.andi %parallel_loop3A_595, %parallel_loop3A_667 : vector<16xi32>
        %parallel_loop3A_669 = arith.constant 0 : i32
        %parallel_loop3A_670 = arith.constant 0 : i32
        %parallel_loop3A_671 = tpu.memref_slice %arg7[%parallel_loop3A_210, %parallel_loop3A_669, %parallel_loop3A_670] : memref<2x128x64xi32, #tpu.memory_space<vmem>> -> memref<1x128x64xi32, #tpu.memory_space<vmem>>
        %parallel_loop3A_672 = tpu.memref_squeeze %parallel_loop3A_671 : memref<1x128x64xi32, #tpu.memory_space<vmem>> -> memref<128x64xi32, #tpu.memory_space<vmem>>
        %parallel_loop3A_673 = arith.index_cast %parallel_loop3A_246 : i32 to index
        %parallel_loop3A_674 = arith.constant 48 : index
        %parallel_loop3A_675 = tpu.vector_load %parallel_loop3A_672[%parallel_loop3A_673, %parallel_loop3A_674] {strides = array<i32>} : memref<128x64xi32, #tpu.memory_space<vmem>>, vector<16xi32>,
        tpu.vector_store %parallel_loop3A_672[%parallel_loop3A_673, %parallel_loop3A_674], %parallel_loop3A_668 {strides = array<i32>} : memref<128x64xi32, #tpu.memory_space<vmem>>, vector<16xi32>,
        %parallel_loop3A_676 = arith.mulf %parallel_loop3A_415, %parallel_loop3A_611 : vector<16xf32>
        %parallel_loop3A_677 = arith.constant 0 : i32
        %parallel_loop3A_678 = arith.constant 0 : i32
        %parallel_loop3A_679 = tpu.memref_slice %arg6[%parallel_loop3A_211, %parallel_loop3A_677, %parallel_loop3A_678] : memref<2x128x64xf32, #tpu.memory_space<vmem>> -> memref<1x128x64xf32, #tpu.memory_space<vmem>>
        %parallel_loop3A_680 = tpu.memref_squeeze %parallel_loop3A_679 : memref<1x128x64xf32, #tpu.memory_space<vmem>> -> memref<128x64xf32, #tpu.memory_space<vmem>>
        %parallel_loop3A_681 = arith.index_cast %parallel_loop3A_246 : i32 to index
        %parallel_loop3A_682 = arith.constant 48 : index
        %parallel_loop3A_683 = tpu.vector_load %parallel_loop3A_680[%parallel_loop3A_681, %parallel_loop3A_682] {strides = array<i32>} : memref<128x64xf32, #tpu.memory_space<vmem>>, vector<16xf32>,
        tpu.vector_store %parallel_loop3A_680[%parallel_loop3A_681, %parallel_loop3A_682], %parallel_loop3A_676 {strides = array<i32>} : memref<128x64xf32, #tpu.memory_space<vmem>>, vector<16xf32>,
      } {sc.loop_unroll_factor = 4 : i64, sc.parallel_access}
      %dma_start3A_212 = arith.constant 1 : i32
      %dma_start3A_213 = arith.constant 0 : i32
      %dma_start3A_214 = arith.constant 0 : i32
      %dma_start3A_215 = tpu.memref_slice %arg6[%dma_start3A_212, %dma_start3A_213, %dma_start3A_214] : memref<2x128x64xf32, #tpu.memory_space<vmem>> -> memref<1x128x64xf32, #tpu.memory_space<vmem>>
      %dma_start3A_216 = tpu.memref_squeeze %dma_start3A_215 : memref<1x128x64xf32, #tpu.memory_space<vmem>> -> memref<128x64xf32, #tpu.memory_space<vmem>>
      %dma_start3A_217 = arith.constant 0 : i32
      %dma_start3A_218 = tpu.memref_slice %arg3[%add3A_182, %dma_start3A_217] : memref<32768x64xf32, #tpu.memory_space<hbm>> -> memref<128x64xf32, #tpu.memory_space<hbm>>
      %dma_start3A_219 = arith.constant 0 : i32
      %dma_start3A_220 = tpu.memref_slice %arg3[%add3A_182, %dma_start3A_219] : memref<32768x64xf32, #tpu.memory_space<hbm>> -> memref<128x64xf32, #tpu.memory_space<hbm>>
      %dma_start3A_221 = arith.constant 0 : i32
      %dma_start3A_222 = arith.constant 0 : i32
      %dma_start3A_223 = tpu.memref_slice %arg6[%dma_start3A_212, %dma_start3A_221, %dma_start3A_222] : memref<2x128x64xf32, #tpu.memory_space<vmem>> -> memref<1x128x64xf32, #tpu.memory_space<vmem>>
      %dma_start3A_224 = tpu.memref_squeeze %dma_start3A_223 : memref<1x128x64xf32, #tpu.memory_space<vmem>> -> memref<128x64xf32, #tpu.memory_space<vmem>>
      tpu.enqueue_dma source(%dma_start3A_224 : memref<128x64xf32, #tpu.memory_space<vmem>>) target(%dma_start3A_220 : memref<128x64xf32, #tpu.memory_space<hbm>>) target_semaphore(%arg11 : memref<!tpu.dma_semaphore, #tpu.memory_space<semaphore_mem>>)
      %dma_start3A_225 = arith.constant 1 : i32
      %dma_start3A_226 = arith.constant 0 : i32
      %dma_start3A_227 = arith.constant 0 : i32
      %dma_start3A_228 = tpu.memref_slice %arg7[%dma_start3A_225, %dma_start3A_226, %dma_start3A_227] : memref<2x128x64xi32, #tpu.memory_space<vmem>> -> memref<1x128x64xi32, #tpu.memory_space<vmem>>
      %dma_start3A_229 = tpu.memref_squeeze %dma_start3A_228 : memref<1x128x64xi32, #tpu.memory_space<vmem>> -> memref<128x64xi32, #tpu.memory_space<vmem>>
      %dma_start3A_230 = arith.constant 0 : i32
      %dma_start3A_231 = tpu.memref_slice %arg4[%add3A_182, %dma_start3A_230] : memref<32768x64xi32, #tpu.memory_space<hbm>> -> memref<128x64xi32, #tpu.memory_space<hbm>>
      %dma_start3A_232 = arith.constant 0 : i32
      %dma_start3A_233 = tpu.memref_slice %arg4[%add3A_182, %dma_start3A_232] : memref<32768x64xi32, #tpu.memory_space<hbm>> -> memref<128x64xi32, #tpu.memory_space<hbm>>
      %dma_start3A_234 = arith.constant 0 : i32
      %dma_start3A_235 = arith.constant 0 : i32
      %dma_start3A_236 = tpu.memref_slice %arg7[%dma_start3A_225, %dma_start3A_234, %dma_start3A_235] : memref<2x128x64xi32, #tpu.memory_space<vmem>> -> memref<1x128x64xi32, #tpu.memory_space<vmem>>
      %dma_start3A_237 = tpu.memref_squeeze %dma_start3A_236 : memref<1x128x64xi32, #tpu.memory_space<vmem>> -> memref<128x64xi32, #tpu.memory_space<vmem>>
      tpu.enqueue_dma source(%dma_start3A_237 : memref<128x64xi32, #tpu.memory_space<vmem>>) target(%dma_start3A_233 : memref<128x64xi32, #tpu.memory_space<hbm>>) target_semaphore(%arg11 : memref<!tpu.dma_semaphore, #tpu.memory_space<semaphore_mem>>)
      %add3A_238 = arith.constant 2 : i32
      %add3A_239 = arith.addi %add3A_179, %add3A_238 : i32
      %lt3A_240 = arith.constant 8 : i32
      %lt3A_241 = arith.cmpi slt, %add3A_239, %lt3A_240 : i32
      %convert_element_type3A_242 = arith.extui %lt3A_241 : i1 to i32
      %cond3A_243 = arith.constant 0 : i32
      %cond3A_244 = arith.cmpi ne, %convert_element_type3A_242, %cond3A_243 : i32
      scf.if %cond3A_244 {
        %add3A_246 = arith.constant 2 : i32
        %add3A_247 = arith.addi %add3A_179, %add3A_246 : i32
        %mul3A_248 = arith.constant 128 : i32
        %mul3A_249 = arith.muli %add3A_247, %mul3A_248 : i32
        %add3A_250 = arith.addi %mul3A_2, %mul3A_249 : i32
        %dma_start3A_251 = arith.constant 1 : i32
        %dma_start3A_252 = arith.constant 0 : i32
        %dma_start3A_253 = arith.constant 0 : i32
        %dma_start3A_254 = tpu.memref_slice %arg5[%dma_start3A_251, %dma_start3A_252, %dma_start3A_253] : memref<2x128x64xf32, #tpu.memory_space<vmem>> -> memref<1x128x64xf32, #tpu.memory_space<vmem>>
        %dma_start3A_255 = tpu.memref_squeeze %dma_start3A_254 : memref<1x128x64xf32, #tpu.memory_space<vmem>> -> memref<128x64xf32, #tpu.memory_space<vmem>>
        %dma_start3A_256 = arith.constant 0 : i32
        %dma_start3A_257 = tpu.memref_slice %arg2[%add3A_250, %dma_start3A_256] : memref<32768x64xf32, #tpu.memory_space<hbm>> -> memref<128x64xf32, #tpu.memory_space<hbm>>
        %dma_start3A_258 = arith.constant 0 : i32
        %dma_start3A_259 = arith.constant 0 : i32
        %dma_start3A_260 = tpu.memref_slice %arg5[%dma_start3A_251, %dma_start3A_258, %dma_start3A_259] : memref<2x128x64xf32, #tpu.memory_space<vmem>> -> memref<1x128x64xf32, #tpu.memory_space<vmem>>
        %dma_start3A_261 = tpu.memref_squeeze %dma_start3A_260 : memref<1x128x64xf32, #tpu.memory_space<vmem>> -> memref<128x64xf32, #tpu.memory_space<vmem>>
        %dma_start3A_262 = arith.constant 0 : i32
        %dma_start3A_263 = tpu.memref_slice %arg2[%add3A_250, %dma_start3A_262] : memref<32768x64xf32, #tpu.memory_space<hbm>> -> memref<128x64xf32, #tpu.memory_space<hbm>>
        tpu.enqueue_dma source(%dma_start3A_263 : memref<128x64xf32, #tpu.memory_space<hbm>>) target(%dma_start3A_261 : memref<128x64xf32, #tpu.memory_space<vmem>>) target_semaphore(%arg9 : memref<!tpu.dma_semaphore, #tpu.memory_space<semaphore_mem>>)
      } else {
      }
      %scan3A_245 = arith.constant 0 : i32
      scf.yield %scan3A_245 : i32
    }
    %scan3A_56 = arith.constant 4 : i32
    %add3A_57 = arith.constant 768 : i32
    %add3A_58 = arith.addi %mul3A_2, %add3A_57 : i32
    %dma_wait3A = arith.constant 0 : i32
    %dma_wait3A_59 = arith.constant 0 : i32
    %dma_wait3A_60 = arith.constant 0 : i32
    %dma_wait3A_61 = tpu.memref_slice %arg6[%dma_wait3A, %dma_wait3A_59, %dma_wait3A_60] : memref<2x128x64xf32, #tpu.memory_space<vmem>> -> memref<1x128x64xf32, #tpu.memory_space<vmem>>
    %dma_wait3A_62 = tpu.memref_squeeze %dma_wait3A_61 : memref<1x128x64xf32, #tpu.memory_space<vmem>> -> memref<128x64xf32, #tpu.memory_space<vmem>>
    %dma_wait3A_63 = arith.constant 0 : i32
    %dma_wait3A_64 = tpu.memref_slice %arg3[%add3A_58, %dma_wait3A_63] : memref<32768x64xf32, #tpu.memory_space<hbm>> -> memref<128x64xf32, #tpu.memory_space<hbm>>
    %dma_wait3A_65 = arith.constant 0 : i32
    %dma_wait3A_66 = tpu.memref_slice %arg3[%add3A_58, %dma_wait3A_65] : memref<32768x64xf32, #tpu.memory_space<hbm>> -> memref<128x64xf32, #tpu.memory_space<hbm>>
    %dma_wait3A_67 = arith.constant 0 : i32
    %dma_wait3A_68 = arith.constant 0 : i32
    %dma_wait3A_69 = tpu.memref_slice %arg6[%dma_wait3A, %dma_wait3A_67, %dma_wait3A_68] : memref<2x128x64xf32, #tpu.memory_space<vmem>> -> memref<1x128x64xf32, #tpu.memory_space<vmem>>
    %dma_wait3A_70 = tpu.memref_squeeze %dma_wait3A_69 : memref<1x128x64xf32, #tpu.memory_space<vmem>> -> memref<128x64xf32, #tpu.memory_space<vmem>>
    tpu.wait_dma2 semaphore(%arg10 : memref<!tpu.dma_semaphore, #tpu.memory_space<semaphore_mem>>) src(%dma_wait3A_70 : memref<128x64xf32, #tpu.memory_space<vmem>>) dst(%dma_wait3A_66 : memref<128x64xf32, #tpu.memory_space<hbm>>)
    %dma_wait3A_71 = arith.constant 0 : i32
    %dma_wait3A_72 = arith.constant 0 : i32
    %dma_wait3A_73 = arith.constant 0 : i32
    %dma_wait3A_74 = tpu.memref_slice %arg7[%dma_wait3A_71, %dma_wait3A_72, %dma_wait3A_73] : memref<2x128x64xi32, #tpu.memory_space<vmem>> -> memref<1x128x64xi32, #tpu.memory_space<vmem>>
    %dma_wait3A_75 = tpu.memref_squeeze %dma_wait3A_74 : memref<1x128x64xi32, #tpu.memory_space<vmem>> -> memref<128x64xi32, #tpu.memory_space<vmem>>
    %dma_wait3A_76 = arith.constant 0 : i32
    %dma_wait3A_77 = tpu.memref_slice %arg4[%add3A_58, %dma_wait3A_76] : memref<32768x64xi32, #tpu.memory_space<hbm>> -> memref<128x64xi32, #tpu.memory_space<hbm>>
    %dma_wait3A_78 = arith.constant 0 : i32
    %dma_wait3A_79 = tpu.memref_slice %arg4[%add3A_58, %dma_wait3A_78] : memref<32768x64xi32, #tpu.memory_space<hbm>> -> memref<128x64xi32, #tpu.memory_space<hbm>>
    %dma_wait3A_80 = arith.constant 0 : i32
    %dma_wait3A_81 = arith.constant 0 : i32
    %dma_wait3A_82 = tpu.memref_slice %arg7[%dma_wait3A_71, %dma_wait3A_80, %dma_wait3A_81] : memref<2x128x64xi32, #tpu.memory_space<vmem>> -> memref<1x128x64xi32, #tpu.memory_space<vmem>>
    %dma_wait3A_83 = tpu.memref_squeeze %dma_wait3A_82 : memref<1x128x64xi32, #tpu.memory_space<vmem>> -> memref<128x64xi32, #tpu.memory_space<vmem>>
    tpu.wait_dma2 semaphore(%arg10 : memref<!tpu.dma_semaphore, #tpu.memory_space<semaphore_mem>>) src(%dma_wait3A_83 : memref<128x64xi32, #tpu.memory_space<vmem>>) dst(%dma_wait3A_79 : memref<128x64xi32, #tpu.memory_space<hbm>>)
    %add3A_84 = arith.constant 896 : i32
    %add3A_85 = arith.addi %mul3A_2, %add3A_84 : i32
    %dma_wait3A_86 = arith.constant 1 : i32
    %dma_wait3A_87 = arith.constant 0 : i32
    %dma_wait3A_88 = arith.constant 0 : i32
    %dma_wait3A_89 = tpu.memref_slice %arg6[%dma_wait3A_86, %dma_wait3A_87, %dma_wait3A_88] : memref<2x128x64xf32, #tpu.memory_space<vmem>> -> memref<1x128x64xf32, #tpu.memory_space<vmem>>
    %dma_wait3A_90 = tpu.memref_squeeze %dma_wait3A_89 : memref<1x128x64xf32, #tpu.memory_space<vmem>> -> memref<128x64xf32, #tpu.memory_space<vmem>>
    %dma_wait3A_91 = arith.constant 0 : i32
    %dma_wait3A_92 = tpu.memref_slice %arg3[%add3A_85, %dma_wait3A_91] : memref<32768x64xf32, #tpu.memory_space<hbm>> -> memref<128x64xf32, #tpu.memory_space<hbm>>
    %dma_wait3A_93 = arith.constant 0 : i32
    %dma_wait3A_94 = tpu.memref_slice %arg3[%add3A_85, %dma_wait3A_93] : memref<32768x64xf32, #tpu.memory_space<hbm>> -> memref<128x64xf32, #tpu.memory_space<hbm>>
    %dma_wait3A_95 = arith.constant 0 : i32
    %dma_wait3A_96 = arith.constant 0 : i32
    %dma_wait3A_97 = tpu.memref_slice %arg6[%dma_wait3A_86, %dma_wait3A_95, %dma_wait3A_96] : memref<2x128x64xf32, #tpu.memory_space<vmem>> -> memref<1x128x64xf32, #tpu.memory_space<vmem>>
    %dma_wait3A_98 = tpu.memref_squeeze %dma_wait3A_97 : memref<1x128x64xf32, #tpu.memory_space<vmem>> -> memref<128x64xf32, #tpu.memory_space<vmem>>
    tpu.wait_dma2 semaphore(%arg11 : memref<!tpu.dma_semaphore, #tpu.memory_space<semaphore_mem>>) src(%dma_wait3A_98 : memref<128x64xf32, #tpu.memory_space<vmem>>) dst(%dma_wait3A_94 : memref<128x64xf32, #tpu.memory_space<hbm>>)
    %dma_wait3A_99 = arith.constant 1 : i32
    %dma_wait3A_100 = arith.constant 0 : i32
    %dma_wait3A_101 = arith.constant 0 : i32
    %dma_wait3A_102 = tpu.memref_slice %arg7[%dma_wait3A_99, %dma_wait3A_100, %dma_wait3A_101] : memref<2x128x64xi32, #tpu.memory_space<vmem>> -> memref<1x128x64xi32, #tpu.memory_space<vmem>>
    %dma_wait3A_103 = tpu.memref_squeeze %dma_wait3A_102 : memref<1x128x64xi32, #tpu.memory_space<vmem>> -> memref<128x64xi32, #tpu.memory_space<vmem>>
    %dma_wait3A_104 = arith.constant 0 : i32
    %dma_wait3A_105 = tpu.memref_slice %arg4[%add3A_85, %dma_wait3A_104] : memref<32768x64xi32, #tpu.memory_space<hbm>> -> memref<128x64xi32, #tpu.memory_space<hbm>>
    %dma_wait3A_106 = arith.constant 0 : i32
    %dma_wait3A_107 = tpu.memref_slice %arg4[%add3A_85, %dma_wait3A_106] : memref<32768x64xi32, #tpu.memory_space<hbm>> -> memref<128x64xi32, #tpu.memory_space<hbm>>
    %dma_wait3A_108 = arith.constant 0 : i32
    %dma_wait3A_109 = arith.constant 0 : i32
    %dma_wait3A_110 = tpu.memref_slice %arg7[%dma_wait3A_99, %dma_wait3A_108, %dma_wait3A_109] : memref<2x128x64xi32, #tpu.memory_space<vmem>> -> memref<1x128x64xi32, #tpu.memory_space<vmem>>
    %dma_wait3A_111 = tpu.memref_squeeze %dma_wait3A_110 : memref<1x128x64xi32, #tpu.memory_space<vmem>> -> memref<128x64xi32, #tpu.memory_space<vmem>>
    tpu.wait_dma2 semaphore(%arg11 : memref<!tpu.dma_semaphore, #tpu.memory_space<semaphore_mem>>) src(%dma_wait3A_111 : memref<128x64xi32, #tpu.memory_space<vmem>>) dst(%dma_wait3A_107 : memref<128x64xi32, #tpu.memory_space<hbm>>)
    return
  }
}

module attributes {stable_mosaic.version = 14 : i64} {
  func.func @_mm_block(%arg0: i32, %arg1: memref<4096x768xf32, #tpu.memory_space<vmem>>, %arg2: memref<64x768xf32, #tpu.memory_space<vmem>>, %arg3: memref<4096x64xf32, #tpu.memory_space<vmem>>) attributes {dimension_semantics = [#tpu.dimension_semantics<arbitrary>], iteration_bounds = array<i64: 8>, scalar_prefetch = 0 : i64, scratch_operands = 0 : i64, tpu.core_type = #tpu.core_type<tc>, window_params = [{transform_indices = @transform_0, window_bounds = array<i64: 4096, 768>}, {pipeline_mode = #tpu.pipeline_mode<synchronous>, transform_indices = @transform_1, window_bounds = array<i64: 64, 768>}, {transform_indices = @transform_2, window_bounds = array<i64: 4096, 64>}]} {
    %get3A = arith.constant 0 : index
    %get3A_0 = arith.constant 0 : index
    %get3A_1 = vector.load %arg1[%get3A, %get3A_0] : memref<4096x768xf32, #tpu.memory_space<vmem>>, vector<4096x768xf32>
    %get3A_2 = arith.constant 0 : index
    %get3A_3 = arith.constant 0 : index
    %get3A_4 = vector.load %arg2[%get3A_2, %get3A_3] : memref<64x768xf32, #tpu.memory_space<vmem>>, vector<64x768xf32>
    %dot_general3A = arith.constant dense<0.000000e+00> : vector<4096x64xf32>
    %dot_general3A_5 = tpu.matmul %get3A_1, %get3A_4, %dot_general3A {dimension_numbers = #tpu.dot_dimension_numbers<[1], [1], [0], [0], [0, 0, 1, 0], [], []>, transpose_lhs_hint = false} : vector<4096x768xf32>, vector<64x768xf32>, vector<4096x64xf32> -> vector<4096x64xf32>
    %logistic3A = arith.negf %dot_general3A_5 : vector<4096x64xf32>
    %logistic3A_6 = math.exp %logistic3A : vector<4096x64xf32>
    %logistic3A_7 = arith.constant 1.000000e+00 : f32
    %logistic3A_8 = vector.broadcast %logistic3A_7 : f32 to vector<4096x64xf32>
    %logistic3A_9 = arith.addf %logistic3A_8, %logistic3A_6 : vector<4096x64xf32>
    %logistic3A_10 = arith.divf %logistic3A_8, %logistic3A_9 : vector<4096x64xf32>
    %swap3A = arith.constant 0 : index
    %swap3A_11 = arith.constant 0 : index
    %swap3A_12 = vector.load %arg3[%swap3A, %swap3A_11] : memref<4096x64xf32, #tpu.memory_space<vmem>>, vector<4096x64xf32>
    tpu.vector_store %arg3[%swap3A, %swap3A_11], %logistic3A_10 {strides = array<i32>} : memref<4096x64xf32, #tpu.memory_space<vmem>>, vector<4096x64xf32>,
    return
  }
  func.func @transform_0(%arg0: i32) -> (i32, i32) {
    %c0_i32 = arith.constant 0 : i32
    %c0_i32_0 = arith.constant 0 : i32
    return %arg0, %c0_i32 : i32, i32
  }
  func.func @transform_1(%arg0: i32) -> (i32, i32) {
    %c0_i32 = arith.constant 0 : i32
    %c0_i32_0 = arith.constant 0 : i32
    %c0_i32_1 = arith.constant 0 : i32
    return %c0_i32, %c0_i32_0 : i32, i32
  }
  func.func @transform_2(%arg0: i32) -> (i32, i32) {
    %c0_i32 = arith.constant 0 : i32
    %c0_i32_0 = arith.constant 0 : i32
    return %arg0, %c0_i32 : i32, i32
  }
}

</mosaic_0001>

<sc_bundles>
// kernel: kernel.4.cloned.1.call-start
scs
__scs_entry_jumppad:
0x0: {  	(pc) =	sbr.rel $0x88, $3  }
0x1: {  	(tag) =	ssettag $0x0;
	lr =	simm.s32 $0x1  }
0x2: {  	[smem:$0x3F9F] =	sst lr;
	_ =	strace $0xD0000000  }
0x3: {  	_ = 	snop  }
0x4: {  	_ = 	snop  }
0x5: {  	_ = 	snop  }
0x6: {  	_ = 	snop  }
0x7: {  	_ = 	snop  }
__scs_overlays_trampoline_lowered:
0x8: {  	[smem:$0x3FAE] =	sst s0  }
0x9: {  	[smem:$0x3FAF] =	sst s1  }
0xa: {  	[smem:$0x3FB0] =	sst s2  }
0xb: {  	[smem:$0x3FB1] =	sst s3  }
0xc: {  	[smem:$0x3FB2] =	sst s4  }
0xd: {  	[smem:$0x3FB3] =	sst s5  }
0xe: {  	[smem:$0x3FB4] =	sst s6  }
0xf: {  	[smem:$0x3FB5] =	sst s7  }
0x10: {  	[smem:$0x3FB6] =	sst s8  }
0x11: {  	[smem:$0x3FB7] =	sst s9;
	s0 =	simm.s32 @!p0 $0x0  }
0x12: {  	s1 =	sld [smem:$0x3F9D];
	s0 =	simm.s32 @p0 $0x1  }
0x13: {  	[smem:$0x3FB8] =	sst s0;
	s0 =	simm.s32 @!p1 $0x0  }
0x14: {  	s2 =	sld [smem:$0x3F9C];
	s0 =	simm.s32 @p1 $0x1  }
0x15: {  	[smem:$0x3FB9] =	sst s0;
	s0 =	simm.s32 @!p2 $0x0  }
0x16: {  	s3 =	sld [smem:$0x3FDB];
	s0 =	simm.s32 @p2 $0x1  }
0x17: {  	s4 =	simm.s32 $0x1BF5;
	[smem:$0x3FBB] =	sst s0  }
0x18: {  	s0 =	sld [smem:$0x3F9E];
	_ =	swait.ge [sflag:s4], $0x0  }
0x19: {  	s7 =	sld [smem:$0x3F9F]  }
0x1a: {  	s8 =	sadd.s32 $0xFFFFE003, lr  }
0x1b: {  	s9 =	sadd.s32 $0xFFFFFEF7, lr;
	s5 =	simm.s32 $0xFFFFFFFF;
	p2 =	slt.u32 s8, $0xFFFFF086  }
0x1c: {  	p1 =	slt.u32 s9, $0xF7A;
	s5 =	simm.s32 @!p2 $0x0  }
0x1d: {  	s5 =	simm.s32 @p1 $0x1;
	p0 =	seq.s32 s7, s2  }
0x1e: {  	s7 =	smul.u32 @!p0 $0xF7A, s2;
	p2 =	seq.s32 @!p0 s5, $0x0  }
0x1f: {  	s9 =	smul.u32 $0xF7A, s1;
	s8 =	simm.s32 @!p0 $0x1BF5;
	p2 =	por !p2, p0  }
0x20: {  	[sflag:s8] =	ssyncset.s32 @!p0 $0xFFFFF086;
	s6 =	sadd.s32 @!p0 s3, s7;
	s7 =	simm.s32 @!p0 $0x108  }
0x21: {  	s3 =	sadd.s32 s3, s9;
	s6 =	sadd.s32 @!p0 $0x88, s6;
	s7 =	simm.s32 @p2 $0x1082  }
0x22: {  	[simem:s7], [sflag:s8] =	dma.local @!p0 [hbm:s6], $0xF7A  }
0x23: {  	s9 =	sor.u32 $0xD0000000, s2;
	s6 =	simm.s32 $0x108;
	_ =	swait.ge @!p0 [sflag:s8], $0x0  }
0x24: {  	s3 =	sadd.s32 $0x88, s3;
	s6 =	simm.s32 @!p1 $0x1082;
	[sflag:s4] =	ssyncset.s32 $0xFFFFF086  }
0x25: {  	[simem:s6], [sflag:s4] =	dma.local [hbm:s3], $0xF7A  }
0x26: {  	[smem:$0x3F9F] =	sst s1;
	(tag) =	ssettag s2;
	_ =	strace s9  }
0x27: {  	s1 =	sld [smem:$0x3FAF]  }
0x28: {  	s2 =	sld [smem:$0x3FB0]  }
0x29: {  	s4 =	sld [smem:$0x3FB2]  }
0x2a: {  	p0 =	seq.s32 s5, $0x0;
	s5 =	sld [smem:$0x3FB3]  }
0x2b: {  	s6 =	sld [smem:$0x3FB4]  }
0x2c: {  	s7 =	sld [smem:$0x3FB5]  }
0x2d: {  	s3 =	simm.s32 $0x108;
	s8 =	sld [smem:$0x3FB6]  }
0x2e: {  	s3 =	simm.s32 @!p0 $0x1082;
	s9 =	sld [smem:$0x3FB7]  }
0x2f: {  	lr =	sadd.s32 s0, s3;
	s0 =	sld [smem:$0x3FAE]  }
0x30: {  	s3 =	sld [smem:$0x3FB1]  }
0x31: {  	[smem:$0x3FBA] =	sst s10  }
0x32: {  	s10 =	sld [smem:$0x3FB8];
	_ =	sdelay $0x3  }
0x33: {  	p0 =	seq.s32 s10, $0x1;
	s10 =	sld [smem:$0x3FBA];
	_ =	sdelay $0x3  }
0x34: {  	[smem:$0x3FBA] =	sst s10  }
0x35: {  	s10 =	sld [smem:$0x3FB9];
	_ =	sdelay $0x3  }
0x36: {  	p1 =	seq.s32 s10, $0x1;
	s10 =	sld [smem:$0x3FBA];
	_ =	sdelay $0x3  }
0x37: {  	[smem:$0x3FBA] =	sst s10  }
0x38: {  	s10 =	sld [smem:$0x3FBB]  }
0x39: {  	_ = 	snop;
	(pc) =	sbr.ind lr, $3  }
0x3a: {  	_ = 	snop  }
0x3b: {  	_ = 	snop  }
0x3c: {  	p2 =	seq.s32 s10, $0x1;
	s10 =	sld [smem:$0x3FBA]  }
0x3d: {  	_ =	shalt  }
0x3e: {  	_ =	shalt  }
0x3f: {  	_ =	shalt  }
0x40: {  	_ =	shalt  }
0x41: {  	_ =	shalt  }
0x42: {  	_ =	shalt  }
0x43: {  	_ =	shalt  }
0x44: {  	_ =	shalt  }
0x45: {  	_ =	shalt  }
0x46: {  	_ =	shalt  }
0x47: {  	_ =	shalt  }
0x48: {  	_ =	shalt  }
0x49: {  	_ =	shalt  }
0x4a: {  	_ =	shalt  }
0x4b: {  	_ =	shalt  }
0x4c: {  	_ =	shalt  }
0x4d: {  	_ =	shalt  }
0x4e: {  	_ =	shalt  }
0x4f: {  	_ =	shalt  }
0x50: {  	_ =	shalt  }
0x51: {  	_ =	shalt  }
0x52: {  	_ =	shalt  }
0x53: {  	_ =	shalt  }
0x54: {  	_ =	shalt  }
0x55: {  	_ =	shalt  }
0x56: {  	_ =	shalt  }
0x57: {  	_ =	shalt  }
0x58: {  	_ =	shalt  }
0x59: {  	_ =	shalt  }
0x5a: {  	_ =	shalt  }
0x5b: {  	_ =	shalt  }
0x5c: {  	_ =	shalt  }
0x5d: {  	_ =	shalt  }
0x5e: {  	_ =	shalt  }
0x5f: {  	_ =	shalt  }
0x60: {  	_ =	shalt  }
0x61: {  	_ =	shalt  }
0x62: {  	_ =	shalt  }
0x63: {  	_ =	shalt  }
0x64: {  	_ =	shalt  }
0x65: {  	_ =	shalt  }
0x66: {  	_ =	shalt  }
0x67: {  	_ =	shalt  }
0x68: {  	_ =	shalt  }
0x69: {  	_ =	shalt  }
0x6a: {  	_ =	shalt  }
0x6b: {  	_ =	shalt  }
0x6c: {  	_ =	shalt  }
0x6d: {  	_ =	shalt  }
0x6e: {  	_ =	shalt  }
0x6f: {  	_ =	shalt  }
0x70: {  	_ =	shalt  }
0x71: {  	_ =	shalt  }
0x72: {  	_ =	shalt  }
0x73: {  	_ =	shalt  }
0x74: {  	_ =	shalt  }
0x75: {  	_ =	shalt  }
0x76: {  	_ =	shalt  }
0x77: {  	_ =	shalt  }
0x78: {  	_ =	shalt  }
0x79: {  	_ =	shalt  }
0x7a: {  	_ =	shalt  }
0x7b: {  	_ =	shalt  }
0x7c: {  	_ =	shalt  }
0x7d: {  	_ =	shalt  }
0x7e: {  	_ =	shalt  }
0x7f: {  	_ =	shalt  }
0x80: {  	_ =	shalt  }
0x81: {  	_ =	shalt  }
0x82: {  	_ =	shalt  }
0x83: {  	_ =	shalt  }
0x84: {  	_ =	shalt  }
0x85: {  	_ =	shalt  }
0x86: {  	_ =	shalt  }
0x87: {  	_ =	shalt  }
.Lfunc_end0:
.L_simem_size_0:
called_computation_lowered:
.L_overlay_start_0:
0x88: {  	s2 =	sld [smem:$0x3FD9]  }
0x89: {  	s3 =	sld [smem:$0x3FFE];
	_ =	sdelay $0x1  }
0x8a: {  	s1 =	srdreg.scid  }
0x8b: {  	s0 =	sand.u32 $0x1, s1  }
0x8c: {  	s16 =	sshll.u32 s0, $0xA;
	s2 =	sadd.s32 s3, s2  }
0x8d: {  	s2 =	sadd.s32 s2, s16  }
0x8e: {  	[smem:$0x3FC6] =	sst s2  }
0x8f: {  	_ = 	snop  }
0x90: {  	(tm) =	ssettm $0x1  }
0x91: {  	s17 =	sld [smem:$0x3FFB];
	_ =	sdelay $0x3  }
0x92: {  	_ =	strace s17  }
0x93: {  	s2 =	sld [smem:$0x3FFC];
	_ =	sdelay $0x3  }
0x94: {  	_ =	strace s2  }
0x95: {  	s2 =	sld [smem:$0x3FFD];
	_ =	sdelay $0x3  }
0x96: {  	_ =	strace s2  }
0x97: {  	_ =	strace $0x8FFFFFFF  }
0x98: {  	s18 =	sld [smem:$0x3FDB];
	_ =	sdelay $0x1  }
0x99: {  	s19 =	simm.s32 $_scs_section_size  }
0x9a: {  	s4 =	simm.s32 $_size__tile_overlayer_lowered;
	s5 =	simm.s32 $_tile_overlayer_lowered  }
0x9b: {  	s22 =	simm.s32 $0x1BFF;
	s21 =	sshll.u32 s5, $0x1;
	s2 =	sadd.s32 s19, s18  }
0x9c: {  	s6 =	simm.s32 $0x0;
	s20 =	sshll.u32 s4, $0x1;
	s4 =	sadd.s32 s21, s2  }
0x9d: {  	[timem:s6], [sflag:s22] =	dma.local [hbm:s4], s20  }
0x9e: {  	_ =	swait.ge [sflag:s22], s20  }
0x9f: {  	s3 =	ssub.s32 $0x0, s20;
	[sflag:s22] =	ssyncset.done $0x0  }
0xa0: {  	[sflag:s22] =	ssyncadd.s32 s3;
	_ =	sdelay $0x1  }
0xa1: {  	s23 =	simm.s32 $0x1B8B  }
0xa2: {  	_ =	swait.ge [sflag:s23], $0x1  }
0xa3: {  	[sflag:s23] =	ssyncset.done $0x0  }
0xa4: {  	s25 =	simm.s32 $0x1B8E;
	s24 =	sld [smem:$0x3FFE];
	[sflag:s23] =	ssyncadd.s32 $0xFFFFFFFF  }
0xa5: {  	s26 =	simm.s32 $execute0_lowered;
	[smem:$0x3FD2] =	sst s25  }
0xa6: {  	s4 =	sshll.u32 s26, $0x1;
	_ =	strace $0x80000046;
	[dreg:$0x1] =	wrdreg $0xFFFFFFFF  }
0xa7: {  	s28 =	simm.s32 $_size_execute0_lowered;
	s2 =	sadd.s32 s2, s4;
	[dreg:$0x0] =	wrdreg $0x0  }
0xa8: {  	s4 =	sshll.u32 s28, $0x1;
	[dreg:$0x2] =	wrdreg s2  }
0xa9: {  	[dreg:$0x3] =	wrdreg s4  }
0xaa: {  	[dreg:$0x4] =	wrdreg $0xC0  }
0xab: {  	_ =	task [dreg:s6], $0x5FFFF  }
0xac: {  	[dreg:$0x1] =	wrdreg $0xFFFFFFFF  }
0xad: {  	[dreg:$0x0] =	wrdreg $0x60  }
0xae: {  	[dreg:$0x2] =	wrdreg s24  }
0xaf: {  	[dreg:$0x3] =	wrdreg $0x9  }
0xb0: {  	_ =	task.clear_ibuf [dreg:s6], $0x4FFFF;
	_ =	strace $0x90000046  }
0xb1: {  	s29 =	simm.s32 $0x9;
	_ =	strace $0x80000048  }
0xb2: {  	_ =	swait.ge [sflag:s29], $0x1  }
0xb3: {  	[sflag:s29] =	ssyncadd.s32 $0xFFFFFFFF  }
0xb4: {  	_ =	strace $0x90000048  }
0xb5: {  	_ =	sfence  }
0xb6: {  	s30 =	sld [smem:$0x0];
	_ =	sdelay $0x2  }
0xb7: {  	s31 =	sshll.u32 s1, $0xD;
	s1 =	sshrl.u32 s1, $0x2  }
0xb8: {  	s3 =	sand.u32 $0x4000, s31;
	s1 =	sadd.s32 s1, s30  }
0xb9: {  	s0 =	sor.u32 s3, s0;
	s1 =	sshll.u32 s1, $0x11  }
0xba: {  	s0 =	sor.u32 s1, s0  }
0xbb: {  	s0 =	sadd.s32 $0x8F2B, s0  }
0xbc: {  	[sflag:s0] =	ssyncadd.remote.s32 $0x1  }
0xbd: {  	_ =	sfence.sel $0xFFFF  }
0xbe: {  	[dreg:$0x0] =	wrdreg $0xFFFFFFFF;
	(pc) =	sbr.abs _section_cstart, $3  }
0xbf: {  	[dreg:$0x1] =	wrdreg $0xFFFFFFFF  }
0xc0: {  	_ =	task.clear_ibuf [dreg:s6], $0x2FFFF;
	_ =	strace $0x9FFFFFFF  }
0xc1: {  	(tm) =	ssettm $0x7FFFFFFF  }
tec
execute0_lowered:
.L_overlay_start_1:
0x0: {  	(tag) =	ssettag $0x1  }
0x1: {  	s0 =	rddreg [dreg:$0x0];
	s3 =	srdreg.scid;
	s2 =	simm.s32 $0x0  }
0x2: {  	s1 =	stileid.u32;
	s12 =	simm.s32 $0x4000;
	s13 =	simm.s32 $0x1  }
0x3: {  	v0 =	vimm.s32 $0xEDCBA987;
	s14 =	simm.s32 $0x8000;
	s15 =	simm.s32 $0x10000;
	s16 =	simm.s32 $0x2  }
0x4: {  	v1 =	vimm.s32 $0x65432100;
	s17 =	simm.s32 $0x4;
	s18 =	simm.s32 $0xC000;
	s19 =	simm.s32 $0x14000;
	v0 =	vunpack.c.l.s4.s8 v0  }
0x5: {  	v4 =	vlaneseq.u32;
	s20 =	simm.s32 $0x3;
	s21 =	simm.s32 $0x0;
	s4 =	sand.u32 $0x1, s3;
	v1 =	vunpack.c.l.s4.s8 v1  }
0x6: {  	[smem:$0x7FF] =	sst s2;
	s30 =	sshll.u32 s1, $0xF;
	v33 =	vor.u32 $0x10, v4;
	s5 =	sshll.u32 s4, $0xE;
	v0 =	vunpack.c.0.s8.s32 v0  }
.Ltmp0:
0x7: {  	v2 =	vmul.u32 $0xFFFFFFFF, v4;
	v22 =	vor.u32 $0x20, v4;
	_ =	strace $0x80000047;
	s6 =	ssub.s32 $0x2, s4;
	[tilespmem:$0x1FFB0] =	vst v33;
	v1 =	vunpack.c.0.s8.s32 v1;
	(pc) =	sbr.rel .LBB2_1-.Ltmp0, $4  }
0x8: {  	v34 =	vor.u32 $0x30, v4;
	s4 =	sadd.s32 $0x80E00, s0;
	[tilespmem:$0x1FFC0] =	vst v22;
	s3 =	sor.u32 s5, s30;
	s7 =	sshrl.u32 s6, $0x1;
	v0 =	vand.u32 $0xF, v0  }
0x9: {  	[tilespmem:$0x1FFD0] =	vst v34;
	s5 =	sadd.s32 $0x100E00, s0;
	v55 =	vadd.s32 $0xF, v2;
	s9 =	sadd.s32 s3, s0;
	s31 =	ssub.s32 s6, s7;
	v31 =	vcombine.low v1, v0  }
0xa: {  	s11 =	sor.u32 $0x800, s3;
	[tilespmem:$0x1FFE0] =	vst v55;
	s6 =	sadd.s32 $0xE00, s9;
	s7 =	sadd.s32 $0x1600, s9  }
0xb: {  	v7 =	vimm.s32 $0x0;
	v15 =	vimm.s32 $0xF;
	vm0 =	vmmov $0x1;
	s8 =	sadd.s32 $0x1E00, s9;
	s9 =	sadd.s32 $0x2600, s9;
	s10 =	smax.u32 s31, $0x1;
	[tilespmem:$0x1FFF0] =	vst v31  }
.LBB2_12:
0xc: {  	_ =	swait.ge [sflag:s20], $0x4000  }
0xd: {  	[sflag:s20] =	ssyncset.done $0x0  }
0xe: {  	[sflag:s20] =	ssyncadd.s32 $0xFFFFC000  }
0xf: {  	_ =	swait.ge [sflag:s20], $0x4000  }
0x10: {  	[sflag:s20] =	ssyncset.done $0x0  }
0x11: {  	[sflag:s20] =	ssyncadd.s32 $0xFFFFC000  }
0x12: {  	_ =	swait.ge [sflag:s17], $0x4000  }
0x13: {  	s21 =	sadd.s32 $0x1, s21;
	[sflag:s17] =	ssyncset.done $0x0  }
0x14: {  	p0 =	sne.s32 s21, s10;
	[sflag:s17] =	ssyncadd.s32 $0xFFFFC000  }
.Ltmp1:
0x15: {  	_ =	swait.ge [sflag:s17], $0x4000;
	(pc) =	sbr.rel @!p0 .LBB2_13-.Ltmp1, $4  }
0x16: {  	v33 =	vld [tilespmem:$0x1FFB0]  }
0x17: {  	v22 =	vld [tilespmem:$0x1FFC0]  }
0x18: {  	[sflag:s17] =	ssyncset.done $0x0;
	v34 =	vld [tilespmem:$0x1FFD0]  }
0x19: {  	v4 =	vlaneseq.u32;
	v7 =	vimm.s32 $0x0;
	v15 =	vimm.s32 $0xF;
	v31 =	vld [tilespmem:$0x1FFF0];
	[sflag:s17] =	ssyncadd.s32 $0xFFFFC000  }
.LBB2_1:
0x1a: {  	[tilespmem:s2], [sflag:$0x1] =	stream.linear.gather [hbm4b:s6+s2], $0x4000, $0x38;
	[tilespmem:$0x18000] =	vst v63  }
0x1b: {  	s22 =	simm.s32 $0x0  }
0x1c: {  	[tilespmem:s12], [sflag:$0x2] =	stream.linear.gather [hbm4b:s7+s2], $0x4000, $0x38;
	[tilespmem:$0x18000] =	vst v63  }
.LBB2_2:
0x1d: {  	_ =	swait.ge [sflag:s13], $0x4000  }
0x1e: {  	p0 =	seq.s32 s22, $0x0;
	[sflag:s13] =	ssyncset.done $0x0  }
0x1f: {  	s0 =	simm.s32 @!p0 $0x3;
	[sflag:s13] =	ssyncadd.s32 $0xFFFFC000  }
0x20: {  	_ =	swait.ge @!p0 [sflag:s0], $0x4000  }
0x21: {  	[sflag:s0] =	ssyncset.done @!p0 $0x0  }
0x22: {  	[sflag:s0] =	ssyncadd.s32 @!p0 $0xFFFFC000  }
0x23: {  	_ =	swait.ge @!p0 [sflag:s0], $0x4000  }
0x24: {  	[sflag:s0] =	ssyncset.done @!p0 $0x0  }
0x25: {  	s25 =	simm.s32 $0x100;
	[sflag:s0] =	ssyncadd.s32 @!p0 $0xFFFFC000  }
0x26: {  	v0 =	vld [tilespmem:s25+$0xB0];
	_ =	sdelay $0x2  }
0x27: {  	v1 =	vld [tilespmem:s25+$0x90]  }
0x28: {  	v2 =	vld [tilespmem:s25+$0xA0]  }
0x29: {  	v3 =	vld [tilespmem:s25+$0x80];
	vm1 =	vlt.f32 v0, $1.175494350e-38  }
0x2a: {  	v8 =	vsel vm1, $0x0, v0  }
0x2b: {  	v6 =	vld [tilespmem:s25+$0xFFFFFF30];
	[tilespmem:$0x1FD70] =	vst v8  }
0x2c: {  	vm2 =	vlt.f32 v1, $1.175494350e-38;
	v0 =	vld [tilespmem:s25+$0xFFFFFFB0]  }
0x2d: {  	v9 =	vsel vm2, $0x0, v1;
	vm1 =	vlt.f32 v2, $1.175494350e-38  }
0x2e: {  	vm2 =	vlt.f32 v3, $1.175494350e-38;
	(xrf1) =	vsort.dscd.msk.f32 $0xffff, v8, v34;
	v8 =	vsel vm1, $0x0, v2;
	[tilespmem:$0x1FD10] =	vst v9  }
0x2f: {  	(xrf1) =	vsort.dscd.msk.f32 $0xffff, v9, v33;
	v9 =	vsel vm2, $0x0, v3;
	v1 =	vld [tilespmem:s25+$0x30];
	[tilespmem:$0x1FD50] =	vst v8  }
0x30: {  	vm1 =	vlt.f32 v6, $1.175494350e-38;
	(xrf1) =	vsort.dscd.msk.f32 $0xffff, v8, v22;
	v2 =	vld [tilespmem:s25+$0xFFFFFF10];
	[tilespmem:$0x1FD20] =	vst v9  }
0x31: {  	(xrf1) =	vsort.dscd.msk.f32 $0xffff, v9, v4;
	v9 =	vsel vm1, $0x0, v6;
	v3 =	vld [tilespmem:s25+$0xFFFFFF20];
	vm1 =	vlt.f32 v0, $1.175494350e-38  }
0x32: {  	v8 =	vld [tilespmem:s25+$0xFFFFFF90];
	[tilespmem:$0x1FD00] =	vst v9;
	v11 =	vsel vm1, $0x0, v0  }
0x33: {  	v6 =	vld [tilespmem:s25+$0xFFFFFFA0];
	[tilespmem:$0x1FD40] =	vst v11  }
0x34: {  	v0 =	vld [tilespmem:s25+$0x10]  }
0x35: {  	(xrf1) =	vsort.dscd.msk.f32 $0xffff, v9, v34;
	vm1 =	vlt.f32 v1, $1.175494350e-38;
	v9 =	vld [tilespmem:s25+$0x20]  }
0x36: {  	vm2 =	vlt.f32 v2, $1.175494350e-38;
	v10 =	vsel vm1, $0x0, v1;
	(xrf1) =	vsort.dscd.msk.f32 $0xffff, v11, v34;
	vm1 =	vlt.f32 v3, $1.175494350e-38  }
0x37: {  	[tilespmem:$0x1FD60] =	vst v10;
	(xrf1) =	vsort.dscd.msk.f32 $0xffff, v10, v34;
	v10 =	vsel vm1, $0x0, v3;
	vm1 =	vlt.f32 v8, $1.175494350e-38  }
0x38: {  	v41 =	vsel vm2, $0x0, v2;
	v1 =	vld [tilespmem:s25+$0xFFFFFF80];
	[tilespmem:$0x1FCE0] =	vst v10;
	v8 =	vsel vm1, $0x0, v8;
	vm1 =	vlt.f32 v6, $1.175494350e-38  }
0x39: {  	(xrf1) =	vsort.dscd.msk.f32 $0xffff, v41, v33;
	v2 =	vld [tilespmem:s25+$0x0];
	v6 =	vsel vm1, $0x0, v6;
	vm1 =	vlt.f32 v0, $1.175494350e-38  }
0x3a: {  	(xrf1) =	vsort.dscd.msk.f32 $0xffff, v10, v22;
	v3 =	vld [tilespmem:s25+$0xFFFFFF00];
	v36 =	vsel vm1, $0x0, v0;
	vm1 =	vlt.f32 v9, $1.175494350e-38  }
0x3b: {  	(xrf1) =	vsort.dscd.msk.f32 $0xffff, v8, v33;
	v0 =	vsel vm1, $0x0, v9  }
0x3c: {  	[tilespmem:$0x1FCD0] =	vst v8;
	(xrf1) =	vsort.dscd.msk.f32 $0xffff, v6, v22  }
0x3d: {  	[tilespmem:$0x1FCF0] =	vst v6;
	vm2 =	vlt.f32 v1, $1.175494350e-38;
	(xrf1) =	vsort.dscd.msk.f32 $0xffff, v36, v33  }
0x3e: {  	v32 =	vsel vm2, $0x0, v1;
	[tilespmem:$0x1FD30] =	vst v0;
	vm1 =	vlt.f32 v2, $1.175494350e-38;
	(xrf1) =	vsort.dscd.msk.f32 $0xffff, v0, v22;
	v0, v1, _ =	vpop (xrf1)  }
0x3f: {  	vm2 =	vlt.f32 v3, $1.175494350e-38;
	v39 =	vsel vm1, $0x0, v2;
	(xrf1) =	vsort.dscd.msk.f32 $0xffff, v32, v4;
	v0 =	vperm.xlane v0, v55;
	v2, v6, _ =	vpop (xrf1)  }
0x40: {  	v38 =	vsel vm2, $0x0, v3;
	(xrf1) =	vsort.dscd.msk.f32 $0xffff, v39, v4;
	v1 =	vperm.xlane v1, v55;
	v2 =	vperm.xlane v2, v55;
	v3, v8, _ =	vpop (xrf1)  }
0x41: {  	(xrf1) =	vsort.dscd.msk.f32 $0xffff, v38, v4;
	v6 =	vperm.xlane v6, v55;
	vm1 =	vge.f32 v3, v0;
	v9, v10, _ =	vpop (xrf1)  }
0x42: {  	vm2 =	vge.f32 v9, v2;
	v12 =	vsel vm1, v8, v1;
	v1 =	vsel vm1, v1, v8  }
0x43: {  	v11 =	vsel vm1, v3, v0;
	v0 =	vsel vm1, v0, v3;
	v8 =	vsel vm2, v10, v6  }
0x44: {  	(xrf1) =	vsort.dscd.msk.f32 $0xffff, v11, v12;
	v3 =	vsel vm2, v9, v2;
	v6 =	vsel vm2, v6, v10  }
0x45: {  	v2 =	vsel vm2, v2, v9;
	(xrf1) =	vsort.dscd.msk.f32 $0xffff, v0, v1  }
0x46: {  	v0, v1, _ =	vpop (xrf1);
	(xrf1) =	vsort.dscd.msk.f32 $0xffff, v3, v8  }
0x47: {  	v3, v8, _ =	vpop (xrf1);
	(xrf1) =	vsort.dscd.msk.f32 $0xffff, v2, v6  }
0x48: {  	v2, v6, _ =	vpop (xrf1)  }
0x49: {  	v9, v10, _ =	vpop (xrf1)  }
0x4a: {  	v11, v12, _ =	vpop (xrf1)  }
0x4b: {  	v0 =	vperm.xlane v0, v55;
	v1 =	vperm.xlane v1, v55;
	v13, v14, _ =	vpop (xrf1)  }
0x4c: {  	v3 =	vperm.xlane v3, v55;
	v8 =	vperm.xlane v8, v55;
	v18, v19, _ =	vpop (xrf1)  }
0x4d: {  	v2 =	vperm.xlane v2, v55;
	v6 =	vperm.xlane v6, v55;
	vm1 =	vge.f32 v11, v0;
	v21, v23, _ =	vpop (xrf1)  }
0x4e: {  	v9 =	vperm.xlane v9, v55;
	v13 =	vperm.xlane v13, v55;
	v4 =	vsel vm1, v12, v1;
	v24, v25, _ =	vpop (xrf1)  }
0x4f: {  	v26 =	vsel vm1, v11, v0;
	v1 =	vsel vm1, v1, v12;
	vm2 =	vge.f32 v18, v3;
	v28, v29, _ =	vpop (xrf1)  }
0x50: {  	v0 =	vsel vm1, v0, v11;
	v30 =	vsel vm2, v18, v3;
	v35 =	vsel vm2, v19, v8;
	v11, v12, _ =	vpop (xrf1)  }
0x51: {  	v3 =	vsel vm2, v3, v18;
	v8 =	vsel vm2, v8, v19;
	vm1 =	vge.f32 v24, v2;
	v18, v37, _ =	vpop (xrf1)  }
0x52: {  	v19 =	vsel vm1, v24, v2;
	(xrf1) =	vsort.dscd.msk.f32 $0xffff, v26, v4;
	v44 =	vsel vm1, v25, v6;
	v26, v4, _ =	vpop (xrf1)  }
0x53: {  	v2 =	vsel vm1, v2, v24;
	v6 =	vsel vm1, v6, v25;
	(xrf1) =	vsort.dscd.msk.f32 $0xffff, v0, v1;
	v0, v1, _ =	vpop (xrf1)  }
0x54: {  	(xrf1) =	vsort.dscd.msk.f32 $0xffff, v30, v35;
	v24 =	vperm.xlane v26, v55;
	v0 =	vperm.xlane v0, v55;
	v26, v30, _ =	vpop (xrf1)  }
0x55: {  	v25 =	vperm.xlane v4, v55;
	(xrf1) =	vsort.dscd.msk.f32 $0xffff, v3, v8;
	v1 =	vperm.xlane v1, v55;
	v3, v8, _ =	vpop (xrf1)  }
0x56: {  	(xrf1) =	vsort.dscd.msk.f32 $0xffff, v19, v44;
	vm1 =	vge.f32 v26, v0;
	vm2 =	vge.f32 v3, v24  }
0x57: {  	(xrf1) =	vsort.dscd.msk.f32 $0xffff, v2, v6;
	v19 =	vsel vm1, v26, v0;
	v4 =	vsel vm2, v3, v24  }
0x58: {  	v62 =	vsel vm1, v30, v1;
	v63 =	vsel vm2, v8, v25;
	vm3 =	vge.f32 v19, v4  }
0x59: {  	v0 =	vsel vm1, v0, v26;
	v2 =	vsel vm3, v19, v4;
	v6 =	vsel vm3, v62, v63  }
0x5a: {  	v1 =	vsel vm1, v1, v30;
	v8 =	vsel vm2, v25, v8;
	(xrf1) =	vsort.dscd.msk.f32 $0xffff, v2, v6  }
0x5b: {  	v2 =	vsel vm2, v24, v3;
	v3 =	vsel vm3, v4, v19;
	v6 =	vsel vm3, v63, v62  }
0x5c: {  	v19 =	vperm.xlane v21, v55;
	vm1 =	vge.f32 v0, v2;
	(xrf1) =	vsort.dscd.msk.f32 $0xffff, v3, v6  }
0x5d: {  	v3 =	vperm.xlane v10, v55;
	v6 =	vsel vm1, v0, v2;
	v10 =	vsel vm1, v1, v8  }
0x5e: {  	vm2 =	vge.f32 v18, v9;
	(xrf1) =	vsort.dscd.msk.f32 $0xffff, v6, v10;
	v6 =	vperm.xlane v14, v55  }
0x5f: {  	v10 =	vsel vm2, v18, v9;
	v14 =	vsel vm2, v37, v3;
	v3 =	vsel vm2, v3, v37  }
0x60: {  	v0 =	vsel vm1, v2, v0;
	v9 =	vsel vm2, v9, v18;
	(xrf1) =	vsort.dscd.msk.f32 $0xffff, v10, v14  }
0x61: {  	v1 =	vsel vm1, v8, v1;
	vm1 =	vge.f32 v28, v13;
	(xrf1) =	vsort.dscd.msk.f32 $0xffff, v9, v3  }
0x62: {  	v3, v37, _ =	vpop (xrf1);
	(xrf1) =	vsort.dscd.msk.f32 $0xffff, v0, v1;
	v0 =	vsel vm1, v28, v13;
	v13 =	vsel vm1, v13, v28  }
0x63: {  	v2 =	vperm.xlane v23, v55;
	v1 =	vsel vm1, v29, v6;
	v6 =	vsel vm1, v6, v29;
	v9, v10, _ =	vpop (xrf1)  }
0x64: {  	vm2 =	vge.f32 v11, v19;
	v14, v18, _ =	vpop (xrf1);
	(xrf1) =	vsort.dscd.msk.f32 $0xffff, v0, v1  }
0x65: {  	v0 =	vsel vm2, v11, v19;
	v1 =	vsel vm2, v12, v2;
	v21, v24, _ =	vpop (xrf1);
	(xrf1) =	vsort.dscd.msk.f32 $0xffff, v13, v6  }
0x66: {  	v6, v13, _ =	vpop (xrf1);
	(xrf1) =	vsort.dscd.msk.f32 $0xffff, v0, v1;
	v0 =	vsel vm2, v19, v11  }
0x67: {  	v1 =	vsel vm2, v2, v12  }
0x68: {  	v9 =	vperm.xlane v9, v55;
	v2, v50, _ =	vpop (xrf1)  }
0x69: {  	v20 =	vlaneseq.u32;
	v16 =	vperm.xlane v10, v55;
	v14 =	vperm.xlane v14, v55;
	(xrf1) =	vsort.dscd.msk.f32 $0xffff, v0, v1;
	v0, v17, _ =	vpop (xrf1)  }
0x6a: {  	v40 =	vimm.s32 $0xF;
	v8 =	vperm.xlane v21, v55;
	v12 =	vperm.xlane v0, v31;
	v1, v19, _ =	vpop (xrf1)  }
0x6b: {  	vm1 =	veq.s32 v20, $0x0;
	v21 =	vperm.xlane v0, v15;
	v25 =	vperm.xlane v1, v31  }
0x6c: {  	v18 =	vperm.xlane v18, v55;
	v11 =	vperm.xlane v3, v55;
	v12 =	vsel vm1, $0x7F800000, v12  }
0x6d: {  	[tilespmem:$0x1FD80] =	vst v0;
	vm2 =	vlt.f32 v0, v12;
	vm3 =	vgt.f32 v0, v12;
	v0, v26, _ =	vpop (xrf1);
	v21 =	vsel vm0, v21, v25  }
0x6e: {  	v12 =	vperm.xlane v1, v15;
	vm2 =	vmor vm3, vm2;
	v25 =	vperm.xlane v0, v31  }
0x6f: {  	vm3 =	vgt.f32 v1, v21;
	v28 =	vsel vm2, $0x1, v7;
	vm2 =	vlt.f32 v1, v21  }
0x70: {  	v24 =	vperm.xlane v24, v55;
	v6 =	vperm.xlane v6, v55;
	v21, v29, _ =	vpop (xrf1);
	vm2 =	vmor vm3, vm2  }
0x71: {  	v15 =	vperm.xlane v37, v55;
	(xrf0) =	vadd.scan.msk.s32 $0xffff, v28;
	v12 =	vsel vm0, v12, v25;
	v37, v44, _ =	vpop (xrf1);
	v28 =	vsel vm2, $0x1, v7  }
0x72: {  	v3 =	vperm.xlane v2, v55;
	[tilespmem:$0x1FD90] =	vst v1;
	vm2 =	vlt.f32 v0, v12;
	vm3 =	vgt.f32 v0, v12;
	v1, v45, _ =	vpop (xrf1)  }
0x73: {  	v25 =	vperm.xlane v0, v40;
	(xrf0) =	vadd.scan.msk.s32 $0xffff, v28;
	vm2 =	vmor vm3, vm2;
	v12 =	vperm.xlane v1, v31  }
0x74: {  	v10 =	vperm.xlane v50, v55;
	v49 =	vsel vm2, $0x1, v7;
	vm2 =	vge.f32 v21, v9;
	v28, v46, _ =	vpop (xrf1)  }
0x75: {  	v42 =	vsel vm2, v21, v9;
	v12 =	vsel vm0, v25, v12;
	vm5 =	vge.f32 v28, v8  }
0x76: {  	(xrf0) =	vadd.scan.msk.s32 $0xffff, v49;
	v47, v48, _ =	vpop (xrf1);
	vm3 =	vlt.f32 v1, v12;
	vm4 =	vgt.f32 v1, v12;
	v12 =	vperm.xlane v13, v55  }
0x77: {  	v13, _, _ =	vpop (xrf0);
	vm6 =	vge.f32 v47, v14;
	v5 =	vsel vm5, v28, v8;
	vm4 =	vmor vm4, vm3  }
0x78: {  	v25, v50, _ =	vpop (xrf1);
	v63 =	vsel vm5, v46, v24;
	v52 =	vperm.xlane v13, v40;
	v53 =	vsel vm4, $0x1, v7  }
0x79: {  	v8 =	vsel vm5, v8, v28;
	vm3 =	vge.f32 v37, v11;
	v57 =	vsel vm6, v47, v14;
	v54, _, _ =	vpop (xrf0);
	(xrf0) =	vadd.scan.msk.s32 $0xffff, v53  }
0x7a: {  	[tilespmem:$0x1FDB0] =	vst v1;
	v49, v51, _ =	vpop (xrf1);
	v1 =	vsel vm6, v48, v18;
	v13 =	vshll.u32 v13, $0x6;
	v52 =	vadd.s32 v52, v54  }
0x7b: {  	vm4 =	vge.f32 v25, v3;
	vm7 =	vge.f32 v49, v6;
	v56 =	vperm.xlane v52, v40  }
0x7c: {  	v43 =	vsel vm3, v37, v11;
	vm10 =	vge.f32 v5, v57;
	v62 =	vsel vm3, v44, v15;
	v59, _, _ =	vpop (xrf0)  }
0x7d: {  	v13 =	vadd.s32 v17, v13;
	v17 =	vsel vm2, v9, v21;
	v56 =	vadd.s32 v56, v59  }
0x7e: {  	v11 =	vsel vm3, v11, v37;
	vm9 =	vge.f32 v42, v43;
	v61 =	vperm.xlane v56, v40  }
0x7f: {  	[tilespmem:$0x1FDA0] =	vst v0;
	v4 =	vsel vm4, v25, v3;
	v58 =	vsel vm9, v42, v43;
	v59 =	vsel vm2, v29, v16;
	v0, _, _ =	vpop (xrf0)  }
0x80: {  	v53 =	vsel vm9, v43, v42;
	v43 =	vsel vm9, v59, v62;
	v0 =	vadd.s32 v61, v0  }
0x81: {  	v35 =	vsel vm10, v5, v57;
	v42 =	vsel vm10, v63, v1;
	(xrf1) =	vsort.dscd.msk.f32 $0xffff, v58, v43;
	v0 =	vshll.u32 v0, $0x6  }
0x82: {  	v7 =	vsel vm7, v49, v6;
	v52 =	vshll.u32 v52, $0x6;
	(xrf1) =	vsort.dscd.msk.f32 $0xffff, v35, v42;
	v0 =	vadd.s32 v45, v0  }
0x83: {  	v2 =	vsel vm4, v50, v10;
	v19 =	vadd.s32 v19, v52;
	v61 =	vshll.u32 v56, $0x6;
	(xrf1) =	vsort.ascd.msk.u32 $0xffff, v0, v0  }
0x84: {  	v54 =	vsel vm7, v51, v12;
	v26 =	vadd.s32 v26, v61;
	(xrf1) =	vsort.ascd.msk.u32 $0xffff, v19, v19  }
0x85: {  	v3 =	vsel vm4, v3, v25;
	vm8 =	vge.f32 v4, v7;
	(xrf1) =	vsort.ascd.msk.u32 $0xffff, v26, v26  }
0x86: {  	v6 =	vsel vm7, v6, v49;
	v60 =	vsel vm8, v2, v54;
	v58 =	vsel vm8, v4, v7  }
0x87: {  	vm14 =	vge.f32 v17, v11;
	v10 =	vsel vm4, v10, v50;
	(xrf1) =	vsort.dscd.msk.f32 $0xffff, v58, v60  }
0x88: {  	v12 =	vsel vm7, v12, v51;
	v1 =	vsel vm10, v1, v63;
	(xrf1) =	vsort.ascd.msk.u32 $0xffff, v13, v13  }
0x89: {  	v2 =	vsel vm8, v54, v2;
	v0 =	vsel vm9, v62, v59;
	v19 =	vsel vm10, v57, v5  }
0x8a: {  	v26 =	vsel vm8, v7, v4;
	v13 =	vsel vm6, v14, v47;
	(xrf1) =	vsort.dscd.msk.f32 $0xffff, v53, v0  }
0x8b: {  	v14 =	vsel vm5, v24, v46;
	(xrf1) =	vsort.dscd.msk.f32 $0xffff, v19, v1;
	v1 =	vsel vm14, v17, v11  }
0x8c: {  	v0 =	vsel vm2, v16, v29;
	(xrf1) =	vsort.dscd.msk.f32 $0xffff, v26, v2;
	v2 =	vsel vm3, v15, v44  }
0x8d: {  	vm15 =	vge.f32 v8, v13;
	vm2 =	vge.f32 v3, v6;
	v9 =	vsel vm14, v0, v2  }
0x8e: {  	v16 =	vsel vm15, v8, v13;
	v19 =	vsel vm2, v3, v6;
	v15 =	vsel vm6, v18, v48  }
0x8f: {  	v18 =	vsel vm15, v14, v15;
	v2 =	vsel vm14, v2, v0;
	(xrf1) =	vsort.dscd.msk.f32 $0xffff, v1, v9;
	v4, v1, _ =	vpop (xrf1)  }
0x90: {  	v21 =	vsel vm2, v10, v12;
	v8 =	vsel vm15, v13, v8;
	(xrf1) =	vsort.dscd.msk.f32 $0xffff, v16, v18;
	v9, v0, _ =	vpop (xrf1)  }
0x91: {  	v11 =	vsel vm14, v11, v17;
	v13 =	vsel vm15, v15, v14;
	(xrf1) =	vsort.dscd.msk.f32 $0xffff, v19, v21;
	v14, _, _ =	vpop (xrf1)  }
0x92: {  	v3 =	vsel vm2, v6, v3;
	(xrf1) =	vsort.dscd.msk.f32 $0xffff, v11, v2;
	v6 =	vperm.xlane v14, v55;
	v2, _, _ =	vpop (xrf1)  }
0x93: {  	v27 =	vimm.s32 $0x0;
	v10 =	vsel vm2, v12, v10;
	(xrf1) =	vsort.dscd.msk.f32 $0xffff, v8, v13;
	v8, _, _ =	vpop (xrf1)  }
0x94: {  	v12 =	vperm.xlane v4, v40;
	v11 =	vperm.xlane v4, v31;
	vm2 =	vlt.s32 v8, v6  }
0x95: {  	v18 =	vmov v4;
	(xrf1) =	vsort.dscd.msk.f32 $0xffff, v3, v10;
	v13 =	vperm.xlane v2, v55;
	v5, v2, _ =	vpop (xrf1);
	v3 =	vsel vm2, v8, v6  }
0x96: {  	v16 =	vperm.xlane v9, v40;
	v14 =	vperm.xlane v9, v31;
	v10, _, _ =	vpop (xrf1);
	v6 =	vsel vm2, v6, v8  }
0x97: {  	v11 =	vsel vm1, $0x7F800000, v11;
	v8 =	vperm.xlane v5, v31;
	vm3 =	vlt.s32 v10, v13;
	(xrf1) =	vsort.ascd.msk.u32 $0xffff, v3, v3  }
0x98: {  	v14 =	vsel vm1, $0x7F800000, v14;
	v15 =	vsel vm3, v10, v13;
	(xrf1) =	vsort.ascd.msk.u32 $0xffff, v6, v6;
	v10 =	vsel vm3, v13, v10  }
0x99: {  	[tilespmem:$0x1FF60] =	vst v18;
	vm2 =	vlt.f32 v18, v11;
	vm4 =	vlt.f32 v9, v14;
	v21, v3, _ =	vpop (xrf1);
	(xrf1) =	vsort.ascd.msk.u32 $0xffff, v15, v15  }
0x9a: {  	vm5 =	vgt.f32 v9, v14;
	v15 =	vsel vm1, $0x7F800000, v8;
	v13 =	vperm.xlane v21, v31;
	v4, v6, _ =	vpop (xrf1);
	(xrf1) =	vsort.ascd.msk.u32 $0xffff, v10, v10  }
0x9b: {  	v10 =	vmovc v18;
	v18 =	vperm.xlane v5, v40;
	vm11 =	vlt.f32 v5, v15;
	vm12 =	vgt.f32 v5, v15  }
0x9c: {  	v7, v8, _ =	vpop (xrf1);
	v17 =	vperm.xlane v4, v31;
	vm3 =	vgt.f32 v10, v11;
	v35 =	vperm.xlane v4, v40  }
0x9d: {  	v19 =	vperm.xlane v7, v31;
	vm2 =	vmor vm3, vm2;
	vm3 =	vmor vm5, vm4  }
0x9e: {  	v14 =	vsel vm0, v12, v13;
	vm4 =	vmor vm12, vm11;
	v56 =	vperm.xlane v7, v40  }
0x9f: {  	v15 =	vsel vm0, v16, v17;
	v16 =	vsel vm2, $0x1, v27;
	v17 =	vsel vm3, $0x1, v27  }
0xa0: {  	vm2 =	vlt.f32 v21, v14;
	vm3 =	vgt.f32 v21, v14;
	v18 =	vsel vm0, v18, v19  }
0xa1: {  	[tilespmem:$0x1FC60] =	vst v5;
	v5 =	vmovc v21;
	v19 =	vsel vm4, $0x1, v27;
	vm4 =	vlt.f32 v4, v15;
	vm5 =	vgt.f32 v4, v15  }
0xa2: {  	[tilespmem:$0x1FC80] =	vst v7;
	v23, v10, _ =	vpop (xrf1);
	v15 =	vperm.xlane v5, v40;
	vm2 =	vmor vm3, vm2;
	vm13 =	vlt.f32 v7, v18  }
0xa3: {  	(xrf0) =	vadd.scan.msk.s32 $0xffff, v16;
	v28 =	vperm.xlane v23, v31;
	vm14 =	vgt.f32 v7, v18;
	vm3 =	vmor vm5, vm4  }
0xa4: {  	v13, v11, _ =	vpop (xrf1);
	v59 =	vsel vm2, $0x1, v27;
	(xrf0) =	vadd.scan.msk.s32 $0xffff, v17;
	v17 =	vperm.xlane v23, v40;
	v7 =	vimm.s32 $0x0  }
0xa5: {  	[tilespmem:$0x1FFA0] =	vst v9;
	v9, v12, _ =	vpop (xrf1);
	v37 =	vperm.xlane v13, v31;
	vm4 =	vmor vm14, vm13;
	v60 =	vsel vm3, $0x1, v27  }
0xa6: {  	[tilespmem:$0x1FF70] =	vst v21;
	v25, v21, _ =	vpop (xrf1);
	v57 =	vperm.xlane v9, v31;
	v62 =	vsel vm4, $0x1, v27;
	v15 =	vsel vm0, v15, v28  }
0xa7: {  	v14, v24, _ =	vpop (xrf1);
	v28 =	vsel vm0, v35, v37;
	vm5 =	vlt.f32 v23, v15;
	vm6 =	vgt.f32 v23, v15  }
0xa8: {  	(xrf0) =	vadd.scan.msk.s32 $0xffff, v19;
	v19 =	vperm.xlane v25, v31;
	v37 =	vperm.xlane v9, v40;
	v5, v18, _ =	vpop (xrf1);
	v63 =	vsel vm0, v56, v57  }
0xa9: {  	vm15 =	vlt.f32 v13, v28;
	vm12 =	vgt.f32 v13, v28;
	vm5 =	vmor vm6, vm5;
	v58, _, _ =	vpop (xrf1)  }
0xaa: {  	[tilespmem:$0x1FC90] =	vst v13;
	v28 =	vperm.xlane v13, v40;
	v35 =	vperm.xlane v14, v31;
	v13 =	vimm.s32 $0x0;
	v61, _, _ =	vpop (xrf1)  }
0xab: {  	vm13 =	vlt.f32 v9, v63;
	v47 =	vperm.xlane v58, v55;
	v50 =	vperm.xlane v61, v55;
	v52, _, _ =	vpop (xrf1)  }
0xac: {  	vm14 =	vgt.f32 v9, v63;
	vm15 =	vmor vm12, vm15;
	v42 =	vperm.xlane v5, v31;
	v44, _, _ =	vpop (xrf1)  }
0xad: {  	v56 =	vsel vm5, $0x1, v7;
	vm4 =	vlt.s32 v52, v50;
	vm2 =	vlt.s32 v44, v47  }
0xae: {  	(xrf0) =	vadd.scan.msk.s32 $0xffff, v59;
	v17 =	vsel vm0, v17, v19;
	v15 =	vsel vm4, v52, v50;
	v45 =	vsel vm2, v44, v47  }
0xaf: {  	(xrf0) =	vadd.scan.msk.s32 $0xffff, v60;
	vm11 =	vmor vm14, vm13;
	v19 =	vsel vm0, v28, v35;
	vm3 =	vgt.s32 v15, v45  }
0xb0: {  	(xrf0) =	vadd.scan.msk.s32 $0xffff, v62;
	vm5 =	vlt.f32 v25, v17;
	vm6 =	vgt.f32 v25, v17;
	v16 =	vsel vm3, v45, v15  }
0xb1: {  	v57 =	vsel vm11, $0x1, v7;
	v28 =	vsel vm0, v37, v42;
	(xrf1) =	vsort.ascd.msk.u32 $0xffff, v16, v16;
	v16 =	vsel vm15, $0x1, v7  }
0xb2: {  	v43, _, _ =	vpop (xrf0);
	(xrf0) =	vadd.scan.msk.s32 $0xffff, v56;
	vm12 =	vlt.f32 v14, v19;
	vm13 =	vgt.f32 v14, v19;
	vm5 =	vmor vm6, vm5  }
0xb3: {  	v17, _, _ =	vpop (xrf0);
	vm14 =	vlt.f32 v5, v28;
	vm15 =	vgt.f32 v5, v28;
	v28 =	vsel vm5, $0x1, v13;
	(xrf0) =	vadd.scan.msk.s32 $0xffff, v16  }
0xb4: {  	v19 =	vperm.xlane v43, v40;
	vm11 =	vmor vm13, vm12;
	v16, _, _ =	vpop (xrf0);
	(xrf0) =	vadd.scan.msk.s32 $0xffff, v57  }
0xb5: {  	v59 =	vperm.xlane v17, v40;
	v60 =	vsel vm11, $0x1, v13;
	vm5 =	vmor vm15, vm14;
	v58, _, _ =	vpop (xrf0);
	(xrf0) =	vadd.scan.msk.s32 $0xffff, v28  }
0xb6: {  	v62 =	vsel vm5, $0x1, v13;
	v61 =	vperm.xlane v16, v40;
	v28, _, _ =	vpop (xrf0);
	v19 =	vadd.s32 v19, v58;
	(xrf0) =	vadd.scan.msk.s32 $0xffff, v60  }
0xb7: {  	v63 =	vsel vm4, v50, v52;
	v35, _, _ =	vpop (xrf0);
	v28 =	vadd.s32 v59, v28;
	v37 =	vperm.xlane v19, v40;
	(xrf0) =	vadd.scan.msk.s32 $0xffff, v62  }
0xb8: {  	v44 =	vsel vm2, v47, v44;
	v54, _, _ =	vpop (xrf0);
	v56 =	vperm.xlane v28, v40;
	v49 =	vadd.s32 v61, v35  }
0xb9: {  	vm2 =	vgt.s32 v63, v44;
	v57 =	vperm.xlane v49, v40;
	v58, _, _ =	vpop (xrf0);
	v48 =	vadd.s32 v37, v54  }
0xba: {  	v15 =	vsel vm3, v15, v45;
	v47 =	vadd.s32 v56, v58;
	v50 =	vperm.xlane v48, v40;
	v59, _, _ =	vpop (xrf0)  }
0xbb: {  	(xrf1) =	vsort.ascd.msk.u32 $0xffff, v15, v15;
	v15 =	vperm.xlane v47, v40;
	v45 =	vadd.s32 v57, v59;
	v60, _, _ =	vpop (xrf0)  }
0xbc: {  	v52 =	vsel vm2, v44, v63;
	v61 =	vperm.xlane v45, v40;
	v50 =	vadd.s32 v50, v60;
	v62, _, _ =	vpop (xrf0)  }
0xbd: {  	v44 =	vsel vm2, v63, v44;
	(xrf1) =	vsort.ascd.msk.u32 $0xffff, v52, v52;
	v63 =	vshll.u32 v50, $0x6;
	v15 =	vadd.s32 v15, v62;
	v35, _, _ =	vpop (xrf0)  }
0xbe: {  	(xrf1) =	vsort.ascd.msk.u32 $0xffff, v44, v44;
	v21 =	vadd.s32 v21, v63;
	v15 =	vshll.u32 v15, $0x6;
	v37 =	vadd.s32 v61, v35  }
0xbf: {  	(xrf1) =	vsort.ascd.msk.u32 $0xffff, v21, v21;
	v15 =	vadd.s32 v24, v15;
	v21 =	vshll.u32 v37, $0x6  }
0xc0: {  	v24 =	vshll.u32 v48, $0x6;
	v18 =	vadd.s32 v18, v21;
	(xrf1) =	vsort.ascd.msk.u32 $0xffff, v15, v15  }
0xc1: {  	v15 =	vshll.u32 v47, $0x6;
	v10 =	vadd.s32 v10, v24;
	(xrf1) =	vsort.ascd.msk.u32 $0xffff, v18, v18  }
0xc2: {  	v18 =	vshll.u32 v45, $0x6;
	v11 =	vadd.s32 v11, v15;
	(xrf1) =	vsort.ascd.msk.u32 $0xffff, v10, v10  }
0xc3: {  	v10 =	vshll.u32 v19, $0x6;
	v12 =	vadd.s32 v12, v18;
	(xrf1) =	vsort.ascd.msk.u32 $0xffff, v11, v11  }
0xc4: {  	v3 =	vadd.s32 v3, v10;
	(xrf1) =	vsort.ascd.msk.u32 $0xffff, v12, v12  }
0xc5: {  	v11 =	vshll.u32 v28, $0x6;
	(xrf1) =	vsort.ascd.msk.u32 $0xffff, v3, v3;
	v3 =	vshll.u32 v43, $0x6  }
0xc6: {  	v10 =	vshll.u32 v49, $0x6;
	v6 =	vadd.s32 v6, v11;
	v1 =	vadd.s32 v1, v3  }
0xc7: {  	v8 =	vadd.s32 v8, v10;
	(xrf1) =	vsort.ascd.msk.u32 $0xffff, v6, v6;
	v3 =	vshll.u32 v17, $0x6  }
0xc8: {  	(xrf1) =	vsort.ascd.msk.u32 $0xffff, v8, v8;
	v0 =	vadd.s32 v0, v3  }
0xc9: {  	(xrf1) =	vsort.ascd.msk.u32 $0xffff, v1, v1;
	v1, _, _ =	vpop (xrf1)  }
0xca: {  	[tilespmem:$0x1FEA0] =	vst v1;
	v1, _, _ =	vpop (xrf1)  }
0xcb: {  	(xrf1) =	vsort.ascd.msk.u32 $0xffff, v0, v0;
	[tilespmem:$0x1FEC0] =	vst v1;
	v1 =	vshll.u32 v16, $0x6;
	v0, _, _ =	vpop (xrf1)  }
0xcc: {  	[tilespmem:$0x1FF00] =	vst v0;
	v0 =	vadd.s32 v2, v1;
	_ =	sdelay $0x1  }
0xcd: {  	v1, _, _ =	vpop (xrf1)  }
0xce: {  	(xrf1) =	vsort.ascd.msk.u32 $0xffff, v0, v0;
	v0, _, _ =	vpop (xrf1)  }
0xcf: {  	[tilespmem:$0x1FF40] =	vst v1;
	v1, _, _ =	vpop (xrf1)  }
0xd0: {  	v2, _, _ =	vpop (xrf1)  }
0xd1: {  	v0 =	vperm.xlane v0, v55;
	v3, _, _ =	vpop (xrf1)  }
0xd2: {  	v1 =	vperm.xlane v1, v55;
	v6, _, _ =	vpop (xrf1)  }
0xd3: {  	[tilespmem:$0x1FC70] =	vst v4;
	v2 =	vperm.xlane v2, v55;
	vm2 =	vlt.s32 v3, v0;
	v10, _, _ =	vpop (xrf1)  }
0xd4: {  	[tilespmem:$0x1FF80] =	vst v23;
	v8 =	vsel vm2, v3, v0;
	v0 =	vsel vm2, v0, v3;
	vm2 =	vlt.s32 v6, v1;
	v3, _, _ =	vpop (xrf1)  }
0xd5: {  	[tilespmem:$0x1FCA0] =	vst v9;
	(xrf1) =	vsort.ascd.msk.u32 $0xffff, v8, v8;
	v8 =	vsel vm2, v6, v1;
	v1 =	vsel vm2, v1, v6;
	v6, _, _ =	vpop (xrf1)  }
0xd6: {  	[tilespmem:$0x1FF90] =	vst v25;
	vm2 =	vlt.s32 v10, v2;
	(xrf1) =	vsort.ascd.msk.u32 $0xffff, v0, v0;
	v0 =	vperm.xlane v3, v55;
	v3, _, _ =	vpop (xrf1)  }
0xd7: {  	[tilespmem:$0x1FCB0] =	vst v14;
	(xrf1) =	vsort.ascd.msk.u32 $0xffff, v8, v8;
	v8 =	vsel vm2, v10, v2;
	v2 =	vsel vm2, v2, v10;
	v10, _, _ =	vpop (xrf1)  }
0xd8: {  	s26 =	simm.s32 $0x300;
	[tilespmem:$0x1FCC0] =	vst v5;
	(xrf1) =	vsort.ascd.msk.u32 $0xffff, v1, v1;
	vm2 =	vlt.s32 v10, v0  }
0xd9: {  	v11 =	vld [tilespmem:s26+$0xB0];
	v1 =	vperm.xlane v6, v55;
	(xrf1) =	vsort.ascd.msk.u32 $0xffff, v8, v8;
	v8 =	vsel vm2, v10, v0  }
0xda: {  	v12 =	vld [tilespmem:s26+$0xA0];
	v3 =	vperm.xlane v3, v55;
	v6, _, _ =	vpop (xrf1);
	(xrf1) =	vsort.ascd.msk.u32 $0xffff, v2, v2  }
0xdb: {  	vm3 =	vlt.s32 v6, v1;
	v0 =	vsel vm2, v0, v10;
	v2 =	vld [tilespmem:s26+$0x90];
	(xrf1) =	vsort.ascd.msk.u32 $0xffff, v8, v8  }
0xdc: {  	v10 =	vsel vm3, v6, v1;
	(xrf1) =	vsort.ascd.msk.u32 $0xffff, v0, v0;
	v8, _, _ =	vpop (xrf1)  }
0xdd: {  	v0 =	vsel vm3, v1, v6;
	(xrf1) =	vsort.ascd.msk.u32 $0xffff, v10, v10;
	vm2 =	vlt.s32 v8, v3  }
0xde: {  	(xrf1) =	vsort.ascd.msk.u32 $0xffff, v0, v0;
	v1 =	vsel vm2, v8, v3;
	v0 =	vsel vm2, v3, v8;
	vm2 =	vlt.f32 v11, $1.175494350e-38  }
0xdf: {  	(xrf1) =	vsort.ascd.msk.u32 $0xffff, v1, v1;
	v3 =	vsel vm2, $0x0, v11;
	vm2 =	vlt.f32 v12, $1.175494350e-38  }
0xe0: {  	vm3 =	vlt.f32 v2, $1.175494350e-38;
	v1 =	vld [tilespmem:s26+$0x80];
	(xrf1) =	vsort.ascd.msk.u32 $0xffff, v0, v0;
	v4 =	vsel vm2, $0x0, v12  }
0xe1: {  	v5 =	vsel vm3, $0x0, v2;
	[tilespmem:$0x1FE80] =	vst v3;
	(xrf1) =	vsort.dscd.msk.f32 $0xffff, v3, v34  }
0xe2: {  	v0 =	vld [tilespmem:s26+$0xFFFFFF30];
	[tilespmem:$0x1FE40] =	vst v5;
	(xrf1) =	vsort.dscd.msk.f32 $0xffff, v5, v33  }
0xe3: {  	v2 =	vld [tilespmem:s26+$0xFFFFFFB0];
	[tilespmem:$0x1FE70] =	vst v4;
	(xrf1) =	vsort.dscd.msk.f32 $0xffff, v4, v22;
	v4, _, _ =	vpop (xrf1)  }
0xe4: {  	v3 =	vld [tilespmem:s26+$0x30];
	[tilespmem:$0x1FDC0] =	vst v4;
	v4, _, _ =	vpop (xrf1)  }
0xe5: {  	vm2 =	vlt.f32 v1, $1.175494350e-38;
	v6 =	vld [tilespmem:s26+$0xFFFFFF10];
	[tilespmem:$0x1FDD0] =	vst v4;
	v4, _, _ =	vpop (xrf1)  }
0xe6: {  	v1 =	vsel vm2, $0x0, v1;
	v8 =	vld [tilespmem:s26+$0xFFFFFF20];
	[tilespmem:$0x1FDE0] =	vst v4  }
0xe7: {  	vm3 =	vlt.f32 v0, $1.175494350e-38;
	v4, _, _ =	vpop (xrf1);
	v10 =	vld [tilespmem:s26+$0xFFFFFF90];
	[tilespmem:$0x1FE50] =	vst v1  }
0xe8: {  	[tilespmem:$0x1FDF0] =	vst v4;
	v4 =	vsel vm3, $0x0, v0  }
0xe9: {  	(xrf1) =	vsort.dscd.msk.f32 $0xffff, v1, v20;
	vm2 =	vlt.f32 v2, $1.175494350e-38;
	[tilespmem:$0x1FE10] =	vst v4;
	v1, _, _ =	vpop (xrf1)  }
0xea: {  	v5 =	vsel vm2, $0x0, v2;
	v0 =	vld [tilespmem:s26+$0xFFFFFFA0];
	[tilespmem:$0x1FEE0] =	vst v1  }
0xeb: {  	vm2 =	vlt.f32 v3, $1.175494350e-38;
	(xrf1) =	vsort.dscd.msk.f32 $0xffff, v4, v34;
	[tilespmem:$0x1FE20] =	vst v5;
	v2, _, _ =	vpop (xrf1)  }
0xec: {  	(xrf1) =	vsort.dscd.msk.f32 $0xffff, v5, v34;
	v1 =	vld [tilespmem:s26+$0x10];
	[tilespmem:$0x1FED0] =	vst v2;
	v2 =	vsel vm2, $0x0, v3;
	vm2 =	vlt.f32 v8, $1.175494350e-38  }
0xed: {  	vm3 =	vlt.f32 v6, $1.175494350e-38;
	v49, _, _ =	vpop (xrf1);
	v11 =	vld [tilespmem:s26+$0x20];
	[tilespmem:$0x1FE30] =	vst v2;
	(xrf1) =	vsort.dscd.msk.f32 $0xffff, v2, v34;
	v2 =	vsel vm2, $0x0, v8  }
0xee: {  	v27 =	vsel vm3, $0x0, v6;
	v56, _, _ =	vpop (xrf1);
	v6 =	vld [tilespmem:s26+$0xFFFFFF80];
	[tilespmem:$0x1FE00] =	vst v2  }
0xef: {  	vm2 =	vlt.f32 v10, $1.175494350e-38;
	v52, _, _ =	vpop (xrf1);
	v8 =	vld [tilespmem:s26+$0x0]  }
0xf0: {  	v7 =	vsel vm2, $0x0, v10;
	v53, _, _ =	vpop (xrf1);
	vm2 =	vlt.f32 v0, $1.175494350e-38  }
0xf1: {  	(xrf1) =	vsort.dscd.msk.f32 $0xffff, v27, v33;
	v12 =	vld [tilespmem:s26+$0xFFFFFF00];
	v62 =	vsel vm2, $0x0, v0;
	vm2 =	vlt.f32 v1, $1.175494350e-38;
	v0, _, _ =	vpop (xrf1)  }
0xf2: {  	(xrf1) =	vsort.dscd.msk.f32 $0xffff, v2, v22;
	[tilespmem:$0x1FF10] =	vst v0;
	v58 =	vsel vm2, $0x0, v1;
	vm2 =	vlt.f32 v11, $1.175494350e-38;
	v0, _, _ =	vpop (xrf1)  }
0xf3: {  	(xrf1) =	vsort.dscd.msk.f32 $0xffff, v7, v33;
	[tilespmem:$0x1FF20] =	vst v0;
	vm3 =	vlt.f32 v6, $1.175494350e-38;
	v61 =	vsel vm2, $0x0, v11;
	v0, v10, _ =	vpop (xrf1)  }
0xf4: {  	(xrf1) =	vsort.dscd.msk.f32 $0xffff, v62, v22;
	v60 =	vsel vm3, $0x0, v6;
	v6 =	vperm.xlane v0, v55;
	v11, v15, _ =	vpop (xrf1);
	vm2 =	vlt.f32 v8, $1.175494350e-38  }
0xf5: {  	(xrf1) =	vsort.dscd.msk.f32 $0xffff, v58, v33;
	v54 =	vsel vm2, $0x0, v8;
	v8 =	vperm.xlane v10, v55;
	v10, v16, _ =	vpop (xrf1)  }
0xf6: {  	(xrf1) =	vsort.dscd.msk.f32 $0xffff, v61, v22;
	vm3 =	vlt.f32 v12, $1.175494350e-38;
	vm2 =	vge.f32 v10, v6  }
0xf7: {  	(xrf1) =	vsort.dscd.msk.f32 $0xffff, v60, v20;
	v63 =	vsel vm3, $0x0, v12;
	v12 =	vsel vm2, v10, v6  }
0xf8: {  	v11 =	vperm.xlane v11, v55;
	(xrf1) =	vsort.dscd.msk.f32 $0xffff, v54, v20;
	v17 =	vsel vm2, v16, v8  }
0xf9: {  	(xrf1) =	vsort.dscd.msk.f32 $0xffff, v63, v20;
	v6 =	vsel vm2, v6, v10;
	v10 =	vperm.xlane v15, v55  }
0xfa: {  	v8 =	vsel vm2, v8, v16;
	(xrf1) =	vsort.dscd.msk.f32 $0xffff, v12, v17;
	v12, v15, _ =	vpop (xrf1)  }
0xfb: {  	(xrf1) =	vsort.dscd.msk.f32 $0xffff, v6, v8;
	vm2 =	vge.f32 v12, v11  }
0xfc: {  	v16, v17, _ =	vpop (xrf1);
	v6 =	vsel vm2, v12, v11;
	v8 =	vsel vm2, v15, v10  }
0xfd: {  	(xrf1) =	vsort.dscd.msk.f32 $0xffff, v6, v8;
	v8 =	vsel vm2, v10, v15;
	v10, v9, _ =	vpop (xrf1)  }
0xfe: {  	v6 =	vsel vm2, v11, v12;
	v12, v15, _ =	vpop (xrf1)  }
0xff: {  	v16 =	vperm.xlane v16, v55;
	(xrf1) =	vsort.dscd.msk.f32 $0xffff, v6, v8;
	v22, v28, _ =	vpop (xrf1)  }
0x100: {  	v17 =	vperm.xlane v17, v55;
	v8, v47, _ =	vpop (xrf1)  }
0x101: {  	v25, v26, _ =	vpop (xrf1);
	vm2 =	vge.f32 v8, v16  }
0x102: {  	v10 =	vperm.xlane v10, v55;
	v0, v3, _ =	vpop (xrf1);
	v6 =	vsel vm2, v8, v16;
	v2 =	vsel vm2, v47, v17  }
0x103: {  	v37, v50, _ =	vpop (xrf1);
	(xrf1) =	vsort.dscd.msk.f32 $0xffff, v6, v2;
	v2 =	vperm.xlane v9, v55  }
0x104: {  	v8 =	vsel vm2, v16, v8;
	v43 =	vsel vm2, v17, v47;
	vm2 =	vge.f32 v0, v10;
	v1, v18, _ =	vpop (xrf1)  }
0x105: {  	(xrf1) =	vsort.dscd.msk.f32 $0xffff, v8, v43;
	v8 =	vsel vm2, v0, v10;
	v20, v23, _ =	vpop (xrf1);
	v57 =	vsel vm2, v3, v2  }
0x106: {  	v21, v24, _ =	vpop (xrf1);
	(xrf1) =	vsort.dscd.msk.f32 $0xffff, v8, v57;
	v8 =	vperm.xlane v12, v55  }
0x107: {  	v6 =	vsel vm2, v10, v0;
	v0 =	vperm.xlane v15, v55;
	v17, v19, _ =	vpop (xrf1)  }
0x108: {  	v2 =	vsel vm2, v2, v3;
	v12, v59, _ =	vpop (xrf1);
	vm2 =	vge.f32 v1, v8  }
0x109: {  	v10, v15, _ =	vpop (xrf1);
	(xrf1) =	vsort.dscd.msk.f32 $0xffff, v6, v2;
	v6 =	vperm.xlane v12, v55;
	v12 =	vsel vm2, v18, v0  }
0x10a: {  	v3 =	vperm.xlane v10, v55;
	v10 =	vsel vm2, v1, v8;
	_ =	sdelay $0x1  }
0x10b: {  	v2, v11, _ =	vpop (xrf1)  }
0x10c: {  	v16 =	vsel vm2, v8, v1;
	v8 =	vperm.xlane v15, v55;
	(xrf1) =	vsort.dscd.msk.f32 $0xffff, v10, v12;
	v10, v12, _ =	vpop (xrf1)  }
0x10d: {  	v15 =	vperm.xlane v59, v55;
	vm3 =	vge.f32 v2, v3;
	vm4 =	vge.f32 v10, v6  }
0x10e: {  	v9 =	vsel vm2, v0, v18;
	v18 =	vsel vm3, v2, v3;
	v34 =	vsel vm4, v10, v6  }
0x10f: {  	v1 =	vsel vm3, v11, v8;
	v0 =	vsel vm4, v12, v15;
	vm2 =	vge.f32 v18, v34  }
0x110: {  	(xrf1) =	vsort.dscd.msk.f32 $0xffff, v16, v9;
	v9 =	vsel vm2, v18, v34;
	v16 =	vsel vm2, v1, v0  }
0x111: {  	v0 =	vsel vm2, v0, v1;
	(xrf1) =	vsort.dscd.msk.f32 $0xffff, v9, v16;
	v9 =	vsel vm2, v34, v18  }
0x112: {  	v1 =	vsel vm3, v8, v11;
	(xrf1) =	vsort.dscd.msk.f32 $0xffff, v9, v0  }
0x113: {  	v0 =	vsel vm3, v3, v2;
	v2 =	vsel vm4, v6, v10;
	v6 =	vperm.xlane v22, v55  }
0x114: {  	v8 =	vperm.xlane v28, v55;
	v3 =	vsel vm4, v15, v12;
	vm2 =	vge.f32 v0, v2  }
0x115: {  	v9 =	vsel vm2, v0, v2;
	v10 =	vsel vm2, v1, v3;
	vm3 =	vge.f32 v17, v6  }
0x116: {  	(xrf1) =	vsort.dscd.msk.f32 $0xffff, v9, v10;
	v9 =	vsel vm3, v17, v6;
	v10 =	vsel vm3, v19, v8  }
0x117: {  	v6 =	vsel vm3, v6, v17;
	v8 =	vsel vm3, v8, v19;
	(xrf1) =	vsort.dscd.msk.f32 $0xffff, v9, v10  }
0x118: {  	v0 =	vsel vm2, v2, v0;
	v1 =	vsel vm2, v3, v1;
	(xrf1) =	vsort.dscd.msk.f32 $0xffff, v6, v8  }
0x119: {  	(xrf1) =	vsort.dscd.msk.f32 $0xffff, v0, v1;
	v0 =	vld [tilespmem:$0x1FCD0];
	_ =	sdelay $0x4  }
0x11a: {  	v12 =	vadd.f32 v0, v32;
	v0 =	vld [tilespmem:$0x1FCE0];
	_ =	sdelay $0x2  }
0x11b: {  	v6 =	vadd.f32 v41, v38;
	_ =	sdelay $0x1  }
0x11c: {  	v17 =	vadd.f32 v0, v6;
	v0 =	vld [tilespmem:$0x1FCF0]  }
0x11d: {  	v16, v5, _ =	vpop (xrf1)  }
0x11e: {  	v15, v29, _ =	vpop (xrf1)  }
0x11f: {  	v4, v34, _ =	vpop (xrf1)  }
0x120: {  	v9, v30, _ =	vpop (xrf1)  }
0x121: {  	v42, v46, _ =	vpop (xrf1);
	v28 =	vadd.f32 v0, v12;
	v0 =	vld [tilespmem:$0x1FD00]  }
0x122: {  	v25 =	vperm.xlane v25, v55;
	v41, v45, _ =	vpop (xrf1)  }
0x123: {  	v44, v48, _ =	vpop (xrf1)  }
0x124: {  	v22 =	vadd.f32 v36, v39;
	vm2 =	vge.f32 v20, v25;
	v47, v43, _ =	vpop (xrf1);
	v12 =	vperm.xlane v44, v31  }
0x125: {  	v35 =	vperm.xlane v47, v31;
	v51 =	vperm.xlane v47, v40;
	v6 =	vsel vm2, v20, v25  }
0x126: {  	v12 =	vsel vm1, $0x7F800000, v12;
	v17 =	vadd.f32 v0, v17;
	v0 =	vperm.xlane v44, v40  }
0x127: {  	v20 =	vsel vm2, v25, v20;
	v57, v38, _ =	vpop (xrf1);
	vm3 =	vlt.f32 v44, v12;
	vm4 =	vgt.f32 v44, v12  }
0x128: {  	v1 =	vperm.xlane v57, v31;
	vm3 =	vmor vm4, vm3;
	v12 =	vsel vm0, v0, v35  }
0x129: {  	v0 =	vsel vm3, $0x1, v13;
	vm4 =	vlt.f32 v47, v12;
	vm5 =	vgt.f32 v47, v12  }
0x12a: {  	v35, v39, _ =	vpop (xrf1);
	(xrf0) =	vadd.scan.msk.s32 $0xffff, v0;
	v0 =	vsel vm0, v51, v1;
	v1 =	vperm.xlane v26, v55;
	vm3 =	vmor vm5, vm4  }
0x12b: {  	v14, v36, _ =	vpop (xrf1);
	vm4 =	vlt.f32 v57, v0;
	vm5 =	vgt.f32 v57, v0;
	v0 =	vsel vm3, $0x1, v13  }
0x12c: {  	v51, v10, _ =	vpop (xrf1);
	v3 =	vsel vm2, v23, v1;
	v1 =	vsel vm2, v1, v23;
	vm2 =	vmor vm5, vm4;
	(xrf0) =	vadd.scan.msk.s32 $0xffff, v0  }
0x12d: {  	v2 =	vperm.xlane v57, v40;
	v0 =	vperm.xlane v51, v31;
	(xrf1) =	vsort.dscd.msk.f32 $0xffff, v6, v3;
	v3 =	vsel vm2, $0x1, v13  }
0x12e: {  	v23 =	vperm.xlane v37, v55;
	(xrf0) =	vadd.scan.msk.s32 $0xffff, v3;
	v3 =	vld [tilespmem:$0x1FD30]  }
0x12f: {  	v0 =	vsel vm0, v2, v0;
	v2 =	vperm.xlane v50, v55  }
0x130: {  	vm4 =	vge.f32 v21, v23;
	(xrf1) =	vsort.dscd.msk.f32 $0xffff, v20, v1;
	vm2 =	vlt.f32 v51, v0  }
0x131: {  	vm3 =	vgt.f32 v51, v0;
	v0 =	vsel vm4, v21, v23;
	v1 =	vsel vm4, v24, v2  }
0x132: {  	(xrf1) =	vsort.dscd.msk.f32 $0xffff, v0, v1;
	v0 =	vld [tilespmem:$0x1FD10]  }
0x133: {  	v20 =	vadd.f32 v3, v22;
	v3 =	vld [tilespmem:$0x1FD40]  }
0x134: {  	v1 =	vld [tilespmem:$0x1FD20];
	_ =	sdelay $0x1  }
0x135: {  	vm2 =	vmor vm3, vm2  }
0x136: {  	v6 =	vsel vm2, $0x1, v13  }
0x137: {  	v32, _, _ =	vpop (xrf0);
	v22 =	vadd.f32 v3, v28;
	v3 =	vld [tilespmem:$0x1FD50]  }
0x138: {  	v0 =	vadd.f32 v0, v1;
	v1 =	vperm.xlane v32, v40  }
0x139: {  	(xrf0) =	vadd.scan.msk.s32 $0xffff, v6;
	v6, _, _ =	vpop (xrf0)  }
0x13a: {  	v2 =	vsel vm4, v2, v24;
	v1 =	vadd.s32 v1, v6;
	v6 =	vsel vm4, v23, v21  }
0x13b: {  	(xrf1) =	vsort.dscd.msk.f32 $0xffff, v6, v2;
	v2 =	vld [tilespmem:$0x1FD60]  }
0x13c: {  	v0 =	vadd.f32 v3, v0;
	v3 =	vld [tilespmem:$0x1FD70]  }
0x13d: {  	(xrf2) =	vadd.scan.msk.f32 $0xffff, v17;
	_ =	sdelay $0x2  }
0x13e: {  	v2 =	vadd.f32 v2, v20  }
0x13f: {  	(xrf2) =	vadd.scan.msk.f32 $0xffff, v22;
	v0 =	vadd.f32 v3, v0  }
0x140: {  	(xrf2) =	vadd.scan.msk.f32 $0xffff, v2  }
0x141: {  	v12 =	vperm.xlane v15, v55;
	v15 =	vperm.xlane v16, v55;
	(xrf2) =	vadd.scan.msk.f32 $0xffff, v0  }
0x142: {  	v19 =	vperm.xlane v29, v55;
	v17 =	vperm.xlane v1, v40  }
0x143: {  	v25 =	vperm.xlane v5, v55;
	vm3 =	vge.f32 v14, v15;
	vm2 =	vge.f32 v35, v12;
	v6, _, _ =	vpop (xrf0)  }
0x144: {  	v21 =	vsel vm3, v14, v15;
	v8 =	vadd.s32 v17, v6;
	v20 =	vsel vm2, v35, v12  }
0x145: {  	v16 =	vperm.xlane v4, v55;
	v50, _, _ =	vpop (xrf2);
	vm8 =	vge.f32 v20, v21;
	v2 =	vperm.xlane v8, v40  }
0x146: {  	v23 =	vsel vm3, v36, v25;
	v22 =	vsel vm2, v39, v19;
	v29 =	vsel vm8, v20, v21;
	v0, _, _ =	vpop (xrf0)  }
0x147: {  	v26 =	vperm.xlane v30, v55;
	v24, v4, _ =	vpop (xrf1);
	v30 =	vsel vm8, v22, v23;
	v0 =	vadd.s32 v2, v0  }
0x148: {  	v11 =	vperm.xlane v42, v55;
	v5, v37, _ =	vpop (xrf1);
	v0 =	vshll.u32 v0, $0x6  }
0x149: {  	v28 =	vperm.xlane v34, v55;
	v17 =	vperm.xlane v9, v55;
	(xrf1) =	vsort.dscd.msk.f32 $0xffff, v29, v30;
	v29, _, _ =	vpop (xrf2)  }
0x14a: {  	v34 =	vperm.xlane v41, v55;
	v1 =	vshll.u32 v1, $0x6;
	vm5 =	vge.f32 v5, v16;
	v30, _, _ =	vpop (xrf2)  }
0x14b: {  	vm4 =	vge.f32 v24, v17;
	v3 =	vsel vm5, v5, v16;
	v18 =	vadd.s32 v10, v0;
	v0, _, _ =	vpop (xrf2)  }
0x14c: {  	v10 =	vadd.s32 v43, v1;
	v43 =	vsel vm4, v24, v17;
	v2 =	vperm.xlane v0, v40  }
0x14d: {  	v6 =	vsel vm5, v37, v28;
	v9 =	vsel vm4, v4, v26;
	vm12 =	vge.f32 v43, v3  }
0x14e: {  	v41, v42, _ =	vpop (xrf1);
	v59 =	vsel vm12, v9, v6;
	v0 =	vsel vm12, v43, v3;
	v2 =	vadd.f32 $1.000000010e-10, v2  }
0x14f: {  	v46 =	vperm.xlane v46, v55;
	v8 =	vshll.u32 v8, $0x6;
	vm13 =	vge.f32 v41, v34;
	(xrf1) =	vsort.dscd.msk.f32 $0xffff, v0, v59  }
0x150: {  	v8 =	vadd.s32 v38, v8;
	(xrf1) =	vsort.ascd.msk.u32 $0xffff, v18, v18;
	v18 =	vperm.xlane v45, v55;
	v38, v45, _ =	vpop (xrf1);
	(erf) = vrcp.f32 v2  }
0x151: {  	v20 =	vsel vm8, v21, v20;
	v21 =	vsel vm8, v23, v22;
	vm14 =	vge.f32 v38, v11  }
0x152: {  	(xrf1) =	vsort.ascd.msk.u32 $0xffff, v10, v10;
	v2 =	vsel vm13, v41, v34;
	v10 =	vsel vm14, v38, v11  }
0x153: {  	v1 =	vsel vm13, v42, v18;
	v0 =	vsel vm14, v45, v46;
	vm15 =	vge.f32 v2, v10  }
0x154: {  	(xrf1) =	vsort.ascd.msk.u32 $0xffff, v8, v8;
	v8 =	vshll.u32 v32, $0x6;
	v32 =	vsel vm15, v2, v10;
	v59 =	vsel vm15, v1, v0  }
0x155: {  	v6 =	vsel vm12, v6, v9;
	v8 =	vadd.s32 v48, v8;
	(xrf1) =	vsort.dscd.msk.f32 $0xffff, v32, v59  }
0x156: {  	v3 =	vsel vm12, v3, v43;
	v0 =	vsel vm15, v0, v1;
	(xrf1) =	vsort.ascd.msk.u32 $0xffff, v8, v8  }
0x157: {  	v2 =	vsel vm15, v10, v2;
	v10 =	vsel vm4, v26, v4;
	v4 =	vld [tilespmem:$0x1FD80];
	(xrf1) =	vsort.dscd.msk.f32 $0xffff, v20, v21  }
0x158: {  	(xrf1) =	vsort.dscd.msk.f32 $0xffff, v3, v6  }
0x159: {  	(xrf1) =	vsort.dscd.msk.f32 $0xffff, v2, v0;
	v0 =	vpop (erf)  }
0x15a: {  	v0 =	vmul.f32 $1.399999980e+00, v0;
	_ =	sdelay $0x1  }
0x15b: {  	v4 =	vmul.f32 v0, v4;
	_ =	sdelay $0x1  }
0x15c: {  	[tilespmem:$0x1FEB0] =	vst v4;
	v4 =	vld [tilespmem:$0x1FD90];
	_ =	sdelay $0x4  }
0x15d: {  	v4 =	vmul.f32 v0, v4;
	_ =	sdelay $0x1  }
0x15e: {  	[tilespmem:$0x1FEF0] =	vst v4;
	v4 =	vld [tilespmem:$0x1FDA0];
	_ =	sdelay $0x4  }
0x15f: {  	v4 =	vmul.f32 v0, v4;
	_ =	sdelay $0x1  }
0x160: {  	v11 =	vsel vm14, v11, v38;
	[tilespmem:$0x1FF30] =	vst v4;
	v4 =	vld [tilespmem:$0x1FDB0]  }
0x161: {  	v18 =	vsel vm13, v18, v42;
	v1 =	vsel vm2, v12, v35;
	v3 =	vsel vm3, v15, v14  }
0x162: {  	v8 =	vsel vm3, v25, v36;
	v6 =	vsel vm2, v19, v39;
	vm2 =	vge.f32 v1, v3  }
0x163: {  	v20 =	vsel vm13, v34, v41;
	v2 =	vsel vm2, v1, v3;
	v9 =	vsel vm2, v6, v8  }
0x164: {  	(xrf1) =	vsort.dscd.msk.f32 $0xffff, v2, v9;
	v2 =	vsel vm4, v17, v24;
	v9 =	vsel vm5, v16, v5  }
0x165: {  	v16 =	vsel vm5, v28, v37;
	vm3 =	vge.f32 v2, v9;
	v0 =	vmul.f32 v0, v4  }
0x166: {  	v21 =	vsel vm14, v46, v45;
	v12 =	vsel vm3, v2, v9;
	v15 =	vsel vm3, v10, v16  }
0x167: {  	vm4 =	vge.f32 v20, v11;
	(xrf1) =	vsort.dscd.msk.f32 $0xffff, v12, v15;
	[tilespmem:$0x1FF50] =	vst v0;
	v0 =	vsel vm2, v3, v1  }
0x168: {  	v1 =	vsel vm2, v8, v6;
	v3 =	vsel vm4, v20, v11;
	v6 =	vsel vm4, v18, v21  }
0x169: {  	(xrf1) =	vsort.dscd.msk.f32 $0xffff, v3, v6  }
0x16a: {  	v8 =	vsel vm3, v9, v2;
	v2, v26, _ =	vpop (xrf1);
	(xrf1) =	vsort.dscd.msk.f32 $0xffff, v0, v1;
	v0 =	vld [tilespmem:$0x1FDC0];
	_ =	sdelay $0x4  }
0x16b: {  	v1 =	vperm.xlane v0, v55;
	v0 =	vld [tilespmem:$0x1FDD0];
	_ =	sdelay $0x4  }
0x16c: {  	v22 =	vperm.xlane v0, v55;
	v0 =	vld [tilespmem:$0x1FDE0];
	_ =	sdelay $0x4  }
0x16d: {  	v23 =	vperm.xlane v0, v55;
	v0 =	vld [tilespmem:$0x1FDF0];
	_ =	sdelay $0x4  }
0x16e: {  	v24 =	vperm.xlane v0, v55;
	v0 =	vld [tilespmem:$0x1FE00];
	_ =	sdelay $0x1  }
0x16f: {  	v10 =	vsel vm3, v16, v10  }
0x170: {  	v4, v15, _ =	vpop (xrf1);
	(xrf1) =	vsort.dscd.msk.f32 $0xffff, v8, v10;
	v8 =	vadd.f32 v27, v63;
	_ =	sdelay $0x1  }
0x171: {  	v16, _, _ =	vpop (xrf1);
	v8 =	vadd.f32 v0, v8;
	v0 =	vld [tilespmem:$0x1FE10]  }
0x172: {  	v11 =	vsel vm4, v11, v20;
	v16 =	vperm.xlane v16, v55;
	v20, _, _ =	vpop (xrf1)  }
0x173: {  	v18 =	vsel vm4, v21, v18;
	v21, _, _ =	vpop (xrf1)  }
0x174: {  	v19 =	vadd.f32 v58, v54;
	vm4 =	vlt.s32 v21, v16  }
0x175: {  	(xrf1) =	vsort.dscd.msk.f32 $0xffff, v11, v18;
	v10 =	vsel vm4, v21, v16  }
0x176: {  	(xrf1) =	vsort.ascd.msk.u32 $0xffff, v10, v10;
	v10 =	vadd.f32 v61, v19;
	v19 =	vadd.f32 v0, v8;
	v0 =	vld [tilespmem:$0x1FE20]  }
0x177: {  	v17 =	vadd.f32 v7, v60;
	v6 =	vperm.xlane v30, v40;
	_ =	sdelay $0x1  }
0x178: {  	v11 =	vadd.f32 $1.000000010e-10, v6;
	v6 =	vadd.f32 v62, v17;
	_ =	sdelay $0x1  }
0x179: {  	v9 =	vperm.xlane v50, v40;
	v3 =	vperm.xlane v29, v40;
	v29 =	vadd.f32 v0, v6;
	v0 =	vld [tilespmem:$0x1FE30];
	_ =	sdelay $0x1  }
0x17a: {  	v9 =	vadd.f32 $1.000000010e-10, v9;
	vm2 =	vlt.s32 v56, v1  }
0x17b: {  	v17 =	vsel vm4, v16, v21;
	v43 =	vsel vm2, v1, v56;
	vm3 =	vlt.s32 v49, v22  }
0x17c: {  	v48 =	vsel vm3, v49, v22;
	v41 =	vsel vm3, v22, v49;
	v49 =	vsel vm2, v56, v1;
	v1 =	vld [tilespmem:$0x1FE50]  }
0x17d: {  	v3 =	vadd.f32 $1.000000010e-10, v3;
	v46 =	vadd.f32 v0, v10;
	v0 =	vld [tilespmem:$0x1FE40]  }
0x17e: {  	(erf) = vrcp.f32 v9;
	v9 =	vperm.xlane v20, v55;
	v16, v34, _ =	vpop (xrf1)  }
0x17f: {  	(erf) = vrcp.f32 v3;
	(xrf1) =	vsort.ascd.msk.u32 $0xffff, v17, v17;
	v17, _, _ =	vpop (xrf1)  }
0x180: {  	v63 =	vperm.xlane v4, v40;
	(erf) = vrcp.f32 v11;
	vm9 =	vlt.s32 v17, v9;
	v5, v25, _ =	vpop (xrf1)  }
0x181: {  	v3 =	vsel vm9, v9, v17;
	v35 =	vperm.xlane v5, v40;
	vm5 =	vlt.s32 v53, v23  }
0x182: {  	v27, v54, _ =	vpop (xrf1);
	v8 =	vsel vm9, v17, v9;
	v9 =	vperm.xlane v2, v31;
	v11 =	vadd.f32 v0, v1;
	v1 =	vld [tilespmem:$0x1FE70]  }
0x183: {  	v45 =	vperm.xlane v27, v31;
	v42 =	vsel vm5, v53, v23;
	vm4 =	vlt.s32 v52, v24;
	v17, v50, _ =	vpop (xrf1)  }
0x184: {  	v12 =	vsel vm4, v24, v52;
	(xrf1) =	vsort.ascd.msk.u32 $0xffff, v8, v8;
	v8 =	vsel vm5, v23, v53;
	v60, v28, _ =	vpop (xrf1);
	v9 =	vsel vm1, $0x7F800000, v9  }
0x185: {  	(xrf1) =	vsort.ascd.msk.u32 $0xffff, v3, v3;
	v61 =	vperm.xlane v60, v31;
	vm12 =	vlt.f32 v2, v9  }
0x186: {  	vm5 =	vgt.f32 v2, v9;
	v9 =	vperm.xlane v5, v31;
	v10 =	vperm.xlane v4, v31  }
0x187: {  	v20, v53, _ =	vpop (xrf1);
	v6 =	vsel vm4, v52, v24;
	v24 =	vperm.xlane v2, v40;
	v62 =	vadd.f32 v1, v11;
	v1 =	vld [tilespmem:$0x1FE80]  }
0x188: {  	v36 =	vperm.xlane v20, v40;
	v35 =	vsel vm0, v35, v61;
	v52 =	vperm.xlane v17, v31  }
0x189: {  	vm3 =	vgt.f32 v60, v35;
	v9 =	vsel vm0, v24, v9;
	v24 =	vsel vm0, v63, v45  }
0x18a: {  	(xrf2) =	vadd.scan.msk.f32 $0xffff, v19;
	v63 =	vperm.xlane v17, v40;
	vm8 =	vlt.f32 v5, v9;
	v21 =	vsel vm1, $0x7F800000, v10  }
0x18b: {  	(xrf2) =	vadd.scan.msk.f32 $0xffff, v29;
	vm10 =	vgt.f32 v5, v9;
	v9 =	vperm.xlane v27, v40;
	vm9 =	vlt.f32 v27, v24;
	v18, v10, _ =	vpop (xrf1)  }
0x18c: {  	vm11 =	vgt.f32 v27, v24;
	(xrf2) =	vadd.scan.msk.f32 $0xffff, v46;
	v46 =	vperm.xlane v16, v40;
	v58, v11, _ =	vpop (xrf1);
	v29 =	vadd.f32 v1, v62  }
0x18d: {  	vm6 =	vlt.f32 v4, v21;
	vm4 =	vgt.f32 v4, v21;
	v0 =	vperm.xlane v16, v31;
	v21, v59, _ =	vpop (xrf1)  }
0x18e: {  	vm10 =	vmor vm10, vm8;
	v32 =	vsel vm0, v46, v52;
	vm4 =	vmor vm4, vm6;
	v30, v19, _ =	vpop (xrf1)  }
0x18f: {  	v52 =	vperm.xlane v18, v31;
	v0 =	vsel vm1, $0x7F800000, v0;
	v56, _, _ =	vpop (xrf1);
	v62 =	vperm.xlane v20, v31;
	(xrf2) =	vadd.scan.msk.f32 $0xffff, v29  }
0x190: {  	vm13 =	vlt.f32 v17, v32;
	vm15 =	vgt.f32 v17, v32;
	vm2 =	vlt.f32 v16, v0;
	v29, _, _ =	vpop (xrf1)  }
0x191: {  	vm7 =	vgt.f32 v16, v0;
	v38 =	vsel vm0, v63, v52;
	v29 =	vperm.xlane v29, v55  }
0x192: {  	vm6 =	vlt.f32 v18, v38;
	v0 =	vperm.xlane v56, v55;
	v1 =	vimm.s32 $0x0;
	v56, _, _ =	vpop (xrf1)  }
0x193: {  	v1 =	vsel vm2, $0xFFFFFFFF, v1;
	v61 =	vsel vm0, v9, v62;
	v62, _, _ =	vpop (xrf1);
	vm2 =	vlt.s32 v56, v29  }
0x194: {  	v45 =	vperm.xlane v58, v31;
	[tilespmem:$0x1FE90] =	vst v1;
	vm14 =	vlt.s32 v62, v0;
	v63 =	vsel vm2, v56, v29  }
0x195: {  	v52 =	vsel vm14, v62, v0;
	v29 =	vsel vm2, v29, v56;
	v32 =	vsel vm14, v0, v62;
	v0 =	vld [tilespmem:$0x1FE90]  }
0x196: {  	v24, _, _ =	vpop (xrf2);
	vm14 =	vlt.f32 v60, v35;
	v62 =	vsel vm4, $0x1, v13;
	vm2 =	vgt.s32 v63, v52  }
0x197: {  	v9, _, _ =	vpop (xrf2);
	vm3 =	vmor vm3, vm14;
	v14 =	vsel vm2, v52, v63;
	v37 =	vsel vm2, v63, v52  }
0x198: {  	vm2 =	vmor vm5, vm12;
	vm5 =	vlt.f32 v20, v61;
	vm12 =	vgt.f32 v20, v61;
	v52, _, _ =	vpop (xrf2)  }
0x199: {  	v63 =	vperm.xlane v60, v40;
	v61 =	vsel vm2, $0x1, v13;
	vm2 =	vgt.f32 v18, v38;
	v56, _, _ =	vpop (xrf2)  }
0x19a: {  	vm5 =	vmor vm12, vm5;
	(xrf0) =	vadd.scan.msk.s32 $0xffff, v61;
	v35 =	vperm.xlane v56, v40;
	vm4 =	vnez.u8 v0  }
0x19b: {  	v61 =	vperm.xlane v21, v31;
	vm2 =	vmor vm2, vm6;
	vm4 =	vmor vm7, vm4  }
0x19c: {  	(xrf0) =	vadd.scan.msk.s32 $0xffff, v62;
	v56 =	vsel vm10, $0x1, v13;
	v35 =	vadd.f32 $1.000000010e-10, v35;
	v46 =	vsel vm4, $0x1, v13  }
0x19d: {  	v36 =	vsel vm0, v36, v61;
	vm4 =	vmor vm11, vm9;
	vm11 =	vmor vm15, vm13;
	(xrf0) =	vadd.scan.msk.s32 $0xffff, v46  }
0x19e: {  	v62 =	vsel vm4, $0x1, v13;
	v61 =	vsel vm11, $0x1, v13;
	(erf) = vrcp.f32 v35;
	(xrf0) =	vadd.scan.msk.s32 $0xffff, v56  }
0x19f: {  	v7 =	vpop (erf);
	v35 =	vsel vm0, v63, v45;
	v63 =	vperm.xlane v18, v40;
	v56 =	vperm.xlane v30, v31;
	(xrf0) =	vadd.scan.msk.s32 $0xffff, v62  }
0x1a0: {  	vm13 =	vlt.f32 v21, v36;
	vm14 =	vgt.f32 v21, v36;
	v46 =	vsel vm5, $0x1, v13;
	v39, _, _ =	vpop (xrf0);
	(xrf0) =	vadd.scan.msk.s32 $0xffff, v61  }
0x1a1: {  	v22 =	vpop (erf);
	vm4 =	vlt.f32 v58, v35;
	v62 =	vsel vm0, v63, v56;
	v63 =	vsel vm3, $0x1, v13  }
0x1a2: {  	v45, _, _ =	vpop (xrf0);
	vm3 =	vgt.f32 v58, v35;
	v56 =	vsel vm2, $0x1, v13;
	v38 =	vperm.xlane v39, v40;
	(xrf0) =	vadd.scan.msk.s32 $0xffff, v63  }
0x1a3: {  	vm5 =	vlt.f32 v30, v62;
	vm15 =	vgt.f32 v30, v62;
	vm2 =	vmor vm3, vm4;
	v35, _, _ =	vpop (xrf0);
	(xrf0) =	vadd.scan.msk.s32 $0xffff, v46  }
0x1a4: {  	vm3 =	vmor vm14, vm13;
	v62 =	vperm.xlane v45, v40;
	v61 =	vsel vm2, $0x1, v13;
	v36, _, _ =	vpop (xrf0);
	(xrf0) =	vadd.scan.msk.s32 $0xffff, v56  }
0x1a5: {  	vm2 =	vmor vm15, vm5;
	v46, _, _ =	vpop (xrf0);
	(xrf0) =	vadd.scan.msk.s32 $0xffff, v61;
	v61 =	vsel vm3, $0x1, v13  }
0x1a6: {  	v36 =	vadd.s32 v38, v36;
	v38, _, _ =	vpop (xrf0);
	v46 =	vadd.s32 v62, v46;
	(xrf0) =	vadd.scan.msk.s32 $0xffff, v61;
	v61 =	vsel vm2, $0x1, v13  }
0x1a7: {  	[tilespmem:$0x1FE60] =	vst v2;
	v56 =	vpop (erf);
	v63 =	vperm.xlane v35, v40;
	v2 =	vperm.xlane v46, v40  }
0x1a8: {  	v13 =	vld [tilespmem:$0x1FEA0];
	v62, _, _ =	vpop (xrf0)  }
0x1a9: {  	vm2 =	vgt.s32 v29, v32;
	v38 =	vadd.s32 v63, v38;
	(xrf0) =	vadd.scan.msk.s32 $0xffff, v61;
	v63 =	vperm.xlane v36, v40;
	v61 =	vpop (erf)  }
0x1aa: {  	(xrf1) =	vsort.ascd.msk.u32 $0xffff, v14, v14;
	v3 =	vsel vm2, v32, v29;
	v1 =	vperm.xlane v38, v40;
	v0, _, _ =	vpop (xrf0);
	v61 =	vmul.f32 $1.399999980e+00, v61  }
0x1ab: {  	v29 =	vsel vm2, v29, v32;
	v62 =	vadd.s32 v63, v62;
	v0 =	vadd.s32 v2, v0;
	v2, _, _ =	vpop (xrf0)  }
0x1ac: {  	v32 =	vperm.xlane v62, v40;
	v1 =	vadd.s32 v1, v2;
	v2 =	vmul.f32 v61, v44  }
0x1ad: {  	s24 =	simm.s32 $0x10100;
	(xrf1) =	vsort.ascd.msk.u32 $0xffff, v37, v37;
	v14 =	vand.u32 $0x3F, v13;
	v44 =	vmul.f32 v61, v47;
	v47 =	vperm.xlane v0, v40;
	v63, _, _ =	vpop (xrf0)  }
0x1ae: {  	[tilespmem:s24+$0x80] =	vst v14;
	v23 =	vmul.f32 v61, v57;
	v14 =	vadd.s32 v32, v63;
	v63 =	vperm.xlane v1, v40;
	v57, _, _ =	vpop (xrf0)  }
0x1af: {  	(xrf1) =	vsort.ascd.msk.u32 $0xffff, v3, v3;
	v13 =	vld [tilespmem:$0x1FEB0];
	v32 =	vadd.s32 v47, v57;
	v14 =	vshll.u32 v14, $0x6;
	v57, _, _ =	vpop (xrf0)  }
0x1b0: {  	(xrf1) =	vsort.ascd.msk.u32 $0xffff, v29, v29;
	v3 =	vadd.s32 v11, v14;
	v11 =	vadd.s32 v63, v57;
	v32 =	vshll.u32 v32, $0x6  }
0x1b1: {  	v29 =	vadd.s32 v59, v32;
	v11 =	vshll.u32 v11, $0x6;
	(xrf1) =	vsort.ascd.msk.u32 $0xffff, v3, v3  }
0x1b2: {  	v37 =	vmul.f32 v61, v51;
	v61 =	vshll.u32 v62, $0x6;
	v11 =	vadd.s32 v19, v11;
	(xrf1) =	vsort.ascd.msk.u32 $0xffff, v29, v29  }
0x1b3: {  	s25 =	simm.s32 $0x8100;
	v0 =	vshll.u32 v0, $0x6;
	v3 =	vadd.s32 v28, v61;
	(xrf1) =	vsort.ascd.msk.u32 $0xffff, v11, v11  }
0x1b4: {  	v0 =	vadd.s32 v53, v0;
	[tilespmem:s25+$0x80] =	vst v13;
	(xrf1) =	vsort.ascd.msk.u32 $0xffff, v3, v3  }
0x1b5: {  	(xrf1) =	vsort.ascd.msk.u32 $0xffff, v0, v0;
	v0 =	vld [tilespmem:$0x1FEC0];
	_ =	sdelay $0x3  }
0x1b6: {  	v1 =	vshll.u32 v1, $0x6  }
0x1b7: {  	v1 =	vadd.s32 v10, v1;
	v0 =	vand.u32 $0x3F, v0  }
0x1b8: {  	(xrf1) =	vsort.ascd.msk.u32 $0xffff, v1, v1;
	v1 =	vld [tilespmem:$0x1FED0];
	[tilespmem:s24+$0x90] =	vst v0  }
0x1b9: {  	v13 =	vld [tilespmem:$0x1FEE0];
	_ =	sdelay $0x1  }
0x1ba: {  	v28 =	vshll.u32 v36, $0x6  }
0x1bb: {  	v10 =	vadd.s32 v25, v28;
	v25 =	vshll.u32 v39, $0x6  }
0x1bc: {  	v25 =	vadd.s32 v26, v25;
	v26 =	vshll.u32 v45, $0x6  }
0x1bd: {  	v0 =	vadd.s32 v15, v26;
	v26 =	vperm.xlane v13, v55;
	v13 =	vld [tilespmem:$0x1FEF0];
	_ =	sdelay $0x4  }
0x1be: {  	[tilespmem:s25+$0x90] =	vst v13  }
0x1bf: {  	v13 =	vld [tilespmem:$0x1FF00];
	_ =	sdelay $0x4  }
0x1c0: {  	v29 =	vand.u32 $0x3F, v13  }
0x1c1: {  	v13 =	vld [tilespmem:$0x1FF10];
	[tilespmem:s24+$0xA0] =	vst v29  }
0x1c2: {  	v15 =	vld [tilespmem:$0x1FF30];
	_ =	sdelay $0x2  }
0x1c3: {  	v3 =	vshll.u32 v38, $0x6;
	v1 =	vperm.xlane v1, v55;
	v14 =	vld [tilespmem:$0x1FF20]  }
0x1c4: {  	vm4 =	vgt.s32 v12, v8;
	v11 =	vshll.u32 v46, $0x6;
	v3 =	vadd.s32 v50, v3  }
0x1c5: {  	v11 =	vadd.s32 v54, v11;
	(xrf1) =	vsort.ascd.msk.u32 $0xffff, v10, v10;
	vm2 =	vlt.s32 v13, v1;
	[tilespmem:s25+$0xA0] =	vst v15  }
0x1c6: {  	v28 =	vshll.u32 v35, $0x6;
	(xrf1) =	vsort.ascd.msk.u32 $0xffff, v11, v11;
	v10 =	vsel vm2, v13, v1;
	v1 =	vsel vm2, v1, v13;
	v13 =	vld [tilespmem:$0x1FF40]  }
0x1c7: {  	v28 =	vadd.s32 v34, v28;
	v46 =	vsel vm4, v12, v8;
	v50 =	vmov v30;
	(xrf1) =	vsort.ascd.msk.u32 $0xffff, v3, v3;
	v3, _, _ =	vpop (xrf1)  }
0x1c8: {  	(xrf1) =	vsort.ascd.msk.u32 $0xffff, v25, v25;
	v3 =	vand.u32 $0x3F, v3;
	vm2 =	vgt.s32 v48, v49;
	vm3 =	vlt.s32 v14, v26  }
0x1c9: {  	v62 =	vsel vm2, v48, v49;
	v15, _, _ =	vpop (xrf1);
	v11 =	vsel vm3, v14, v26;
	v26 =	vsel vm3, v26, v14  }
0x1ca: {  	(xrf1) =	vsort.ascd.msk.u32 $0xffff, v0, v0;
	v14, _, _ =	vpop (xrf1);
	vm3 =	vgt.s32 v6, v42;
	v15 =	vand.u32 $0x3F, v15;
	vm5 =	vgt.s32 v1, v26  }
0x1cb: {  	(xrf1) =	vsort.ascd.msk.u32 $0xffff, v28, v28;
	v25, _, _ =	vpop (xrf1);
	v53 =	vsel vm3, v42, v6;
	v31 =	vsel vm3, v6, v42;
	v29 =	vand.u32 $0x3F, v13  }
0x1cc: {  	s29 =	simm.s32 $0x10300;
	v28, _, _ =	vpop (xrf1);
	v30 =	vsel vm5, v26, v1;
	[tilespmem:s24+$0xB0] =	vst v29;
	v29 =	vsel vm2, v49, v48;
	vm2 =	vgt.s32 v41, v43  }
0x1cd: {  	s30 =	simm.s32 $0x8300;
	v32 =	vsel vm5, v1, v26;
	v48 =	vsel vm4, v8, v12;
	v13 =	vld [tilespmem:$0x1FF50];
	v0 =	vsel vm2, v43, v41;
	[tilespmem:s29+$0x80] =	vst v3;
	v3, _, _ =	vpop (xrf1)  }
0x1ce: {  	v63 =	vsel vm2, v41, v43;
	vm2 =	vgt.s32 v10, v11;
	[tilespmem:s30+$0x80] =	vst v2;
	v2 =	vperm.xlane v28, v55;
	v6, _, _ =	vpop (xrf1)  }
0x1cf: {  	v45 =	vsel vm2, v11, v10;
	v35 =	vsel vm2, v10, v11;
	v3 =	vperm.xlane v3, v55;
	[tilespmem:s29+$0x90] =	vst v15;
	v8, _, _ =	vpop (xrf1)  }
0x1d0: {  	v10 =	vand.u32 $0x3F, v14;
	v1 =	vperm.xlane v6, v55;
	[tilespmem:s30+$0x90] =	vst v44;
	vm2 =	vlt.s32 v8, v2;
	v6, _, _ =	vpop (xrf1)  }
0x1d1: {  	(xrf1) =	vsort.ascd.msk.u32 $0xffff, v29, v29;
	v11 =	vsel vm2, v8, v2;
	vm3 =	vlt.s32 v6, v3;
	v12, _, _ =	vpop (xrf1);
	[tilespmem:s29+$0xA0] =	vst v10  }
0x1d2: {  	v8 =	vsel vm2, v2, v8;
	[tilespmem:s25+$0xB0] =	vst v13;
	v10 =	vsel vm3, v6, v3;
	vm2 =	vlt.s32 v12, v1  }
0x1d3: {  	[tilespmem:s30+$0xA0] =	vst v23;
	v29 =	vsel vm2, v12, v1;
	v2 =	vsel vm2, v1, v12;
	v1 =	vperm.xlane v24, v40  }
0x1d4: {  	(xrf1) =	vsort.ascd.msk.u32 $0xffff, v62, v62;
	v28 =	vsel vm3, v3, v6;
	v6 =	vmul.f32 $1.399999980e+00, v7;
	v3 =	vand.u32 $0x3F, v25;
	v7 =	vld [tilespmem:$0x1FF60]  }
0x1d5: {  	(xrf1) =	vsort.ascd.msk.u32 $0xffff, v0, v0;
	v0, _, _ =	vpop (xrf1);
	v24 =	vadd.f32 $1.000000010e-10, v1;
	v1 =	vld [tilespmem:$0x1FF70];
	[tilespmem:s29+$0xB0] =	vst v3  }
0x1d6: {  	v25 =	vperm.xlane v0, v55;
	v0 =	vld [tilespmem:$0x1FF80];
	_ =	sdelay $0x4  }
0x1d7: {  	v3 =	vmul.f32 v6, v0;
	v0 =	vld [tilespmem:$0x1FF90]  }
0x1d8: {  	v9 =	vperm.xlane v9, v40;
	[tilespmem:s30+$0xB0] =	vst v37  }
0x1d9: {  	v12 =	vperm.xlane v52, v40;
	v52 =	vmul.f32 v6, v7;
	v7 =	vld [tilespmem:$0x1FFA0]  }
0x1da: {  	v22 =	vmul.f32 $1.399999980e+00, v22;
	(xrf1) =	vsort.ascd.msk.u32 $0xffff, v63, v63  }
0x1db: {  	v15, _, _ =	vpop (xrf1);
	(xrf1) =	vsort.ascd.msk.u32 $0xffff, v11, v11;
	v11 =	vadd.f32 $1.000000010e-10, v9;
	v12 =	vadd.f32 $1.000000010e-10, v12;
	(erf) = vrcp.f32 v24  }
0x1dc: {  	v1 =	vmul.f32 v6, v1;
	v0 =	vmul.f32 v6, v0;
	v6, _, _ =	vpop (xrf1);
	(xrf1) =	vsort.ascd.msk.u32 $0xffff, v8, v8  }
0x1dd: {  	(erf) = vrcp.f32 v11;
	v8 =	vperm.xlane v15, v55;
	v24, _, _ =	vpop (xrf1);
	(xrf1) =	vsort.ascd.msk.u32 $0xffff, v10, v10  }
0x1de: {  	v6 =	vperm.xlane v6, v55;
	v34 =	vmul.f32 v22, v7;
	vm2 =	vlt.s32 v24, v25;
	v9, _, _ =	vpop (xrf1)  }
0x1df: {  	s23 =	sshll.u32 s22, $0xC;
	s31 =	simm.s32 $0x4;
	(erf) = vrcp.f32 v12;
	(xrf1) =	vsort.ascd.msk.u32 $0xffff, v28, v28;
	v10 =	vsel vm2, v24, v25;
	v11 =	vsel vm2, v25, v24;
	v12, _, _ =	vpop (xrf1)  }
0x1e0: {  	s28 =	simm.s32 $0x10300;
	s0 =	simm.s32 $0x500;
	s26 =	simm.s32 $0x8300;
	v23 =	vmul.f32 $1.399999980e+00, v56;
	(xrf1) =	vsort.ascd.msk.u32 $0xffff, v29, v29;
	vm3 =	vlt.s32 v9, v8;
	vm2 =	vlt.s32 v12, v6  }
.LBB2_3:
0x1e1: {  	(xrf1) =	vsort.ascd.msk.u32 $0xffff, v2, v2;
	v2 =	vmov v4;
	v4 =	vmov v5  }
0x1e2: {  	[tilespmem:$0x1FC20] =	vst v4;
	v4 =	vld [tilespmem:$0x1FC70];
	_ =	sdelay $0x4  }
0x1e3: {  	v4 =	vmul.f32 v22, v4;
	_ =	sdelay $0x1  }
0x1e4: {  	[tilespmem:$0x1FA70] =	vst v4;
	v4 =	vld [tilespmem:$0x1FC90];
	_ =	sdelay $0x4  }
0x1e5: {  	v5 =	vmul.f32 v22, v4;
	v4 =	vmov v27  }
0x1e6: {  	[tilespmem:$0x1FC70] =	vst v4;
	v4 =	vld [tilespmem:$0x1FCB0];
	_ =	sdelay $0x4  }
0x1e7: {  	v4 =	vmul.f32 v22, v4;
	_ =	sdelay $0x1  }
0x1e8: {  	[tilespmem:$0x1FA90] =	vst v4;
	v4 =	vld [tilespmem:$0x1FC60];
	_ =	sdelay $0x4  }
0x1e9: {  	v4 =	vmul.f32 v23, v4;
	_ =	sdelay $0x1  }
0x1ea: {  	[tilespmem:$0x1FAA0] =	vst v4;
	v4 =	vld [tilespmem:$0x1FC80];
	_ =	sdelay $0x4  }
0x1eb: {  	v4 =	vmul.f32 v23, v4;
	_ =	sdelay $0x1  }
0x1ec: {  	[tilespmem:$0x1FBB0] =	vst v4;
	v4 =	vld [tilespmem:$0x1FCA0];
	_ =	sdelay $0x4  }
0x1ed: {  	v4 =	vmul.f32 v23, v4  }
0x1ee: {  	v25 =	vld [tilespmem:s0+$0xB0]  }
0x1ef: {  	[tilespmem:$0x1FBC0] =	vst v4;
	v4 =	vld [tilespmem:$0x1FCC0]  }
0x1f0: {  	v37 =	vld [tilespmem:s0+$0xA0]  }
0x1f1: {  	v28 =	vsel vm3, v9, v8;
	v8 =	vsel vm3, v8, v9;
	[tilespmem:$0x1FC50] =	vst v2;
	v2 =	vld [tilespmem:s0+$0x90];
	(xrf1) =	vsort.ascd.msk.u32 $0xffff, v10, v10  }
0x1f2: {  	[tilespmem:$0x1FAB0] =	vst v35;
	v15 =	vld [tilespmem:$0x1FFD0];
	v10, _, _ =	vpop (xrf1);
	(xrf1) =	vsort.ascd.msk.u32 $0xffff, v11, v11  }
0x1f3: {  	v9 =	vsel vm2, v12, v6;
	v6 =	vsel vm2, v6, v12;
	v13 =	vld [tilespmem:s0+$0x80];
	v12 =	vand.u32 $0x3F, v10;
	v10, _, _ =	vpop (xrf1);
	(xrf1) =	vsort.ascd.msk.u32 $0xffff, v28, v28  }
0x1f4: {  	[tilespmem:$0x1FB10] =	vst v32;
	v14 =	vld [tilespmem:s0+$0xFFFFFF30];
	v11 =	vand.u32 $0x3F, v10;
	(xrf1) =	vsort.ascd.msk.u32 $0xffff, v8, v8;
	v8, _, _ =	vpop (xrf1);
	v4 =	vmul.f32 v23, v4  }
0x1f5: {  	v7 =	vld [tilespmem:$0x1FFC0];
	vm2 =	vlt.f32 v25, $1.175494350e-38;
	(xrf1) =	vsort.ascd.msk.u32 $0xffff, v9, v9;
	v10 =	vand.u32 $0x3F, v8;
	v8, _, _ =	vpop (xrf1);
	[tilespmem:$0x1FA80] =	vst v5  }
0x1f6: {  	v28 =	vld [tilespmem:s0+$0xFFFFFFB0];
	vm3 =	vlt.f32 v2, $1.175494350e-38;
	v24 =	vpop (erf);
	(xrf1) =	vsort.ascd.msk.u32 $0xffff, v6, v6;
	[tilespmem:$0x1FBD0] =	vst v4;
	v4 =	vsel vm2, $0x0, v25  }
0x1f7: {  	v9 =	vld [tilespmem:s0+$0x30];
	v5 =	vsel vm3, $0x0, v2;
	[tilespmem:$0x1FB00] =	vst v4;
	(xrf1) =	vsort.dscd.msk.f32 $0xffff, v4, v15;
	v4 =	vmul.f32 $1.399999980e+00, v24  }
0x1f8: {  	v6 =	vand.u32 $0x3F, v8;
	v8 =	vld [tilespmem:s0+$0xFFFFFF10];
	v2 =	vpop (erf);
	vm3 =	vlt.f32 v13, $1.175494350e-38;
	[tilespmem:$0x1FAD0] =	vst v5;
	vm2 =	vlt.f32 v37, $1.175494350e-38  }
0x1f9: {  	v25 =	vld [tilespmem:s0+$0xFFFFFF20];
	(xrf1) =	vsort.dscd.msk.f32 $0xffff, v5, v33;
	v5 =	vmul.f32 $1.399999980e+00, v2;
	v2 =	vpop (erf);
	[tilespmem:$0x1FC10] =	vst v4;
	v4 =	vsel vm2, $0x0, v37  }
0x1fa: {  	v39 =	vld [tilespmem:s0+$0xFFFFFF90];
	vm2 =	vlt.f32 v14, $1.175494350e-38;
	[tilespmem:$0x1FAF0] =	vst v4;
	(xrf1) =	vsort.dscd.msk.f32 $0xffff, v4, v7;
	v4 =	vmul.f32 $1.399999980e+00, v2  }
0x1fb: {  	v40 =	vld [tilespmem:s0+$0xFFFFFF80];
	v19 =	vsel vm3, $0x0, v13;
	[tilespmem:$0x1FB20] =	vst v5;
	v2, _, _ =	vpop (xrf1);
	v54 =	vsel vm2, $0x0, v14;
	v5 =	vlaneseq.u32  }
0x1fc: {  	v13 =	vld [tilespmem:s0+$0xFFFFFFA0];
	vm2 =	vlt.f32 v28, $1.175494350e-38;
	(xrf1) =	vsort.dscd.msk.f32 $0xffff, v19, v5;
	v24 =	vperm.xlane v2, v55;
	v2, _, _ =	vpop (xrf1);
	[tilespmem:$0x1FC00] =	vst v4  }
0x1fd: {  	v14 =	vld [tilespmem:s0+$0x10];
	v4 =	vsel vm2, $0x0, v28;
	vm2 =	vlt.f32 v9, $1.175494350e-38;
	(xrf1) =	vsort.dscd.msk.f32 $0xffff, v54, v15;
	v57 =	vperm.xlane v2, v55;
	v2, _, _ =	vpop (xrf1)  }
0x1fe: {  	vm3 =	vlt.f32 v8, $1.175494350e-38;
	v28 =	vld [tilespmem:s0+$0x20];
	v59 =	vsel vm2, $0x0, v9;
	(xrf1) =	vsort.dscd.msk.f32 $0xffff, v4, v15;
	v9, _, _ =	vpop (xrf1);
	vm2 =	vlt.f32 v25, $1.175494350e-38  }
0x1ff: {  	[tilespmem:$0x1FAE0] =	vst v19;
	v42 =	vsel vm3, $0x0, v8;
	(xrf1) =	vsort.dscd.msk.f32 $0xffff, v59, v15;
	v8, _, _ =	vpop (xrf1);
	v43 =	vsel vm2, $0x0, v25;
	v25 =	vld [tilespmem:s0+$0x0]  }
0x200: {  	vm3 =	vlt.f32 v40, $1.175494350e-38;
	vm2 =	vlt.f32 v39, $1.175494350e-38;
	v15 =	vld [tilespmem:s0+$0xFFFFFF00];
	(xrf1) =	vsort.dscd.msk.f32 $0xffff, v42, v33;
	v29 =	vperm.xlane v8, v55;
	v8, _, _ =	vpop (xrf1)  }
0x201: {  	v27 =	vsel vm3, $0x0, v40;
	v41 =	vsel vm2, $0x0, v39;
	vm2 =	vlt.f32 v13, $1.175494350e-38;
	(xrf1) =	vsort.dscd.msk.f32 $0xffff, v43, v7;
	v26, _, _ =	vpop (xrf1)  }
0x202: {  	v2 =	vperm.xlane v2, v55;
	v13 =	vsel vm2, $0x0, v13;
	vm2 =	vlt.f32 v14, $1.175494350e-38;
	(xrf1) =	vsort.dscd.msk.f32 $0xffff, v41, v33;
	v63, _, _ =	vpop (xrf1)  }
0x203: {  	v62 =	vperm.xlane v9, v55;
	v14 =	vsel vm2, $0x0, v14;
	vm2 =	vlt.f32 v28, $1.175494350e-38;
	(xrf1) =	vsort.dscd.msk.f32 $0xffff, v13, v7;
	v9, _, _ =	vpop (xrf1)  }
0x204: {  	v19 =	vperm.xlane v8, v55;
	v40 =	vadd.f32 v41, v27;
	v28 =	vsel vm2, $0x0, v28;
	(xrf1) =	vsort.dscd.msk.f32 $0xffff, v14, v33;
	v8, _, _ =	vpop (xrf1)  }
0x205: {  	vm5 =	vlt.s32 v26, v57;
	vm2 =	vlt.f32 v25, $1.175494350e-38;
	vm3 =	vlt.f32 v15, $1.175494350e-38;
	(xrf1) =	vsort.dscd.msk.f32 $0xffff, v28, v7;
	v7, _, _ =	vpop (xrf1)  }
0x206: {  	vm6 =	vlt.s32 v63, v24;
	v22 =	vsel vm2, $0x0, v25;
	v23 =	vsel vm3, $0x0, v15;
	(xrf1) =	vsort.dscd.msk.f32 $0xffff, v27, v5;
	v56, _, _ =	vpop (xrf1)  }
0x207: {  	[tilespmem:$0x1FB40] =	vst v7;
	v14 =	vadd.f32 v14, v22;
	vm2 =	vlt.s32 v7, v19;
	v7 =	vadd.f32 v42, v23;
	v25, v41, _ =	vpop (xrf1)  }
0x208: {  	[tilespmem:s24+$0xFFFFFF00] =	vst v12;
	v27 =	vadd.f32 v13, v40;
	(xrf1) =	vsort.dscd.msk.f32 $0xffff, v22, v5;
	v35 =	vperm.xlane v25, v55;
	v15, v44, _ =	vpop (xrf1)  }
0x209: {  	[tilespmem:s25+$0xFFFFFF00] =	vst v52;
	(xrf1) =	vsort.dscd.msk.f32 $0xffff, v23, v5;
	v13 =	vperm.xlane v41, v55;
	v12 =	vperm.xlane v15, v55;
	v15, v47, _ =	vpop (xrf1)  }
0x20a: {  	[tilespmem:s24+$0xFFFFFF10] =	vst v11;
	v52 =	vadd.f32 v43, v7;
	v32 =	vperm.xlane v44, v55;
	vm3 =	vge.f32 v15, v35;
	v49, v42, _ =	vpop (xrf1)  }
0x20b: {  	[tilespmem:s25+$0xFFFFFF10] =	vst v1;
	vm8 =	vge.f32 v49, v12;
	v11 =	vsel vm3, v15, v35;
	v51 =	vsel vm3, v47, v13;
	v36, v61, _ =	vpop (xrf1)  }
0x20c: {  	[tilespmem:s24+$0xFFFFFF20] =	vst v10;
	v1 =	vsel vm3, v35, v15;
	v5 =	vsel vm3, v13, v47;
	v15, v38, _ =	vpop (xrf1);
	(xrf1) =	vsort.dscd.msk.f32 $0xffff, v11, v51  }
0x20d: {  	[tilespmem:s25+$0xFFFFFF20] =	vst v3;
	v10 =	vsel vm8, v49, v12;
	v7 =	vsel vm8, v42, v32;
	v39, v47, _ =	vpop (xrf1);
	(xrf1) =	vsort.dscd.msk.f32 $0xffff, v1, v5  }
0x20e: {  	[tilespmem:s24+$0xFFFFFF30] =	vst v6;
	v3 =	vsel vm8, v32, v42;
	v1 =	vsel vm8, v12, v49;
	v12, v13, _ =	vpop (xrf1);
	(xrf1) =	vsort.dscd.msk.f32 $0xffff, v10, v7  }
0x20f: {  	[tilespmem:s25+$0xFFFFFF30] =	vst v0;
	v0 =	vadd.f32 v28, v14;
	v10 =	vperm.xlane v15, v55;
	v11, v15, _ =	vpop (xrf1);
	(xrf1) =	vsort.dscd.msk.f32 $0xffff, v1, v3  }
0x210: {  	vm7 =	vlt.s32 v9, v62;
	vm4 =	vlt.s32 v8, v2;
	v22 =	vmovc v16;
	v6 =	vperm.xlane v36, v55  }
0x211: {  	v0 =	vadd.f32 v59, v0;
	v32 =	vperm.xlane v38, v55;
	v33 =	vperm.xlane v47, v55;
	v14, v28, _ =	vpop (xrf1)  }
0x212: {  	v59 =	vsel vm6, v24, v63;
	v1 =	vperm.xlane v61, v55;
	v3 =	vperm.xlane v39, v55;
	v49, v51, _ =	vpop (xrf1)  }
0x213: {  	v12 =	vperm.xlane v12, v55;
	vm3 =	vge.f32 v11, v6;
	v36 =	vperm.xlane v14, v55;
	v14, v42, _ =	vpop (xrf1)  }
0x214: {  	v13 =	vperm.xlane v13, v55;
	v43 =	vsel vm3, v11, v6;
	v61 =	vsel vm3, v15, v1;
	v47, v38, _ =	vpop (xrf1)  }
0x215: {  	[tilespmem:$0x1FA60] =	vst v34;
	v6 =	vsel vm3, v6, v11;
	v1 =	vsel vm3, v1, v15;
	vm12 =	vge.f32 v49, v10;
	v11, v15, _ =	vpop (xrf1)  }
0x216: {  	[tilespmem:$0x1FB30] =	vst v19;
	v16 =	vperm.xlane v28, v55;
	v7 =	vsel vm12, v49, v10;
	v19 =	vsel vm12, v51, v32;
	v34, v5, _ =	vpop (xrf1)  }
0x217: {  	[tilespmem:$0x1FC60] =	vst v22;
	v10 =	vsel vm12, v10, v49;
	v32 =	vsel vm12, v32, v51;
	v49, v51, _ =	vpop (xrf1);
	(xrf1) =	vsort.dscd.msk.f32 $0xffff, v43, v61  }
0x218: {  	v22 =	vmovc v17;
	v14 =	vperm.xlane v14, v55;
	vm3 =	vge.f32 v47, v3;
	(xrf1) =	vsort.dscd.msk.f32 $0xffff, v6, v1  }
0x219: {  	v28 =	vperm.xlane v42, v55;
	v40 =	vsel vm3, v47, v3;
	(xrf1) =	vsort.dscd.msk.f32 $0xffff, v7, v19;
	v7 =	vmov v20  }
0x21a: {  	[tilespmem:$0x1FC80] =	vst v22;
	v44 =	vsel vm3, v38, v33;
	v3 =	vsel vm3, v3, v47;
	vm13 =	vge.f32 v11, v36;
	v6, v17, _ =	vpop (xrf1)  }
0x21b: {  	v33 =	vsel vm3, v33, v38;
	v61 =	vsel vm13, v15, v16;
	[tilespmem:$0x1FC90] =	vst v7;
	(xrf1) =	vsort.dscd.msk.f32 $0xffff, v10, v32;
	v10, v20, _ =	vpop (xrf1)  }
0x21c: {  	v7 =	vmov v18;
	v6 =	vperm.xlane v6, v55;
	(xrf1) =	vsort.dscd.msk.f32 $0xffff, v40, v44;
	v10 =	vperm.xlane v10, v55;
	v18, v22, _ =	vpop (xrf1)  }
0x21d: {  	v21 =	vmov v21;
	v15 =	vsel vm13, v16, v15;
	v17 =	vperm.xlane v17, v55;
	(xrf1) =	vsort.dscd.msk.f32 $0xffff, v3, v33;
	v3, v23, _ =	vpop (xrf1)  }
0x21e: {  	[tilespmem:$0x1FCB0] =	vst v21;
	v20 =	vperm.xlane v20, v55;
	vm14 =	vge.f32 v18, v10;
	vm10 =	vge.f32 v3, v6  }
0x21f: {  	v25 =	vmovc v58;
	vm9 =	vge.f32 v49, v12;
	v21 =	vsel vm14, v18, v10;
	v41 =	vsel vm10, v3, v6  }
0x220: {  	v1 =	vmovc v60;
	v58 =	vsel vm14, v22, v20;
	v60 =	vsel vm10, v23, v17;
	vm11 =	vge.f32 v21, v41  }
0x221: {  	[tilespmem:$0x1FC30] =	vst v1;
	v1 =	vsel vm9, v49, v12;
	v42 =	vsel vm11, v21, v41;
	v43 =	vsel vm11, v58, v60  }
0x222: {  	v18 =	vsel vm14, v10, v18;
	v20 =	vsel vm14, v20, v22;
	(xrf1) =	vsort.dscd.msk.f32 $0xffff, v42, v43  }
0x223: {  	[tilespmem:$0x1FCA0] =	vst v7;
	v3 =	vsel vm10, v6, v3;
	v6 =	vsel vm11, v41, v21;
	v10 =	vsel vm11, v60, v58  }
0x224: {  	v7 =	vmovc v50;
	v17 =	vsel vm10, v17, v23;
	vm15 =	vge.f32 v18, v3;
	(xrf1) =	vsort.dscd.msk.f32 $0xffff, v6, v10  }
0x225: {  	v12 =	vsel vm9, v12, v49;
	[tilespmem:$0x1FCC0] =	vst v7;
	v7 =	vsel vm15, v18, v3;
	v10 =	vsel vm15, v20, v17  }
0x226: {  	v32 =	vsel vm13, v11, v36;
	v44 =	vsel vm13, v36, v11;
	v11, v16, _ =	vpop (xrf1);
	(xrf1) =	vsort.dscd.msk.f32 $0xffff, v7, v10  }
0x227: {  	vm3 =	vge.f32 v34, v14;
	v19 =	vsel vm9, v51, v13;
	v13 =	vsel vm9, v13, v51  }
0x228: {  	v49 =	vsel vm3, v34, v14;
	v50 =	vsel vm3, v5, v28;
	v5 =	vsel vm3, v28, v5;
	v6, v28, _ =	vpop (xrf1)  }
0x229: {  	[tilespmem:$0x1FC40] =	vst v25;
	v7 =	vsel vm15, v3, v18;
	v25 =	vperm.xlane v11, v55;
	(xrf1) =	vsort.dscd.msk.f32 $0xffff, v1, v19;
	v1, v51, _ =	vpop (xrf1)  }
0x22a: {  	v21 =	vperm.xlane v6, v55;
	v6 =	vsel vm15, v17, v20;
	(xrf1) =	vsort.dscd.msk.f32 $0xffff, v12, v13;
	v11, v12, _ =	vpop (xrf1)  }
0x22b: {  	v14 =	vsel vm3, v14, v34;
	v18 =	vperm.xlane v1, v55;
	v1, v13, _ =	vpop (xrf1);
	(xrf1) =	vsort.dscd.msk.f32 $0xffff, v7, v6  }
0x22c: {  	[tilespmem:$0x1FAC0] =	vst v30;
	vm3 =	vlt.s32 v56, v29;
	v22 =	vld [tilespmem:$0x1FFF0];
	v40 =	vperm.xlane v16, v55;
	(xrf1) =	vsort.dscd.msk.f32 $0xffff, v32, v61  }
0x22d: {  	v23 =	vimm.s32 $0xF;
	v41 =	vperm.xlane v28, v55;
	v19 =	vperm.xlane v1, v55;
	v1, v3, _ =	vpop (xrf1);
	(xrf1) =	vsort.dscd.msk.f32 $0xffff, v44, v15  }
0x22e: {  	v28 =	vimm.s32 $0x0;
	v39 =	vperm.xlane v3, v55;
	v3 =	vsel vm5, v26, v57;
	(xrf1) =	vsort.dscd.msk.f32 $0xffff, v49, v50  }
0x22f: {  	v20 =	vperm.xlane v51, v55;
	v17 =	vperm.xlane v11, v55;
	[tilespmem:$0x1FB70] =	vst v3;
	v3 =	vsel vm5, v57, v26  }
0x230: {  	v30 =	vperm.xlane v12, v55;
	v16 =	vperm.xlane v1, v55;
	[tilespmem:$0x1FB80] =	vst v3;
	v3 =	vsel vm7, v9, v62;
	v43, v50, _ =	vpop (xrf1)  }
0x231: {  	v1 =	vadd.f32 v54, v52;
	[tilespmem:$0x1FB90] =	vst v3;
	v3 =	vsel vm7, v62, v9;
	v12 =	vperm.xlane v43, v22  }
0x232: {  	v54 =	vsel vm6, v63, v24;
	(xrf1) =	vsort.dscd.msk.f32 $0xffff, v14, v5;
	v5 =	vadd.f32 v4, v27;
	[tilespmem:$0x1FBA0] =	vst v3;
	v63, v42, _ =	vpop (xrf1)  }
0x233: {  	v3 =	vperm.xlane v43, v23;
	(xrf1) =	vsort.ascd.msk.u32 $0xffff, v53, v53;
	v14 =	vperm.xlane v63, v22;
	v9 =	vsel vm1, $0x7F800000, v12  }
0x234: {  	[tilespmem:$0x1FB50] =	vst v29;
	v15 =	vperm.xlane v63, v23;
	v53, v32, _ =	vpop (xrf1);
	vm5 =	vlt.f32 v43, v9;
	vm12 =	vgt.f32 v43, v9  }
0x235: {  	(xrf2) =	vadd.scan.msk.f32 $0xffff, v1;
	v1 =	vsel vm0, v3, v14;
	v3 =	vperm.xlane v53, v22;
	vm5 =	vmor vm12, vm5  }
0x236: {  	(xrf2) =	vadd.scan.msk.f32 $0xffff, v5;
	vm13 =	vlt.f32 v63, v1;
	vm14 =	vgt.f32 v63, v1;
	v4 =	vsel vm5, $0x1, v28  }
0x237: {  	v37 =	vperm.xlane v13, v55;
	v57 =	vsel vm4, v8, v2;
	v35, v12, _ =	vpop (xrf1);
	vm6 =	vmor vm14, vm13;
	(xrf0) =	vadd.scan.msk.s32 $0xffff, v4  }
0x238: {  	v62 =	vsel vm4, v2, v8;
	(xrf1) =	vsort.ascd.msk.u32 $0xffff, v31, v31;
	v2 =	vsel vm0, v15, v3;
	v36, v13, _ =	vpop (xrf1);
	v1 =	vsel vm6, $0x1, v28  }
0x239: {  	v3 =	vperm.xlane v53, v23;
	vm15 =	vlt.f32 v53, v2;
	vm12 =	vgt.f32 v53, v2;
	v52, v14, _ =	vpop (xrf1);
	(xrf0) =	vadd.scan.msk.s32 $0xffff, v1  }
0x23a: {  	vm5 =	vge.f32 v35, v21;
	(xrf1) =	vsort.ascd.msk.u32 $0xffff, v48, v48;
	vm8 =	vmor vm12, vm15;
	v2 =	vperm.xlane v52, v22;
	v15, v34, _ =	vpop (xrf1)  }
0x23b: {  	[tilespmem:$0x1FB60] =	vst v56;
	vm4 =	vge.f32 v36, v25;
	v56 =	vsel vm5, v12, v41;
	v1 =	vsel vm8, $0x1, v28;
	v38, v44, _ =	vpop (xrf1)  }
0x23c: {  	v49 =	vsel vm4, v36, v25;
	v29 =	vsel vm4, v13, v40;
	(xrf0) =	vadd.scan.msk.s32 $0xffff, v1;
	v2 =	vsel vm0, v3, v2;
	v8, v11, _ =	vpop (xrf1)  }
0x23d: {  	(xrf1) =	vsort.ascd.msk.u32 $0xffff, v46, v46;
	vm13 =	vlt.f32 v52, v2;
	vm14 =	vgt.f32 v52, v2;
	v48, _, _ =	vpop (xrf0)  }
0x23e: {  	vm6 =	vge.f32 v15, v17;
	vm10 =	vmor vm14, vm13;
	v1 =	vperm.xlane v48, v23  }
0x23f: {  	vm7 =	vge.f32 v38, v18;
	v24 =	vsel vm6, v34, v30;
	v58 =	vsel vm10, $0x1, v28;
	v60, _, _ =	vpop (xrf0)  }
0x240: {  	vm8 =	vge.f32 v8, v16;
	v2 =	vsel vm5, v35, v21;
	(xrf0) =	vadd.scan.msk.s32 $0xffff, v58;
	v33 =	vadd.s32 v1, v60  }
0x241: {  	v46, v47, _ =	vpop (xrf1);
	(xrf1) =	vsort.ascd.msk.u32 $0xffff, v45, v45;
	v45 =	vsel vm6, v15, v17;
	v1 =	vperm.xlane v33, v23  }
0x242: {  	v61 =	vsel vm7, v38, v18;
	v4 =	vsel vm7, v44, v20;
	vm9 =	vge.f32 v46, v19;
	v26, _, _ =	vpop (xrf0)  }
0x243: {  	(xrf2) =	vadd.scan.msk.f32 $0xffff, v0;
	v0, _, _ =	vpop (xrf2);
	v7 =	vsel vm8, v8, v16;
	vm12 =	vge.f32 v2, v49;
	v26 =	vadd.s32 v1, v26  }
0x244: {  	[tilespmem:$0x1FBE0] =	vst v0;
	v0, _, _ =	vpop (xrf2);
	vm15 =	vge.f32 v45, v61;
	v27 =	vsel vm8, v11, v39;
	v55 =	vperm.xlane v26, v23  }
0x245: {  	v8 =	vsel vm8, v16, v8;
	v51 =	vsel vm9, v46, v19;
	v31 =	vsel vm12, v2, v49;
	v10, _, _ =	vpop (xrf1)  }
0x246: {  	[tilespmem:$0x1FBF0] =	vst v0;
	v3 =	vsel vm15, v45, v61;
	v49 =	vsel vm12, v49, v2;
	v16 =	vsel vm9, v19, v46;
	v0, _, _ =	vpop (xrf0)  }
0x247: {  	vm13 =	vge.f32 v7, v51;
	v9, _, _ =	vpop (xrf1);
	v60 =	vsel vm12, v56, v29;
	v0 =	vadd.s32 v55, v0  }
0x248: {  	v29 =	vsel vm12, v29, v56;
	v1 =	vsel vm15, v24, v4;
	v56 =	vshll.u32 v0, $0x6;
	v55, _, _ =	vpop (xrf1);
	(xrf1) =	vsort.dscd.msk.f32 $0xffff, v31, v60  }
0x249: {  	v58 =	vsel vm9, v47, v37;
	v33 =	vshll.u32 v33, $0x6;
	v14 =	vadd.s32 v14, v56;
	(xrf1) =	vsort.dscd.msk.f32 $0xffff, v3, v1  }
0x24a: {  	v6 =	vsel vm13, v7, v51;
	v3 =	vadd.s32 v42, v33;
	(xrf1) =	vsort.ascd.msk.u32 $0xffff, v14, v14  }
0x24b: {  	v1 =	vsel vm15, v4, v24;
	v4 =	vshll.u32 v26, $0x6;
	v0, _, _ =	vpop (xrf1);
	(xrf1) =	vsort.ascd.msk.u32 $0xffff, v3, v3;
	v3 =	vand.u32 $0x3F, v10  }
0x24c: {  	v5 =	vsel vm13, v27, v58;
	v4 =	vadd.s32 v32, v4;
	[tilespmem:s24+$0xFFFFFF80] =	vst v3;
	v3 =	vsel vm4, v40, v13;
	v13 =	vld [tilespmem:$0x1FA60]  }
0x24d: {  	v7 =	vsel vm13, v51, v7;
	v10 =	vsel vm5, v21, v35;
	v21 =	vshll.u32 v48, $0x6;
	(xrf1) =	vsort.ascd.msk.u32 $0xffff, v4, v4  }
0x24e: {  	v31 =	vsel vm15, v61, v45;
	v21 =	vadd.s32 v50, v21;
	(xrf1) =	vsort.dscd.msk.f32 $0xffff, v6, v5  }
0x24f: {  	v14 =	vsel vm13, v58, v27;
	v4 =	vsel vm4, v25, v36;
	v6, _, _ =	vpop (xrf1);
	(xrf1) =	vsort.ascd.msk.u32 $0xffff, v21, v21  }
0x250: {  	v5 =	vand.u32 $0x3F, v9;
	v9 =	vsel vm6, v17, v15;
	vm14 =	vge.f32 v10, v4;
	(xrf1) =	vsort.dscd.msk.f32 $0xffff, v49, v29  }
0x251: {  	v19 =	vld [tilespmem:$0x1FA70];
	(xrf1) =	vsort.dscd.msk.f32 $0xffff, v31, v1;
	v1 =	vand.u32 $0x3F, v6;
	v6 =	vsel vm5, v41, v12;
	[tilespmem:s25+$0xFFFFFF80] =	vst v13  }
0x252: {  	(xrf1) =	vsort.dscd.msk.f32 $0xffff, v7, v14;
	v13 =	vsel vm14, v10, v4;
	[tilespmem:s24+$0xFFFFFF90] =	vst v5;
	v5 =	vsel vm14, v6, v3  }
0x253: {  	v15 =	vsel vm7, v18, v38;
	(xrf1) =	vsort.dscd.msk.f32 $0xffff, v13, v5;
	v5 =	vsel vm14, v4, v10;
	v4 =	vld [tilespmem:$0x1FA80]  }
0x254: {  	v11 =	vsel vm8, v39, v11;
	v21 =	vand.u32 $0x3F, v55;
	vm15 =	vge.f32 v9, v15  }
0x255: {  	v17 =	vsel vm15, v9, v15;
	v12 =	vsel vm7, v20, v44;
	v7 =	vsel vm6, v30, v34  }
0x256: {  	vm5 =	vge.f32 v8, v16;
	v14 =	vsel vm9, v37, v47;
	v18 =	vsel vm15, v7, v12;
	[tilespmem:s25+$0xFFFFFF90] =	vst v19  }
0x257: {  	v20 =	vsel vm5, v11, v14;
	v19 =	vsel vm5, v8, v16;
	[tilespmem:s24+$0xFFFFFFA0] =	vst v21;
	v44, v45, _ =	vpop (xrf1);
	(xrf1) =	vsort.dscd.msk.f32 $0xffff, v17, v18  }
0x258: {  	v10 =	vsel vm14, v3, v6;
	[tilespmem:s25+$0xFFFFFFA0] =	vst v4;
	v4, v46, _ =	vpop (xrf1);
	(xrf1) =	vsort.dscd.msk.f32 $0xffff, v19, v20  }
0x259: {  	(xrf1) =	vsort.dscd.msk.f32 $0xffff, v5, v10;
	v5 =	vld [tilespmem:$0x1FA90];
	_ =	sdelay $0x2  }
0x25a: {  	v0 =	vand.u32 $0x3F, v0  }
0x25b: {  	[tilespmem:s24+$0xFFFFFFB0] =	vst v0  }
0x25c: {  	[tilespmem:s25+$0xFFFFFFB0] =	vst v5;
	v5 =	vperm.xlane v44, v22  }
0x25d: {  	v9 =	vsel vm15, v15, v9;
	v7 =	vsel vm15, v12, v7  }
0x25e: {  	v3, _, _ =	vpop (xrf1);
	(xrf1) =	vsort.dscd.msk.f32 $0xffff, v9, v7;
	v9 =	vsel vm1, $0x7F800000, v5;
	v5 =	vld [tilespmem:$0x1FAB0];
	_ =	sdelay $0x1  }
0x25f: {  	v55 =	vld [tilespmem:$0x1FFE0]  }
0x260: {  	v12 =	vsel vm5, v16, v8;
	v8 =	vsel vm5, v14, v11;
	v6, _, _ =	vpop (xrf1)  }
0x261: {  	(xrf1) =	vsort.dscd.msk.f32 $0xffff, v12, v8;
	v0, _, _ =	vpop (xrf1)  }
0x262: {  	v16, v48, _ =	vpop (xrf1);
	(xrf1) =	vsort.ascd.msk.u32 $0xffff, v5, v5;
	v5 =	vld [tilespmem:$0x1FAC0]  }
0x263: {  	v8 =	vld [tilespmem:$0x1FAA0]  }
0x264: {  	v3 =	vperm.xlane v3, v55  }
0x265: {  	v6 =	vperm.xlane v6, v55  }
0x266: {  	v7 =	vperm.xlane v4, v22;
	vm4 =	vlt.s32 v0, v3;
	v12, _, _ =	vpop (xrf1)  }
0x267: {  	[tilespmem:s24+$0x0] =	vst v1;
	v13 =	vld [tilespmem:$0x1FAE0];
	v11 =	vsel vm4, v0, v3;
	vm5 =	vlt.s32 v12, v6;
	(xrf1) =	vsort.ascd.msk.u32 $0xffff, v5, v5  }
0x268: {  	[tilespmem:s25+$0x0] =	vst v8;
	v5, v8, _ =	vpop (xrf1);
	(xrf1) =	vsort.ascd.msk.u32 $0xffff, v11, v11;
	v11 =	vsel vm5, v12, v6;
	v6 =	vsel vm5, v6, v12;
	v12 =	vld [tilespmem:$0x1FAD0]  }
0x269: {  	v10 =	vperm.xlane v16, v22;
	v0 =	vsel vm4, v3, v0  }
0x26a: {  	v7 =	vsel vm1, $0x7F800000, v7;
	vm4 =	vlt.f32 v44, v9;
	v27, v36, _ =	vpop (xrf1);
	vm5 =	vgt.f32 v44, v9;
	v9 =	vld [tilespmem:$0x1FAF0];
	(xrf1) =	vsort.ascd.msk.u32 $0xffff, v0, v0  }
0x26b: {  	v1 =	vperm.xlane v44, v23;
	vm12 =	vlt.f32 v4, v7;
	v10 =	vsel vm1, $0x7F800000, v10;
	v17, v38, _ =	vpop (xrf1);
	(xrf1) =	vsort.ascd.msk.u32 $0xffff, v11, v11  }
0x26c: {  	vm13 =	vgt.f32 v4, v7;
	v7 =	vld [tilespmem:$0x1FB00];
	vm14 =	vlt.f32 v16, v10;
	(xrf1) =	vsort.ascd.msk.u32 $0xffff, v6, v6  }
0x26d: {  	vm15 =	vgt.f32 v16, v10;
	v0 =	vperm.xlane v4, v23;
	v12 =	vadd.f32 v12, v13  }
0x26e: {  	v2, _, _ =	vpop (xrf2);
	vm11 =	vmor vm15, vm14;
	v3 =	vperm.xlane v5, v22;
	v6 =	vperm.xlane v16, v23  }
0x26f: {  	vm4 =	vmor vm5, vm4;
	v60, v49, _ =	vpop (xrf1);
	v13 =	vperm.xlane v17, v22;
	v12 =	vadd.f32 v9, v12  }
0x270: {  	vm5 =	vmor vm13, vm12;
	v11 =	vperm.xlane v27, v22;
	v1 =	vsel vm0, v1, v3;
	v20, v9, _ =	vpop (xrf1)  }
0x271: {  	v10 =	vsel vm4, $0x1, v28;
	v18, v37, _ =	vpop (xrf1);
	v7 =	vadd.f32 v7, v12;
	v12 =	vsel vm0, v6, v13;
	v13 =	vld [tilespmem:$0x1FB10]  }
0x272: {  	v29 =	vperm.xlane v17, v23;
	vm4 =	vlt.f32 v5, v1;
	(xrf0) =	vadd.scan.msk.s32 $0xffff, v10;
	v3 =	vsel vm0, v0, v11;
	v58, v0, _ =	vpop (xrf1)  }
0x273: {  	v10 =	vperm.xlane v27, v23;
	v11 =	vsel vm5, $0x1, v28;
	vm5 =	vgt.f32 v5, v1;
	v21, v6, _ =	vpop (xrf1);
	(xrf2) =	vadd.scan.msk.f32 $0xffff, v7  }
0x274: {  	v1 =	vsel vm11, $0x1, v28;
	vm12 =	vlt.f32 v27, v3;
	vm13 =	vgt.f32 v27, v3;
	v50, v39, _ =	vpop (xrf1)  }
0x275: {  	v3 =	vperm.xlane v5, v23;
	vm4 =	vmor vm5, vm4;
	vm5 =	vmor vm13, vm12;
	v40, _, _ =	vpop (xrf1)  }
0x276: {  	v26 =	vsel vm4, $0x1, v28;
	vm14 =	vlt.f32 v17, v12;
	vm15 =	vgt.f32 v17, v12;
	v41, _, _ =	vpop (xrf1);
	(xrf1) =	vsort.ascd.msk.u32 $0xffff, v13, v13  }
0x277: {  	(xrf0) =	vadd.scan.msk.s32 $0xffff, v11;
	v19 =	vsel vm5, $0x1, v28;
	v7 =	vperm.xlane v60, v22;
	vm4 =	vmor vm15, vm14;
	v11, _, _ =	vpop (xrf1)  }
0x278: {  	(xrf0) =	vadd.scan.msk.s32 $0xffff, v1;
	v14 =	vperm.xlane v18, v22;
	v12 =	vperm.xlane v20, v22;
	v24 =	vsel vm4, $0x1, v28;
	v1, _, _ =	vpop (xrf1)  }
0x279: {  	v3 =	vsel vm0, v3, v7;
	v25 =	vperm.xlane v11, v55;
	v1 =	vperm.xlane v1, v55;
	v15, _, _ =	vpop (xrf1)  }
0x27a: {  	v7 =	vsel vm0, v10, v12;
	v12 =	vsel vm0, v29, v14;
	vm4 =	vlt.f32 v60, v3;
	v13, _, _ =	vpop (xrf1)  }
0x27b: {  	(xrf0) =	vadd.scan.msk.s32 $0xffff, v26;
	vm7 =	vgt.f32 v60, v3;
	vm5 =	vlt.s32 v15, v1;
	vm6 =	vlt.s32 v13, v25  }
0x27c: {  	(xrf0) =	vadd.scan.msk.s32 $0xffff, v19;
	v10, _, _ =	vpop (xrf0);
	vm8 =	vlt.f32 v20, v7;
	v3 =	vsel vm5, v15, v1;
	v14 =	vsel vm6, v13, v25  }
0x27d: {  	(xrf0) =	vadd.scan.msk.s32 $0xffff, v24;
	vm10 =	vgt.f32 v20, v7;
	vm11 =	vlt.f32 v18, v12;
	vm9 =	vgt.s32 v3, v14;
	v11, _, _ =	vpop (xrf2)  }
0x27e: {  	vm12 =	vgt.f32 v18, v12;
	v7 =	vsel vm9, v14, v3;
	v26 =	vperm.xlane v11, v23  }
0x27f: {  	v1 =	vsel vm5, v1, v15;
	v11, _, _ =	vpop (xrf0);
	(xrf1) =	vsort.ascd.msk.u32 $0xffff, v7, v7;
	v7 =	vsel vm6, v25, v13  }
0x280: {  	v3 =	vsel vm9, v3, v14;
	v42, _, _ =	vpop (xrf0);
	vm5 =	vgt.s32 v1, v7;
	v12 =	vadd.f32 $1.000000010e-10, v26  }
0x281: {  	v24 =	vperm.xlane v60, v23;
	vm4 =	vmor vm7, vm4;
	(xrf1) =	vsort.ascd.msk.u32 $0xffff, v3, v3;
	v19, _, _ =	vpop (xrf0);
	v25 =	vsel vm5, v7, v1  }
0x282: {  	vm10 =	vmor vm10, vm8;
	v1 =	vsel vm5, v1, v7;
	v7 =	vsel vm4, $0x1, v28;
	v13, _, _ =	vpop (xrf0);
	(xrf1) =	vsort.ascd.msk.u32 $0xffff, v25, v25  }
0x283: {  	vm12 =	vmor vm12, vm11;
	v14 =	vperm.xlane v58, v22;
	v15, _, _ =	vpop (xrf0);
	(erf) = vrcp.f32 v12;
	(xrf0) =	vadd.scan.msk.s32 $0xffff, v7  }
0x284: {  	v30 =	vsel vm10, $0x1, v28;
	v3 =	vperm.xlane v20, v23;
	v26 =	vperm.xlane v21, v22;
	v12, _, _ =	vpop (xrf1);
	(xrf1) =	vsort.ascd.msk.u32 $0xffff, v1, v1  }
0x285: {  	v29 =	vperm.xlane v18, v23;
	v31 =	vsel vm12, $0x1, v28;
	v25 =	vperm.xlane v50, v22;
	(xrf0) =	vadd.scan.msk.s32 $0xffff, v30  }
0x286: {  	v3 =	vsel vm0, v3, v26;
	v7 =	vperm.xlane v11, v23;
	v1 =	vsel vm0, v24, v14  }
0x287: {  	vm13 =	vlt.f32 v21, v3;
	vm4 =	vlt.f32 v58, v1;
	vm5 =	vgt.f32 v58, v1  }
0x288: {  	vm14 =	vgt.f32 v21, v3;
	(xrf0) =	vadd.scan.msk.s32 $0xffff, v31;
	v1 =	vperm.xlane v10, v23;
	vm4 =	vmor vm5, vm4  }
0x289: {  	v14 =	vsel vm0, v29, v25;
	v29 =	vperm.xlane v42, v23;
	v3 =	vsel vm4, $0x1, v28  }
0x28a: {  	vm15 =	vlt.f32 v50, v14;
	vm12 =	vgt.f32 v50, v14;
	v1 =	vadd.s32 v1, v19;
	v19, _, _ =	vpop (xrf0);
	(xrf0) =	vadd.scan.msk.s32 $0xffff, v3  }
0x28b: {  	v7 =	vadd.s32 v7, v13;
	vm5 =	vmor vm14, vm13;
	vm13 =	vmor vm12, vm15;
	v31, _, _ =	vpop (xrf0)  }
0x28c: {  	v15 =	vadd.s32 v29, v15;
	v14 =	vsel vm5, $0x1, v28;
	v3 =	vperm.xlane v1, v23;
	v26 =	vpop (erf)  }
0x28d: {  	v25 =	vsel vm13, $0x1, v28;
	v28 =	vperm.xlane v7, v23;
	(xrf0) =	vadd.scan.msk.s32 $0xffff, v14;
	v13 =	vmul.f32 $1.399999980e+00, v26;
	v24, _, _ =	vpop (xrf1)  }
0x28e: {  	v29 =	vperm.xlane v15, v23;
	v1 =	vshll.u32 v1, $0x6;
	v3 =	vadd.s32 v3, v19;
	(xrf0) =	vadd.scan.msk.s32 $0xffff, v25;
	v26, _, _ =	vpop (xrf0)  }
0x28f: {  	s29 =	sadd.s32 $0x200, s29;
	v24 =	vand.u32 $0x3F, v24;
	v19, _, _ =	vpop (xrf1);
	v30 =	vmul.f32 v13, v43;
	v25 =	vmul.f32 v13, v63  }
0x290: {  	s30 =	sadd.s32 $0x200, s30;
	v1 =	vadd.s32 v8, v1;
	v14 =	vadd.s32 v28, v31;
	[tilespmem:s29+$0x80] =	vst v24;
	v24 =	vperm.xlane v3, v23;
	v31, _, _ =	vpop (xrf0)  }
0x291: {  	v8 =	vshll.u32 v11, $0x6;
	v26 =	vadd.s32 v29, v26;
	v28 =	vand.u32 $0x3F, v19;
	v19, _, _ =	vpop (xrf1);
	[tilespmem:s30+$0x80] =	vst v30  }
0x292: {  	v30 =	vperm.xlane v14, v23;
	v24 =	vadd.s32 v24, v31;
	[tilespmem:s29+$0x90] =	vst v28;
	v28 =	vand.u32 $0x3F, v19;
	v19, _, _ =	vpop (xrf1)  }
0x293: {  	v3 =	vshll.u32 v3, $0x6;
	v29 =	vperm.xlane v26, v23;
	v24 =	vshll.u32 v24, $0x6;
	[tilespmem:s30+$0x90] =	vst v25;
	v25, _, _ =	vpop (xrf0)  }
0x294: {  	v0 =	vadd.s32 v0, v24;
	[tilespmem:s29+$0xA0] =	vst v28;
	v28 =	vand.u32 $0x3F, v19;
	v24 =	vadd.s32 v30, v25;
	v19, _, _ =	vpop (xrf0)  }
0x295: {  	v63 =	vmul.f32 v13, v53;
	v24 =	vshll.u32 v24, $0x6;
	v19 =	vadd.s32 v29, v19  }
0x296: {  	(xrf1) =	vsort.ascd.msk.u32 $0xffff, v0, v0;
	v0 =	vshll.u32 v7, $0x6;
	v6 =	vadd.s32 v6, v24;
	v7 =	vshll.u32 v19, $0x6  }
0x297: {  	v13 =	vmul.f32 v13, v52;
	[tilespmem:s30+$0xA0] =	vst v63;
	v7 =	vadd.s32 v39, v7;
	(xrf1) =	vsort.ascd.msk.u32 $0xffff, v6, v6  }
0x298: {  	v3 =	vadd.s32 v49, v3;
	v14 =	vshll.u32 v14, $0x6;
	[tilespmem:s29+$0xB0] =	vst v28;
	(xrf1) =	vsort.ascd.msk.u32 $0xffff, v7, v7  }
0x299: {  	v26 =	vshll.u32 v26, $0x6;
	v9 =	vadd.s32 v9, v14;
	v14 =	vld [tilespmem:$0x1FB50];
	[tilespmem:s30+$0xB0] =	vst v13;
	(xrf1) =	vsort.ascd.msk.u32 $0xffff, v3, v3  }
0x29a: {  	v13 =	vshll.u32 v15, $0x6;
	v6 =	vshll.u32 v10, $0x6;
	v10 =	vadd.s32 v37, v26;
	v15 =	vld [tilespmem:$0x1FB60];
	(xrf1) =	vsort.ascd.msk.u32 $0xffff, v9, v9  }
0x29b: {  	v11 =	vshll.u32 v42, $0x6;
	v0 =	vadd.s32 v36, v0;
	v7 =	vadd.s32 v38, v13;
	v13 =	vld [tilespmem:$0x1FB40];
	(xrf1) =	vsort.ascd.msk.u32 $0xffff, v10, v10  }
0x29c: {  	v3 =	vadd.s32 v46, v8;
	v8 =	vadd.s32 v48, v11;
	v11 =	vld [tilespmem:$0x1FB30];
	(xrf1) =	vsort.ascd.msk.u32 $0xffff, v1, v1  }
0x29d: {  	v9 =	vand.u32 $0x3F, v40;
	(xrf1) =	vsort.ascd.msk.u32 $0xffff, v0, v0;
	v0 =	vld [tilespmem:$0x1FBB0]  }
0x29e: {  	v6 =	vadd.s32 v45, v6;
	[tilespmem:s24+$0x10] =	vst v9;
	v9 =	vld [tilespmem:$0x1FBA0];
	(xrf1) =	vsort.ascd.msk.u32 $0xffff, v7, v7  }
0x29f: {  	(xrf1) =	vsort.ascd.msk.u32 $0xffff, v6, v6;
	v6 =	vld [tilespmem:$0x1FBC0];
	_ =	sdelay $0x1  }
0x2a0: {  	v12 =	vand.u32 $0x3F, v12;
	v1 =	vsel vm3, v15, v14;
	v10 =	vsel vm2, v13, v11  }
0x2a1: {  	v11 =	vsel vm2, v11, v13;
	v13 =	vand.u32 $0x3F, v41;
	vm14 =	vgt.s32 v10, v1;
	[tilespmem:s25+$0x10] =	vst v0  }
0x2a2: {  	v45 =	vsel vm14, v1, v10;
	v35 =	vsel vm14, v10, v1;
	v1 =	vld [tilespmem:$0x1FBE0];
	[tilespmem:s24+$0x20] =	vst v13  }
0x2a3: {  	v24 =	vld [tilespmem:$0x1FB70];
	vm5 =	vgt.s32 v9, v62;
	[tilespmem:s25+$0x20] =	vst v6  }
0x2a4: {  	v48 =	vsel vm5, v62, v9;
	[tilespmem:s24+$0x30] =	vst v12;
	v12 =	vmov v9;
	v9 =	vld [tilespmem:$0x1FBD0];
	_ =	sdelay $0x1  }
0x2a5: {  	v14 =	vsel vm3, v14, v15;
	v15 =	vld [tilespmem:$0x1FB80]  }
0x2a6: {  	vm15 =	vgt.s32 v11, v14;
	(xrf1) =	vsort.ascd.msk.u32 $0xffff, v3, v3;
	v1 =	vperm.xlane v1, v23  }
0x2a7: {  	v26 =	vld [tilespmem:$0x1FC10];
	vm2 =	vgt.s32 v24, v54;
	v30 =	vsel vm15, v14, v11;
	(xrf1) =	vsort.ascd.msk.u32 $0xffff, v8, v8;
	v8, _, _ =	vpop (xrf1)  }
0x2a8: {  	v32 =	vsel vm15, v11, v14;
	v0 =	vsel vm2, v54, v24;
	v11 =	vadd.f32 $1.000000010e-10, v1;
	v1 =	vld [tilespmem:$0x1FE60];
	[tilespmem:s25+$0x30] =	vst v9;
	v9, _, _ =	vpop (xrf1)  }
0x2a9: {  	v10, _, _ =	vpop (xrf1);
	(xrf1) =	vsort.ascd.msk.u32 $0xffff, v0, v0;
	v0 =	vld [tilespmem:$0x1FBF0]  }
0x2aa: {  	v3 =	vsel vm2, v24, v54;
	vm3 =	vgt.s32 v15, v59  }
0x2ab: {  	v7 =	vsel vm3, v15, v59;
	v8 =	vperm.xlane v8, v55;
	v6 =	vsel vm3, v59, v15  }
0x2ac: {  	v46 =	vsel vm5, v12, v62;
	(xrf1) =	vsort.ascd.msk.u32 $0xffff, v3, v3;
	v3 =	vperm.xlane v2, v23;
	v2, _, _ =	vpop (xrf1)  }
0x2ad: {  	v9 =	vperm.xlane v9, v55;
	v52 =	vmul.f32 v26, v1;
	vm2 =	vlt.s32 v2, v8  }
0x2ae: {  	v19 =	vld [tilespmem:$0x1FB90];
	(xrf1) =	vsort.ascd.msk.u32 $0xffff, v6, v6;
	v6 =	vsel vm2, v2, v8;
	v13 =	vperm.xlane v0, v23;
	v0, _, _ =	vpop (xrf1)  }
0x2af: {  	(xrf1) =	vsort.ascd.msk.u32 $0xffff, v7, v7;
	v7 =	vsel vm2, v8, v2;
	vm2 =	vlt.s32 v0, v9;
	v2, _, _ =	vpop (xrf1)  }
0x2b0: {  	v1 =	vld [tilespmem:$0x1FC20];
	v12 =	vadd.f32 $1.000000010e-10, v13;
	v13 =	vsel vm2, v0, v9;
	v14 =	vsel vm2, v9, v0;
	v0, _, _ =	vpop (xrf1)  }
0x2b1: {  	v24 =	vadd.f32 $1.000000010e-10, v3;
	v3 =	vld [tilespmem:$0x1FC30];
	v15 =	vperm.xlane v0, v55;
	v0, _, _ =	vpop (xrf1)  }
0x2b2: {  	v22 =	vld [tilespmem:$0x1FB20];
	v10 =	vperm.xlane v10, v55;
	(xrf1) =	vsort.ascd.msk.u32 $0xffff, v6, v6;
	v8 =	vperm.xlane v0, v55;
	v0, _, _ =	vpop (xrf1)  }
0x2b3: {  	s31 =	sadd.s32 $0x4, s31;
	vm4 =	vgt.s32 v19, v57;
	v6 =	vperm.xlane v0, v55;
	v25, _, _ =	vpop (xrf1);
	(xrf1) =	vsort.ascd.msk.u32 $0xffff, v7, v7;
	v0 =	vld [tilespmem:$0x1FC40];
	v7 =	vmov v44  }
0x2b4: {  	p1 =	slt.u32 s31, $0x7C;
	v53 =	vsel vm4, v57, v19;
	v31 =	vsel vm4, v19, v57;
	vm2 =	vlt.s32 v2, v10;
	[tilespmem:$0x1FE60] =	vst v7;
	v7 =	vld [tilespmem:$0x1FC50]  }
.Ltmp2:
0x2b5: {  	(erf) = vrcp.f32 v11;
	v1 =	vmul.f32 v26, v1;
	v19 =	vsel vm2, v2, v10;
	(pc) =	sbr.rel @p1 .LBB2_3-.Ltmp2, $4  }
0x2b6: {  	v2 =	vsel vm2, v10, v2;
	v3 =	vmul.f32 v26, v3;
	vm2 =	vlt.s32 v25, v15;
	v9, _, _ =	vpop (xrf1)  }
0x2b7: {  	(erf) = vrcp.f32 v12;
	(xrf1) =	vsort.ascd.msk.u32 $0xffff, v13, v13;
	v10 =	vsel vm2, v25, v15;
	vm3 =	vlt.s32 v9, v8;
	v12, _, _ =	vpop (xrf1)  }
0x2b8: {  	s0 =	sadd.s32 $0x200, s0;
	v33 =	vld [tilespmem:$0x1FFB0];
	s24 =	smov.u32 s28;
	(erf) = vrcp.f32 v24;
	(xrf1) =	vsort.ascd.msk.u32 $0xffff, v14, v14;
	v11 =	vsel vm2, v15, v25;
	vm2 =	vlt.s32 v12, v6  }
0x2b9: {  	s28 =	smov.u32 s29;
	s25 =	smov.u32 s26;
	s26 =	smov.u32 s30;
	v23 =	vld [tilespmem:$0x1FC00];
	(xrf1) =	vsort.ascd.msk.u32 $0xffff, v19, v19;
	v0 =	vmul.f32 v26, v0;
	v34 =	vmul.f32 v22, v7  }
0x2ba: {  	(xrf1) =	vsort.ascd.msk.u32 $0xffff, v2, v2  }
0x2bb: {  	(xrf1) =	vsort.ascd.msk.u32 $0xffff, v10, v10  }
0x2bc: {  	v42 =	vsel vm3, v9, v8;
	(xrf1) =	vsort.ascd.msk.u32 $0xffff, v11, v11  }
0x2bd: {  	v7 =	vsel vm3, v8, v9;
	(xrf1) =	vsort.ascd.msk.u32 $0xffff, v42, v42  }
0x2be: {  	v43 =	vsel vm2, v12, v6;
	(xrf1) =	vsort.ascd.msk.u32 $0xffff, v7, v7  }
0x2bf: {  	v44 =	vsel vm2, v6, v12;
	v47, _, _ =	vpop (xrf1);
	(xrf1) =	vsort.ascd.msk.u32 $0xffff, v43, v43  }
0x2c0: {  	v49, _, _ =	vpop (xrf1);
	(xrf1) =	vsort.ascd.msk.u32 $0xffff, v44, v44  }
0x2c1: {  	v51, _, _ =	vpop (xrf1);
	(xrf1) =	vsort.ascd.msk.u32 $0xffff, v53, v53  }
0x2c2: {  	v53, _, _ =	vpop (xrf1)  }
0x2c3: {  	v7 =	vand.u32 $0x3F, v47;
	v54, _, _ =	vpop (xrf1);
	(xrf1) =	vsort.ascd.msk.u32 $0xffff, v31, v31  }
0x2c4: {  	[tilespmem:s24+$0xFFFFFF00] =	vst v7;
	v56, _, _ =	vpop (xrf1)  }
0x2c5: {  	v7 =	vld [tilespmem:$0x1FC70];
	(xrf1) =	vsort.ascd.msk.u32 $0xffff, v48, v48;
	v57, _, _ =	vpop (xrf1)  }
0x2c6: {  	v19 =	vld [tilespmem:$0x1FC90];
	(xrf1) =	vsort.ascd.msk.u32 $0xffff, v46, v46;
	v59, _, _ =	vpop (xrf1)  }
0x2c7: {  	(xrf1) =	vsort.ascd.msk.u32 $0xffff, v45, v45;
	v13, _, _ =	vpop (xrf1)  }
0x2c8: {  	v14, _, _ =	vpop (xrf1)  }
0x2c9: {  	v2 =	vand.u32 $0x3F, v49;
	[tilespmem:s25+$0xFFFFFF00] =	vst v52;
	v15, _, _ =	vpop (xrf1)  }
0x2ca: {  	v6 =	vand.u32 $0x3F, v51;
	[tilespmem:s24+$0xFFFFFF10] =	vst v2;
	v9 =	vperm.xlane v54, v55;
	v10 =	vperm.xlane v56, v55;
	v24, _, _ =	vpop (xrf1)  }
0x2cb: {  	v2 =	vld [tilespmem:$0x1FCB0];
	v62 =	vand.u32 $0x3F, v53;
	v7 =	vmul.f32 v22, v7;
	v19 =	vmul.f32 v22, v19;
	(xrf1) =	vsort.ascd.msk.u32 $0xffff, v35, v35;
	v25, _, _ =	vpop (xrf1)  }
0x2cc: {  	v61 =	vld [tilespmem:$0x1FC60];
	[tilespmem:s25+$0xFFFFFF10] =	vst v1;
	v44 =	vperm.xlane v57, v55;
	v12 =	vperm.xlane v59, v55;
	vm1 =	vlt.s32 v15, v10;
	v28, _, _ =	vpop (xrf1)  }
0x2cd: {  	[tilespmem:s24+$0xFFFFFF20] =	vst v6;
	vm2 =	vlt.s32 v24, v9;
	v63 =	vsel vm1, v15, v10;
	v1, _, _ =	vpop (xrf1);
	(xrf1) =	vsort.ascd.msk.u32 $0xffff, v30, v30  }
0x2ce: {  	[tilespmem:s25+$0xFFFFFF20] =	vst v3;
	v10 =	vsel vm1, v10, v15;
	v29 =	vsel vm2, v24, v9;
	v42 =	vsel vm2, v9, v24;
	v8, _, _ =	vpop (xrf1)  }
0x2cf: {  	v31 =	vld [tilespmem:$0x1FC80];
	[tilespmem:s24+$0xFFFFFF30] =	vst v62;
	vm2 =	vlt.s32 v25, v12;
	vm3 =	vgt.s32 v63, v29;
	(xrf1) =	vsort.ascd.msk.u32 $0xffff, v32, v32;
	v36, _, _ =	vpop (xrf1)  }
0x2d0: {  	v37 =	vld [tilespmem:$0x1FCA0];
	[tilespmem:s25+$0xFFFFFF30] =	vst v0;
	vm1 =	vgt.s32 v10, v42;
	v48 =	vsel vm2, v25, v12;
	v39 =	vand.u32 $0x3F, v36  }
0x2d1: {  	v40 =	vsel vm3, v29, v63;
	v3 =	vsel vm3, v63, v29;
	v47 =	vsel vm1, v42, v10;
	v41, _, _ =	vpop (xrf1);
	[tilespmem:s24+$0xFFFFFF80] =	vst v39  }
0x2d2: {  	vm3 =	vlt.s32 v28, v44;
	(xrf1) =	vsort.ascd.msk.u32 $0xffff, v40, v40;
	v43 =	vand.u32 $0x3F, v41;
	[tilespmem:s25+$0xFFFFFF80] =	vst v34  }
0x2d3: {  	v0 =	vsel vm1, v10, v42;
	v52 =	vsel vm3, v28, v44;
	v45, _, _ =	vpop (xrf1);
	(xrf1) =	vsort.ascd.msk.u32 $0xffff, v3, v3;
	[tilespmem:s24+$0xFFFFFF90] =	vst v43  }
0x2d4: {  	vm1 =	vgt.s32 v48, v52;
	v46 =	vand.u32 $0x3F, v45;
	v49, _, _ =	vpop (xrf1);
	(xrf1) =	vsort.ascd.msk.u32 $0xffff, v47, v47;
	[tilespmem:s25+$0xFFFFFF90] =	vst v7  }
0x2d5: {  	v59 =	vsel vm1, v52, v48;
	v54, _, _ =	vpop (xrf1);
	(xrf1) =	vsort.ascd.msk.u32 $0xffff, v0, v0;
	[tilespmem:s24+$0xFFFFFFA0] =	vst v46  }
0x2d6: {  	v11 =	vand.u32 $0x3F, v49;
	(xrf1) =	vsort.ascd.msk.u32 $0xffff, v59, v59;
	[tilespmem:s25+$0xFFFFFFA0] =	vst v19  }
0x2d7: {  	v2 =	vmul.f32 v22, v2;
	v57 =	vand.u32 $0x3F, v54;
	v53 =	vld [tilespmem:$0x1FCC0];
	[tilespmem:s24+$0xFFFFFFB0] =	vst v11  }
0x2d8: {  	v26 =	vmul.f32 v23, v61;
	v61 =	vperm.xlane v14, v55;
	[tilespmem:s24+$0x0] =	vst v57  }
0x2d9: {  	v35 =	vmul.f32 v23, v31;
	v38 =	vmul.f32 v23, v37;
	v62, _, _ =	vpop (xrf1);
	[tilespmem:s25+$0xFFFFFFB0] =	vst v2  }
0x2da: {  	v12 =	vsel vm2, v12, v25;
	vm2 =	vlt.s32 v1, v61;
	v3 =	vand.u32 $0x3F, v62;
	[tilespmem:s25+$0x0] =	vst v26  }
0x2db: {  	v63 =	vsel vm3, v44, v28;
	v6 =	vsel vm1, v48, v52;
	v19 =	vperm.xlane v13, v55;
	[tilespmem:s24+$0x10] =	vst v3;
	v22, _, _ =	vpop (xrf1)  }
0x2dc: {  	vm1 =	vgt.s32 v12, v63;
	[tilespmem:s25+$0x10] =	vst v35;
	v10 =	vmul.f32 v23, v53;
	v23 =	vand.u32 $0x3F, v22  }
0x2dd: {  	v24 =	vsel vm1, v63, v12;
	vm3 =	vlt.s32 v8, v19;
	v26 =	vsel vm2, v1, v61;
	v25, _, _ =	vpop (xrf1);
	[tilespmem:s24+$0x20] =	vst v23  }
0x2de: {  	v51 =	vpop (erf);
	v28 =	vsel vm3, v8, v19;
	(xrf1) =	vsort.ascd.msk.u32 $0xffff, v6, v6;
	v29 =	vand.u32 $0x3F, v25;
	[tilespmem:s25+$0x20] =	vst v38  }
0x2df: {  	v39 =	vpop (erf);
	v2 =	vsel vm1, v12, v63;
	vm1 =	vgt.s32 v26, v28;
	(xrf1) =	vsort.ascd.msk.u32 $0xffff, v24, v24;
	[tilespmem:s24+$0x30] =	vst v29  }
0x2e0: {  	v31 =	vsel vm1, v28, v26;
	v30, _, _ =	vpop (xrf1);
	(xrf1) =	vsort.ascd.msk.u32 $0xffff, v2, v2;
	[tilespmem:s25+$0x30] =	vst v10  }
0x2e1: {  	v34, _, _ =	vpop (xrf1);
	(xrf1) =	vsort.ascd.msk.u32 $0xffff, v31, v31;
	v32 =	vld [tilespmem:$0x1FE60]  }
0x2e2: {  	v38, _, _ =	vpop (xrf1)  }
0x2e3: {  	v2 =	vmul.f32 $1.399999980e+00, v39;
	v42, _, _ =	vpop (xrf1)  }
0x2e4: {  	v56 =	vmul.f32 $1.399999980e+00, v51;
	v35 =	vsel vm1, v26, v28;
	v6 =	vand.u32 $0x3F, v30;
	v43, _, _ =	vpop (xrf1)  }
0x2e5: {  	v44 =	vmul.f32 v2, v4;
	[tilespmem:s28+$0xFFFFFF00] =	vst v6;
	(xrf1) =	vsort.ascd.msk.u32 $0xffff, v35, v35;
	v45 =	vand.u32 $0x3F, v43  }
0x2e6: {  	v1 =	vsel vm2, v61, v1;
	v7 =	vsel vm3, v19, v8;
	[tilespmem:s28+$0xFFFFFF80] =	vst v45;
	v9 =	vmul.f32 v56, v32  }
0x2e7: {  	vm1 =	vgt.s32 v1, v7;
	[tilespmem:s26+$0xFFFFFF80] =	vst v44  }
0x2e8: {  	v36 =	vmul.f32 v56, v5;
	v40 =	vsel vm1, v7, v1;
	v37 =	vand.u32 $0x3F, v34;
	[tilespmem:s26+$0xFFFFFF00] =	vst v9  }
0x2e9: {  	(xrf1) =	vsort.ascd.msk.u32 $0xffff, v40, v40;
	[tilespmem:s28+$0xFFFFFF10] =	vst v37  }
0x2ea: {  	v41 =	vmul.f32 v56, v60;
	v1 =	vsel vm1, v1, v7;
	v6 =	vand.u32 $0x3F, v38;
	[tilespmem:s26+$0xFFFFFF10] =	vst v36  }
0x2eb: {  	v49 =	vpop (erf);
	(xrf1) =	vsort.ascd.msk.u32 $0xffff, v1, v1;
	[tilespmem:s28+$0xFFFFFF20] =	vst v6  }
0x2ec: {  	v0 =	vmul.f32 v56, v58;
	v3 =	vand.u32 $0x3F, v42;
	v46, _, _ =	vpop (xrf1);
	[tilespmem:s26+$0xFFFFFF20] =	vst v41  }
0x2ed: {  	v48, _, _ =	vpop (xrf1);
	[tilespmem:s28+$0xFFFFFF30] =	vst v3  }
0x2ee: {  	v47 =	vmul.f32 v2, v27;
	v52, _, _ =	vpop (xrf1);
	v3 =	vand.u32 $0x3F, v46;
	[tilespmem:s26+$0xFFFFFF30] =	vst v0  }
0x2ef: {  	v53 =	vmul.f32 $1.399999980e+00, v49;
	v54, _, _ =	vpop (xrf1);
	[tilespmem:s28+$0xFFFFFF90] =	vst v3  }
0x2f0: {  	v3 =	vand.u32 $0x3F, v54;
	[tilespmem:s26+$0xFFFFFF90] =	vst v47  }
0x2f1: {  	v56 =	vmul.f32 v53, v16;
	v1 =	vand.u32 $0x3F, v48;
	[tilespmem:s28+$0x0] =	vst v3  }
0x2f2: {  	v51 =	vmul.f32 v2, v20;
	[tilespmem:s28+$0xFFFFFFA0] =	vst v1  }
0x2f3: {  	v57, _, _ =	vpop (xrf1);
	[tilespmem:s26+$0x0] =	vst v56  }
0x2f4: {  	v59 =	vand.u32 $0x3F, v57;
	[tilespmem:s26+$0xFFFFFFA0] =	vst v51  }
0x2f5: {  	v58 =	vmul.f32 v53, v17;
	v0 =	vand.u32 $0x3F, v52;
	[tilespmem:s28+$0x10] =	vst v59  }
0x2f6: {  	v2 =	vmul.f32 v2, v21;
	[tilespmem:s28+$0xFFFFFFB0] =	vst v0  }
0x2f7: {  	v60, _, _ =	vpop (xrf1);
	[tilespmem:s26+$0x10] =	vst v58  }
0x2f8: {  	v61 =	vmul.f32 v53, v18;
	[tilespmem:s26+$0xFFFFFFB0] =	vst v2;
	v2 =	vand.u32 $0x3F, v60  }
0x2f9: {  	v62, _, _ =	vpop (xrf1);
	[tilespmem:s28+$0x20] =	vst v2  }
0x2fa: {  	p1 =	sne.s32 s22, $0x3;
	v1 =	vmul.f32 v53, v50;
	v63 =	vand.u32 $0x3F, v62;
	[tilespmem:s26+$0x20] =	vst v61  }
.Ltmp3:
0x2fb: {  	s0 =	sor.u32 s3, s23;
	[tilespmem:s28+$0x30] =	vst v63;
	(pc) =	sbr.rel @p1 .LBB2_6-.Ltmp3, $4  }
0x2fc: {  	s31 =	sadd.s32 s4, s0;
	[tilespmem:s26+$0x30] =	vst v1  }
0x2fd: {  	[hbm4b:s31+s2] =	stream.linear.scatter [tilespmem:s14], [sflag:$0x3], $0x4000, $0x38;
	[tilespmem:$0x18000] =	vst v63  }
0x2fe: {  	s0 =	sadd.s32 s5, s0  }
0x2ff: {  	[hbm4b:s0+s2] =	stream.linear.scatter [tilespmem:s15], [sflag:$0x3], $0x4000, $0x38;
	[tilespmem:$0x18000] =	vst v63  }
.Ltmp4:
0x300: {  	(pc) =	sbr.rel .LBB2_7-.Ltmp4, $4  }
0x301: {  	_ = 	snop  }
0x302: {  	_ =	swait.ge [sflag:s16], $0x4000  }
0x303: {  	[sflag:s16] =	ssyncset.done $0x0  }
0x304: {  	v34 =	vld [tilespmem:$0x1FFC0];
	[sflag:s16] =	ssyncadd.s32 $0xFFFFC000  }
.LBB2_6:
.Ltmp5:
0x305: {  	s0 =	sadd.s32 s23, s8;
	(pc) =	sbr.rel @p0 .LBB2_8-.Ltmp5, $4  }
0x306: {  	[tilespmem:s2], [sflag:$0x1] =	stream.linear.gather [hbm4b:s0+s2], $0x4000, $0x38;
	[tilespmem:$0x18000] =	vst v63  }
0x307: {  	_ =	swait.ge [sflag:s16], $0x4000  }
0x308: {  	[sflag:s16] =	ssyncset.done $0x0  }
0x309: {  	v34 =	vld [tilespmem:$0x1FFC0];
	[sflag:s16] =	ssyncadd.s32 $0xFFFFC000  }
.LBB2_7:
0x30a: {  	_ =	swait.ge [sflag:s17], $0x4000  }
0x30b: {  	[sflag:s17] =	ssyncset.done $0x0  }
0x30c: {  	[sflag:s17] =	ssyncadd.s32 $0xFFFFC000  }
0x30d: {  	_ =	swait.ge [sflag:s17], $0x4000  }
0x30e: {  	[sflag:s17] =	ssyncset.done $0x0  }
0x30f: {  	[sflag:s17] =	ssyncadd.s32 $0xFFFFC000  }
.LBB2_8:
0x310: {  	s24 =	simm.s32 $0x0  }
0x311: {  	v0 =	vld [tilespmem:s24+$0x41B0]  }
0x312: {  	v35 =	vld [tilespmem:$0x1FFD0]  }
0x313: {  	v1 =	vld [tilespmem:s24+$0x4190]  }
0x314: {  	v2 =	vld [tilespmem:s24+$0x41A0]  }
0x315: {  	v3 =	vld [tilespmem:s24+$0x4180]  }
0x316: {  	vm1 =	vlt.f32 v0, $1.175494350e-38  }
0x317: {  	v5 =	vsel vm1, $0x0, v0  }
0x318: {  	v4 =	vld [tilespmem:s24+$0x4030];
	[tilespmem:$0x1F7E0] =	vst v5  }
0x319: {  	vm2 =	vlt.f32 v1, $1.175494350e-38;
	vm1 =	vlt.f32 v2, $1.175494350e-38;
	v0 =	vld [tilespmem:s24+$0x40B0]  }
0x31a: {  	v57 =	vsel vm2, $0x0, v1;
	vm2 =	vlt.f32 v3, $1.175494350e-38;
	(xrf1) =	vsort.dscd.msk.f32 $0xffff, v5, v35;
	v5 =	vsel vm1, $0x0, v2  }
0x31b: {  	v6 =	vsel vm2, $0x0, v3;
	v1 =	vld [tilespmem:s24+$0x4130];
	[tilespmem:$0x1F7D0] =	vst v5  }
0x31c: {  	(xrf1) =	vsort.dscd.msk.f32 $0xffff, v57, v33;
	v2 =	vld [tilespmem:s24+$0x4010];
	[tilespmem:$0x1F7C0] =	vst v6  }
0x31d: {  	v36 =	vlaneseq.u32;
	vm1 =	vlt.f32 v4, $1.175494350e-38;
	(xrf1) =	vsort.dscd.msk.f32 $0xffff, v5, v34;
	v3 =	vld [tilespmem:s24+$0x4020]  }
0x31e: {  	(xrf1) =	vsort.dscd.msk.f32 $0xffff, v6, v36;
	v6 =	vsel vm1, $0x0, v4;
	vm1 =	vlt.f32 v0, $1.175494350e-38  }
0x31f: {  	v5 =	vld [tilespmem:s24+$0x4090];
	[tilespmem:$0x1F880] =	vst v6;
	v7 =	vsel vm1, $0x0, v0  }
0x320: {  	v4 =	vld [tilespmem:s24+$0x40A0];
	vm1 =	vlt.f32 v1, $1.175494350e-38;
	[tilespmem:$0x1F890] =	vst v7  }
0x321: {  	vm2 =	vlt.f32 v2, $1.175494350e-38;
	v8 =	vsel vm1, $0x0, v1;
	v0 =	vld [tilespmem:s24+$0x4110]  }
0x322: {  	(xrf1) =	vsort.dscd.msk.f32 $0xffff, v6, v35;
	v9 =	vsel vm2, $0x0, v2;
	vm1 =	vlt.f32 v3, $1.175494350e-38;
	v6 =	vld [tilespmem:s24+$0x4120];
	[tilespmem:$0x1F8F0] =	vst v8  }
0x323: {  	(xrf1) =	vsort.dscd.msk.f32 $0xffff, v7, v35;
	v7 =	vsel vm1, $0x0, v3;
	v1 =	vld [tilespmem:s24+$0x4000];
	[tilespmem:$0x1F7F0] =	vst v9  }
0x324: {  	vm1 =	vlt.f32 v5, $1.175494350e-38;
	[tilespmem:$0x1F850] =	vst v7  }
0x325: {  	v5 =	vsel vm1, $0x0, v5;
	v2 =	vld [tilespmem:s24+$0x4080]  }
0x326: {  	(xrf1) =	vsort.dscd.msk.f32 $0xffff, v8, v35;
	vm1 =	vlt.f32 v4, $1.175494350e-38;
	[tilespmem:$0x1F810] =	vst v5  }
0x327: {  	(xrf1) =	vsort.dscd.msk.f32 $0xffff, v9, v33;
	v4 =	vsel vm1, $0x0, v4;
	v3 =	vld [tilespmem:s24+$0x4100]  }
0x328: {  	(xrf1) =	vsort.dscd.msk.f32 $0xffff, v7, v34;
	[tilespmem:$0x1F860] =	vst v4;
	vm1 =	vlt.f32 v0, $1.175494350e-38  }
0x329: {  	(xrf1) =	vsort.dscd.msk.f32 $0xffff, v5, v33;
	v5 =	vsel vm1, $0x0, v0;
	vm1 =	vlt.f32 v6, $1.175494350e-38;
	vm2 =	vlt.f32 v1, $1.175494350e-38  }
0x32a: {  	(xrf1) =	vsort.dscd.msk.f32 $0xffff, v4, v34;
	v0 =	vsel vm1, $0x0, v6;
	v4 =	vsel vm2, $0x0, v1;
	vm1 =	vlt.f32 v2, $1.175494350e-38  }
0x32b: {  	[tilespmem:$0x1F830] =	vst v5;
	(xrf1) =	vsort.dscd.msk.f32 $0xffff, v5, v33;
	v5 =	vsel vm1, $0x0, v2  }
0x32c: {  	vm1 =	vlt.f32 v3, $1.175494350e-38  }
0x32d: {  	[tilespmem:$0x1F870] =	vst v0;
	(xrf1) =	vsort.dscd.msk.f32 $0xffff, v0, v34;
	v6 =	vsel vm1, $0x0, v3;
	v0, v1, _ =	vpop (xrf1)  }
0x32e: {  	[tilespmem:$0x1F800] =	vst v4;
	(xrf1) =	vsort.dscd.msk.f32 $0xffff, v4, v36;
	v0 =	vperm.xlane v0, v55;
	v2, v4, _ =	vpop (xrf1)  }
0x32f: {  	[tilespmem:$0x1F820] =	vst v5;
	(xrf1) =	vsort.dscd.msk.f32 $0xffff, v5, v36;
	v1 =	vperm.xlane v1, v55;
	v2 =	vperm.xlane v2, v55;
	v3, v5, _ =	vpop (xrf1)  }
0x330: {  	[tilespmem:$0x1F840] =	vst v6;
	(xrf1) =	vsort.dscd.msk.f32 $0xffff, v6, v36;
	v4 =	vperm.xlane v4, v55;
	vm1 =	vge.f32 v3, v0;
	v6, v7, _ =	vpop (xrf1)  }
0x331: {  	vm2 =	vge.f32 v6, v2;
	v9 =	vsel vm1, v5, v1;
	v1 =	vsel vm1, v1, v5  }
0x332: {  	v8 =	vsel vm1, v3, v0;
	v0 =	vsel vm1, v0, v3;
	v5 =	vsel vm2, v7, v4  }
0x333: {  	(xrf1) =	vsort.dscd.msk.f32 $0xffff, v8, v9;
	v3 =	vsel vm2, v6, v2;
	v4 =	vsel vm2, v4, v7  }
0x334: {  	v2 =	vsel vm2, v2, v6;
	(xrf1) =	vsort.dscd.msk.f32 $0xffff, v0, v1  }
0x335: {  	v0, v1, _ =	vpop (xrf1)  }
0x336: {  	(xrf1) =	vsort.dscd.msk.f32 $0xffff, v3, v5;
	v3, v5, _ =	vpop (xrf1)  }
0x337: {  	(xrf1) =	vsort.dscd.msk.f32 $0xffff, v2, v4;
	v2, v4, _ =	vpop (xrf1)  }
0x338: {  	v6, v7, _ =	vpop (xrf1)  }
0x339: {  	v8, v9, _ =	vpop (xrf1)  }
0x33a: {  	v0 =	vperm.xlane v0, v55;
	v10, v11, _ =	vpop (xrf1)  }
0x33b: {  	v1 =	vperm.xlane v1, v55;
	v3 =	vperm.xlane v3, v55;
	v12, v13, _ =	vpop (xrf1)  }
0x33c: {  	v5 =	vperm.xlane v5, v55;
	v2 =	vperm.xlane v2, v55;
	vm1 =	vge.f32 v8, v0;
	v14, v15, _ =	vpop (xrf1)  }
0x33d: {  	v4 =	vperm.xlane v4, v55;
	v6 =	vperm.xlane v6, v55;
	v19 =	vsel vm1, v9, v1;
	v16, v17, _ =	vpop (xrf1)  }
0x33e: {  	v10 =	vperm.xlane v10, v55;
	v18 =	vsel vm1, v8, v0;
	v1 =	vsel vm1, v1, v9;
	v20, v21, _ =	vpop (xrf1)  }
0x33f: {  	v0 =	vsel vm1, v0, v8;
	vm2 =	vge.f32 v12, v3;
	(xrf1) =	vsort.dscd.msk.f32 $0xffff, v18, v19;
	v8, v9, _ =	vpop (xrf1)  }
0x340: {  	v22 =	vsel vm2, v12, v3;
	v23 =	vsel vm2, v13, v5;
	v3 =	vsel vm2, v3, v12;
	v49, v24, _ =	vpop (xrf1)  }
0x341: {  	v5 =	vsel vm2, v5, v13;
	(xrf1) =	vsort.dscd.msk.f32 $0xffff, v0, v1;
	vm1 =	vge.f32 v16, v2;
	v18, v19, _ =	vpop (xrf1)  }
0x342: {  	v52 =	vperm.xlane v14, v55;
	v50 =	vsel vm1, v16, v2;
	v25 =	vsel vm1, v17, v4;
	v0, v1, _ =	vpop (xrf1)  }
0x343: {  	v2 =	vsel vm1, v2, v16;
	v4 =	vsel vm1, v4, v17;
	v0 =	vperm.xlane v0, v55  }
0x344: {  	(xrf1) =	vsort.dscd.msk.f32 $0xffff, v22, v23;
	v16 =	vperm.xlane v18, v55;
	v17 =	vperm.xlane v19, v55;
	v18, v22, _ =	vpop (xrf1)  }
0x345: {  	(xrf1) =	vsort.dscd.msk.f32 $0xffff, v3, v5;
	v1 =	vperm.xlane v1, v55;
	v3, v5, _ =	vpop (xrf1);
	vm1 =	vge.f32 v18, v0  }
0x346: {  	vm2 =	vge.f32 v3, v16;
	(xrf1) =	vsort.dscd.msk.f32 $0xffff, v50, v25;
	v51 =	vsel vm1, v18, v0  }
0x347: {  	v19 =	vsel vm2, v3, v16;
	v23 =	vsel vm1, v22, v1;
	v25 =	vsel vm2, v5, v17  }
0x348: {  	(xrf1) =	vsort.dscd.msk.f32 $0xffff, v2, v4;
	v0 =	vsel vm1, v0, v18;
	vm3 =	vge.f32 v51, v19  }
0x349: {  	v1 =	vsel vm1, v1, v22;
	v2 =	vsel vm3, v51, v19;
	v4 =	vsel vm3, v23, v25  }
0x34a: {  	v5 =	vsel vm2, v17, v5;
	(xrf1) =	vsort.dscd.msk.f32 $0xffff, v2, v4;
	v2 =	vsel vm2, v16, v3  }
0x34b: {  	v3 =	vsel vm3, v19, v51;
	v4 =	vsel vm3, v25, v23;
	vm2 =	vge.f32 v20, v6  }
0x34c: {  	vm1 =	vge.f32 v0, v2;
	(xrf1) =	vsort.dscd.msk.f32 $0xffff, v3, v4;
	v3 =	vperm.xlane v7, v55  }
0x34d: {  	v4 =	vsel vm1, v0, v2;
	v7 =	vsel vm1, v1, v5;
	v0 =	vsel vm1, v2, v0  }
0x34e: {  	v1 =	vsel vm1, v5, v1;
	(xrf1) =	vsort.dscd.msk.f32 $0xffff, v4, v7;
	v4 =	vperm.xlane v11, v55  }
0x34f: {  	v7 =	vsel vm2, v20, v6;
	v11 =	vsel vm2, v21, v3;
	v3 =	vsel vm2, v3, v21  }
0x350: {  	v2 =	vperm.xlane v15, v55;
	v6 =	vsel vm2, v6, v20;
	(xrf1) =	vsort.dscd.msk.f32 $0xffff, v7, v11  }
0x351: {  	vm1 =	vge.f32 v8, v10;
	vm2 =	vge.f32 v49, v52;
	(xrf1) =	vsort.dscd.msk.f32 $0xffff, v6, v3  }
0x352: {  	v3, v5, _ =	vpop (xrf1);
	(xrf1) =	vsort.dscd.msk.f32 $0xffff, v0, v1;
	v0 =	vsel vm1, v8, v10;
	v1 =	vsel vm1, v9, v4  }
0x353: {  	v8 =	vsel vm1, v10, v8;
	v4 =	vsel vm1, v4, v9;
	v6, v7, _ =	vpop (xrf1);
	(xrf1) =	vsort.dscd.msk.f32 $0xffff, v0, v1  }
0x354: {  	v0 =	vsel vm2, v49, v52;
	v1 =	vsel vm2, v24, v2;
	v9, v10, _ =	vpop (xrf1);
	(xrf1) =	vsort.dscd.msk.f32 $0xffff, v8, v4  }
0x355: {  	v59 =	vld [tilespmem:$0x1FFF0];
	v11, v53, _ =	vpop (xrf1);
	(xrf1) =	vsort.dscd.msk.f32 $0xffff, v0, v1;
	v0 =	vsel vm2, v52, v49;
	_ =	sdelay $0x1  }
0x356: {  	v4, v8, _ =	vpop (xrf1)  }
0x357: {  	v1 =	vsel vm2, v2, v24;
	v2 =	vperm.xlane v6, v55;
	v6, v54, _ =	vpop (xrf1)  }
0x358: {  	v3 =	vperm.xlane v3, v55;
	v5 =	vperm.xlane v5, v55;
	(xrf1) =	vsort.dscd.msk.f32 $0xffff, v0, v1;
	v17, v0, _ =	vpop (xrf1)  }
0x359: {  	v39 =	vimm.s32 $0xF;
	v1 =	vperm.xlane v9, v55;
	v9 =	vperm.xlane v17, v59;
	v19, v13, _ =	vpop (xrf1)  }
0x35a: {  	v45 =	vimm.s32 $0x0;
	v56 =	vperm.xlane v17, v39;
	v16 =	vperm.xlane v19, v59  }
0x35b: {  	vm1 =	veq.s32 v36, $0x0;
	v7 =	vperm.xlane v7, v55;
	v10 =	vperm.xlane v10, v55  }
0x35c: {  	v11 =	vperm.xlane v11, v55;
	v9 =	vsel vm1, $0x7F800000, v9;
	v15 =	vsel vm0, v56, v16  }
0x35d: {  	v14 =	vperm.xlane v53, v55;
	[tilespmem:$0x1F6C0] =	vst v17;
	vm2 =	vlt.f32 v17, v9;
	vm3 =	vgt.f32 v17, v9;
	v23, v17, _ =	vpop (xrf1)  }
0x35e: {  	v9 =	vperm.xlane v19, v39;
	vm2 =	vmor vm3, vm2;
	v16 =	vperm.xlane v23, v59  }
0x35f: {  	[tilespmem:$0x1F6D0] =	vst v19;
	vm3 =	vgt.f32 v19, v15;
	v18 =	vsel vm2, $0x1, v45;
	vm2 =	vlt.f32 v19, v15;
	v15, v19, _ =	vpop (xrf1)  }
0x360: {  	v4 =	vperm.xlane v4, v55;
	v8 =	vperm.xlane v8, v55;
	vm2 =	vmor vm3, vm2;
	v20, v21, _ =	vpop (xrf1)  }
0x361: {  	(xrf0) =	vadd.scan.msk.s32 $0xffff, v18;
	v9 =	vsel vm0, v9, v16;
	v16 =	vperm.xlane v23, v39;
	v18 =	vsel vm2, $0x1, v45;
	v28, v22, _ =	vpop (xrf1)  }
0x362: {  	vm2 =	vlt.f32 v23, v9;
	vm3 =	vgt.f32 v23, v9;
	v9 =	vperm.xlane v28, v59  }
0x363: {  	v6 =	vperm.xlane v6, v55;
	v12 =	vperm.xlane v54, v55;
	(xrf0) =	vadd.scan.msk.s32 $0xffff, v18  }
0x364: {  	vm2 =	vmor vm3, vm2;
	vm3 =	vge.f32 v15, v2;
	v9 =	vsel vm0, v16, v9  }
0x365: {  	[tilespmem:$0x1F6E0] =	vst v23;
	v26 =	vsel vm2, $0x1, v45;
	vm2 =	vge.f32 v20, v3;
	v31 =	vsel vm3, v15, v2;
	v18, v23, _ =	vpop (xrf1)  }
0x366: {  	v60 =	vsel vm3, v19, v7;
	(xrf0) =	vadd.scan.msk.s32 $0xffff, v26;
	v24, v25, _ =	vpop (xrf1);
	vm4 =	vlt.f32 v28, v9;
	vm5 =	vgt.f32 v28, v9  }
0x367: {  	v2 =	vsel vm3, v2, v15;
	v7 =	vsel vm3, v7, v19;
	vm5 =	vmor vm5, vm4;
	v9, _, _ =	vpop (xrf0)  }
0x368: {  	v47 =	vsel vm2, v21, v5;
	v16, v27, _ =	vpop (xrf1);
	v30 =	vsel vm5, $0x1, v45;
	v29 =	vperm.xlane v9, v39  }
0x369: {  	v5 =	vsel vm2, v5, v21;
	vm12 =	vge.f32 v18, v11;
	vm6 =	vge.f32 v24, v1;
	v32, _, _ =	vpop (xrf0);
	(xrf0) =	vadd.scan.msk.s32 $0xffff, v30  }
0x36a: {  	v49 =	vsel vm12, v23, v14;
	vm13 =	vge.f32 v16, v6;
	v29 =	vadd.s32 v29, v32  }
0x36b: {  	[tilespmem:$0x1F6F0] =	vst v28;
	v26, v28, _ =	vpop (xrf1);
	v58 =	vsel vm6, v24, v1;
	v50 =	vsel vm6, v25, v10;
	v37 =	vperm.xlane v29, v39  }
0x36c: {  	v1 =	vsel vm6, v1, v24;
	v10 =	vsel vm6, v10, v25;
	vm7 =	vge.f32 v26, v4;
	v44, _, _ =	vpop (xrf0)  }
0x36d: {  	v38 =	vsel vm13, v16, v6;
	v30 =	vsel vm2, v20, v3;
	v37 =	vadd.s32 v37, v44  }
0x36e: {  	v51 =	vsel vm13, v27, v12;
	vm9 =	vge.f32 v31, v30;
	v48 =	vperm.xlane v37, v39  }
0x36f: {  	v42 =	vsel vm7, v26, v4;
	v32 =	vsel vm12, v18, v11;
	v61 =	vsel vm9, v31, v30;
	v52, _, _ =	vpop (xrf0)  }
0x370: {  	v53 =	vsel vm9, v60, v47;
	vm10 =	vge.f32 v32, v58;
	v48 =	vadd.s32 v48, v52  }
0x371: {  	(xrf1) =	vsort.dscd.msk.f32 $0xffff, v61, v53;
	v54 =	vsel vm10, v32, v58;
	v62 =	vsel vm10, v49, v50;
	v48 =	vshll.u32 v48, $0x6  }
0x372: {  	vm8 =	vge.f32 v38, v42;
	v29 =	vshll.u32 v29, $0x6;
	(xrf1) =	vsort.dscd.msk.f32 $0xffff, v54, v62;
	v22 =	vadd.s32 v22, v48  }
0x373: {  	v30 =	vsel vm9, v30, v31;
	v13 =	vadd.s32 v13, v29;
	v29 =	vshll.u32 v37, $0x6;
	(xrf1) =	vsort.ascd.msk.u32 $0xffff, v22, v22  }
0x374: {  	v31 =	vsel vm7, v28, v8;
	v17 =	vadd.s32 v17, v29;
	(xrf1) =	vsort.ascd.msk.u32 $0xffff, v13, v13  }
0x375: {  	v9 =	vshll.u32 v9, $0x6;
	v63 =	vsel vm8, v38, v42;
	v41 =	vsel vm8, v51, v31;
	(xrf1) =	vsort.ascd.msk.u32 $0xffff, v17, v17  }
0x376: {  	v6 =	vsel vm13, v6, v16;
	v0 =	vadd.s32 v0, v9;
	(xrf1) =	vsort.dscd.msk.f32 $0xffff, v63, v41  }
0x377: {  	v3 =	vsel vm2, v3, v20;
	v4 =	vsel vm7, v4, v26;
	(xrf1) =	vsort.ascd.msk.u32 $0xffff, v0, v0  }
0x378: {  	v12 =	vsel vm13, v12, v27;
	vm14 =	vge.f32 v2, v3;
	vm3 =	vge.f32 v6, v4  }
0x379: {  	v11 =	vsel vm12, v11, v18;
	v8 =	vsel vm7, v8, v28;
	v44 =	vsel vm9, v47, v60  }
0x37a: {  	v46 =	vsel vm14, v7, v5;
	v16 =	vsel vm3, v6, v4;
	(xrf1) =	vsort.dscd.msk.f32 $0xffff, v30, v44  }
0x37b: {  	v43 =	vsel vm10, v50, v49;
	v22 =	vsel vm10, v58, v32;
	v0 =	vsel vm14, v2, v3  }
0x37c: {  	v9 =	vsel vm8, v31, v51;
	vm15 =	vge.f32 v11, v1;
	(xrf1) =	vsort.dscd.msk.f32 $0xffff, v22, v43  }
0x37d: {  	v47 =	vsel vm15, v11, v1;
	v29 =	vsel vm8, v42, v38;
	v17 =	vsel vm3, v12, v8  }
0x37e: {  	v2 =	vsel vm14, v3, v2;
	(xrf1) =	vsort.dscd.msk.f32 $0xffff, v29, v9;
	v9 =	vsel vm12, v14, v23  }
0x37f: {  	v3 =	vsel vm14, v5, v7;
	v48 =	vsel vm15, v9, v10;
	(xrf1) =	vsort.dscd.msk.f32 $0xffff, v0, v46;
	v20, v0, _ =	vpop (xrf1)  }
0x380: {  	v5 =	vsel vm15, v1, v11;
	v7 =	vsel vm15, v10, v9;
	(xrf1) =	vsort.dscd.msk.f32 $0xffff, v47, v48;
	v18, v1, _ =	vpop (xrf1)  }
0x381: {  	v4 =	vsel vm3, v4, v6;
	(xrf1) =	vsort.dscd.msk.f32 $0xffff, v16, v17;
	v6, _, _ =	vpop (xrf1)  }
0x382: {  	v8 =	vsel vm3, v8, v12;
	(xrf1) =	vsort.dscd.msk.f32 $0xffff, v2, v3;
	v3 =	vperm.xlane v6, v55;
	v2, _, _ =	vpop (xrf1)  }
0x383: {  	v9 =	vperm.xlane v18, v59;
	(xrf1) =	vsort.dscd.msk.f32 $0xffff, v5, v7;
	v6 =	vperm.xlane v20, v59;
	v7, _, _ =	vpop (xrf1)  }
0x384: {  	v5 =	vperm.xlane v20, v39;
	v10 =	vperm.xlane v2, v55;
	vm2 =	vlt.s32 v7, v3;
	v49, v2, _ =	vpop (xrf1)  }
0x385: {  	(xrf1) =	vsort.dscd.msk.f32 $0xffff, v4, v8;
	v50 =	vsel vm1, $0x7F800000, v6;
	v4 =	vperm.xlane v49, v59;
	v8 =	vsel vm2, v7, v3;
	v11, _, _ =	vpop (xrf1)  }
0x386: {  	v7 =	vsel vm2, v3, v7;
	v52 =	vperm.xlane v49, v39;
	vm3 =	vlt.s32 v11, v10  }
0x387: {  	vm2 =	vlt.f32 v20, v50;
	(xrf1) =	vsort.ascd.msk.u32 $0xffff, v8, v8;
	v8 =	vsel vm3, v11, v10  }
0x388: {  	v17, v3, _ =	vpop (xrf1);
	(xrf1) =	vsort.ascd.msk.u32 $0xffff, v7, v7;
	v7 =	vsel vm1, $0x7F800000, v9;
	v9 =	vperm.xlane v18, v39;
	v10 =	vsel vm3, v10, v11  }
0x389: {  	v4 =	vsel vm1, $0x7F800000, v4;
	vm3 =	vgt.f32 v20, v50;
	v51 =	vperm.xlane v17, v59  }
0x38a: {  	v16, v6, _ =	vpop (xrf1);
	vm11 =	vlt.f32 v18, v7;
	vm12 =	vgt.f32 v18, v7;
	vm13 =	vlt.f32 v49, v4  }
0x38b: {  	vm2 =	vmor vm3, vm2;
	vm14 =	vgt.f32 v49, v4;
	v11 =	vperm.xlane v16, v59  }
0x38c: {  	vm3 =	vmor vm12, vm11;
	vm4 =	vmor vm14, vm13;
	v4 =	vsel vm0, v5, v51  }
0x38d: {  	(xrf1) =	vsort.ascd.msk.u32 $0xffff, v8, v8;
	v5 =	vsel vm0, v9, v11;
	v9 =	vsel vm2, $0x1, v45;
	v11 =	vsel vm3, $0x1, v45  }
0x38e: {  	v19, v8, _ =	vpop (xrf1);
	(xrf1) =	vsort.ascd.msk.u32 $0xffff, v10, v10;
	vm2 =	vlt.f32 v17, v4;
	vm3 =	vgt.f32 v17, v4;
	v4 =	vsel vm4, $0x1, v45  }
0x38f: {  	[tilespmem:$0x1FA40] =	vst v20;
	v10 =	vperm.xlane v19, v59;
	vm15 =	vlt.f32 v16, v5;
	vm9 =	vgt.f32 v16, v5  }
0x390: {  	[tilespmem:$0x1F720] =	vst v16;
	v28, v7, _ =	vpop (xrf1);
	v5 =	vperm.xlane v17, v39;
	vm2 =	vmor vm3, vm2;
	v16 =	vperm.xlane v16, v39  }
0x391: {  	[tilespmem:$0x1FA50] =	vst v17;
	v27, v53, _ =	vpop (xrf1);
	v58 =	vperm.xlane v28, v59;
	vm3 =	vmor vm9, vm15;
	v21 =	vsel vm2, $0x1, v45  }
0x392: {  	(xrf0) =	vadd.scan.msk.s32 $0xffff, v9;
	v10 =	vsel vm0, v52, v10;
	v17 =	vperm.xlane v27, v59;
	v22 =	vsel vm3, $0x1, v45  }
0x393: {  	(xrf0) =	vadd.scan.msk.s32 $0xffff, v11;
	v23, v54, _ =	vpop (xrf1);
	v11 =	vperm.xlane v27, v39;
	vm10 =	vlt.f32 v19, v10;
	vm11 =	vgt.f32 v19, v10  }
0x394: {  	[tilespmem:$0x1F730] =	vst v19;
	v19 =	vperm.xlane v19, v39;
	v20 =	vperm.xlane v23, v59;
	v5 =	vsel vm0, v5, v58  }
0x395: {  	v29, v56, _ =	vpop (xrf1);
	v62 =	vperm.xlane v23, v39;
	vm2 =	vmor vm11, vm10;
	v60 =	vsel vm0, v16, v17  }
0x396: {  	vm4 =	vlt.f32 v28, v5;
	vm5 =	vgt.f32 v28, v5;
	v5 =	vperm.xlane v28, v39;
	v26, v10, _ =	vpop (xrf1)  }
0x397: {  	[tilespmem:$0x1F700] =	vst v18;
	v9 =	vperm.xlane v29, v59;
	v16 =	vsel vm2, $0x1, v45;
	v19 =	vsel vm0, v19, v20;
	v25, v18, _ =	vpop (xrf1)  }
0x398: {  	vm12 =	vlt.f32 v27, v60;
	vm13 =	vgt.f32 v27, v60;
	vm4 =	vmor vm5, vm4;
	v24, _, _ =	vpop (xrf1)  }
0x399: {  	vm14 =	vlt.f32 v23, v19;
	vm15 =	vgt.f32 v23, v19;
	vm12 =	vmor vm13, vm12;
	v17, _, _ =	vpop (xrf1)  }
0x39a: {  	(xrf0) =	vadd.scan.msk.s32 $0xffff, v4;
	v19 =	vsel vm4, $0x1, v45;
	v5 =	vsel vm0, v5, v9;
	v17 =	vperm.xlane v17, v55  }
0x39b: {  	(xrf0) =	vadd.scan.msk.s32 $0xffff, v21;
	v4 =	vperm.xlane v26, v59;
	vm13 =	vmor vm15, vm14;
	v61 =	vperm.xlane v24, v55;
	v24, _, _ =	vpop (xrf1)  }
0x39c: {  	(xrf0) =	vadd.scan.msk.s32 $0xffff, v22;
	vm4 =	vlt.f32 v29, v5;
	vm14 =	vgt.f32 v29, v5;
	vm2 =	vlt.s32 v24, v17  }
0x39d: {  	v4 =	vsel vm0, v11, v4;
	[tilespmem:$0x1F8A0] =	vst v17;
	v30 =	vsel vm2, v17, v24;
	v17 =	vperm.xlane v25, v59  }
0x39e: {  	(xrf0) =	vadd.scan.msk.s32 $0xffff, v16;
	v20 =	vsel vm12, $0x1, v45;
	v21 =	vsel vm13, $0x1, v45;
	vm4 =	vmor vm14, vm4;
	v11, _, _ =	vpop (xrf0)  }
0x39f: {  	(xrf0) =	vadd.scan.msk.s32 $0xffff, v19;
	vm15 =	vlt.f32 v26, v4;
	v63, _, _ =	vpop (xrf0);
	vm12 =	vgt.f32 v26, v4;
	v9 =	vsel vm0, v62, v17  }
0x3a0: {  	(xrf0) =	vadd.scan.msk.s32 $0xffff, v20;
	v4, _, _ =	vpop (xrf0);
	vm13 =	vlt.f32 v25, v9;
	vm14 =	vgt.f32 v25, v9;
	v9 =	vsel vm4, $0x1, v45  }
0x3a1: {  	v5 =	vperm.xlane v11, v39;
	vm15 =	vmor vm12, vm15;
	v31, _, _ =	vpop (xrf1)  }
0x3a2: {  	[tilespmem:$0x1F760] =	vst v23;
	(xrf0) =	vadd.scan.msk.s32 $0xffff, v21;
	v19 =	vsel vm15, $0x1, v45;
	v16, _, _ =	vpop (xrf0);
	v17 =	vperm.xlane v63, v39  }
0x3a3: {  	v20 =	vperm.xlane v4, v39;
	vm3 =	vlt.s32 v31, v61;
	v16 =	vadd.s32 v5, v16;
	(xrf0) =	vadd.scan.msk.s32 $0xffff, v9;
	v9, _, _ =	vpop (xrf0)  }
0x3a4: {  	[tilespmem:$0x1F8B0] =	vst v24;
	v23 =	vsel vm3, v61, v31;
	vm5 =	vmor vm14, vm13;
	v21, _, _ =	vpop (xrf0);
	v9 =	vadd.s32 v17, v9  }
0x3a5: {  	v22 =	vsel vm5, $0x1, v45;
	(xrf0) =	vadd.scan.msk.s32 $0xffff, v19;
	v17 =	vperm.xlane v16, v39;
	v19, _, _ =	vpop (xrf0);
	v24 =	vperm.xlane v9, v39  }
0x3a6: {  	vm4 =	vgt.s32 v30, v23;
	v20 =	vadd.s32 v20, v21;
	(xrf0) =	vadd.scan.msk.s32 $0xffff, v22;
	v21, _, _ =	vpop (xrf0)  }
0x3a7: {  	v17 =	vadd.s32 v17, v19;
	v19 =	vsel vm4, v30, v23;
	v21 =	vadd.s32 v24, v21  }
0x3a8: {  	v22 =	vperm.xlane v20, v39;
	(xrf1) =	vsort.ascd.msk.u32 $0xffff, v19, v19;
	v19 =	vshll.u32 v21, $0x6  }
0x3a9: {  	[tilespmem:$0x1F750] =	vst v27;
	v27, _, _ =	vpop (xrf0);
	v24 =	vperm.xlane v17, v39;
	v17 =	vshll.u32 v17, $0x6  }
0x3aa: {  	[tilespmem:$0x1F740] =	vst v28;
	v28 =	vperm.xlane v21, v39;
	v22 =	vadd.s32 v22, v27;
	v27, _, _ =	vpop (xrf0);
	v7 =	vadd.s32 v7, v17  }
0x3ab: {  	v17 =	vadd.s32 v24, v27;
	v21 =	vperm.xlane v22, v39;
	v12 =	vadd.s32 v53, v19;
	v19, _, _ =	vpop (xrf0)  }
0x3ac: {  	(xrf1) =	vsort.ascd.msk.u32 $0xffff, v7, v7;
	v17 =	vshll.u32 v17, $0x6;
	v7 =	vadd.s32 v28, v19;
	v19, _, _ =	vpop (xrf0)  }
0x3ad: {  	(xrf1) =	vsort.ascd.msk.u32 $0xffff, v12, v12;
	v14 =	vadd.s32 v56, v17;
	v7 =	vshll.u32 v7, $0x6;
	v32 =	vadd.s32 v21, v19  }
0x3ae: {  	(xrf1) =	vsort.ascd.msk.u32 $0xffff, v14, v14;
	v7 =	vadd.s32 v10, v7;
	v10 =	vshll.u32 v32, $0x6  }
0x3af: {  	v40 =	vmovc v33;
	v33 =	vshll.u32 v22, $0x6;
	v10 =	vadd.s32 v18, v10;
	(xrf1) =	vsort.ascd.msk.u32 $0xffff, v7, v7  }
0x3b0: {  	v12 =	vadd.s32 v54, v33;
	v7 =	vshll.u32 v16, $0x6;
	(xrf1) =	vsort.ascd.msk.u32 $0xffff, v10, v10  }
0x3b1: {  	v9 =	vshll.u32 v9, $0x6;
	v3 =	vadd.s32 v3, v7;
	(xrf1) =	vsort.ascd.msk.u32 $0xffff, v12, v12  }
0x3b2: {  	v6 =	vadd.s32 v6, v9;
	v7 =	vshll.u32 v20, $0x6;
	(xrf1) =	vsort.ascd.msk.u32 $0xffff, v3, v3  }
0x3b3: {  	v7 =	vadd.s32 v8, v7;
	v3 =	vshll.u32 v11, $0x6;
	(xrf1) =	vsort.ascd.msk.u32 $0xffff, v6, v6  }
0x3b4: {  	v0 =	vadd.s32 v0, v3;
	v3 =	vshll.u32 v63, $0x6;
	(xrf1) =	vsort.ascd.msk.u32 $0xffff, v7, v7  }
0x3b5: {  	(xrf1) =	vsort.ascd.msk.u32 $0xffff, v0, v0;
	v0 =	vadd.s32 v1, v3;
	_ =	sdelay $0x2  }
0x3b6: {  	v1 =	vshll.u32 v4, $0x6;
	(xrf1) =	vsort.ascd.msk.u32 $0xffff, v0, v0;
	v0, _, _ =	vpop (xrf1)  }
0x3b7: {  	[tilespmem:$0x1FA30] =	vst v0;
	v0 =	vadd.s32 v2, v1;
	_ =	sdelay $0x2  }
0x3b8: {  	(xrf1) =	vsort.ascd.msk.u32 $0xffff, v0, v0;
	v0, _, _ =	vpop (xrf1)  }
0x3b9: {  	v1, _, _ =	vpop (xrf1)  }
0x3ba: {  	v2, _, _ =	vpop (xrf1)  }
0x3bb: {  	v2 =	vperm.xlane v2, v55  }
0x3bc: {  	v3, _, _ =	vpop (xrf1)  }
0x3bd: {  	v3 =	vperm.xlane v3, v55;
	v4, _, _ =	vpop (xrf1);
	vm8 =	vlt.s32 v0, v2  }
0x3be: {  	[tilespmem:$0x1F710] =	vst v49;
	v4 =	vperm.xlane v4, v55;
	v6, _, _ =	vpop (xrf1);
	v7 =	vsel vm8, v0, v2  }
0x3bf: {  	[tilespmem:$0x1F770] =	vst v29;
	v0 =	vsel vm8, v2, v0;
	vm9 =	vlt.s32 v1, v3;
	v2, _, _ =	vpop (xrf1);
	(xrf1) =	vsort.ascd.msk.u32 $0xffff, v7, v7  }
0x3c0: {  	[tilespmem:$0x1F8C0] =	vst v61;
	v7 =	vsel vm9, v1, v3;
	vm10 =	vlt.s32 v6, v4;
	v8, _, _ =	vpop (xrf1);
	(xrf1) =	vsort.ascd.msk.u32 $0xffff, v0, v0  }
0x3c1: {  	[tilespmem:$0x1F8D0] =	vst v31;
	v2 =	vperm.xlane v2, v55;
	v0 =	vsel vm9, v3, v1;
	v1, _, _ =	vpop (xrf1);
	(xrf1) =	vsort.ascd.msk.u32 $0xffff, v7, v7  }
0x3c2: {  	[tilespmem:$0x1F940] =	vst v30;
	v3 =	vperm.xlane v8, v55;
	v7 =	vsel vm10, v6, v4;
	v8, _, _ =	vpop (xrf1);
	(xrf1) =	vsort.ascd.msk.u32 $0xffff, v0, v0  }
0x3c3: {  	s25 =	simm.s32 $0x200;
	[tilespmem:$0x1F930] =	vst v23;
	v0 =	vsel vm10, v4, v6;
	vm11 =	vlt.s32 v8, v2;
	(xrf1) =	vsort.ascd.msk.u32 $0xffff, v7, v7  }
0x3c4: {  	v1 =	vperm.xlane v1, v55;
	v4, _, _ =	vpop (xrf1);
	v6 =	vsel vm11, v8, v2;
	(xrf1) =	vsort.ascd.msk.u32 $0xffff, v0, v0;
	v0 =	vld [tilespmem:s25+$0x41B0]  }
0x3c5: {  	vm12 =	vlt.s32 v4, v3;
	v2 =	vsel vm11, v2, v8;
	(xrf1) =	vsort.ascd.msk.u32 $0xffff, v6, v6;
	v6 =	vld [tilespmem:s25+$0x4190]  }
0x3c6: {  	v7, _, _ =	vpop (xrf1);
	v8 =	vsel vm12, v4, v3;
	(xrf1) =	vsort.ascd.msk.u32 $0xffff, v2, v2;
	v2 =	vld [tilespmem:s25+$0x41A0]  }
0x3c7: {  	vm13 =	vlt.s32 v7, v1;
	v3 =	vsel vm12, v3, v4;
	(xrf1) =	vsort.ascd.msk.u32 $0xffff, v8, v8  }
0x3c8: {  	v4 =	vsel vm13, v7, v1;
	(xrf1) =	vsort.ascd.msk.u32 $0xffff, v3, v3  }
0x3c9: {  	v1 =	vsel vm13, v1, v7;
	(xrf1) =	vsort.ascd.msk.u32 $0xffff, v4, v4;
	vm14 =	vlt.f32 v0, $1.175494350e-38  }
0x3ca: {  	(xrf1) =	vsort.ascd.msk.u32 $0xffff, v1, v1;
	vm15 =	vlt.f32 v6, $1.175494350e-38;
	v1 =	vsel vm14, $0x0, v0  }
0x3cb: {  	v3 =	vld [tilespmem:s25+$0x4180];
	[tilespmem:$0x1F910] =	vst v1;
	v4 =	vsel vm15, $0x0, v6;
	vm9 =	vlt.f32 v2, $1.175494350e-38  }
0x3cc: {  	v0 =	vld [tilespmem:s25+$0x4030];
	v5 =	vsel vm9, $0x0, v2  }
0x3cd: {  	(xrf1) =	vsort.dscd.msk.f32 $0xffff, v1, v35;
	[tilespmem:$0x1F8E0] =	vst v4  }
0x3ce: {  	(xrf1) =	vsort.dscd.msk.f32 $0xffff, v4, v40;
	v1 =	vld [tilespmem:s25+$0x40B0];
	[tilespmem:$0x1F900] =	vst v5;
	v4, _, _ =	vpop (xrf1)  }
0x3cf: {  	(xrf1) =	vsort.dscd.msk.f32 $0xffff, v5, v34;
	v2 =	vld [tilespmem:s25+$0x4130];
	[tilespmem:$0x1F960] =	vst v4;
	v5, _, _ =	vpop (xrf1)  }
0x3d0: {  	vm10 =	vlt.f32 v3, $1.175494350e-38;
	v4 =	vld [tilespmem:s25+$0x4010];
	[tilespmem:$0x1F920] =	vst v5;
	v5, _, _ =	vpop (xrf1)  }
0x3d1: {  	v52 =	vsel vm10, $0x0, v3;
	v6 =	vld [tilespmem:s25+$0x4020];
	[tilespmem:$0x1F9D0] =	vst v5;
	vm11 =	vlt.f32 v0, $1.175494350e-38;
	v3, _, _ =	vpop (xrf1)  }
0x3d2: {  	v8 =	vld [tilespmem:s25+$0x4090];
	[tilespmem:$0x1F970] =	vst v3;
	v5 =	vsel vm11, $0x0, v0  }
0x3d3: {  	vm12 =	vlt.f32 v1, $1.175494350e-38;
	v3, _, _ =	vpop (xrf1);
	[tilespmem:$0x1F950] =	vst v5  }
0x3d4: {  	v7 =	vsel vm12, $0x0, v1;
	v0 =	vld [tilespmem:s25+$0x40A0];
	[tilespmem:$0x1FA00] =	vst v3  }
0x3d5: {  	(xrf1) =	vsort.dscd.msk.f32 $0xffff, v52, v36;
	[tilespmem:$0x1F980] =	vst v7;
	v3, _, _ =	vpop (xrf1)  }
0x3d6: {  	vm13 =	vlt.f32 v2, $1.175494350e-38;
	(xrf1) =	vsort.dscd.msk.f32 $0xffff, v5, v35;
	v1 =	vld [tilespmem:s25+$0x4110];
	[tilespmem:$0x1F9F0] =	vst v3  }
0x3d7: {  	v53 =	vsel vm13, $0x0, v2;
	(xrf1) =	vsort.dscd.msk.f32 $0xffff, v7, v35;
	vm14 =	vlt.f32 v4, $1.175494350e-38;
	v9 =	vld [tilespmem:s25+$0x4120]  }
0x3d8: {  	v61, _, _ =	vpop (xrf1);
	(xrf1) =	vsort.dscd.msk.f32 $0xffff, v53, v35;
	v2 =	vld [tilespmem:s25+$0x4000];
	v49 =	vsel vm14, $0x0, v4;
	vm15 =	vlt.f32 v6, $1.175494350e-38  }
0x3d9: {  	v62, _, _ =	vpop (xrf1);
	v50 =	vsel vm15, $0x0, v6;
	v6 =	vld [tilespmem:s25+$0x4080];
	vm8 =	vlt.f32 v8, $1.175494350e-38;
	(xrf1) =	vsort.dscd.msk.f32 $0xffff, v49, v40  }
0x3da: {  	v10 =	vld [tilespmem:s25+$0x4100];
	v63, _, _ =	vpop (xrf1);
	v46 =	vsel vm8, $0x0, v8;
	(xrf1) =	vsort.dscd.msk.f32 $0xffff, v50, v34;
	vm9 =	vlt.f32 v0, $1.175494350e-38  }
0x3db: {  	v3, _, _ =	vpop (xrf1);
	(xrf1) =	vsort.dscd.msk.f32 $0xffff, v46, v40;
	v48 =	vsel vm9, $0x0, v0;
	vm10 =	vlt.f32 v1, $1.175494350e-38  }
0x3dc: {  	v0, _, _ =	vpop (xrf1);
	v44 =	vsel vm10, $0x0, v1;
	vm11 =	vlt.f32 v9, $1.175494350e-38;
	(xrf1) =	vsort.dscd.msk.f32 $0xffff, v48, v34  }
0x3dd: {  	[tilespmem:$0x1FA10] =	vst v0;
	v0, _, _ =	vpop (xrf1);
	vm12 =	vlt.f32 v2, $1.175494350e-38;
	v23 =	vsel vm11, $0x0, v9;
	(xrf1) =	vsort.dscd.msk.f32 $0xffff, v44, v40  }
0x3de: {  	[tilespmem:$0x1FA20] =	vst v0;
	v0, v9, _ =	vpop (xrf1);
	v43 =	vsel vm12, $0x0, v2;
	vm13 =	vlt.f32 v6, $1.175494350e-38;
	(xrf1) =	vsort.dscd.msk.f32 $0xffff, v23, v34  }
0x3df: {  	vm14 =	vlt.f32 v10, $1.175494350e-38;
	v11 =	vperm.xlane v0, v55;
	v34, v13, _ =	vpop (xrf1);
	v42 =	vsel vm13, $0x0, v6;
	(xrf1) =	vsort.dscd.msk.f32 $0xffff, v43, v36  }
0x3e0: {  	v41 =	vsel vm14, $0x0, v10;
	v6 =	vperm.xlane v9, v55;
	v9, v35, _ =	vpop (xrf1);
	(xrf1) =	vsort.dscd.msk.f32 $0xffff, v42, v36  }
0x3e1: {  	vm15 =	vge.f32 v9, v11;
	(xrf1) =	vsort.dscd.msk.f32 $0xffff, v41, v36  }
0x3e2: {  	v10 =	vsel vm15, v9, v11;
	v17 =	vsel vm15, v35, v6;
	v9 =	vsel vm15, v11, v9  }
0x3e3: {  	v11 =	vperm.xlane v13, v55;
	(xrf1) =	vsort.dscd.msk.f32 $0xffff, v10, v17;
	v10 =	vperm.xlane v34, v55  }
0x3e4: {  	v1 =	vld [tilespmem:$0x1FFE0];
	v37, v38, _ =	vpop (xrf1)  }
0x3e5: {  	v6 =	vsel vm15, v6, v35;
	vm8 =	vge.f32 v37, v10  }
0x3e6: {  	(xrf1) =	vsort.dscd.msk.f32 $0xffff, v9, v6;
	v6 =	vsel vm8, v37, v10;
	v9 =	vsel vm8, v38, v11  }
0x3e7: {  	v40, v17, _ =	vpop (xrf1);
	(xrf1) =	vsort.dscd.msk.f32 $0xffff, v6, v9;
	v9 =	vsel vm8, v11, v38  }
0x3e8: {  	v6 =	vsel vm8, v10, v37;
	v10, v11, _ =	vpop (xrf1)  }
0x3e9: {  	v11 =	vperm.xlane v11, v1;
	v1 =	vld [tilespmem:$0x1FFE0]  }
0x3ea: {  	v0 =	vld [tilespmem:$0x1FFE0]  }
0x3eb: {  	(xrf1) =	vsort.dscd.msk.f32 $0xffff, v6, v9;
	v6, v9, _ =	vpop (xrf1)  }
0x3ec: {  	v14 =	vperm.xlane v40, v55;
	v47, v51, _ =	vpop (xrf1)  }
0x3ed: {  	v17 =	vperm.xlane v17, v55;
	v18, v19, _ =	vpop (xrf1)  }
0x3ee: {  	v6 =	vperm.xlane v6, v1;
	v1 =	vld [tilespmem:$0x1FFE0];
	v21, v24, _ =	vpop (xrf1);
	vm9 =	vge.f32 v18, v14  }
0x3ef: {  	v10 =	vperm.xlane v10, v0;
	v22, v27, _ =	vpop (xrf1);
	v60 =	vsel vm9, v19, v17  }
0x3f0: {  	v58 =	vsel vm9, v18, v14;
	v14 =	vsel vm9, v14, v18;
	v33, v55, _ =	vpop (xrf1)  }
0x3f1: {  	v17 =	vsel vm9, v17, v19;
	vm10 =	vge.f32 v22, v10;
	v0, v2, _ =	vpop (xrf1);
	(xrf1) =	vsort.dscd.msk.f32 $0xffff, v58, v60  }
0x3f2: {  	(xrf1) =	vsort.dscd.msk.f32 $0xffff, v14, v17;
	v17 =	vsel vm10, v27, v11  }
0x3f3: {  	v9 =	vperm.xlane v9, v1;
	v1 =	vld [tilespmem:$0x1FFE0];
	v58, v60, _ =	vpop (xrf1)  }
0x3f4: {  	vm11 =	vge.f32 v0, v6;
	v19, v7, _ =	vpop (xrf1)  }
0x3f5: {  	v54 =	vsel vm10, v22, v10;
	v56 =	vsel vm11, v0, v6;
	v4 =	vsel vm11, v6, v0;
	v0 =	vld [tilespmem:$0x1FFE0];
	v5, v8, _ =	vpop (xrf1)  }
0x3f6: {  	(xrf1) =	vsort.dscd.msk.f32 $0xffff, v54, v17;
	v14, v17, _ =	vpop (xrf1)  }
0x3f7: {  	v10 =	vsel vm10, v10, v22;
	v11 =	vsel vm10, v11, v27;
	v18, v22, _ =	vpop (xrf1)  }
0x3f8: {  	(xrf1) =	vsort.dscd.msk.f32 $0xffff, v10, v11;
	v10 =	vperm.xlane v18, v1;
	v1 =	vld [tilespmem:$0x1FFE0];
	_ =	sdelay $0x1  }
0x3f9: {  	v18 =	vsel vm11, v2, v9;
	v6 =	vperm.xlane v22, v0;
	v0 =	vld [tilespmem:$0x1FFE0];
	_ =	sdelay $0x2  }
0x3fa: {  	[tilespmem:$0x1F9E0] =	vst v3;
	v27, v3, _ =	vpop (xrf1);
	v11 =	vperm.xlane v14, v1  }
0x3fb: {  	(xrf1) =	vsort.dscd.msk.f32 $0xffff, v56, v18;
	v14, v18, _ =	vpop (xrf1)  }
0x3fc: {  	vm12 =	vge.f32 v27, v10;
	v17 =	vperm.xlane v17, v0;
	vm13 =	vge.f32 v14, v11  }
0x3fd: {  	v2 =	vsel vm11, v9, v2;
	v9 =	vsel vm12, v27, v10;
	v22 =	vsel vm13, v14, v11  }
0x3fe: {  	v1 =	vsel vm12, v3, v6;
	v0 =	vsel vm13, v18, v17;
	vm14 =	vge.f32 v9, v22  }
0x3ff: {  	(xrf1) =	vsort.dscd.msk.f32 $0xffff, v4, v2;
	v2 =	vsel vm14, v9, v22;
	v4 =	vsel vm14, v1, v0  }
0x400: {  	v0 =	vsel vm14, v0, v1;
	(xrf1) =	vsort.dscd.msk.f32 $0xffff, v2, v4;
	v2 =	vsel vm14, v22, v9  }
0x401: {  	v1 =	vsel vm13, v11, v14;
	(xrf1) =	vsort.dscd.msk.f32 $0xffff, v2, v0;
	v0 =	vsel vm12, v10, v27  }
0x402: {  	v2 =	vsel vm12, v6, v3;
	v3 =	vsel vm13, v17, v18;
	vm15 =	vge.f32 v0, v1  }
0x403: {  	v4 =	vld [tilespmem:$0x1FFE0];
	v6 =	vsel vm15, v0, v1;
	v9 =	vsel vm15, v2, v3  }
0x404: {  	(xrf1) =	vsort.dscd.msk.f32 $0xffff, v6, v9;
	v6 =	vld [tilespmem:$0x1FFE0];
	_ =	sdelay $0x3  }
0x405: {  	v4 =	vperm.xlane v47, v4  }
0x406: {  	v6 =	vperm.xlane v51, v6  }
0x407: {  	vm9 =	vge.f32 v58, v4  }
0x408: {  	v10 =	vsel vm9, v60, v6;
	v6 =	vsel vm9, v6, v60;
	_ =	sdelay $0x1  }
0x409: {  	v9 =	vsel vm9, v58, v4;
	v4 =	vsel vm9, v4, v58  }
0x40a: {  	(xrf1) =	vsort.dscd.msk.f32 $0xffff, v9, v10  }
0x40b: {  	(xrf1) =	vsort.dscd.msk.f32 $0xffff, v4, v6;
	v15, v6, _ =	vpop (xrf1)  }
0x40c: {  	v4, v17, _ =	vpop (xrf1)  }
0x40d: {  	v0 =	vsel vm15, v1, v0;
	v1 =	vsel vm15, v3, v2;
	v51, v28, _ =	vpop (xrf1)  }
0x40e: {  	(xrf1) =	vsort.dscd.msk.f32 $0xffff, v0, v1;
	v22, v54, _ =	vpop (xrf1)  }
0x40f: {  	v58, v60, _ =	vpop (xrf1)  }
0x410: {  	v32, v36, _ =	vpop (xrf1)  }
0x411: {  	v1, v47, _ =	vpop (xrf1)  }
0x412: {  	v9 =	vperm.xlane v1, v59;
	v0, v30, _ =	vpop (xrf1)  }
0x413: {  	v10 =	vperm.xlane v1, v39;
	v11 =	vperm.xlane v0, v59;
	_ =	sdelay $0x1  }
0x414: {  	v9 =	vsel vm1, $0x7F800000, v9;
	v10 =	vsel vm0, v10, v11  }
0x415: {  	[tilespmem:$0x1F790] =	vst v0;
	v11 =	vperm.xlane v0, v39;
	vm12 =	vlt.f32 v0, v10;
	vm13 =	vgt.f32 v0, v10;
	v0 =	vld [tilespmem:$0x1FFE0]  }
0x416: {  	[tilespmem:$0x1F780] =	vst v1;
	v2, v31, _ =	vpop (xrf1);
	vm10 =	vlt.f32 v1, v9;
	vm11 =	vgt.f32 v1, v9;
	v1 =	vld [tilespmem:$0x1FFE0]  }
0x417: {  	v16 =	vperm.xlane v2, v59;
	_ =	sdelay $0x1  }
0x418: {  	v3 =	vperm.xlane v2, v39;
	vm5 =	vmor vm11, vm10;
	v29, v40, _ =	vpop (xrf1);
	v18 =	vsel vm0, v11, v16  }
0x419: {  	v11 =	vsel vm5, $0x1, v45;
	vm14 =	vmor vm13, vm12;
	v27, v12, _ =	vpop (xrf1);
	v0 =	vperm.xlane v21, v0  }
0x41a: {  	[tilespmem:$0x1F7A0] =	vst v2;
	vm15 =	vlt.f32 v2, v18;
	vm9 =	vgt.f32 v2, v18;
	v24 =	vperm.xlane v24, v1;
	v9, v21, _ =	vpop (xrf1)  }
0x41b: {  	(xrf0) =	vadd.scan.msk.s32 $0xffff, v11;
	v1 =	vsel vm14, $0x1, v45;
	v2 =	vperm.xlane v9, v59;
	vm10 =	vge.f32 v19, v0  }
0x41c: {  	(xrf0) =	vadd.scan.msk.s32 $0xffff, v1;
	v1 =	vsel vm10, v19, v0;
	v56 =	vsel vm10, v7, v24;
	v0 =	vsel vm10, v0, v19  }
0x41d: {  	(xrf1) =	vsort.dscd.msk.f32 $0xffff, v1, v56;
	v1 =	vsel vm0, v3, v2;
	v3 =	vsel vm10, v24, v7  }
0x41e: {  	(xrf1) =	vsort.dscd.msk.f32 $0xffff, v0, v3;
	v0 =	vld [tilespmem:$0x1FFE0];
	_ =	sdelay $0x4  }
0x41f: {  	vm11 =	vlt.f32 v9, v1;
	vm12 =	vgt.f32 v9, v1;
	v1 =	vperm.xlane v33, v0;
	v0 =	vld [tilespmem:$0x1FFE0];
	_ =	sdelay $0x1  }
0x420: {  	vm6 =	vmor vm9, vm15  }
0x421: {  	v2 =	vsel vm6, $0x1, v45;
	vm5 =	vmor vm12, vm11  }
0x422: {  	(xrf0) =	vadd.scan.msk.s32 $0xffff, v2;
	v3 =	vsel vm5, $0x1, v45  }
0x423: {  	v16, _, _ =	vpop (xrf0);
	(xrf0) =	vadd.scan.msk.s32 $0xffff, v3;
	v3 =	vperm.xlane v55, v0;
	v0 =	vld [tilespmem:$0x1F7C0]  }
0x424: {  	v2 =	vperm.xlane v16, v39  }
0x425: {  	v7, _, _ =	vpop (xrf0);
	vm13 =	vge.f32 v5, v1  }
0x426: {  	v2 =	vadd.s32 v2, v7;
	v7 =	vsel vm13, v5, v1;
	v19 =	vsel vm13, v8, v3  }
0x427: {  	v1 =	vsel vm13, v1, v5;
	v3 =	vsel vm13, v3, v8;
	(xrf1) =	vsort.dscd.msk.f32 $0xffff, v7, v19  }
0x428: {  	(xrf1) =	vsort.dscd.msk.f32 $0xffff, v1, v3;
	v1 =	vadd.f32 v57, v0;
	v0 =	vld [tilespmem:$0x1F7D0];
	_ =	sdelay $0x2  }
0x429: {  	v24 =	vperm.xlane v2, v39  }
0x42a: {  	v5, _, _ =	vpop (xrf0)  }
0x42b: {  	v3 =	vadd.s32 v24, v5;
	v24 =	vadd.f32 v0, v1;
	v0 =	vld [tilespmem:$0x1FFE0];
	_ =	sdelay $0x4  }
0x42c: {  	v11 =	vperm.xlane v4, v0;
	v0 =	vld [tilespmem:$0x1FFE0];
	_ =	sdelay $0x4  }
0x42d: {  	v10 =	vperm.xlane v15, v0;
	v0 =	vld [tilespmem:$0x1FFE0];
	_ =	sdelay $0x4  }
0x42e: {  	v22 =	vperm.xlane v22, v0;
	v0 =	vld [tilespmem:$0x1FFE0];
	_ =	sdelay $0x4  }
0x42f: {  	v20 =	vperm.xlane v51, v0;
	v0 =	vld [tilespmem:$0x1FFE0];
	_ =	sdelay $0x4  }
0x430: {  	v37 =	vperm.xlane v17, v0;
	v0 =	vld [tilespmem:$0x1FFE0];
	_ =	sdelay $0x4  }
0x431: {  	v38 =	vperm.xlane v6, v0;
	v0 =	vld [tilespmem:$0x1FFE0];
	_ =	sdelay $0x4  }
0x432: {  	v34 =	vperm.xlane v54, v0;
	v0 =	vld [tilespmem:$0x1FFE0]  }
0x433: {  	v5 =	vperm.xlane v3, v39  }
0x434: {  	v7, _, _ =	vpop (xrf0);
	vm7 =	vge.f32 v29, v11;
	vm5 =	vge.f32 v27, v10  }
0x435: {  	v5 =	vadd.s32 v5, v7;
	v8 =	vsel vm7, v29, v11;
	v15 =	vsel vm5, v27, v10  }
0x436: {  	v5 =	vshll.u32 v5, $0x6;
	vm12 =	vge.f32 v8, v15  }
0x437: {  	v17 =	vsel vm7, v40, v37;
	v19 =	vsel vm5, v12, v38;
	v35 =	vperm.xlane v28, v0;
	v28, v33, _ =	vpop (xrf1)  }
0x438: {  	v1 =	vadd.s32 v21, v5;
	v57 =	vsel vm12, v17, v19;
	v55, v56, _ =	vpop (xrf1)  }
0x439: {  	v0 =	vsel vm12, v8, v15;
	vm6 =	vge.f32 v28, v22;
	vm8 =	vge.f32 v55, v20  }
0x43a: {  	(xrf1) =	vsort.dscd.msk.f32 $0xffff, v0, v57;
	v0 =	vshll.u32 v2, $0x6;
	v2 =	vsel vm6, v28, v22;
	v51 =	vsel vm8, v55, v20  }
0x43b: {  	v6 =	vsel vm6, v33, v34;
	v5 =	vsel vm8, v56, v35;
	vm13 =	vge.f32 v2, v51  }
0x43c: {  	v4 =	vld [tilespmem:$0x1FFE0];
	v0 =	vadd.s32 v30, v0;
	v30 =	vsel vm13, v2, v51;
	v13 =	vsel vm13, v6, v5  }
0x43d: {  	(xrf1) =	vsort.dscd.msk.f32 $0xffff, v30, v13  }
0x43e: {  	(xrf1) =	vsort.ascd.msk.u32 $0xffff, v1, v1;
	v1 =	vld [tilespmem:$0x1FFE0];
	_ =	sdelay $0x2  }
0x43f: {  	v30 =	vperm.xlane v58, v4;
	v4 =	vld [tilespmem:$0x1FFE0];
	_ =	sdelay $0x1  }
0x440: {  	v21 =	vperm.xlane v36, v1;
	v1 =	vld [tilespmem:$0x1FFE0];
	_ =	sdelay $0x2  }
0x441: {  	v3 =	vshll.u32 v3, $0x6;
	v58, v54, _ =	vpop (xrf1);
	v32 =	vperm.xlane v32, v4  }
0x442: {  	v16 =	vshll.u32 v16, $0x6;
	v3 =	vadd.s32 v31, v3;
	(xrf1) =	vsort.ascd.msk.u32 $0xffff, v0, v0;
	v0 =	vld [tilespmem:$0x1F7E0];
	v36, v31, _ =	vpop (xrf1)  }
0x443: {  	vm14 =	vge.f32 v58, v32;
	vm15 =	vge.f32 v36, v30;
	v60 =	vperm.xlane v60, v1  }
0x444: {  	v16 =	vadd.s32 v47, v16;
	v4 =	vsel vm14, v58, v32;
	v1 =	vsel vm15, v36, v30  }
0x445: {  	[tilespmem:$0x1F7B0] =	vst v9;
	v9 =	vsel vm14, v54, v21;
	vm11 =	vge.f32 v4, v1;
	v7 =	vsel vm15, v31, v60  }
0x446: {  	v57 =	vld [tilespmem:$0x1F800];
	(xrf1) =	vsort.ascd.msk.u32 $0xffff, v3, v3;
	v3 =	vsel vm11, v4, v1;
	v14 =	vsel vm11, v9, v7  }
0x447: {  	v47 =	vsel vm12, v19, v17;
	(xrf1) =	vsort.dscd.msk.f32 $0xffff, v3, v14;
	v3 =	vadd.f32 v0, v24;
	v0 =	vld [tilespmem:$0x1F7F0]  }
0x448: {  	v8 =	vsel vm12, v15, v8;
	v5 =	vsel vm13, v5, v6;
	v6 =	vld [tilespmem:$0x1F8B0];
	(xrf1) =	vsort.ascd.msk.u32 $0xffff, v16, v16  }
0x449: {  	(xrf1) =	vsort.dscd.msk.f32 $0xffff, v8, v47;
	v8 =	vld [tilespmem:$0x1F850]  }
0x44a: {  	v2 =	vsel vm13, v51, v2;
	(xrf2) =	vadd.scan.msk.f32 $0xffff, v3;
	v3 =	vld [tilespmem:$0x1F8A0]  }
0x44b: {  	(xrf1) =	vsort.dscd.msk.f32 $0xffff, v2, v5;
	v2 =	vld [tilespmem:$0x1F880]  }
0x44c: {  	v47 =	vld [tilespmem:$0x1F860];
	v24 =	vadd.f32 v0, v57  }
0x44d: {  	v0 =	vld [tilespmem:$0x1F810]  }
0x44e: {  	v57 =	vld [tilespmem:$0x1F820];
	v8 =	vadd.f32 v8, v24  }
0x44f: {  	v3 =	vsel vm2, v6, v3;
	v6 =	vld [tilespmem:$0x1F8C0]  }
0x450: {  	v2 =	vadd.f32 v2, v8;
	v8 =	vld [tilespmem:$0x1F8D0];
	_ =	sdelay $0x1  }
0x451: {  	v5 =	vld [tilespmem:$0x1F890]  }
0x452: {  	v57 =	vadd.f32 v0, v57;
	_ =	sdelay $0x1  }
0x453: {  	v57 =	vadd.f32 v47, v57;
	v6 =	vsel vm3, v8, v6;
	v8 =	vld [tilespmem:$0x1F8E0];
	_ =	sdelay $0x1  }
0x454: {  	(xrf2) =	vadd.scan.msk.f32 $0xffff, v2;
	v2 =	vld [tilespmem:$0x1F900];
	v5 =	vadd.f32 v5, v57  }
0x455: {  	vm2 =	vgt.s32 v3, v6  }
0x456: {  	(xrf2) =	vadd.scan.msk.f32 $0xffff, v5;
	v5 =	vadd.f32 v46, v42;
	v46 =	vsel vm2, v6, v3;
	v51 =	vsel vm2, v3, v6;
	v6 =	vld [tilespmem:$0x1F910]  }
0x457: {  	v8 =	vadd.f32 v8, v52;
	_ =	sdelay $0x1  }
0x458: {  	v2 =	vadd.f32 v2, v8;
	_ =	sdelay $0x1  }
0x459: {  	v17 =	vadd.f32 v6, v2;
	v2 =	vadd.f32 v48, v5;
	v5 =	vld [tilespmem:$0x1FFE0]  }
0x45a: {  	v6 =	vld [tilespmem:$0x1F920]  }
0x45b: {  	v13 =	vld [tilespmem:$0x1F840]  }
0x45c: {  	v0 =	vld [tilespmem:$0x1F830]  }
0x45d: {  	v47 =	vld [tilespmem:$0x1F870]  }
0x45e: {  	v8 =	vld [tilespmem:$0x1F940]  }
0x45f: {  	v5 =	vperm.xlane v6, v5;
	v6 =	vld [tilespmem:$0x1F930]  }
0x460: {  	v52 =	vld [tilespmem:$0x1F8F0]  }
0x461: {  	v0 =	vadd.f32 v0, v13  }
0x462: {  	v3 =	vadd.f32 v44, v41  }
0x463: {  	v0 =	vadd.f32 v47, v0  }
0x464: {  	v19 =	vsel vm4, v6, v8;
	v6 =	vadd.f32 v23, v3;
	v3 =	vld [tilespmem:$0x1F950]  }
0x465: {  	v52 =	vadd.f32 v52, v0;
	v0 =	vadd.f32 v49, v43;
	_ =	sdelay $0x1  }
0x466: {  	v0 =	vadd.f32 v50, v0;
	_ =	sdelay $0x1  }
0x467: {  	v15 =	vadd.f32 v3, v0;
	v0 =	vld [tilespmem:$0x1FFE0]  }
0x468: {  	v3 =	vld [tilespmem:$0x1F960];
	_ =	sdelay $0x4  }
0x469: {  	v24 =	vperm.xlane v3, v0;
	v0 =	vld [tilespmem:$0x1FFE0]  }
0x46a: {  	v3 =	vld [tilespmem:$0x1F970]  }
0x46b: {  	v21 =	vsel vm14, v21, v54;
	v1 =	vsel vm11, v1, v4;
	vm2 =	vlt.s32 v61, v5  }
0x46c: {  	v4 =	vsel vm7, v11, v29;
	v11 =	vsel vm14, v32, v58;
	v16 =	vsel vm2, v61, v5  }
0x46d: {  	v41, _, _ =	vpop (xrf2);
	v8 =	vsel vm2, v5, v61;
	v5 =	vsel vm11, v7, v9;
	v7 =	vsel vm6, v22, v28  }
0x46e: {  	v9, _, _ =	vpop (xrf2);
	v22 =	vsel vm15, v30, v36;
	v28 =	vsel vm8, v35, v56;
	v30 =	vsel vm15, v60, v31  }
0x46f: {  	v9 =	vperm.xlane v9, v39;
	(xrf1) =	vsort.dscd.msk.f32 $0xffff, v1, v5;
	v57 =	vperm.xlane v3, v0;
	v0 =	vld [tilespmem:$0x1F980]  }
0x470: {  	vm13 =	vge.f32 v11, v22;
	v1 =	vsel vm5, v38, v12;
	v5 =	vsel vm6, v34, v33  }
0x471: {  	v14 =	vadd.f32 v53, v6;
	v6 =	vsel vm5, v10, v27;
	v10 =	vsel vm8, v20, v55  }
0x472: {  	v20, _, _ =	vpop (xrf2);
	v27 =	vsel vm7, v37, v40;
	v48 =	vsel vm13, v11, v22;
	vm2 =	vlt.s32 v62, v24  }
0x473: {  	v20 =	vperm.xlane v20, v39;
	v3 =	vsel vm2, v24, v62;
	vm3 =	vlt.s32 v63, v57  }
0x474: {  	v47 =	vadd.f32 v0, v2;
	v2 =	vsel vm2, v62, v24;
	vm2 =	vge.f32 v4, v6  }
0x475: {  	v9 =	vadd.f32 $1.000000010e-10, v9;
	v13 =	vsel vm3, v57, v63;
	v0 =	vld [tilespmem:$0x1FFE0];
	v29 =	vsel vm2, v4, v6  }
0x476: {  	v24 =	vsel vm3, v63, v57;
	vm3 =	vge.f32 v7, v10;
	v31 =	vsel vm2, v27, v1  }
0x477: {  	v49, v56, _ =	vpop (xrf1);
	v20 =	vadd.f32 $1.000000010e-10, v20;
	v44 =	vsel vm3, v7, v10;
	v33 =	vsel vm3, v5, v28;
	(xrf1) =	vsort.dscd.msk.f32 $0xffff, v29, v31  }
0x478: {  	(erf) = vrcp.f32 v9;
	v9 =	vsel vm13, v21, v30;
	v4 =	vsel vm2, v6, v4;
	(xrf1) =	vsort.dscd.msk.f32 $0xffff, v44, v33;
	v29, v53, _ =	vpop (xrf1)  }
0x479: {  	v1 =	vsel vm2, v1, v27;
	v6 =	vsel vm3, v10, v7;
	(xrf1) =	vsort.dscd.msk.f32 $0xffff, v48, v9;
	v7, _, _ =	vpop (xrf1)  }
0x47a: {  	(xrf1) =	vsort.dscd.msk.f32 $0xffff, v4, v1;
	v4 =	vperm.xlane v7, v0;
	v0 =	vld [tilespmem:$0x1FFE0]  }
0x47b: {  	v9 =	vsel vm13, v22, v11;
	v11, _, _ =	vpop (xrf1)  }
0x47c: {  	(erf) = vrcp.f32 v20;
	v5 =	vsel vm3, v28, v5;
	v20, _, _ =	vpop (xrf1)  }
0x47d: {  	v10 =	vsel vm13, v30, v21;
	(xrf1) =	vsort.dscd.msk.f32 $0xffff, v6, v5;
	v30, v7, _ =	vpop (xrf1)  }
0x47e: {  	(xrf1) =	vsort.dscd.msk.f32 $0xffff, v9, v10;
	v9 =	vperm.xlane v30, v59  }
0x47f: {  	v6 =	vperm.xlane v11, v0;
	v11 =	vperm.xlane v29, v59  }
0x480: {  	v1 =	vperm.xlane v49, v59;
	v5 =	vperm.xlane v49, v39;
	vm2 =	vlt.s32 v20, v4;
	v21, _, _ =	vpop (xrf1)  }
0x481: {  	v22 =	vsel vm2, v20, v4;
	v4 =	vsel vm2, v4, v20;
	v44, v10, _ =	vpop (xrf1);
	v11 =	vsel vm1, $0x7F800000, v11  }
0x482: {  	v1 =	vsel vm1, $0x7F800000, v1;
	v31 =	vperm.xlane v30, v39;
	(xrf1) =	vsort.ascd.msk.u32 $0xffff, v22, v22;
	v20 =	vperm.xlane v44, v59  }
0x483: {  	v22 =	vsel vm1, $0x7F800000, v9;
	(xrf1) =	vsort.ascd.msk.u32 $0xffff, v4, v4;
	v4 =	vperm.xlane v29, v39;
	vm3 =	vlt.s32 v21, v6;
	v33, v9, _ =	vpop (xrf1)  }
0x484: {  	vm8 =	vlt.f32 v30, v22;
	v27 =	vsel vm3, v21, v6;
	v21 =	vsel vm3, v6, v21;
	v32, v6, _ =	vpop (xrf1)  }
0x485: {  	vm9 =	vgt.f32 v30, v22;
	vm4 =	vlt.f32 v29, v11;
	vm7 =	vgt.f32 v29, v11;
	v36, v11, _ =	vpop (xrf1)  }
0x486: {  	v5 =	vsel vm0, v5, v20;
	v28 =	vperm.xlane v33, v59;
	v22 =	vperm.xlane v36, v59  }
0x487: {  	vm2 =	vlt.f32 v49, v1;
	vm3 =	vgt.f32 v49, v1;
	vm10 =	vlt.f32 v44, v5  }
0x488: {  	vm11 =	vgt.f32 v44, v5;
	v1 =	vperm.xlane v32, v59;
	v4 =	vsel vm0, v4, v28  }
0x489: {  	v5 =	vperm.xlane v44, v39;
	v35, v20, _ =	vpop (xrf1);
	vm12 =	vlt.f32 v33, v4;
	vm13 =	vgt.f32 v33, v4  }
0x48a: {  	v4 =	vperm.xlane v33, v39;
	v1 =	vsel vm0, v31, v1;
	v28 =	vperm.xlane v35, v59  }
0x48b: {  	vm5 =	vlt.f32 v32, v1;
	vm6 =	vgt.f32 v32, v1;
	v1 =	vsel vm0, v5, v22;
	v34, v22, _ =	vpop (xrf1)  }
0x48c: {  	v5 =	vperm.xlane v32, v39;
	v4 =	vsel vm0, v4, v28;
	v28 =	vperm.xlane v34, v59  }
0x48d: {  	vm2 =	vmor vm3, vm2;
	vm3 =	vmor vm7, vm4;
	(xrf1) =	vsort.ascd.msk.u32 $0xffff, v27, v27  }
0x48e: {  	vm4 =	vmor vm9, vm8;
	(xrf1) =	vsort.ascd.msk.u32 $0xffff, v21, v21;
	v21 =	vsel vm0, v5, v28;
	v5 =	vsel vm2, $0x1, v45  }
0x48f: {  	vm14 =	vmor vm11, vm10;
	v27 =	vsel vm3, $0x1, v45;
	(xrf0) =	vadd.scan.msk.s32 $0xffff, v5;
	v5 =	vsel vm4, $0x1, v45  }
0x490: {  	vm3 =	vgt.f32 v35, v4;
	vm2 =	vlt.f32 v35, v4;
	v4 =	vsel vm14, $0x1, v45  }
0x491: {  	(xrf0) =	vadd.scan.msk.s32 $0xffff, v27  }
0x492: {  	vm15 =	vmor vm13, vm12;
	vm12 =	vlt.f32 v36, v1;
	vm13 =	vgt.f32 v36, v1;
	(xrf0) =	vadd.scan.msk.s32 $0xffff, v5;
	v5, v1, _ =	vpop (xrf1)  }
0x493: {  	vm4 =	vlt.f32 v34, v21;
	v27 =	vsel vm15, $0x1, v45;
	(xrf0) =	vadd.scan.msk.s32 $0xffff, v4;
	v4, v38, _ =	vpop (xrf1)  }
0x494: {  	vm7 =	vgt.f32 v34, v21;
	v21 =	vperm.xlane v35, v39;
	(xrf0) =	vadd.scan.msk.s32 $0xffff, v27;
	v27 =	vperm.xlane v4, v59;
	v0, v12, _ =	vpop (xrf1)  }
0x495: {  	v54 =	vperm.xlane v34, v39;
	v55 =	vperm.xlane v0, v59  }
0x496: {  	vm14 =	vmor vm13, vm12;
	v21 =	vsel vm0, v21, v27  }
0x497: {  	[tilespmem:$0x1F9B0] =	vst v4;
	v27 =	vsel vm0, v54, v55;
	vm8 =	vlt.f32 v4, v21;
	vm12 =	vgt.f32 v4, v21;
	v4 =	vld [tilespmem:$0x1F9D0]  }
0x498: {  	v58 =	vsel vm14, $0x1, v45;
	[tilespmem:$0x1F9C0] =	vst v0;
	vm13 =	vlt.f32 v0, v27;
	vm14 =	vgt.f32 v0, v27;
	v0 =	vld [tilespmem:$0x1FFE0];
	_ =	sdelay $0x4  }
0x499: {  	v42 =	vperm.xlane v4, v0;
	v0 =	vld [tilespmem:$0x1FFE0];
	_ =	sdelay $0x1  }
0x49a: {  	v31 =	vperm.xlane v36, v39;
	v50 =	vperm.xlane v5, v59;
	v40, _, _ =	vpop (xrf1)  }
0x49b: {  	vm5 =	vmor vm6, vm5;
	v48, _, _ =	vpop (xrf0)  }
0x49c: {  	v57 =	vsel vm5, $0x1, v45;
	v31 =	vsel vm0, v31, v50;
	v43, _, _ =	vpop (xrf1)  }
0x49d: {  	vm2 =	vmor vm3, vm2;
	(xrf0) =	vadd.scan.msk.s32 $0xffff, v57;
	v37, _, _ =	vpop (xrf0);
	v43 =	vperm.xlane v43, v0;
	v0 =	vld [tilespmem:$0x1FFE0]  }
0x49e: {  	[tilespmem:$0x1F990] =	vst v49;
	vm3 =	vmor vm7, vm4;
	v61 =	vsel vm2, $0x1, v45;
	(xrf0) =	vadd.scan.msk.s32 $0xffff, v58;
	v49, _, _ =	vpop (xrf1)  }
0x49f: {  	v62 =	vsel vm3, $0x1, v45;
	vm9 =	vlt.f32 v5, v31;
	vm15 =	vgt.f32 v5, v31;
	v31, _, _ =	vpop (xrf0)  }
0x4a0: {  	v59 =	vperm.xlane v48, v39;
	v60 =	vperm.xlane v37, v39;
	vm15 =	vmor vm15, vm9;
	v21, _, _ =	vpop (xrf0)  }
0x4a1: {  	(xrf0) =	vadd.scan.msk.s32 $0xffff, v61;
	v61 =	vsel vm15, $0x1, v45;
	vm2 =	vmor vm12, vm8;
	v63 =	vperm.xlane v31, v39;
	v55, _, _ =	vpop (xrf1)  }
0x4a2: {  	vm5 =	vmor vm14, vm13;
	v21 =	vadd.s32 v59, v21;
	v27, _, _ =	vpop (xrf0);
	v40 =	vperm.xlane v40, v0;
	v0 =	vld [tilespmem:$0x1F9E0]  }
0x4a3: {  	v27 =	vadd.s32 v60, v27;
	v50, _, _ =	vpop (xrf0);
	v60 =	vperm.xlane v21, v39;
	(xrf0) =	vadd.scan.msk.s32 $0xffff, v62;
	v21 =	vshll.u32 v21, $0x6  }
0x4a4: {  	v62, _, _ =	vpop (xrf0);
	(xrf0) =	vadd.scan.msk.s32 $0xffff, v61;
	v50 =	vadd.s32 v63, v50;
	v63 =	vsel vm2, $0x1, v45;
	v45 =	vsel vm5, $0x1, v45  }
0x4a5: {  	v54 =	vadd.s32 v60, v62;
	(xrf0) =	vadd.scan.msk.s32 $0xffff, v63;
	vm10 =	vlt.s32 v49, v43;
	vm3 =	vlt.s32 v55, v40  }
0x4a6: {  	v60 =	vperm.xlane v27, v39;
	v58 =	vsel vm10, v43, v49;
	v59 =	vsel vm3, v40, v55  }
0x4a7: {  	v62 =	vperm.xlane v50, v39;
	vm2 =	vgt.s32 v58, v59;
	vm9 =	vlt.s32 v0, v42  }
0x4a8: {  	v61, _, _ =	vpop (xrf0);
	(xrf0) =	vadd.scan.msk.s32 $0xffff, v45;
	v57 =	vsel vm9, v0, v42;
	v4 =	vsel vm9, v42, v0;
	v42 =	vsel vm2, v58, v59  }
0x4a9: {  	v45, _, _ =	vpop (xrf0);
	v0 =	vperm.xlane v54, v39;
	(xrf1) =	vsort.ascd.msk.u32 $0xffff, v42, v42;
	v42 =	vadd.s32 v60, v61  }
0x4aa: {  	[tilespmem:$0x1F9A0] =	vst v5;
	v60 =	vadd.s32 v62, v45;
	v45, _, _ =	vpop (xrf0);
	(xrf1) =	vsort.ascd.msk.u32 $0xffff, v46, v46;
	v63 =	vperm.xlane v42, v39  }
0x4ab: {  	v10 =	vadd.s32 v10, v21;
	v54 =	vshll.u32 v54, $0x6;
	v0 =	vadd.s32 v0, v45;
	v21, _, _ =	vpop (xrf0);
	(xrf1) =	vsort.ascd.msk.u32 $0xffff, v51, v51  }
0x4ac: {  	v11 =	vadd.s32 v11, v54;
	v0 =	vshll.u32 v0, $0x6;
	(xrf1) =	vsort.ascd.msk.u32 $0xffff, v19, v19;
	v19 =	vadd.s32 v63, v21  }
0x4ad: {  	v5 =	vld [tilespmem:$0x1FFE0];
	v0 =	vadd.s32 v1, v0;
	v1 =	vshll.u32 v27, $0x6;
	(xrf1) =	vsort.ascd.msk.u32 $0xffff, v11, v11;
	v11 =	vshll.u32 v19, $0x6  }
0x4ae: {  	(xrf2) =	vadd.scan.msk.f32 $0xffff, v52;
	v42 =	vshll.u32 v42, $0x6;
	v1 =	vadd.s32 v9, v1;
	v9 =	vadd.s32 v38, v11;
	v11 =	vld [tilespmem:$0x1F9F0]  }
0x4af: {  	(xrf2) =	vadd.scan.msk.f32 $0xffff, v17;
	v17 =	vadd.s32 v20, v42  }
0x4b0: {  	(xrf1) =	vsort.ascd.msk.u32 $0xffff, v17, v17  }
0x4b1: {  	(xrf1) =	vsort.ascd.msk.u32 $0xffff, v0, v0  }
0x4b2: {  	(xrf1) =	vsort.ascd.msk.u32 $0xffff, v9, v9;
	v9 =	vld [tilespmem:$0x1FA00]  }
0x4b3: {  	v11 =	vperm.xlane v11, v5;
	v5 =	vld [tilespmem:$0x1FFE0];
	_ =	sdelay $0x1  }
0x4b4: {  	v45 =	vshll.u32 v60, $0x6;
	v21 =	vperm.xlane v60, v39  }
0x4b5: {  	vm13 =	vgt.s32 v8, v3;
	vm14 =	vgt.s32 v24, v57;
	v20 =	vadd.s32 v22, v45;
	v19, _, _ =	vpop (xrf0)  }
0x4b6: {  	v22 =	vshll.u32 v37, $0x6;
	v51 =	vsel vm13, v3, v8;
	v52 =	vadd.s32 v21, v19  }
0x4b7: {  	(xrf2) =	vadd.scan.msk.f32 $0xffff, v15;
	v17 =	vshll.u32 v50, $0x6;
	v15 =	vshll.u32 v52, $0x6;
	v9 =	vperm.xlane v9, v5;
	v5 =	vld [tilespmem:$0x1FA10]  }
0x4b8: {  	v22 =	vadd.s32 v53, v22;
	v0 =	vadd.s32 v6, v17;
	v6 =	vadd.s32 v12, v15  }
0x4b9: {  	v27 =	vsel vm2, v59, v58;
	v50 =	vsel vm13, v8, v3;
	v19, _, _ =	vpop (xrf2);
	(xrf1) =	vsort.ascd.msk.u32 $0xffff, v6, v6  }
0x4ba: {  	v17 =	vsel vm10, v49, v43;
	v19 =	vperm.xlane v19, v39;
	(xrf1) =	vsort.ascd.msk.u32 $0xffff, v20, v20  }
0x4bb: {  	v54 =	vshll.u32 v48, $0x6;
	v49 =	vsel vm14, v57, v24;
	v21 =	vperm.xlane v41, v39;
	(xrf1) =	vsort.ascd.msk.u32 $0xffff, v10, v10  }
0x4bc: {  	v15 =	vadd.s32 v56, v54;
	v19 =	vadd.f32 $1.000000010e-10, v19;
	v10 =	vpop (erf);
	(xrf1) =	vsort.ascd.msk.u32 $0xffff, v1, v1;
	vm11 =	vlt.s32 v5, v11  }
0x4bd: {  	v21 =	vadd.f32 $1.000000010e-10, v21;
	v1 =	vpop (erf);
	(xrf1) =	vsort.ascd.msk.u32 $0xffff, v0, v0;
	v6 =	vsel vm11, v5, v11;
	v11 =	vsel vm11, v11, v5;
	v5 =	vld [tilespmem:$0x1FA20]  }
0x4be: {  	(erf) = vrcp.f32 v19;
	v18 =	vmul.f32 $1.399999980e+00, v10;
	v10 =	vshll.u32 v31, $0x6;
	v0, _, _ =	vpop (xrf2);
	(xrf1) =	vsort.ascd.msk.u32 $0xffff, v15, v15  }
0x4bf: {  	v57 =	vsel vm14, v24, v57;
	(erf) = vrcp.f32 v21;
	v7 =	vadd.s32 v7, v10;
	v61, _, _ =	vpop (xrf1);
	(xrf1) =	vsort.ascd.msk.u32 $0xffff, v22, v22  }
0x4c0: {  	v10 =	vsel vm3, v55, v40;
	vm3 =	vgt.s32 v16, v2;
	v22 =	vmul.f32 $1.399999980e+00, v1;
	v1, _, _ =	vpop (xrf1);
	(xrf1) =	vsort.ascd.msk.u32 $0xffff, v7, v7  }
0x4c1: {  	v19, _, _ =	vpop (xrf2);
	v7 =	vsel vm3, v2, v16;
	v2 =	vsel vm3, v16, v2;
	vm3 =	vgt.s32 v13, v4  }
0x4c2: {  	v55 =	vld [tilespmem:$0x1FFE0];
	v62 =	vperm.xlane v19, v39;
	v21, _, _ =	vpop (xrf1);
	v23 =	vsel vm3, v4, v13;
	vm12 =	vlt.s32 v5, v9  }
0x4c3: {  	v1 =	vand.u32 $0x3F, v1;
	v3, _, _ =	vpop (xrf1);
	(xrf1) =	vsort.ascd.msk.u32 $0xffff, v7, v7;
	v20 =	vsel vm12, v5, v9;
	v9 =	vsel vm12, v9, v5  }
0x4c4: {  	v24 =	vsel vm3, v13, v4;
	v8, _, _ =	vpop (xrf1);
	(xrf1) =	vsort.ascd.msk.u32 $0xffff, v2, v2;
	v3 =	vand.u32 $0x3F, v3;
	v5 =	vld [tilespmem:$0x1FA30];
	vm15 =	vgt.s32 v6, v20  }
0x4c5: {  	(xrf2) =	vadd.scan.msk.f32 $0xffff, v47;
	vm3 =	vgt.s32 v11, v9;
	v43 =	vsel vm15, v20, v6;
	v42 =	vsel vm15, v6, v20;
	v6, _, _ =	vpop (xrf1)  }
0x4c6: {  	(xrf2) =	vadd.scan.msk.f32 $0xffff, v14;
	v40 =	vsel vm3, v9, v11;
	v37 =	vsel vm3, v11, v9;
	vm3 =	vgt.s32 v17, v10;
	v9, _, _ =	vpop (xrf1)  }
0x4c7: {  	[tilespmem:s24+$0x14180] =	vst v1;
	v31 =	vsel vm3, v10, v17;
	v28 =	vsel vm3, v17, v10;
	v9 =	vperm.xlane v9, v55;
	v10, _, _ =	vpop (xrf1)  }
0x4c8: {  	[tilespmem:s24+$0x141A0] =	vst v3;
	v11 =	vand.u32 $0x3F, v61;
	v17 =	vand.u32 $0x3F, v21;
	v16, _, _ =	vpop (xrf1);
	v7 =	vperm.xlane v10, v55  }
0x4c9: {  	[tilespmem:s25+$0x141B0] =	vst v11;
	v60 =	vand.u32 $0x3F, v5;
	vm2 =	vlt.s32 v8, v9;
	v10, _, _ =	vpop (xrf1);
	v2 =	vperm.xlane v16, v55  }
0x4ca: {  	[tilespmem:s24+$0x14190] =	vst v17;
	v16 =	vsel vm2, v8, v9;
	v19, _, _ =	vpop (xrf1);
	v8 =	vsel vm2, v9, v8;
	vm2 =	vlt.s32 v6, v7  }
0x4cb: {  	[tilespmem:s24+$0x141B0] =	vst v60;
	v9 =	vperm.xlane v19, v55;
	v19, _, _ =	vpop (xrf1);
	v11 =	vsel vm2, v6, v7;
	v7 =	vsel vm2, v7, v6  }
0x4cc: {  	v4 =	vld [tilespmem:$0x1FA40];
	vm2 =	vlt.s32 v10, v2;
	(xrf1) =	vsort.ascd.msk.u32 $0xffff, v16, v16;
	v6, _, _ =	vpop (xrf1);
	v1 =	vperm.xlane v19, v55  }
0x4cd: {  	v19 =	vsel vm2, v10, v2;
	v10 =	vsel vm2, v2, v10;
	(xrf1) =	vsort.ascd.msk.u32 $0xffff, v8, v8;
	v16, _, _ =	vpop (xrf1)  }
0x4ce: {  	v20 =	vperm.xlane v6, v55;
	(xrf1) =	vsort.ascd.msk.u32 $0xffff, v11, v11;
	v2, _, _ =	vpop (xrf1);
	vm2 =	vlt.s32 v16, v9  }
0x4cf: {  	v11 =	vsel vm2, v16, v9;
	v6 =	vsel vm2, v9, v16;
	v16, _, _ =	vpop (xrf1);
	(xrf1) =	vsort.ascd.msk.u32 $0xffff, v7, v7  }
0x4d0: {  	v0 =	vperm.xlane v0, v39;
	(xrf1) =	vsort.ascd.msk.u32 $0xffff, v19, v19  }
0x4d1: {  	v15 =	vadd.f32 $1.000000010e-10, v62;
	v8, _, _ =	vpop (xrf2);
	(xrf1) =	vsort.ascd.msk.u32 $0xffff, v10, v10;
	v10 =	vmul.f32 v18, v4;
	v4 =	vld [tilespmem:$0x1FA50]  }
0x4d2: {  	v0 =	vadd.f32 $1.000000010e-10, v0;
	v17 =	vperm.xlane v8, v39;
	vm3 =	vlt.s32 v2, v1;
	v7 =	vpop (erf)  }
0x4d3: {  	(erf) = vrcp.f32 v15;
	v9 =	vsel vm3, v2, v1;
	v3 =	vsel vm3, v1, v2;
	v1, _, _ =	vpop (xrf2)  }
0x4d4: {  	vm2 =	vlt.s32 v16, v20;
	v41 =	vmul.f32 $1.399999980e+00, v7;
	v1 =	vperm.xlane v1, v39  }
0x4d5: {  	v63 =	vpop (erf);
	v7 =	vadd.f32 $1.000000010e-10, v17;
	v8 =	vsel vm2, v16, v20;
	v2 =	vsel vm2, v20, v16  }
0x4d6: {  	s0 =	simm.s32 $0x4;
	s26 =	simm.s32 $0x1000;
	v38 =	vmul.f32 $1.399999980e+00, v63;
	(xrf1) =	vsort.ascd.msk.u32 $0xffff, v11, v11;
	v1 =	vadd.f32 $1.000000010e-10, v1;
	v63 =	vmul.f32 v18, v4  }
.LBB2_9:
0x4d7: {  	v4 =	vld [tilespmem:$0x1F740];
	_ =	sdelay $0x4  }
0x4d8: {  	v39 =	vmul.f32 v18, v4;
	v4 =	vld [tilespmem:$0x1F770];
	_ =	sdelay $0x4  }
0x4d9: {  	[tilespmem:$0x1F580] =	vst v24;
	v24 =	vmul.f32 v18, v4;
	v4 =	vmov v44  }
0x4da: {  	[tilespmem:$0x1F6A0] =	vst v4;
	v4 =	vld [tilespmem:$0x1F700];
	_ =	sdelay $0x4  }
0x4db: {  	(xrf1) =	vsort.ascd.msk.u32 $0xffff, v6, v6;
	v6 =	vmul.f32 v22, v4;
	v4 =	vld [tilespmem:$0x1F720];
	_ =	sdelay $0x4  }
0x4dc: {  	[tilespmem:$0x1F5F0] =	vst v27;
	(xrf1) =	vsort.ascd.msk.u32 $0xffff, v9, v9;
	v27 =	vmul.f32 v22, v4;
	v4 =	vld [tilespmem:$0x1F750]  }
0x4dd: {  	v9, _, _ =	vpop (xrf1);
	(xrf1) =	vsort.ascd.msk.u32 $0xffff, v3, v3  }
0x4de: {  	v3 =	vand.u32 $0x3F, v9;
	v9, _, _ =	vpop (xrf1);
	(xrf1) =	vsort.ascd.msk.u32 $0xffff, v8, v8  }
0x4df: {  	(xrf1) =	vsort.ascd.msk.u32 $0xffff, v2, v2;
	v2 =	vld [tilespmem:$0x1F760]  }
0x4e0: {  	v12 =	vld [tilespmem:$0x1FFB0]  }
0x4e1: {  	[tilespmem:$0x1F5D0] =	vst v31;
	s28 =	sshra.s32 s26, $0x2;
	v31 =	vmul.f32 v22, v4;
	v4 =	vld [tilespmem:$0x1F710]  }
0x4e2: {  	v20 =	vld [tilespmem:s28+$0x41B0]  }
0x4e3: {  	[tilespmem:s24+$0xC000] =	vst v10;
	v10 =	vld [tilespmem:s28+$0x4190]  }
0x4e4: {  	v19 =	vmul.f32 v41, v2;
	v2 =	vld [tilespmem:$0x1F6C0]  }
0x4e5: {  	[tilespmem:s24+$0x14000] =	vst v3;
	v3 =	vld [tilespmem:$0x1F6E0]  }
0x4e6: {  	v54 =	vmul.f32 v41, v4;
	v4 =	vld [tilespmem:$0x1F730]  }
0x4e7: {  	v21 =	vld [tilespmem:s28+$0x41A0]  }
0x4e8: {  	[tilespmem:$0x1F570] =	vst v23;
	v23 =	vld [tilespmem:s28+$0x4180]  }
0x4e9: {  	v16 =	vmul.f32 v38, v2;
	v2 =	vld [tilespmem:$0x1F6D0]  }
0x4ea: {  	v11 =	vmul.f32 v38, v3;
	v3 =	vld [tilespmem:$0x1F6F0]  }
0x4eb: {  	[tilespmem:$0x1F590] =	vst v43;
	v43 =	vmul.f32 v22, v26;
	v22 =	vmul.f32 v41, v4;
	v4 =	vld [tilespmem:$0x1FFD0]  }
0x4ec: {  	[tilespmem:$0x1F5B0] =	vst v40;
	v13 =	vld [tilespmem:$0x1FFC0];
	v8 =	vand.u32 $0x3F, v9  }
0x4ed: {  	v5 =	vlaneseq.u32;
	v17 =	vmul.f32 v41, v25;
	v25 =	vld [tilespmem:s28+$0x4030];
	[tilespmem:s24+$0x14010] =	vst v8;
	(xrf1) =	vsort.ascd.msk.u32 $0xffff, v51, v51  }
0x4ee: {  	v26 =	vld [tilespmem:s28+$0x40B0];
	vm2 =	vlt.f32 v20, $1.175494350e-38;
	(xrf1) =	vsort.ascd.msk.u32 $0xffff, v50, v50;
	vm3 =	vlt.f32 v10, $1.175494350e-38;
	v15 =	vmul.f32 v38, v2;
	v2 =	vpop (erf)  }
0x4ef: {  	v62 =	vld [tilespmem:s28+$0x4130];
	v47 =	vsel vm2, $0x0, v20;
	v9 =	vmul.f32 v38, v3;
	v3 =	vmul.f32 $1.399999980e+00, v2;
	v2, _, _ =	vpop (xrf1);
	(xrf1) =	vsort.ascd.msk.u32 $0xffff, v49, v49  }
0x4f0: {  	v10 =	vsel vm3, $0x0, v10;
	vm2 =	vlt.f32 v21, $1.175494350e-38;
	vm3 =	vlt.f32 v23, $1.175494350e-38;
	(xrf1) =	vsort.dscd.msk.f32 $0xffff, v47, v4  }
0x4f1: {  	v40 =	vsel vm2, $0x0, v21;
	[tilespmem:$0x1F680] =	vst v3;
	v3 =	vperm.xlane v2, v55;
	v2, _, _ =	vpop (xrf1);
	(xrf1) =	vsort.dscd.msk.f32 $0xffff, v10, v12  }
0x4f2: {  	v21 =	vsel vm3, $0x0, v23;
	vm2 =	vlt.f32 v25, $1.175494350e-38;
	v8 =	vperm.xlane v2, v55;
	v2, _, _ =	vpop (xrf1);
	(xrf1) =	vsort.dscd.msk.f32 $0xffff, v40, v13  }
0x4f3: {  	v20 =	vsel vm2, $0x0, v25;
	vm2 =	vlt.f32 v26, $1.175494350e-38;
	v23, _, _ =	vpop (xrf1);
	(xrf1) =	vsort.dscd.msk.f32 $0xffff, v21, v5  }
0x4f4: {  	v58 =	vld [tilespmem:s28+$0x4120];
	v25, _, _ =	vpop (xrf1);
	v10 =	vadd.f32 v10, v21;
	v21 =	vsel vm2, $0x0, v26;
	vm2 =	vlt.f32 v62, $1.175494350e-38;
	(xrf1) =	vsort.dscd.msk.f32 $0xffff, v20, v4  }
0x4f5: {  	[tilespmem:$0x1F5A0] =	vst v42;
	v42 =	vld [tilespmem:s28+$0x4010];
	v46, _, _ =	vpop (xrf1);
	v38 =	vsel vm2, $0x0, v62;
	(xrf1) =	vsort.dscd.msk.f32 $0xffff, v21, v4  }
0x4f6: {  	v26, _, _ =	vpop (xrf1);
	(xrf1) =	vsort.dscd.msk.f32 $0xffff, v38, v4;
	v4 =	vld [tilespmem:$0x1FFE0]  }
0x4f7: {  	v48 =	vld [tilespmem:s28+$0x4020]  }
0x4f8: {  	v51 =	vld [tilespmem:s28+$0x4110]  }
0x4f9: {  	v41 =	vld [tilespmem:s28+$0x4090]  }
0x4fa: {  	v50 =	vld [tilespmem:s28+$0x40A0]  }
0x4fb: {  	vm3 =	vlt.f32 v42, $1.175494350e-38;
	v14 =	vperm.xlane v46, v4;
	v4 =	vld [tilespmem:$0x1FFE0]  }
0x4fc: {  	v60 =	vld [tilespmem:s28+$0x4000];
	v61 =	vsel vm3, $0x0, v42;
	v2 =	vperm.xlane v2, v55  }
0x4fd: {  	v23 =	vperm.xlane v23, v55;
	v55 =	vld [tilespmem:s28+$0x4080];
	v10 =	vadd.f32 v40, v10;
	vm2 =	vlt.f32 v48, $1.175494350e-38  }
0x4fe: {  	v40 =	vld [tilespmem:s28+$0x4100];
	v44, _, _ =	vpop (xrf1);
	v48 =	vsel vm2, $0x0, v48;
	vm2 =	vlt.f32 v41, $1.175494350e-38;
	(xrf1) =	vsort.dscd.msk.f32 $0xffff, v61, v12  }
0x4ff: {  	v47 =	vadd.f32 v47, v10;
	v59, _, _ =	vpop (xrf1);
	v10 =	vsel vm2, $0x0, v41;
	vm2 =	vlt.f32 v50, $1.175494350e-38;
	(xrf1) =	vsort.dscd.msk.f32 $0xffff, v48, v13  }
0x500: {  	v41 =	vsel vm2, $0x0, v50;
	vm2 =	vlt.f32 v51, $1.175494350e-38;
	v49 =	vperm.xlane v25, v4;
	v25, _, _ =	vpop (xrf1);
	(xrf1) =	vsort.dscd.msk.f32 $0xffff, v10, v12  }
0x501: {  	v18 =	vsel vm2, $0x0, v51;
	vm2 =	vlt.f32 v58, $1.175494350e-38;
	v4, _, _ =	vpop (xrf1);
	(xrf1) =	vsort.dscd.msk.f32 $0xffff, v41, v13  }
0x502: {  	[tilespmem:$0x1F5E0] =	vst v28;
	v58 =	vsel vm2, $0x0, v58;
	vm2 =	vlt.f32 v55, $1.175494350e-38;
	v51, _, _ =	vpop (xrf1);
	(xrf1) =	vsort.dscd.msk.f32 $0xffff, v18, v12  }
0x503: {  	vm3 =	vlt.f32 v60, $1.175494350e-38;
	v45, _, _ =	vpop (xrf1);
	(xrf1) =	vsort.dscd.msk.f32 $0xffff, v58, v13;
	v13 =	vsel vm2, $0x0, v55;
	vm2 =	vlt.f32 v40, $1.175494350e-38  }
0x504: {  	[tilespmem:$0x1F620] =	vst v4;
	v12 =	vsel vm3, $0x0, v60;
	v28 =	vsel vm2, $0x0, v40;
	vm2 =	vlt.s32 v4, v14;
	v4 =	vld [tilespmem:$0x1FFE0];
	_ =	sdelay $0x1  }
0x505: {  	v46, _, _ =	vpop (xrf1)  }
0x506: {  	v60, _, _ =	vpop (xrf1)  }
0x507: {  	v61 =	vadd.f32 v61, v12;
	(xrf1) =	vsort.dscd.msk.f32 $0xffff, v12, v5;
	v50, v12, _ =	vpop (xrf1)  }
0x508: {  	v55 =	vperm.xlane v50, v4;
	v4 =	vld [tilespmem:$0x1FFE0];
	_ =	sdelay $0x3  }
0x509: {  	v52, v62, _ =	vpop (xrf1)  }
0x50a: {  	v40 =	vperm.xlane v52, v4;
	v4 =	vld [tilespmem:$0x1FFE0];
	_ =	sdelay $0x4  }
0x50b: {  	v45 =	vand.u32 $0x3F, v45;
	v12 =	vperm.xlane v12, v4;
	v4 =	vld [tilespmem:$0x1FFE0];
	_ =	sdelay $0x1  }
0x50c: {  	v10 =	vadd.f32 v10, v13  }
0x50d: {  	(erf) = vrcp.f32 v7;
	v7 =	vld [tilespmem:$0x1FFE0];
	(xrf1) =	vsort.dscd.msk.f32 $0xffff, v13, v5;
	v18 =	vadd.f32 v18, v28;
	v56, v53, _ =	vpop (xrf1)  }
0x50e: {  	[tilespmem:s24+$0x14020] =	vst v45;
	(xrf1) =	vsort.dscd.msk.f32 $0xffff, v28, v5;
	v10 =	vadd.f32 v41, v10;
	v41, v45, _ =	vpop (xrf1);
	vm3 =	vge.f32 v56, v55  }
0x50f: {  	[tilespmem:$0x1F5C0] =	vst v37;
	v28, v5, _ =	vpop (xrf1);
	v42 =	vsel vm3, v56, v55;
	v13 =	vperm.xlane v62, v4;
	v4 =	vsel vm3, v53, v12  }
0x510: {  	[tilespmem:$0x1F610] =	vst v14;
	v37 =	vadd.f32 v48, v61;
	v14, v48, _ =	vpop (xrf1);
	(xrf1) =	vsort.dscd.msk.f32 $0xffff, v42, v4;
	v4 =	vand.u32 $0x3F, v46  }
0x511: {  	[tilespmem:s24+$0x14030] =	vst v4;
	v4 =	vld [tilespmem:$0x1FFE0]  }
0x512: {  	v28 =	vperm.xlane v28, v7;
	v7 =	vld [tilespmem:$0x1FFE0];
	_ =	sdelay $0x2  }
0x513: {  	v61 =	vand.u32 $0x3F, v60;
	v60 =	vld [tilespmem:$0x1FFE0];
	vm8 =	vge.f32 v41, v40  }
0x514: {  	v46 =	vsel vm8, v45, v13;
	v4 =	vperm.xlane v5, v4;
	v5 =	vld [tilespmem:$0x1FFE0]  }
0x515: {  	[tilespmem:s24+$0xC020] =	vst v39;
	v14 =	vperm.xlane v14, v7;
	v7 =	vadd.f32 v58, v18;
	v58 =	vld [tilespmem:$0x1FFE0]  }
0x516: {  	[tilespmem:s24+$0xC030] =	vst v24;
	v24 =	vld [tilespmem:$0x1FFE0];
	v39 =	vsel vm3, v55, v56;
	v56, v52, _ =	vpop (xrf1);
	v12 =	vsel vm3, v12, v53  }
0x517: {  	[tilespmem:s24+$0xC010] =	vst v63;
	v63 =	vld [tilespmem:$0x1FFE0];
	v62 =	vsel vm8, v40, v41;
	v42 =	vsel vm8, v41, v40;
	v40, v41, _ =	vpop (xrf1);
	(xrf1) =	vsort.dscd.msk.f32 $0xffff, v39, v12  }
0x518: {  	v53 =	vsel vm8, v13, v45;
	(xrf1) =	vsort.dscd.msk.f32 $0xffff, v42, v46;
	v45, v46, _ =	vpop (xrf1)  }
0x519: {  	v5 =	vperm.xlane v56, v5;
	v56, v18, _ =	vpop (xrf1)  }
0x51a: {  	v12 =	vperm.xlane v48, v58;
	v39 =	vperm.xlane v52, v60;
	v48, v52, _ =	vpop (xrf1)  }
0x51b: {  	v24 =	vperm.xlane v40, v24;
	(xrf1) =	vsort.dscd.msk.f32 $0xffff, v62, v53;
	vm3 =	vge.f32 v45, v28;
	v62, v55, _ =	vpop (xrf1)  }
0x51c: {  	[tilespmem:s24+$0xC080] =	vst v6;
	v6 =	vsel vm3, v45, v28;
	v28 =	vsel vm3, v28, v45;
	v40 =	vperm.xlane v62, v63;
	v60, v63, _ =	vpop (xrf1)  }
0x51d: {  	[tilespmem:s24+$0x14080] =	vst v61;
	v61 =	vld [tilespmem:$0x1FFE0];
	v58 =	vsel vm3, v46, v4;
	v4 =	vsel vm3, v4, v46;
	vm3 =	vge.f32 v60, v5  }
0x51e: {  	[tilespmem:s24+$0xC0A0] =	vst v31;
	v45, v46, _ =	vpop (xrf1);
	v31 =	vsel vm3, v60, v5  }
0x51f: {  	v5 =	vsel vm3, v5, v60;
	v60 =	vpop (erf);
	vm9 =	vge.f32 v45, v24;
	(erf) = vrcp.f32 v1  }
0x520: {  	[tilespmem:s24+$0xC110] =	vst v22;
	v1 =	vsel vm9, v45, v24;
	v22 =	vsel vm9, v24, v45;
	v24 =	vmul.f32 $1.399999980e+00, v60  }
0x521: {  	[tilespmem:s24+$0xC090] =	vst v27;
	(xrf2) =	vadd.scan.msk.f32 $0xffff, v47;
	vm12 =	vge.f32 v48, v14  }
0x522: {  	v13 =	vperm.xlane v56, v61;
	v47 =	vsel vm12, v48, v14;
	v14 =	vsel vm12, v14, v48;
	v53, v27, _ =	vpop (xrf1);
	[tilespmem:$0x1F640] =	vst v24;
	v24 =	vld [tilespmem:$0x1FFE0]  }
0x523: {  	v62 =	vsel vm12, v52, v12;
	v12 =	vsel vm12, v12, v52;
	v52, v56, _ =	vpop (xrf1);
	(xrf1) =	vsort.dscd.msk.f32 $0xffff, v6, v58  }
0x524: {  	(xrf1) =	vsort.dscd.msk.f32 $0xffff, v28, v4  }
0x525: {  	v4, v6, _ =	vpop (xrf1);
	(xrf1) =	vsort.dscd.msk.f32 $0xffff, v47, v62  }
0x526: {  	[tilespmem:s24+$0xC130] =	vst v17;
	v17 =	vld [tilespmem:$0x1FFE0];
	(xrf1) =	vsort.dscd.msk.f32 $0xffff, v14, v12;
	v12, v14, _ =	vpop (xrf1)  }
0x527: {  	v48 =	vsel vm3, v63, v39;
	v12 =	vperm.xlane v12, v24;
	v24 =	vld [tilespmem:$0x1FFE0]  }
0x528: {  	(xrf1) =	vsort.dscd.msk.f32 $0xffff, v31, v48;
	v31 =	vld [tilespmem:$0x1FFE0];
	_ =	sdelay $0x2  }
0x529: {  	v50 =	vld [tilespmem:$0x1FFE0];
	(erf) = vrcp.f32 v0  }
0x52a: {  	v39 =	vsel vm3, v39, v63;
	v6 =	vperm.xlane v6, v17;
	v4 =	vperm.xlane v4, v24;
	v24, v28, _ =	vpop (xrf1)  }
0x52b: {  	v61 =	vld [tilespmem:$0x1FFE0];
	v14 =	vperm.xlane v14, v31;
	(xrf1) =	vsort.dscd.msk.f32 $0xffff, v5, v39;
	v5, v31, _ =	vpop (xrf1);
	vm14 =	vge.f32 v24, v12  }
0x52c: {  	[tilespmem:s24+$0xC180] =	vst v16;
	v17, _, _ =	vpop (xrf2);
	vm10 =	vge.f32 v5, v4;
	v16 =	vsel vm14, v24, v12;
	v12 =	vsel vm14, v12, v24;
	v24 =	vld [tilespmem:$0x1F780]  }
0x52d: {  	[tilespmem:$0x1F690] =	vst v17;
	v17 =	vsel vm10, v5, v4  }
0x52e: {  	[tilespmem:s24+$0xC1A0] =	vst v11;
	v41 =	vperm.xlane v41, v50;
	vm11 =	vge.f32 v16, v17  }
0x52f: {  	[tilespmem:s24+$0xC100] =	vst v54;
	v4 =	vsel vm10, v4, v5;
	v54 =	vsel vm11, v16, v17;
	v5 =	vsel vm11, v17, v16;
	v16 =	vld [tilespmem:$0x1F790]  }
0x530: {  	[tilespmem:s24+$0xC1B0] =	vst v9;
	v18 =	vperm.xlane v18, v61;
	v48 =	vsel vm14, v28, v14;
	v50 =	vsel vm10, v31, v6  }
0x531: {  	v14 =	vsel vm14, v14, v28;
	v6 =	vsel vm10, v6, v31;
	v58 =	vsel vm11, v48, v50;
	v11 =	vmovc v24  }
0x532: {  	v9 =	vpop (erf);
	vm15 =	vge.f32 v12, v4;
	(xrf1) =	vsort.dscd.msk.f32 $0xffff, v54, v58;
	[tilespmem:$0x1F6C0] =	vst v11;
	v11 =	vsel vm11, v50, v48  }
0x533: {  	v60 =	vpop (erf);
	v61 =	vsel vm15, v12, v4;
	(xrf1) =	vsort.dscd.msk.f32 $0xffff, v5, v11;
	v11 =	vsel vm15, v14, v6  }
0x534: {  	v62 =	vmov v16;
	v16, v24, _ =	vpop (xrf1);
	(xrf1) =	vsort.dscd.msk.f32 $0xffff, v61, v11;
	v11 =	vmul.f32 $1.399999980e+00, v60;
	_ =	sdelay $0x1  }
0x535: {  	[tilespmem:$0x1F6B0] =	vst v11;
	v11 =	vld [tilespmem:$0x1FFE0];
	_ =	sdelay $0x3  }
0x536: {  	v5 =	vmul.f32 $1.399999980e+00, v9;
	v9, v17, _ =	vpop (xrf1)  }
0x537: {  	v11 =	vperm.xlane v9, v11;
	v9 =	vld [tilespmem:$0x1FFE0];
	_ =	sdelay $0x4  }
0x538: {  	v9 =	vperm.xlane v16, v9;
	v16 =	vld [tilespmem:$0x1F7A0];
	_ =	sdelay $0x1  }
0x539: {  	[tilespmem:s24+$0xC120] =	vst v19;
	v63 =	vld [tilespmem:$0x1FFE0];
	v0 =	vsel vm9, v46, v41;
	v19 =	vsel vm9, v41, v46  }
0x53a: {  	v47 =	vsel vm15, v4, v12;
	v54 =	vld [tilespmem:$0x1FFE0];
	v4 =	vmov v29  }
0x53b: {  	[tilespmem:$0x1F700] =	vst v4;
	v4 =	vld [tilespmem:$0x1FFE0];
	(xrf1) =	vsort.dscd.msk.f32 $0xffff, v1, v0  }
0x53c: {  	v0, v1, _ =	vpop (xrf1);
	(xrf1) =	vsort.dscd.msk.f32 $0xffff, v22, v19;
	v19 =	vmov v30;
	v46 =	vmov v16;
	v16 =	vld [tilespmem:$0x1F7B0]  }
0x53d: {  	[tilespmem:$0x1F710] =	vst v19;
	v19 =	vld [tilespmem:$0x1FFE0]  }
0x53e: {  	vm13 =	vge.f32 v53, v13;
	vm3 =	vge.f32 v52, v40  }
0x53f: {  	v45 =	vsel vm13, v27, v18;
	v55 =	vperm.xlane v55, v63;
	v63 =	vsel vm13, v18, v27  }
0x540: {  	v18 =	vsel vm3, v52, v40;
	v28 =	vsel vm3, v40, v52;
	v6 =	vsel vm15, v6, v14;
	v48, v50, _ =	vpop (xrf1)  }
0x541: {  	v52 =	vmov v16;
	v16 =	vperm.xlane v0, v54;
	v0, v12, _ =	vpop (xrf1);
	(xrf1) =	vsort.dscd.msk.f32 $0xffff, v47, v6;
	v6 =	vperm.xlane v17, v4;
	v4 =	vld [tilespmem:$0x1FFE0]  }
0x542: {  	v24 =	vperm.xlane v24, v19;
	v19 =	vld [tilespmem:$0x1FFE0];
	_ =	sdelay $0x3  }
0x543: {  	v17 =	vperm.xlane v0, v4;
	v0, v4, _ =	vpop (xrf1)  }
0x544: {  	v19 =	vperm.xlane v0, v19;
	v0 =	vmov v33  }
0x545: {  	[tilespmem:$0x1F720] =	vst v0;
	v0 =	vld [tilespmem:$0x1FFE0];
	_ =	sdelay $0x4  }
0x546: {  	v29 =	vperm.xlane v50, v0;
	v0 =	vld [tilespmem:$0x1FFE0];
	_ =	sdelay $0x4  }
0x547: {  	v30 =	vperm.xlane v1, v0;
	v0 =	vmov v32  }
0x548: {  	[tilespmem:$0x1F730] =	vst v0;
	v0 =	vld [tilespmem:$0x1FFE0];
	_ =	sdelay $0x2  }
0x549: {  	[tilespmem:$0x1F600] =	vst v5;
	v5 =	vsel vm13, v13, v53  }
0x54a: {  	v39 =	vsel vm13, v53, v13  }
0x54b: {  	(xrf1) =	vsort.dscd.msk.f32 $0xffff, v39, v45;
	v32 =	vperm.xlane v4, v0;
	v0 =	vld [tilespmem:$0x1FFE0]  }
0x54c: {  	(xrf1) =	vsort.dscd.msk.f32 $0xffff, v5, v63;
	v5 =	vmov v36  }
0x54d: {  	vm5 =	vlt.s32 v26, v8;
	vm6 =	vlt.s32 v44, v3;
	[tilespmem:$0x1F740] =	vst v5;
	v5 =	vadd.f32 v38, v7;
	v7 =	vld [tilespmem:$0x1FFF0]  }
0x54e: {  	vm7 =	vlt.s32 v59, v23;
	[tilespmem:$0x1F630] =	vst v49;
	v27 =	vsel vm3, v56, v55;
	v31 =	vsel vm3, v55, v56  }
0x54f: {  	vm3 =	vlt.s32 v51, v49;
	v49 =	vsel vm6, v3, v44;
	[tilespmem:$0x1F6D0] =	vst v62;
	v63 =	vsel vm5, v8, v26  }
0x550: {  	v53 =	vld [tilespmem:$0x1FFE0];
	[tilespmem:$0x1F650] =	vst v63;
	v63 =	vsel vm6, v44, v3;
	v3 =	vmovc v34;
	v33 =	vperm.xlane v12, v0;
	v0 =	vmov v35  }
0x551: {  	[tilespmem:$0x1F760] =	vst v3;
	v3 =	vsel vm7, v59, v23;
	v4 =	vadd.f32 v21, v10;
	v55, v10, _ =	vpop (xrf1)  }
0x552: {  	v62 =	vimm.s32 $0xF;
	[tilespmem:$0x1F660] =	vst v3;
	v50 =	vsel vm5, v26, v8;
	v8 =	vperm.xlane v55, v7  }
0x553: {  	(xrf1) =	vsort.dscd.msk.f32 $0xffff, v18, v27;
	v3 =	vsel vm7, v23, v59;
	v1 =	vadd.f32 v20, v37;
	[tilespmem:$0x1F750] =	vst v0;
	v0, v12, _ =	vpop (xrf1)  }
0x554: {  	v36 =	vld [tilespmem:$0x1F570];
	[tilespmem:$0x1F670] =	vst v3;
	v3 =	vsel vm1, $0x7F800000, v8;
	v8 =	vperm.xlane v55, v62;
	v35 =	vperm.xlane v0, v7  }
0x555: {  	[tilespmem:s24+$0xC190] =	vst v15;
	vm4 =	vlt.s32 v25, v2;
	v15 =	vperm.xlane v48, v53;
	(xrf1) =	vsort.dscd.msk.f32 $0xffff, v28, v31  }
0x556: {  	v48 =	vimm.s32 $0x0;
	(xrf2) =	vadd.scan.msk.f32 $0xffff, v1;
	vm10 =	vlt.f32 v55, v3;
	v1 =	vsel vm0, v8, v35  }
0x557: {  	vm11 =	vgt.f32 v55, v3;
	v23, v14, _ =	vpop (xrf1);
	vm12 =	vlt.f32 v0, v1;
	vm13 =	vgt.f32 v0, v1;
	v1 =	vld [tilespmem:$0x1F580]  }
0x558: {  	[tilespmem:$0x1F6F0] =	vst v52;
	v31 =	vsel vm4, v2, v25;
	vm5 =	vmor vm11, vm10;
	(xrf1) =	vsort.ascd.msk.u32 $0xffff, v57, v57;
	v18, v21, _ =	vpop (xrf1)  }
0x559: {  	v59 =	vsel vm4, v25, v2;
	v27 =	vsel vm5, $0x1, v48;
	v3 =	vperm.xlane v0, v62;
	(xrf1) =	vsort.ascd.msk.u32 $0xffff, v36, v36;
	v22, v20, _ =	vpop (xrf1)  }
0x55a: {  	(xrf0) =	vadd.scan.msk.s32 $0xffff, v27;
	v8 =	vperm.xlane v23, v7;
	vm5 =	vge.f32 v18, v11;
	vm4 =	vge.f32 v22, v9  }
0x55b: {  	[tilespmem:$0x1F790] =	vst v0;
	v52 =	vsel vm5, v21, v6;
	v6 =	vsel vm5, v6, v21;
	vm6 =	vmor vm13, vm12  }
0x55c: {  	v0, v13, _ =	vpop (xrf1);
	v3 =	vsel vm0, v3, v8;
	v8 =	vperm.xlane v23, v62;
	v2 =	vsel vm6, $0x1, v48;
	(xrf1) =	vsort.ascd.msk.u32 $0xffff, v1, v1;
	v1 =	vld [tilespmem:$0x1F590]  }
0x55d: {  	(xrf2) =	vadd.scan.msk.f32 $0xffff, v4;
	vm14 =	vlt.f32 v23, v3;
	vm15 =	vgt.f32 v23, v3;
	v3 =	vperm.xlane v0, v7  }
0x55e: {  	v38 =	vsel vm4, v22, v9;
	v53 =	vsel vm4, v20, v24;
	(xrf0) =	vadd.scan.msk.s32 $0xffff, v2;
	vm8 =	vmor vm15, vm14  }
0x55f: {  	v25, v26, _ =	vpop (xrf1);
	[tilespmem:$0x1F7B0] =	vst v0;
	v9 =	vsel vm4, v9, v22;
	v2 =	vsel vm8, $0x1, v48;
	v3 =	vsel vm0, v8, v3  }
0x560: {  	vm6 =	vge.f32 v25, v15;
	v27, v28, _ =	vpop (xrf1);
	vm12 =	vlt.f32 v0, v3;
	vm13 =	vgt.f32 v0, v3;
	(xrf0) =	vadd.scan.msk.s32 $0xffff, v2;
	v0 =	vld [tilespmem:$0x1F5A0]  }
0x561: {  	[tilespmem:$0x1F780] =	vst v55;
	vm7 =	vge.f32 v27, v16;
	v4, v34, _ =	vpop (xrf1);
	v39 =	vsel vm6, v25, v15;
	(xrf1) =	vsort.ascd.msk.u32 $0xffff, v1, v1;
	v1 =	vld [tilespmem:$0x1F9A0]  }
0x562: {  	(xrf2) =	vadd.scan.msk.f32 $0xffff, v5;
	v5, _, _ =	vpop (xrf0);
	v55 =	vsel vm6, v26, v29;
	vm8 =	vge.f32 v4, v19;
	vm10 =	vmor vm13, vm12  }
0x563: {  	[tilespmem:$0x1F7A0] =	vst v23;
	v35, v36, _ =	vpop (xrf1);
	v8 =	vsel vm5, v18, v11;
	v3 =	vperm.xlane v5, v62;
	v23 =	vsel vm10, $0x1, v48  }
0x564: {  	v40 =	vsel vm7, v27, v16;
	v57 =	vsel vm7, v28, v30;
	v11 =	vsel vm5, v11, v18;
	v37, _, _ =	vpop (xrf0);
	(xrf0) =	vadd.scan.msk.s32 $0xffff, v23  }
0x565: {  	vm9 =	vge.f32 v35, v17;
	v41 =	vsel vm8, v4, v19;
	v44 =	vadd.s32 v3, v37  }
0x566: {  	vm14 =	vge.f32 v39, v40;
	(xrf1) =	vsort.ascd.msk.u32 $0xffff, v0, v0;
	v0 =	vmov v1;
	v1 =	vperm.xlane v44, v62  }
0x567: {  	[tilespmem:s24+$0xC0B0] =	vst v43;
	v58 =	vsel vm8, v34, v32;
	v5 =	vshll.u32 v5, $0x6;
	v4 =	vsel vm8, v19, v4;
	v43, _, _ =	vpop (xrf0)  }
0x568: {  	[tilespmem:$0x1F6E0] =	vst v46;
	vm12 =	vge.f32 v8, v38;
	v45 =	vsel vm9, v35, v17;
	v56 =	vadd.s32 v1, v43  }
0x569: {  	v54 =	vsel vm14, v39, v40;
	v42 =	vsel vm14, v55, v57;
	v46, _, _ =	vpop (xrf1);
	[tilespmem:$0x1F770] =	vst v0;
	v0 =	vperm.xlane v56, v62  }
0x56a: {  	v5 =	vadd.s32 v10, v5;
	vm13 =	vge.f32 v11, v9;
	v19 =	vsel vm9, v33, v36;
	v47, _, _ =	vpop (xrf0)  }
0x56b: {  	v23 =	vsel vm12, v8, v38;
	v60, _, _ =	vpop (xrf1);
	v43 =	vsel vm12, v52, v53;
	v0 =	vadd.s32 v0, v47  }
0x56c: {  	vm15 =	vge.f32 v41, v45;
	v52 =	vsel vm12, v53, v52;
	v47, _, _ =	vpop (xrf1);
	(xrf1) =	vsort.dscd.msk.f32 $0xffff, v23, v43;
	v53 =	vshll.u32 v0, $0x6  }
0x56d: {  	v23 =	vsel vm14, v40, v39;
	v39 =	vshll.u32 v44, $0x6;
	(xrf1) =	vsort.dscd.msk.f32 $0xffff, v54, v42;
	v44 =	vadd.s32 v13, v53  }
0x56e: {  	v37 =	vsel vm9, v36, v33;
	v12 =	vadd.s32 v12, v39;
	(xrf1) =	vsort.ascd.msk.u32 $0xffff, v44, v44  }
0x56f: {  	v38 =	vsel vm12, v38, v8;
	v61 =	vsel vm15, v58, v37;
	v0, _, _ =	vpop (xrf1);
	(xrf1) =	vsort.ascd.msk.u32 $0xffff, v12, v12  }
0x570: {  	v18 =	vsel vm15, v37, v58;
	v1 =	vsel vm15, v41, v45;
	v56 =	vshll.u32 v56, $0x6  }
0x571: {  	v14 =	vadd.s32 v14, v56;
	v43 =	vand.u32 $0x3F, v46;
	v46 =	vsel vm4, v24, v20  }
0x572: {  	v13 =	vsel vm14, v57, v55;
	v57 =	vsel vm15, v45, v41;
	(xrf1) =	vsort.ascd.msk.u32 $0xffff, v14, v14  }
0x573: {  	v45 =	vsel vm7, v16, v27;
	v16 =	vsel vm9, v17, v35;
	(xrf1) =	vsort.dscd.msk.f32 $0xffff, v1, v61  }
0x574: {  	v17 =	vsel vm7, v30, v28;
	v44 =	vsel vm6, v15, v25;
	v10, _, _ =	vpop (xrf1);
	(xrf1) =	vsort.ascd.msk.u32 $0xffff, v5, v5  }
0x575: {  	vm15 =	vge.f32 v4, v16;
	vm14 =	vge.f32 v44, v45;
	v1 =	vand.u32 $0x3F, v60;
	(xrf1) =	vsort.dscd.msk.f32 $0xffff, v38, v52  }
0x576: {  	v20 =	vsel vm14, v44, v45;
	v5 =	vand.u32 $0x3F, v47;
	[tilespmem:s24+$0x140A0] =	vst v1;
	(xrf1) =	vsort.dscd.msk.f32 $0xffff, v23, v13  }
0x577: {  	v1 =	vsel vm13, v11, v9;
	[tilespmem:s24+$0x140B0] =	vst v5;
	v5 =	vsel vm13, v6, v46;
	(xrf1) =	vsort.dscd.msk.f32 $0xffff, v57, v18  }
0x578: {  	v0 =	vand.u32 $0x3F, v0;
	v47 =	vsel vm6, v29, v26;
	(xrf1) =	vsort.dscd.msk.f32 $0xffff, v1, v5;
	v5 =	vsel vm13, v46, v6;
	v6 =	vld [tilespmem:$0x1F9B0]  }
0x579: {  	v55 =	vld [tilespmem:$0x1FFE0];
	v10 =	vand.u32 $0x3F, v10;
	v21 =	vsel vm14, v47, v17;
	v18 =	vsel vm8, v32, v34  }
0x57a: {  	[tilespmem:s24+$0x14100] =	vst v0;
	v0 =	vsel vm15, v4, v16;
	v22 =	vsel vm15, v18, v19;
	v38, v52, _ =	vpop (xrf1);
	(xrf1) =	vsort.dscd.msk.f32 $0xffff, v20, v21  }
0x57b: {  	[tilespmem:s24+$0x14110] =	vst v10;
	v10 =	vsel vm13, v9, v11;
	v11 =	vsel vm14, v45, v44;
	v29, v53, _ =	vpop (xrf1);
	(xrf1) =	vsort.dscd.msk.f32 $0xffff, v0, v22  }
0x57c: {  	v9 =	vsel vm14, v17, v47;
	(xrf1) =	vsort.dscd.msk.f32 $0xffff, v10, v5;
	v5 =	vperm.xlane v38, v7;
	v1, _, _ =	vpop (xrf1)  }
0x57d: {  	v54 =	vsel vm15, v16, v4;
	v4 =	vsel vm15, v19, v18;
	v0 =	vld [tilespmem:$0x1F9C0];
	v26 =	vmov v6;
	(xrf1) =	vsort.dscd.msk.f32 $0xffff, v11, v9;
	v6, _, _ =	vpop (xrf1)  }
0x57e: {  	(xrf1) =	vsort.dscd.msk.f32 $0xffff, v54, v4;
	v4 =	vsel vm1, $0x7F800000, v5;
	v5 =	vperm.xlane v6, v55;
	v6 =	vld [tilespmem:$0x1F5B0]  }
0x57f: {  	v58 =	vld [tilespmem:$0x1F5C0];
	v17 =	vperm.xlane v29, v7;
	_ =	sdelay $0x1  }
0x580: {  	v9 =	vperm.xlane v38, v62;
	v1 =	vperm.xlane v1, v55;
	v11 =	vsel vm1, $0x7F800000, v17  }
0x581: {  	vm4 =	vlt.f32 v38, v4;
	vm12 =	vgt.f32 v38, v4;
	v25 =	vmov v0;
	v0, _, _ =	vpop (xrf1)  }
0x582: {  	vm13 =	vlt.f32 v29, v11;
	vm10 =	vlt.s32 v0, v1;
	v30, v27, _ =	vpop (xrf1);
	(xrf1) =	vsort.ascd.msk.u32 $0xffff, v6, v6  }
0x583: {  	vm14 =	vgt.f32 v29, v11;
	v56 =	vsel vm10, v0, v1;
	v57, _, _ =	vpop (xrf1);
	(xrf1) =	vsort.ascd.msk.u32 $0xffff, v58, v58  }
0x584: {  	v16 =	vperm.xlane v30, v7;
	v0 =	vsel vm10, v1, v0;
	v44, v24, _ =	vpop (xrf1);
	(xrf1) =	vsort.ascd.msk.u32 $0xffff, v56, v56  }
0x585: {  	vm4 =	vmor vm12, vm4;
	v40 =	vperm.xlane v30, v62;
	vm11 =	vlt.s32 v57, v5;
	v33, v10, _ =	vpop (xrf1);
	(xrf1) =	vsort.ascd.msk.u32 $0xffff, v0, v0  }
0x586: {  	v1 =	vperm.xlane v44, v7;
	v61 =	vsel vm11, v57, v5;
	v35 =	vperm.xlane v33, v7  }
0x587: {  	v60 =	vsel vm1, $0x7F800000, v16;
	v5 =	vsel vm11, v5, v57;
	v32, v6, _ =	vpop (xrf1);
	v0 =	vperm.xlane v29, v62;
	(xrf1) =	vsort.ascd.msk.u32 $0xffff, v61, v61  }
0x588: {  	vm11 =	vmor vm14, vm13;
	vm15 =	vlt.f32 v30, v60;
	v36, v56, _ =	vpop (xrf1);
	(xrf1) =	vsort.ascd.msk.u32 $0xffff, v5, v5;
	v5 =	vsel vm4, $0x1, v48  }
0x589: {  	vm12 =	vgt.f32 v30, v60;
	v11 =	vperm.xlane v36, v7;
	v0 =	vsel vm0, v0, v35;
	(xrf0) =	vadd.scan.msk.s32 $0xffff, v5  }
0x58a: {  	v35, v46, _ =	vpop (xrf1);
	vm13 =	vlt.f32 v33, v0;
	vm14 =	vgt.f32 v33, v0;
	v0 =	vperm.xlane v44, v62  }
0x58b: {  	v4 =	vperm.xlane v32, v7;
	v1 =	vsel vm0, v9, v1;
	vm6 =	vmor vm12, vm15;
	v34, v20, _ =	vpop (xrf1)  }
0x58c: {  	v9 =	vsel vm11, $0x1, v48;
	vm5 =	vgt.f32 v44, v1;
	v58, v39, _ =	vpop (xrf1);
	v0 =	vsel vm0, v0, v11  }
0x58d: {  	v4 =	vsel vm0, v40, v4;
	vm4 =	vlt.f32 v44, v1;
	v1 =	vsel vm6, $0x1, v48;
	v54, v19, _ =	vpop (xrf1)  }
0x58e: {  	vm15 =	vlt.f32 v32, v4;
	vm12 =	vgt.f32 v32, v4;
	v4 =	vperm.xlane v33, v62;
	(xrf0) =	vadd.scan.msk.s32 $0xffff, v9;
	v47, v17, _ =	vpop (xrf1)  }
0x58f: {  	vm4 =	vmor vm5, vm4;
	vm7 =	vlt.f32 v36, v0;
	vm8 =	vgt.f32 v36, v0;
	v0, _, _ =	vpop (xrf0)  }
0x590: {  	v41 =	vperm.xlane v35, v7;
	v5 =	vperm.xlane v32, v62;
	vm13 =	vmor vm14, vm13;
	(xrf0) =	vadd.scan.msk.s32 $0xffff, v1;
	v15, _, _ =	vpop (xrf1)  }
0x591: {  	[tilespmem:s24+$0x14090] =	vst v43;
	v42 =	vperm.xlane v34, v7;
	v18 =	vsel vm4, $0x1, v48;
	vm14 =	vmor vm12, vm15;
	v16, _, _ =	vpop (xrf1)  }
0x592: {  	v28 =	vperm.xlane v34, v62;
	v43 =	vsel vm13, $0x1, v48;
	v4 =	vsel vm0, v4, v41;
	(xrf0) =	vadd.scan.msk.s32 $0xffff, v18;
	v1, _, _ =	vpop (xrf1)  }
0x593: {  	v11 =	vsel vm14, $0x1, v48;
	v12 =	vperm.xlane v58, v7;
	v5 =	vsel vm0, v5, v42;
	(xrf0) =	vadd.scan.msk.s32 $0xffff, v43;
	v9, _, _ =	vpop (xrf1)  }
0x594: {  	vm9 =	vlt.f32 v35, v4;
	vm10 =	vgt.f32 v35, v4;
	(xrf0) =	vadd.scan.msk.s32 $0xffff, v11;
	v45 =	vperm.xlane v1, v55;
	v1, _, _ =	vpop (xrf0)  }
0x595: {  	v4 =	vperm.xlane v36, v62;
	v23 =	vperm.xlane v54, v7;
	vm11 =	vlt.f32 v34, v5;
	v21, _, _ =	vpop (xrf1)  }
0x596: {  	vm12 =	vgt.f32 v34, v5;
	vm7 =	vmor vm8, vm7;
	v57 =	vperm.xlane v9, v55;
	v5, _, _ =	vpop (xrf0)  }
0x597: {  	vm15 =	vmor vm10, vm9;
	v41 =	vsel vm7, $0x1, v48;
	v4 =	vsel vm0, v4, v12;
	v22, _, _ =	vpop (xrf1)  }
0x598: {  	vm7 =	vlt.f32 v58, v4;
	v18, _, _ =	vpop (xrf0);
	vm6 =	vlt.s32 v21, v57;
	vm5 =	vlt.s32 v22, v45  }
0x599: {  	vm8 =	vgt.f32 v58, v4;
	v4 =	vld [tilespmem:$0x1F5D0];
	v37, _, _ =	vpop (xrf0);
	v9 =	vsel vm6, v57, v21;
	v11 =	vsel vm5, v45, v22  }
0x59a: {  	v61 =	vperm.xlane v47, v7;
	v7 =	vld [tilespmem:$0x1F5E0];
	v42 =	vsel vm15, $0x1, v48;
	v40, _, _ =	vpop (xrf0);
	(xrf0) =	vadd.scan.msk.s32 $0xffff, v41;
	vm4 =	vgt.s32 v9, v11  }
0x59b: {  	v13 =	vperm.xlane v35, v62;
	vm13 =	vmor vm12, vm11;
	(xrf0) =	vadd.scan.msk.s32 $0xffff, v42;
	v60 =	vsel vm4, v9, v11  }
0x59c: {  	[tilespmem:$0x1F9A0] =	vst v58;
	v43 =	vsel vm13, $0x1, v48;
	v61 =	vsel vm0, v28, v61;
	(xrf1) =	vsort.ascd.msk.u32 $0xffff, v60, v60  }
0x59d: {  	vm11 =	vlt.f32 v47, v61;
	vm12 =	vgt.f32 v47, v61;
	vm7 =	vmor vm8, vm7;
	(xrf0) =	vadd.scan.msk.s32 $0xffff, v43  }
0x59e: {  	vm15 =	vmor vm12, vm11;
	v60 =	vsel vm0, v13, v23;
	(xrf1) =	vsort.ascd.msk.u32 $0xffff, v4, v4;
	v4 =	vperm.xlane v0, v62  }
0x59f: {  	v58 =	vsel vm7, $0x1, v48;
	vm9 =	vlt.f32 v54, v60;
	vm10 =	vgt.f32 v54, v60;
	(xrf1) =	vsort.ascd.msk.u32 $0xffff, v7, v7;
	v7 =	vld [tilespmem:$0x1F5F0]  }
0x5a0: {  	[tilespmem:$0x1F9C0] =	vst v47;
	v23 =	vperm.xlane v5, v62;
	vm14 =	vmor vm10, vm9;
	v4 =	vadd.s32 v4, v18  }
0x5a1: {  	v60 =	vperm.xlane v1, v62;
	v61 =	vsel vm14, $0x1, v48;
	v18, _, _ =	vpop (xrf0);
	(xrf0) =	vadd.scan.msk.s32 $0xffff, v58;
	v47 =	vperm.xlane v4, v62  }
0x5a2: {  	[tilespmem:$0x1F9B0] =	vst v54;
	v28 =	vsel vm15, $0x1, v48;
	v23 =	vadd.s32 v23, v40;
	v48, _, _ =	vpop (xrf0);
	(xrf0) =	vadd.scan.msk.s32 $0xffff, v61  }
0x5a3: {  	v13 =	vadd.s32 v60, v37;
	v54 =	vperm.xlane v23, v62;
	v58, _, _ =	vpop (xrf0);
	(xrf0) =	vadd.scan.msk.s32 $0xffff, v28;
	v12 =	vadd.s32 v47, v18  }
0x5a4: {  	v37 =	vperm.xlane v13, v62;
	(xrf1) =	vsort.ascd.msk.u32 $0xffff, v7, v7;
	v28 =	vperm.xlane v12, v62;
	v12 =	vshll.u32 v12, $0x6;
	_ =	sdelay $0x1  }
0x5a5: {  	v4 =	vshll.u32 v4, $0x6;
	v18 =	vadd.s32 v37, v48;
	v14 =	vadd.s32 v54, v58  }
0x5a6: {  	v60 =	vperm.xlane v14, v62;
	v14 =	vshll.u32 v14, $0x6;
	v7 =	vadd.s32 v56, v12;
	v12, _, _ =	vpop (xrf0)  }
0x5a7: {  	v37 =	vperm.xlane v18, v62;
	v18 =	vshll.u32 v18, $0x6;
	v14 =	vadd.s32 v20, v14;
	v20, _, _ =	vpop (xrf0)  }
0x5a8: {  	v4 =	vadd.s32 v24, v4;
	v18 =	vadd.s32 v46, v18;
	v28 =	vadd.s32 v28, v12;
	v42, _, _ =	vpop (xrf0)  }
0x5a9: {  	v24 =	vshll.u32 v28, $0x6;
	v20 =	vadd.s32 v37, v20;
	v12 =	vadd.s32 v60, v42;
	v61, _, _ =	vpop (xrf1);
	(xrf1) =	vsort.ascd.msk.u32 $0xffff, v7, v7  }
0x5aa: {  	v24 =	vadd.s32 v39, v24;
	v20 =	vshll.u32 v20, $0x6;
	(xrf1) =	vsort.ascd.msk.u32 $0xffff, v18, v18;
	v18 =	vshll.u32 v12, $0x6  }
0x5ab: {  	v7 =	vadd.s32 v19, v20;
	(xrf1) =	vsort.ascd.msk.u32 $0xffff, v24, v24;
	v19 =	vadd.s32 v17, v18;
	v18 =	vld [tilespmem:$0x1F620]  }
0x5ac: {  	(xrf1) =	vsort.ascd.msk.u32 $0xffff, v7, v7;
	v7 =	vld [tilespmem:$0x1F610];
	_ =	sdelay $0x1  }
0x5ad: {  	v2, _, _ =	vpop (xrf2)  }
0x5ae: {  	v43, _, _ =	vpop (xrf1);
	(xrf1) =	vsort.ascd.msk.u32 $0xffff, v19, v19  }
0x5af: {  	v2 =	vperm.xlane v2, v62;
	v46, _, _ =	vpop (xrf1);
	(xrf1) =	vsort.ascd.msk.u32 $0xffff, v14, v14  }
0x5b0: {  	v17, _, _ =	vpop (xrf1);
	(xrf1) =	vsort.ascd.msk.u32 $0xffff, v4, v4;
	v47 =	vsel vm2, v18, v7;
	v4 =	vsel vm2, v7, v18;
	v7 =	vld [tilespmem:$0x1F630]  }
0x5b1: {  	v15 =	vand.u32 $0x3F, v15;
	v16 =	vand.u32 $0x3F, v16;
	v13 =	vshll.u32 v13, $0x6  }
0x5b2: {  	[tilespmem:s24+$0x14120] =	vst v15;
	v0 =	vshll.u32 v0, $0x6;
	v23 =	vshll.u32 v23, $0x6;
	v10 =	vadd.s32 v10, v13  }
0x5b3: {  	v1 =	vshll.u32 v1, $0x6;
	v6 =	vadd.s32 v6, v23;
	v19 =	vsel vm6, v21, v57;
	v21 =	vld [tilespmem:$0x1F660];
	(xrf1) =	vsort.ascd.msk.u32 $0xffff, v10, v10  }
0x5b4: {  	[tilespmem:s24+$0x14130] =	vst v16;
	v0 =	vadd.s32 v52, v0;
	v1 =	vadd.s32 v53, v1;
	(xrf1) =	vsort.ascd.msk.u32 $0xffff, v6, v6  }
0x5b5: {  	v6 =	vand.u32 $0x3F, v46;
	(xrf1) =	vsort.ascd.msk.u32 $0xffff, v0, v0;
	v18 =	vsel vm3, v51, v7;
	v10 =	vsel vm3, v7, v51;
	v7 =	vld [tilespmem:$0x1F650]  }
0x5b6: {  	v5 =	vshll.u32 v5, $0x6;
	v41 =	vand.u32 $0x3F, v61;
	v0 =	vand.u32 $0x3F, v17;
	(xrf1) =	vsort.ascd.msk.u32 $0xffff, v1, v1  }
0x5b7: {  	s24 =	smov.u32 s25;
	v5 =	vadd.s32 v27, v5;
	v27 =	vsel vm4, v11, v9;
	[tilespmem:s28+$0x141B0] =	vst v41;
	vm2 =	vgt.s32 v50, v63  }
0x5b8: {  	v20 =	vsel vm5, v22, v45;
	vm5 =	vgt.s32 v21, v59;
	[tilespmem:s24+$0x14190] =	vst v6;
	v1 =	vsel vm2, v63, v50;
	v6, _, _ =	vpop (xrf1)  }
0x5b9: {  	[tilespmem:s24+$0x141A0] =	vst v0;
	(xrf1) =	vsort.ascd.msk.u32 $0xffff, v5, v5;
	v5 =	vsel vm2, v50, v63;
	vm15 =	vgt.s32 v4, v10;
	v0, _, _ =	vpop (xrf1)  }
0x5ba: {  	v40 =	vsel vm15, v10, v4;
	v37 =	vsel vm15, v4, v10;
	v4, _, _ =	vpop (xrf1);
	vm3 =	vgt.s32 v7, v49  }
0x5bb: {  	v4 =	vperm.xlane v4, v55;
	v51 =	vsel vm3, v49, v7;
	v50 =	vsel vm3, v7, v49;
	v7, _, _ =	vpop (xrf1)  }
0x5bc: {  	v57 =	vsel vm5, v21, v59;
	(xrf1) =	vsort.ascd.msk.u32 $0xffff, v1, v1;
	v1 =	vperm.xlane v7, v55  }
0x5bd: {  	v49 =	vsel vm5, v59, v21;
	vm2 =	vlt.s32 v6, v4;
	v7, _, _ =	vpop (xrf1);
	(xrf1) =	vsort.ascd.msk.u32 $0xffff, v5, v5  }
0x5be: {  	v3, _, _ =	vpop (xrf2);
	v9 =	vsel vm2, v6, v4;
	v4 =	vsel vm2, v4, v6;
	vm2 =	vlt.s32 v0, v1  }
0x5bf: {  	v5 =	vperm.xlane v7, v55;
	v7, _, _ =	vpop (xrf1);
	v10 =	vsel vm2, v0, v1;
	v59 =	vsel vm2, v1, v0;
	v1 =	vld [tilespmem:$0x1F690]  }
0x5c0: {  	v3 =	vperm.xlane v3, v62;
	v13 =	vand.u32 $0x3F, v43;
	vm13 =	vgt.s32 v47, v18;
	v6, _, _ =	vpop (xrf1)  }
0x5c1: {  	v43 =	vsel vm13, v18, v47;
	v42 =	vsel vm13, v47, v18;
	vm3 =	vlt.s32 v7, v5;
	v11, _, _ =	vpop (xrf1)  }
0x5c2: {  	v6 =	vperm.xlane v6, v55;
	v11 =	vperm.xlane v11, v55;
	v60 =	vsel vm3, v7, v5;
	v0, _, _ =	vpop (xrf1)  }
0x5c3: {  	v5 =	vsel vm3, v5, v7;
	v61 =	vperm.xlane v0, v55;
	v0, _, _ =	vpop (xrf1);
	(xrf1) =	vsort.ascd.msk.u32 $0xffff, v9, v9  }
0x5c4: {  	v7 =	vadd.f32 $1.000000010e-10, v3;
	vm2 =	vlt.s32 v0, v6;
	(xrf1) =	vsort.ascd.msk.u32 $0xffff, v4, v4;
	v4, _, _ =	vpop (xrf1);
	v3 =	vperm.xlane v1, v62  }
0x5c5: {  	v18 =	vld [tilespmem:$0x1F680];
	v63 =	vsel vm2, v0, v6;
	vm3 =	vlt.s32 v4, v11;
	v6 =	vsel vm2, v6, v0  }
0x5c6: {  	v9 =	vsel vm3, v4, v11;
	v0 =	vadd.f32 $1.000000010e-10, v3;
	v3 =	vsel vm3, v11, v4;
	v4 =	vld [tilespmem:$0x1F990]  }
0x5c7: {  	v8, _, _ =	vpop (xrf2)  }
0x5c8: {  	v2 =	vadd.f32 $1.000000010e-10, v2;
	v8 =	vperm.xlane v8, v62  }
0x5c9: {  	v54 =	vld [tilespmem:$0x1F670];
	(xrf1) =	vsort.ascd.msk.u32 $0xffff, v10, v10;
	v10, _, _ =	vpop (xrf1)  }
0x5ca: {  	(erf) = vrcp.f32 v2;
	v1 =	vadd.f32 $1.000000010e-10, v8;
	vm2 =	vlt.s32 v10, v61  }
0x5cb: {  	s0 =	sadd.s32 $0x4, s0;
	v8 =	vsel vm2, v10, v61;
	v2 =	vsel vm2, v61, v10;
	v10 =	vmul.f32 v18, v4;
	v4 =	vld [tilespmem:$0x1F6A0]  }
0x5cc: {  	p0 =	slt.u32 s0, $0x7C  }
.Ltmp6:
0x5cd: {  	(xrf1) =	vsort.ascd.msk.u32 $0xffff, v59, v59;
	(pc) =	sbr.rel @p0 .LBB2_9-.Ltmp6, $4  }
0x5ce: {  	vm12 =	vgt.s32 v54, v31;
	(xrf1) =	vsort.ascd.msk.u32 $0xffff, v60, v60  }
0x5cf: {  	v23 =	vsel vm12, v31, v54;
	v22 =	vld [tilespmem:$0x1F640];
	[tilespmem:s24+$0x14180] =	vst v13;
	(xrf1) =	vsort.ascd.msk.u32 $0xffff, v5, v5  }
0x5d0: {  	v41 =	vld [tilespmem:$0x1F600];
	vm14 =	vgt.s32 v19, v20;
	(xrf1) =	vsort.ascd.msk.u32 $0xffff, v63, v63;
	v63 =	vmul.f32 v18, v4;
	v4 =	vmov v38  }
0x5d1: {  	s26 =	sadd.s32 $0x800, s26;
	s25 =	smov.u32 s28;
	v24 =	vsel vm12, v54, v31;
	v31 =	vsel vm14, v20, v19;
	v28 =	vsel vm14, v19, v20;
	v38 =	vld [tilespmem:$0x1F6B0];
	[tilespmem:$0x1F990] =	vst v4  }
0x5d2: {  	(xrf1) =	vsort.ascd.msk.u32 $0xffff, v6, v6  }
0x5d3: {  	(xrf1) =	vsort.ascd.msk.u32 $0xffff, v9, v9  }
0x5d4: {  	(xrf1) =	vsort.ascd.msk.u32 $0xffff, v3, v3  }
0x5d5: {  	(xrf1) =	vsort.ascd.msk.u32 $0xffff, v8, v8  }
0x5d6: {  	(xrf1) =	vsort.ascd.msk.u32 $0xffff, v2, v2  }
0x5d7: {  	v53, _, _ =	vpop (xrf1);
	(xrf1) =	vsort.ascd.msk.u32 $0xffff, v51, v51  }
0x5d8: {  	v4, _, _ =	vpop (xrf1)  }
0x5d9: {  	v5, _, _ =	vpop (xrf1)  }
0x5da: {  	v54, _, _ =	vpop (xrf1)  }
0x5db: {  	v56, _, _ =	vpop (xrf1);
	(xrf1) =	vsort.ascd.msk.u32 $0xffff, v50, v50  }
0x5dc: {  	v11, _, _ =	vpop (xrf1)  }
0x5dd: {  	v12, _, _ =	vpop (xrf1)  }
0x5de: {  	v13, _, _ =	vpop (xrf1)  }
0x5df: {  	v14, _, _ =	vpop (xrf1)  }
0x5e0: {  	[tilespmem:s24+$0xC000] =	vst v10;
	v58 =	vand.u32 $0x3F, v53;
	v15, _, _ =	vpop (xrf1)  }
0x5e1: {  	v4 =	vand.u32 $0x3F, v4;
	[tilespmem:s24+$0x14000] =	vst v58;
	(xrf1) =	vsort.ascd.msk.u32 $0xffff, v49, v49;
	v16, _, _ =	vpop (xrf1)  }
0x5e2: {  	[tilespmem:s24+$0x14010] =	vst v4;
	v6, _, _ =	vpop (xrf1)  }
0x5e3: {  	v4 =	vld [tilespmem:$0x1F740];
	v3, _, _ =	vpop (xrf1)  }
0x5e4: {  	v2, _, _ =	vpop (xrf1)  }
0x5e5: {  	v59, _, _ =	vpop (xrf1)  }
0x5e6: {  	v17 =	vld [tilespmem:$0x1F770];
	v10 =	vand.u32 $0x3F, v59  }
0x5e7: {  	v60 =	vld [tilespmem:$0x1F700];
	[tilespmem:s24+$0x14020] =	vst v10  }
0x5e8: {  	v4 =	vmul.f32 v18, v4;
	v10 =	vld [tilespmem:$0x1F720]  }
0x5e9: {  	v20, _, _ =	vpop (xrf1);
	v19 =	vld [tilespmem:$0x1F750];
	[tilespmem:s24+$0xC010] =	vst v63  }
0x5ea: {  	v62 =	vand.u32 $0x3F, v20;
	[tilespmem:s24+$0xC020] =	vst v4  }
0x5eb: {  	v63 =	vld [tilespmem:$0x1F710];
	[tilespmem:s24+$0x14030] =	vst v62  }
0x5ec: {  	(xrf1) =	vsort.ascd.msk.u32 $0xffff, v57, v57;
	v4 =	vld [tilespmem:$0x1F730]  }
0x5ed: {  	v21 =	vmul.f32 v22, v26;
	v26 =	vld [tilespmem:$0x1F760]  }
0x5ee: {  	(xrf1) =	vsort.ascd.msk.u32 $0xffff, v23, v23  }
0x5ef: {  	v17 =	vmul.f32 v18, v17;
	v18 =	vmul.f32 v22, v60;
	v61, _, _ =	vpop (xrf1);
	(xrf1) =	vsort.ascd.msk.u32 $0xffff, v24, v24  }
0x5f0: {  	v10 =	vmul.f32 v22, v10;
	v19 =	vmul.f32 v22, v19;
	v22 =	vand.u32 $0x3F, v61  }
0x5f1: {  	v39 =	vmul.f32 v41, v25;
	(xrf1) =	vsort.ascd.msk.u32 $0xffff, v43, v43;
	v20 =	vmul.f32 v41, v63;
	[tilespmem:s24+$0x14080] =	vst v22  }
0x5f2: {  	v4 =	vmul.f32 v41, v4;
	v23 =	vmul.f32 v41, v26;
	v41 =	vld [tilespmem:$0x1F6C0];
	[tilespmem:s24+$0xC030] =	vst v17  }
0x5f3: {  	v5 =	vperm.xlane v5, v55;
	(xrf1) =	vsort.ascd.msk.u32 $0xffff, v42, v42;
	v42 =	vperm.xlane v54, v55;
	v17 =	vld [tilespmem:$0x1F6D0];
	[tilespmem:s24+$0xC080] =	vst v18  }
0x5f4: {  	(xrf1) =	vsort.ascd.msk.u32 $0xffff, v40, v40;
	[tilespmem:s24+$0xC090] =	vst v10  }
0x5f5: {  	vm2 =	vlt.s32 v15, v5;
	(xrf1) =	vsort.ascd.msk.u32 $0xffff, v37, v37;
	vm1 =	vlt.s32 v14, v42;
	v43 =	vld [tilespmem:$0x1F6E0];
	[tilespmem:s24+$0xC0A0] =	vst v19  }
0x5f6: {  	v46 =	vsel vm2, v15, v5;
	(xrf1) =	vsort.ascd.msk.u32 $0xffff, v31, v31;
	v45 =	vsel vm1, v14, v42;
	[tilespmem:s24+$0xC0B0] =	vst v21  }
0x5f7: {  	v5 =	vsel vm2, v5, v15;
	(xrf1) =	vsort.ascd.msk.u32 $0xffff, v28, v28;
	vm3 =	vgt.s32 v45, v46;
	[tilespmem:s24+$0xC100] =	vst v20  }
0x5f8: {  	v47 =	vsel vm1, v42, v14;
	(xrf1) =	vsort.ascd.msk.u32 $0xffff, v27, v27;
	v48 =	vsel vm3, v46, v45;
	[tilespmem:s24+$0xC110] =	vst v4  }
0x5f9: {  	vm4 =	vgt.s32 v47, v5;
	(xrf1) =	vsort.ascd.msk.u32 $0xffff, v48, v48;
	v10 =	vsel vm3, v45, v46;
	[tilespmem:s24+$0xC120] =	vst v23  }
0x5fa: {  	v15 =	vsel vm4, v5, v47;
	[tilespmem:s24+$0xC130] =	vst v39;
	(xrf1) =	vsort.ascd.msk.u32 $0xffff, v10, v10;
	v54, _, _ =	vpop (xrf1)  }
0x5fb: {  	v50 =	vld [tilespmem:$0x1F6F0];
	(xrf1) =	vsort.ascd.msk.u32 $0xffff, v15, v15;
	v24 =	vmul.f32 v38, v41;
	v15 =	vand.u32 $0x3F, v54  }
0x5fc: {  	v9 =	vperm.xlane v56, v55;
	v56, _, _ =	vpop (xrf1);
	v17 =	vmul.f32 v38, v17;
	[tilespmem:s24+$0x14090] =	vst v15  }
0x5fd: {  	v57, _, _ =	vpop (xrf1);
	[tilespmem:s24+$0xC180] =	vst v24  }
0x5fe: {  	v4 =	vsel vm4, v47, v5;
	v8 =	vmul.f32 v38, v43;
	v5 =	vand.u32 $0x3F, v57;
	[tilespmem:s24+$0xC190] =	vst v17  }
0x5ff: {  	(erf) = vrcp.f32 v7;
	v59, _, _ =	vpop (xrf1);
	[tilespmem:s24+$0x140B0] =	vst v5  }
0x600: {  	(xrf1) =	vsort.ascd.msk.u32 $0xffff, v4, v4;
	v14 =	vmul.f32 v38, v50;
	v4 =	vand.u32 $0x3F, v59;
	[tilespmem:s24+$0xC1A0] =	vst v8  }
0x601: {  	v11 =	vperm.xlane v11, v55;
	v60, _, _ =	vpop (xrf1);
	[tilespmem:s24+$0x14100] =	vst v4  }
0x602: {  	v61 =	vand.u32 $0x3F, v60;
	[tilespmem:s24+$0xC1B0] =	vst v14  }
0x603: {  	vm2 =	vlt.s32 v6, v9;
	vm3 =	vlt.s32 v16, v11;
	v62, _, _ =	vpop (xrf1);
	v14 =	vand.u32 $0x3F, v56;
	[tilespmem:s24+$0x14110] =	vst v61  }
0x604: {  	v53 =	vsel vm2, v6, v9;
	v52 =	vsel vm3, v16, v11;
	v63, _, _ =	vpop (xrf1);
	v4 =	vand.u32 $0x3F, v62;
	[tilespmem:s24+$0x140A0] =	vst v14  }
0x605: {  	vm1 =	vgt.s32 v52, v53;
	v17, _, _ =	vpop (xrf1);
	v5 =	vand.u32 $0x3F, v63;
	[tilespmem:s24+$0x14120] =	vst v4  }
0x606: {  	v58 =	vsel vm1, v53, v52;
	v20, _, _ =	vpop (xrf1);
	v14 =	vand.u32 $0x3F, v17;
	[tilespmem:s24+$0x14130] =	vst v5  }
0x607: {  	v49 =	vpop (erf);
	(xrf1) =	vsort.ascd.msk.u32 $0xffff, v58, v58;
	v22 =	vand.u32 $0x3F, v20;
	[tilespmem:s25+$0x14180] =	vst v14  }
0x608: {  	v51 =	vpop (erf);
	v18 =	vmul.f32 $1.399999980e+00, v49;
	[tilespmem:s25+$0x14190] =	vst v22  }
0x609: {  	(erf) = vrcp.f32 v1;
	v21, _, _ =	vpop (xrf1);
	v5 =	vld [tilespmem:$0x1F990]  }
0x60a: {  	(erf) = vrcp.f32 v0;
	v31 =	vmul.f32 v18, v44;
	v0 =	vand.u32 $0x3F, v21  }
0x60b: {  	v37 =	vmul.f32 v18, v36;
	v24, _, _ =	vpop (xrf1);
	[tilespmem:s25+$0x141A0] =	vst v0  }
0x60c: {  	[tilespmem:s25+$0xC010] =	vst v31;
	v26, _, _ =	vpop (xrf1)  }
0x60d: {  	v0 =	vand.u32 $0x3F, v24;
	[tilespmem:s25+$0xC020] =	vst v37;
	v28, _, _ =	vpop (xrf1)  }
0x60e: {  	[tilespmem:s25+$0x14000] =	vst v0;
	v0 =	vand.u32 $0x3F, v28;
	v5 =	vmul.f32 v18, v5  }
0x60f: {  	[tilespmem:s25+$0x14020] =	vst v0  }
0x610: {  	[tilespmem:s25+$0xC000] =	vst v5;
	v5 =	vand.u32 $0x3F, v26  }
0x611: {  	[tilespmem:s25+$0x14010] =	vst v5  }
0x612: {  	v43 =	vld [tilespmem:$0x1F9A0];
	_ =	sdelay $0x1  }
0x613: {  	v10 =	vmul.f32 $1.399999980e+00, v51;
	v40, _, _ =	vpop (xrf1)  }
0x614: {  	v13 =	vperm.xlane v13, v55;
	v41, _, _ =	vpop (xrf1);
	v42 =	vand.u32 $0x3F, v40  }
0x615: {  	v46 =	vmul.f32 v10, v29;
	v44 =	vand.u32 $0x3F, v41;
	[tilespmem:s25+$0x14030] =	vst v42  }
0x616: {  	vm15 =	vlt.s32 v3, v13;
	[tilespmem:s25+$0x14080] =	vst v44;
	v0 =	vmul.f32 v18, v43  }
0x617: {  	v6 =	vsel vm2, v9, v6;
	v19 =	vperm.xlane v12, v55;
	v11 =	vsel vm3, v11, v16;
	[tilespmem:s25+$0xC080] =	vst v46  }
0x618: {  	v25 =	vsel vm15, v3, v13;
	vm2 =	vgt.s32 v11, v6;
	[tilespmem:s25+$0xC030] =	vst v0  }
0x619: {  	v3 =	vsel vm15, v13, v3;
	vm5 =	vlt.s32 v2, v19;
	v39 =	vsel vm2, v6, v11;
	v51 =	vld [tilespmem:$0x1F9B0]  }
0x61a: {  	v23 =	vpop (erf);
	v6 =	vsel vm2, v11, v6;
	v48 =	vmul.f32 v10, v33;
	v27 =	vsel vm5, v2, v19  }
0x61b: {  	v12 =	vmul.f32 $1.399999980e+00, v23;
	v2 =	vsel vm5, v19, v2;
	vm3 =	vgt.s32 v25, v27  }
0x61c: {  	vm4 =	vgt.s32 v3, v2;
	v38 =	vsel vm1, v52, v53;
	v50 =	vmul.f32 v10, v35  }
0x61d: {  	v49 =	vsel vm4, v2, v3;
	v52 =	vmul.f32 v12, v30;
	(xrf1) =	vsort.ascd.msk.u32 $0xffff, v38, v38;
	[tilespmem:s25+$0xC090] =	vst v48  }
0x61e: {  	v2 =	vsel vm4, v3, v2;
	(xrf1) =	vsort.ascd.msk.u32 $0xffff, v39, v39;
	[tilespmem:s25+$0xC0A0] =	vst v50;
	v3 =	vmul.f32 v10, v51  }
0x61f: {  	v45 =	vsel vm3, v27, v25;
	(xrf1) =	vsort.ascd.msk.u32 $0xffff, v6, v6;
	[tilespmem:s25+$0xC100] =	vst v52  }
0x620: {  	v47 =	vsel vm3, v25, v27;
	v54 =	vmul.f32 v12, v32;
	(xrf1) =	vsort.ascd.msk.u32 $0xffff, v45, v45;
	[tilespmem:s25+$0xC0B0] =	vst v3  }
0x621: {  	(xrf1) =	vsort.ascd.msk.u32 $0xffff, v47, v47;
	v0 =	vld [tilespmem:$0x1F9C0]  }
0x622: {  	(xrf1) =	vsort.ascd.msk.u32 $0xffff, v49, v49;
	[tilespmem:s25+$0xC110] =	vst v54  }
0x623: {  	(xrf1) =	vsort.ascd.msk.u32 $0xffff, v2, v2;
	v2 =	vld [tilespmem:$0x1F780];
	_ =	sdelay $0x1  }
0x624: {  	v53 =	vpop (erf);
	v56 =	vmul.f32 v12, v34  }
0x625: {  	v1 =	vmul.f32 $1.399999980e+00, v53;
	v0 =	vmul.f32 v12, v0  }
0x626: {  	[tilespmem:s25+$0xC120] =	vst v56  }
0x627: {  	v3 =	vld [tilespmem:$0x1F790];
	v2 =	vmul.f32 v1, v2;
	[tilespmem:s25+$0xC130] =	vst v0  }
0x628: {  	v0 =	vld [tilespmem:$0x1F7A0]  }
0x629: {  	[tilespmem:s25+$0xC180] =	vst v2  }
0x62a: {  	v2 =	vld [tilespmem:$0x1F7B0];
	_ =	sdelay $0x1  }
0x62b: {  	v57, _, _ =	vpop (xrf1);
	v3 =	vmul.f32 v1, v3  }
0x62c: {  	v58, _, _ =	vpop (xrf1);
	v0 =	vmul.f32 v1, v0  }
0x62d: {  	v59, _, _ =	vpop (xrf1);
	[tilespmem:s25+$0xC190] =	vst v3  }
0x62e: {  	v1 =	vmul.f32 v1, v2;
	v2 =	vand.u32 $0x3F, v59;
	[tilespmem:s25+$0xC1A0] =	vst v0  }
0x62f: {  	[tilespmem:s25+$0x140B0] =	vst v2  }
0x630: {  	v0 =	vand.u32 $0x3F, v57;
	[tilespmem:s25+$0xC1B0] =	vst v1  }
0x631: {  	v60, _, _ =	vpop (xrf1);
	v1 =	vand.u32 $0x3F, v58;
	[tilespmem:s25+$0x14090] =	vst v0  }
0x632: {  	v61, _, _ =	vpop (xrf1);
	v0 =	vand.u32 $0x3F, v60;
	[tilespmem:s25+$0x140A0] =	vst v1  }
0x633: {  	v62, _, _ =	vpop (xrf1);
	v1 =	vand.u32 $0x3F, v61;
	[tilespmem:s25+$0x14100] =	vst v0  }
0x634: {  	p0 =	seq.s32 s22, $0x3;
	v63, _, _ =	vpop (xrf1);
	v0 =	vand.u32 $0x3F, v62;
	[tilespmem:s25+$0x14110] =	vst v1  }
.Ltmp7:
0x635: {  	s0 =	sadd.s32 s11, s23;
	v1 =	vand.u32 $0x3F, v63;
	[tilespmem:s25+$0x14120] =	vst v0;
	(pc) =	sbr.rel @p0 .LBB2_12-.Ltmp7, $4  }
0x636: {  	s31 =	sadd.s32 s4, s0;
	[tilespmem:s25+$0x14130] =	vst v1  }
0x637: {  	[hbm4b:s31+s2] =	stream.linear.scatter [tilespmem:s18], [sflag:$0x4], $0x4000, $0x38;
	[tilespmem:$0x18000] =	vst v63  }
0x638: {  	s0 =	sadd.s32 s5, s0  }
0x639: {  	[hbm4b:s0+s2] =	stream.linear.scatter [tilespmem:s19], [sflag:$0x4], $0x4000, $0x38;
	[tilespmem:$0x18000] =	vst v63  }
.Ltmp8:
0x63a: {  	(pc) =	sbr.rel .LBB2_2-.Ltmp8, $4  }
0x63b: {  	v33 =	vld [tilespmem:$0x1FFB0]  }
0x63c: {  	v22 =	vld [tilespmem:$0x1FFC0]  }
0x63d: {  	s0 =	sadd.s32 s23, s9;
	s22 =	sadd.s32 $0x1, s22;
	v34 =	vld [tilespmem:$0x1FFD0]  }
0x63e: {  	v4 =	vlaneseq.u32;
	v31 =	vld [tilespmem:$0x1FFF0];
	v7 =	vimm.s32 $0x0;
	v15 =	vimm.s32 $0xF;
	[tilespmem:s12], [sflag:$0x2] =	stream.linear.gather [hbm4b:s0+s2], $0x4000, $0x38  }
.LBB2_13:
0x63f: {  	_ =	sfence.sel $0x180000  }
0x640: {  	[bflag:$0x0] =	sbarrier.arrive $0xFFFF  }
0x641: {  	_ =	strace $0x90000047  }
0x642: {  	[bflag:$0x2] =	sbarrier.arrive $0xFFFF  }
0x643: {  	p0 =	sne.s32 s1, $0x0;
	s0 =	rddreg [dreg:$0x1]  }
0x644: {  	s0 =	sadd.s32 @!p0 $0x100000, s0  }
0x645: {  	[sflag:s0] =	ssyncadd.tile.s32 @!p0 $0x1;
	_ =	shalt  }
.Lfunc_end2:
_tile_overlayer_lowered:
.L_overlay_start_2:
0x646: {  	(tag) =	ssettag $0x2  }
0x647: {  	s0 =	rddreg [dreg:$0x0];
	s2 =	stileid.u32  }
0x648: {  	s1 =	rddreg [dreg:$0x1];
	p0 =	sne.s32 s2, $0x0  }
0x649: {  	s3 =	rddreg [dreg:$0x2];
	[bflag:$0x3] =	sbarrier.arrive $0xFFFF;
	s2 =	simm.s32 @!p0 $0x1C05  }
0x64a: {  	[timem:s3], [sflag:s2] =	dma.local @!p0 [hbm:s0], s1  }
0x64b: {  	s0 =	simm.s32 @!p0 $0x5  }
0x64c: {  	_ =	swait.ge @!p0 [sflag:s0], s1  }
0x64d: {  	s1 =	ssub.s32 @!p0 $0x0, s1;
	[sflag:s0] =	ssyncset.done @!p0 $0x0  }
0x64e: {  	[sflag:s0] =	ssyncadd.s32 @!p0 s1  }
0x64f: {  	[bflag:$0x3] =	sbarrier.arrive $0xFFFF  }
0x650: {  	_ =	shalt  }

</sc_bundles>
